<compile_context>
chip_gen: v7x
topology: tpu7x:2x2x1
jax: 0.10.2.dev20260603
libtpu: 0.0.44.dev20260713+nightly
codegen_flags: <defaults>
</compile_context>

<pallas_src>
import functools

import jax
import jax.numpy as jnp
from jax import lax
from jax.experimental import pallas as pl
from jax.experimental.pallas import tpu as pltpu
from jax.experimental.pallas import tpu_sc as plsc

N = 10000
E = 320000
D = 128
H = 32
NC = 2
NS = 16
NW = NC * NS
EPW = E // NW
K = 100
NB = EPW // K
RPT = N // NS
DEGW = 16
_DEGF = 8
KA = 100
NBA = EPW // KA

_sc_mesh = functools.partial(
    plsc.VectorSubcoreMesh, core_axis_name="c", subcore_axis_name="s")
_sc_params = pltpu.CompilerParams(use_tc_tiling_on_sc=False)



def _sc_degree(dstR, zdeg):

  @functools.partial(
      pl.kernel,
      out_type=jax.ShapeDtypeStruct((NC, N, DEGW), jnp.float32),
      mesh=_sc_mesh(),
      compiler_params=_sc_params,
      scratch_types=[
          pltpu.VMEM((NB, K), jnp.int32),
          pltpu.VMEM((K, DEGW), jnp.float32),
          pltpu.VMEM_SHARED((N, DEGW), jnp.float32),
          pltpu.SemaphoreType.DMA,
          pltpu.SemaphoreType.DMA,
      ],
  )
  def deg_kernel(dst_hbm, z_hbm, out_hbm, dstbuf, ones, acc, zsem, isem):
    c = lax.axis_index("c")
    s = lax.axis_index("s")
    wid = s * NC + c
    zcp = pltpu.async_copy(z_hbm.at[pl.ds(s * RPT, RPT)],
                           acc.at[pl.ds(s * RPT, RPT)], zsem)
    icp = pltpu.async_copy(dst_hbm.at[wid], dstbuf, isem)
    for i in range(K):
      ones[i, :] = jnp.full((DEGW,), 1.0, jnp.float32)
    zcp.wait()
    icp.wait()
    plsc.subcore_barrier()

    for j in range(_DEGF):
      pltpu.async_copy(ones, acc.at[dstbuf.at[j]], isem, add=True)

    def body(i, _):
      pltpu.make_async_copy(ones, acc.at[dstbuf.at[i]], isem).wait()
      pltpu.async_copy(ones, acc.at[dstbuf.at[i + _DEGF]], isem, add=True)
      return ()

    lax.fori_loop(0, NB - _DEGF, body, ())
    for j in range(_DEGF):
      pltpu.make_async_copy(ones, acc.at[dstbuf.at[NB - _DEGF + j]],
                            isem).wait()
    plsc.subcore_barrier()
    pltpu.sync_copy(acc.at[pl.ds(s * RPT, RPT)],
                    out_hbm.at[c, pl.ds(s * RPT, RPT)])

  return deg_kernel(dstR, zdeg)


def _sc_aggregate(y, srcR, dstR, z2d):

  @functools.partial(
      pl.kernel,
      out_type=jax.ShapeDtypeStruct((NC, N, D), jnp.float32),
      mesh=_sc_mesh(),
      compiler_params=_sc_params,
      scratch_types=[
          pltpu.VMEM((NBA, KA), jnp.int32),
          pltpu.VMEM((NBA, KA), jnp.int32),
          pltpu.VMEM((KA, D), jnp.float32),
          pltpu.VMEM((KA, D), jnp.float32),
          pltpu.SemaphoreType.DMA,
          pltpu.SemaphoreType.DMA,
          pltpu.VMEM_SHARED((N, D), jnp.float32),
      ],
  )
  def agg_kernel(y_hbm, src_hbm, dst_hbm, z_hbm, out_hbm,
                 srcbuf, dstbuf, rows0, rows1, sem0, sem1, acc):
    c = lax.axis_index("c")
    s = lax.axis_index("s")
    wid = s * NC + c
    zcp = pltpu.async_copy(z_hbm.at[pl.ds(s * RPT, RPT)],
                           acc.at[pl.ds(s * RPT, RPT)], sem0)
    scp = pltpu.async_copy(src_hbm.at[wid], srcbuf, sem1)
    dcp = pltpu.async_copy(dst_hbm.at[wid], dstbuf, sem1)
    zcp.wait()
    scp.wait()
    dcp.wait()
    plsc.subcore_barrier()

    pltpu.async_copy(y_hbm.at[srcbuf.at[0]], rows0, sem0)

    def body(i, _):
      b0 = 2 * i
      b1 = 2 * i + 1
      b2 = lax.rem(b0 + 2, NBA)
      pltpu.async_copy(y_hbm.at[srcbuf.at[b1]], rows1, sem1)
      pltpu.make_async_copy(y_hbm.at[srcbuf.at[b0]], rows0, sem0).wait()
      pltpu.sync_copy(rows0, acc.at[dstbuf.at[b0]], add=True)
      pltpu.async_copy(y_hbm.at[srcbuf.at[b2]], rows0, sem0)
      pltpu.make_async_copy(y_hbm.at[srcbuf.at[b1]], rows1, sem1).wait()
      pltpu.sync_copy(rows1, acc.at[dstbuf.at[b1]], add=True)
      return ()

    lax.fori_loop(0, NBA // 2, body, ())
    pltpu.make_async_copy(y_hbm.at[srcbuf.at[0]], rows0, sem0).wait()
    plsc.subcore_barrier()
    pltpu.sync_copy(acc.at[pl.ds(s * RPT, RPT)],
                    out_hbm.at[c, pl.ds(s * RPT, RPT)])

  return agg_kernel(y, srcR, dstR, z2d)



_NBLK = 5
_BR = N // _NBLK
_HBLK = 5
_HBR = N // _HBLK


def _row_spec(width):
  return pl.BlockSpec((_BR, width), lambda i: (i, 0))


def _full_spec(shape):
  nd = len(shape)
  return pl.BlockSpec(shape, lambda i: (0,) * nd)


def _tc_xw1(state, W1, lw15, lb1):

  def body(st_ref, w_ref, l_ref, b_ref, o_ref, h_ref):
    st = st_ref[...]
    o_ref[...] = jnp.dot(st, w_ref[...],
                         preferred_element_type=jnp.float32,
                         precision=lax.Precision.HIGHEST)
    h_ref[...] = jnp.dot(st, l_ref[...],
                         preferred_element_type=jnp.float32,
                         precision=lax.Precision.HIGHEST) + b_ref[...]

  return pl.pallas_call(
      body,
      grid=(_NBLK,),
      in_specs=[_row_spec(D), _full_spec((D, D)), _full_spec((D, H)),
                _full_spec((1, H))],
      out_specs=[_row_spec(D), _row_spec(H)],
      out_shape=[
          jax.ShapeDtypeStruct((N, D), jnp.float32),
          jax.ShapeDtypeStruct((N, H), jnp.float32),
      ],
  )(state, W1, lw15, lb1)


def _tc_prep(degP, xw1):

  def body(dp_ref, xw_ref, dis_ref, y_ref):
    dp = dp_ref[...]
    deg = dp[0][:, 0:1] + dp[1][:, 0:1] + 1.0
    dis = 1.0 / jnp.sqrt(deg)
    dis_ref[...] = dis
    y_ref[...] = dis * xw_ref[...]

  return pl.pallas_call(
      body,
      grid=(_NBLK,),
      in_specs=[
          pl.BlockSpec((NC, _BR, DEGW), lambda i: (0, i, 0)),
          _row_spec(D),
      ],
      out_specs=[_row_spec(1), _row_spec(D)],
      out_shape=[
          jax.ShapeDtypeStruct((N, 1), jnp.float32),
          jax.ShapeDtypeStruct((N, D), jnp.float32),
      ],
  )(degP, xw1)


def _tc_layer(P, y, dis, b, Wn, lw1k, hin):

  def body(p_ref, y_ref, dis_ref, b_ref, w_ref, l_ref, h_ref,
           yn_ref, ho_ref):
    p = p_ref[...]
    dis = dis_ref[...]
    x = jax.nn.relu(dis * (p[0] + p[1] + y_ref[...]) + b_ref[...])
    yn_ref[...] = dis * jnp.dot(x, w_ref[...],
                                preferred_element_type=jnp.float32,
                                precision=lax.Precision.HIGHEST)
    ho_ref[...] = h_ref[...] + jnp.dot(x, l_ref[...],
                                       preferred_element_type=jnp.float32,
                                       precision=lax.Precision.HIGHEST)

  return pl.pallas_call(
      body,
      grid=(_NBLK,),
      in_specs=[
          pl.BlockSpec((NC, _BR, D), lambda i: (0, i, 0)),
          _row_spec(D),
          _row_spec(1),
          _full_spec((1, D)),
          _full_spec((D, D)),
          _full_spec((D, H)),
          _row_spec(H),
      ],
      out_specs=[_row_spec(D), _row_spec(H)],
      out_shape=[
          jax.ShapeDtypeStruct((N, D), jnp.float32),
          jax.ShapeDtypeStruct((N, H), jnp.float32),
      ],
  )(P, y, dis, b, Wn, lw1k, hin)


def _tc_layer_last(P, y, dis, b, lw1k, hin):

  def body(p_ref, y_ref, dis_ref, b_ref, l_ref, h_ref, ho_ref):
    p = p_ref[...]
    x = jax.nn.relu(
        dis_ref[...] * (p[0] + p[1] + y_ref[...]) + b_ref[...])
    ho_ref[...] = h_ref[...] + jnp.dot(x, l_ref[...],
                                       preferred_element_type=jnp.float32,
                                       precision=lax.Precision.HIGHEST)

  return pl.pallas_call(
      body,
      grid=(_NBLK,),
      in_specs=[
          pl.BlockSpec((NC, _BR, D), lambda i: (0, i, 0)),
          _row_spec(D),
          _row_spec(1),
          _full_spec((1, D)),
          _full_spec((D, H)),
          _row_spec(H),
      ],
      out_specs=[_row_spec(H)],
      out_shape=[jax.ShapeDtypeStruct((N, H), jnp.float32)],
  )(P, y, dis, b, lw1k, hin)


def _tc_head(h, lw2, lb2, lw3, lb3):

  def body(h_ref, w2_ref, b2_ref, w3_ref, b3_ref, act_ref,
           conc_scr, sum_scr):
    p = pl.program_id(0)
    j = pl.program_id(1)

    @pl.when(p == 0)
    def _():
      hh = h_ref[...]
      hh = jnp.where(hh >= 0, hh, 0.01 * hh)
      hh = jnp.dot(hh, w2_ref[...],
                   precision=lax.Precision.HIGHEST) + b2_ref[...]
      hh = jnp.where(hh >= 0, hh, 0.01 * hh)
      cc = jnp.dot(hh, w3_ref[...],
                   precision=lax.Precision.HIGHEST) + b3_ref[...]
      cblk = jax.nn.softplus(cc)
      conc_scr[pl.ds(j * _HBR, _HBR), :] = cblk

      @pl.when(j == 0)
      def _():
        sum_scr[...] = jnp.zeros_like(sum_scr)

      sum_scr[...] = sum_scr[...] + jnp.sum(cblk).reshape(1, 1)

    @pl.when(p == 1)
    def _():
      act_ref[...] = (conc_scr[pl.ds(j * _HBR, _HBR), :]
                      / (sum_scr[...] + 1e-20))

  row_in = pl.BlockSpec((_HBR, H), lambda p, jj: (jnp.where(p == 0, jj, 0), 0))
  return pl.pallas_call(
      body,
      grid=(2, _HBLK),
      in_specs=[
          row_in,
          pl.BlockSpec((H, H), lambda p, jj: (0, 0)),
          pl.BlockSpec((1, H), lambda p, jj: (0, 0)),
          pl.BlockSpec((H, 1), lambda p, jj: (0, 0)),
          pl.BlockSpec((1, 1), lambda p, jj: (0, 0)),
      ],
      out_specs=[pl.BlockSpec((_HBR, 1), lambda p, jj: (jj, 0))],
      out_shape=[jax.ShapeDtypeStruct((N, 1), jnp.float32)],
      scratch_shapes=[
          pltpu.VMEM((N, 1), jnp.float32),
          pltpu.VMEM((1, 1), jnp.float32),
      ],
  )(h, lw2, lb2, lw3, lb3)[0]



def kernel(state, edge_index, W1, b1, W2, b2, W3, b3, W4, b4, W5, b5,
           lw1, lb1, lw2, lb2, lw3, lb3):
  srcR = edge_index[0].reshape(NW, NBA, KA)
  dstR = edge_index[1].reshape(NW, NBA, KA)
  dstRdeg = edge_index[1].reshape(NW, NB, K)
  z2d = jnp.zeros((N, D), jnp.float32)
  zdeg = jnp.zeros((N, DEGW), jnp.float32)

  lw1r = lw1.reshape(6, D, H)
  xw1, h = _tc_xw1(state, W1, lw1r[5], lb1.reshape(1, H))
  degP = _sc_degree(dstRdeg, zdeg)
  dis, y = _tc_prep(degP, xw1)

  biases = (b1, b2, b3, b3, b3)
  nexts = (W2, W3, W3, W3, None)
  for k in range(5):
    P = _sc_aggregate(y, srcR, dstR, z2d)
    if nexts[k] is not None:
      y, h = _tc_layer(P, y, dis, biases[k].reshape(1, D), nexts[k],
                       lw1r[k], h)
    else:
      h = _tc_layer_last(P, y, dis, biases[k].reshape(1, D),
                         lw1r[k], h)[0]

  action = _tc_head(h, lw2, lb2.reshape(1, H), lw3, lb3.reshape(1, 1))
  return action.reshape(N)

# --- scband reference (transcript-rebuilt; emitter-appended) ---
"""Pipeline reference for scband-gnnactor-penta-28845000360022 (READ-ONLY COPY).

The authoritative reference and input builder live on the scoring server;
editing this copy changes nothing except your own understanding.
"""

import jax, jax.numpy as jnp
import numpy as np

N = 10000
E = 320000
D = 128
H = 32

def _glorot(key, shape):
    fan_in = shape[0]
    return jax.random.normal(key, shape, dtype=jnp.float32) / np.sqrt(fan_in)

def setup_inputs(seed: int = 0):
    key = jax.random.key(seed)
    ks = jax.random.split(key, 12)
    inp = {}
    inp["state"] = jax.random.normal(ks[0], (N, D), dtype=jnp.float32)
    inp["edge_index"] = jax.random.randint(ks[1], (2, E), 0, N, dtype=jnp.int32)
    for i in range(5):
        inp["W%d" % (i + 1)] = _glorot(ks[2 + i], (D, D))
        inp["b%d" % (i + 1)] = jnp.zeros((D,), dtype=jnp.float32)
    inp["lw1"] = _glorot(ks[7], (6 * D, H)); inp["lb1"] = jnp.zeros((H,), jnp.float32)
    inp["lw2"] = _glorot(ks[8], (H, H)); inp["lb2"] = jnp.zeros((H,), jnp.float32)
    inp["lw3"] = _glorot(ks[9], (H, 1)); inp["lb3"] = jnp.zeros((1,), jnp.float32)
    return inp

def _gcn(x, src, dst, W, b):
    # GCNConv: x' = D^{-1/2} (A + I) D^{-1/2} (x W) + b  (self-loops already in src/dst)
    xw = x @ W
    deg = jax.ops.segment_sum(jnp.ones_like(dst, dtype=x.dtype), dst, num_segments=N)
    dis = jnp.where(deg > 0, deg ** -0.5, 0.0)
    norm = dis[src] * dis[dst]
    out = jax.ops.segment_sum(xw[src] * norm[:, None], dst, num_segments=N)
    return out + b

def reference(state, edge_index, W1, b1, W2, b2, W3, b3, W4, b4, W5, b5, lw1, lb1, lw2, lb2, lw3, lb3):
    loop = jnp.arange(N, dtype=edge_index.dtype)
    src = jnp.concatenate([edge_index[0], loop])
    dst = jnp.concatenate([edge_index[1], loop])
    out1 = jax.nn.relu(_gcn(state, src, dst, W1, b1))
    out2 = jax.nn.relu(_gcn(out1, src, dst, W2, b2))
    out3 = jax.nn.relu(_gcn(out2, src, dst, W3, b3))
    # NOTE: original forward reuses self.conv3 for layers 4 and 5 (conv4/conv5 unused)
    out4 = jax.nn.relu(_gcn(out3, src, dst, W3, b3))
    out5 = jax.nn.relu(_gcn(out4, src, dst, W3, b3))
    x = jnp.concatenate([out1, out2, out3, out4, out5, state], axis=-1)
    x = jax.nn.leaky_relu(x @ lw1 + lb1)
    x = jax.nn.leaky_relu(x @ lw2 + lb2)
    x = jax.nn.softplus(x @ lw3 + lb3)
    conc = jnp.squeeze(x, -1)
    # deterministic=True branch: action = concentration / sum(concentration)
    action = conc / (jnp.sum(conc, axis=-1, keepdims=True) + 1e-20)
    return action

if __name__ == "__main__":
    import jax
    _d = setup_inputs()
    print(jax.jit(kernel)(*tuple(_d.values())))

</pallas_src>

<mosaic_0001>
#map = affine_map<(d0, d1) -> (0, 0, 0)>
#map1 = affine_map<(d0, d1) -> (0, 0)>
module attributes {stable_mosaic.version = 14 : i64} {
  func.func @deg_kernel(%arg0: i32, %arg1: i32, %arg2: memref<32x100x100xi32, #tpu.memory_space<hbm>>, %arg3: memref<10000x16xf32, #tpu.memory_space<hbm>>, %arg4: memref<2x10000x16xf32, #tpu.memory_space<hbm>>, %arg5: memref<100x100xi32, #tpu.memory_space<vmem>>, %arg6: memref<100x16xf32, #tpu.memory_space<vmem>>, %arg7: memref<10000x16xf32, #tpu.memory_space<vmem_shared>>, %arg8: memref<!tpu.dma_semaphore, #tpu.memory_space<semaphore_mem>>, %arg9: memref<!tpu.dma_semaphore, #tpu.memory_space<semaphore_mem>>) attributes {dimension_semantics = [#tpu.dimension_semantics<core_parallel>, #tpu.dimension_semantics<subcore_parallel>], iteration_bounds = array<i64: 2, 16>, scalar_prefetch = 0 : i64, scratch_operands = 5 : i64, tpu.core_type = #tpu.core_type<sc_vector_subcore>, window_params = [{transform_indices = #map}, {transform_indices = #map1}, {transform_indices = #map}]} {
    %mul3A = arith.constant 2 : i32
    %mul3A_0 = arith.muli %arg1, %mul3A : i32
    %add3A = arith.addi %mul3A_0, %arg0 : i32
    %mul3A_1 = arith.constant 625 : i32
    %mul3A_2 = arith.muli %arg1, %mul3A_1 : i32
    %mul3A_3 = arith.constant 625 : i32
    %mul3A_4 = arith.muli %arg1, %mul3A_3 : i32
    %dma_start3A = arith.constant 0 : i32
    %dma_start3A_5 = tpu.memref_slice %arg7[%mul3A_4, %dma_start3A] : memref<10000x16xf32, #tpu.memory_space<vmem_shared>> -> memref<625x16xf32, #tpu.memory_space<vmem_shared>>
    %dma_start3A_6 = arith.constant 0 : i32
    %dma_start3A_7 = tpu.memref_slice %arg3[%mul3A_2, %dma_start3A_6] : memref<10000x16xf32, #tpu.memory_space<hbm>> -> memref<625x16xf32, #tpu.memory_space<hbm>>
    tpu.enqueue_dma source(%dma_start3A_7 : memref<625x16xf32, #tpu.memory_space<hbm>>) target(%dma_start3A_5 : memref<625x16xf32, #tpu.memory_space<vmem_shared>>) target_semaphore(%arg8 : memref<!tpu.dma_semaphore, #tpu.memory_space<semaphore_mem>>)
    %dma_start3A_8 = arith.constant 0 : i32
    %dma_start3A_9 = arith.constant 0 : i32
    %dma_start3A_10 = tpu.memref_slice %arg2[%add3A, %dma_start3A_8, %dma_start3A_9] : memref<32x100x100xi32, #tpu.memory_space<hbm>> -> memref<1x100x100xi32, #tpu.memory_space<hbm>>
    %dma_start3A_11 = tpu.memref_squeeze %dma_start3A_10 : memref<1x100x100xi32, #tpu.memory_space<hbm>> -> memref<100x100xi32, #tpu.memory_space<hbm>>
    %dma_start3A_12 = arith.constant 0 : i32
    %dma_start3A_13 = arith.constant 0 : i32
    %dma_start3A_14 = tpu.memref_slice %arg2[%add3A, %dma_start3A_12, %dma_start3A_13] : memref<32x100x100xi32, #tpu.memory_space<hbm>> -> memref<1x100x100xi32, #tpu.memory_space<hbm>>
    %dma_start3A_15 = tpu.memref_squeeze %dma_start3A_14 : memref<1x100x100xi32, #tpu.memory_space<hbm>> -> memref<100x100xi32, #tpu.memory_space<hbm>>
    tpu.enqueue_dma source(%dma_start3A_15 : memref<100x100xi32, #tpu.memory_space<hbm>>) target(%arg5 : memref<100x100xi32, #tpu.memory_space<vmem>>) target_semaphore(%arg9 : memref<!tpu.dma_semaphore, #tpu.memory_space<semaphore_mem>>)
    %broadcast_in_dim3A = arith.constant 1.000000e+00 : f32
    %broadcast_in_dim3A_16 = vector.broadcast %broadcast_in_dim3A : f32 to vector<16xf32>
    %swap3A = arith.constant 0 : i32
    %swap3A_17 = arith.index_cast %swap3A : i32 to index
    %swap3A_18 = arith.constant 0 : index
    %swap3A_19 = tpu.vector_load %arg6[%swap3A_17, %swap3A_18] {strides = array<i32>} : memref<100x16xf32, #tpu.memory_space<vmem>>, vector<1x16xf32>,
    %swap3A_20 = vector.shape_cast %swap3A_19 : vector<1x16xf32> to vector<16xf32>
    %swap3A_21 = vector.shape_cast %broadcast_in_dim3A_16 : vector<16xf32> to vector<1x16xf32>
    tpu.vector_store %arg6[%swap3A_17, %swap3A_18], %swap3A_21 {strides = array<i32>} : memref<100x16xf32, #tpu.memory_space<vmem>>, vector<1x16xf32>,
    %broadcast_in_dim3A_22 = arith.constant 1.000000e+00 : f32
    %broadcast_in_dim3A_23 = vector.broadcast %broadcast_in_dim3A_22 : f32 to vector<16xf32>
    %swap3A_24 = arith.constant 1 : i32
    %swap3A_25 = arith.index_cast %swap3A_24 : i32 to index
    %swap3A_26 = arith.constant 0 : index
    %swap3A_27 = tpu.vector_load %arg6[%swap3A_25, %swap3A_26] {strides = array<i32>} : memref<100x16xf32, #tpu.memory_space<vmem>>, vector<1x16xf32>,
    %swap3A_28 = vector.shape_cast %swap3A_27 : vector<1x16xf32> to vector<16xf32>
    %swap3A_29 = vector.shape_cast %broadcast_in_dim3A_23 : vector<16xf32> to vector<1x16xf32>
    tpu.vector_store %arg6[%swap3A_25, %swap3A_26], %swap3A_29 {strides = array<i32>} : memref<100x16xf32, #tpu.memory_space<vmem>>, vector<1x16xf32>,
    %broadcast_in_dim3A_30 = arith.constant 1.000000e+00 : f32
    %broadcast_in_dim3A_31 = vector.broadcast %broadcast_in_dim3A_30 : f32 to vector<16xf32>
    %swap3A_32 = arith.constant 2 : i32
    %swap3A_33 = arith.index_cast %swap3A_32 : i32 to index
    %swap3A_34 = arith.constant 0 : index
    %swap3A_35 = tpu.vector_load %arg6[%swap3A_33, %swap3A_34] {strides = array<i32>} : memref<100x16xf32, #tpu.memory_space<vmem>>, vector<1x16xf32>,
    %swap3A_36 = vector.shape_cast %swap3A_35 : vector<1x16xf32> to vector<16xf32>
    %swap3A_37 = vector.shape_cast %broadcast_in_dim3A_31 : vector<16xf32> to vector<1x16xf32>
    tpu.vector_store %arg6[%swap3A_33, %swap3A_34], %swap3A_37 {strides = array<i32>} : memref<100x16xf32, #tpu.memory_space<vmem>>, vector<1x16xf32>,
    %broadcast_in_dim3A_38 = arith.constant 1.000000e+00 : f32
    %broadcast_in_dim3A_39 = vector.broadcast %broadcast_in_dim3A_38 : f32 to vector<16xf32>
    %swap3A_40 = arith.constant 3 : i32
    %swap3A_41 = arith.index_cast %swap3A_40 : i32 to index
    %swap3A_42 = arith.constant 0 : index
    %swap3A_43 = tpu.vector_load %arg6[%swap3A_41, %swap3A_42] {strides = array<i32>} : memref<100x16xf32, #tpu.memory_space<vmem>>, vector<1x16xf32>,
    %swap3A_44 = vector.shape_cast %swap3A_43 : vector<1x16xf32> to vector<16xf32>
    %swap3A_45 = vector.shape_cast %broadcast_in_dim3A_39 : vector<16xf32> to vector<1x16xf32>
    tpu.vector_store %arg6[%swap3A_41, %swap3A_42], %swap3A_45 {strides = array<i32>} : memref<100x16xf32, #tpu.memory_space<vmem>>, vector<1x16xf32>,
    %broadcast_in_dim3A_46 = arith.constant 1.000000e+00 : f32
    %broadcast_in_dim3A_47 = vector.broadcast %broadcast_in_dim3A_46 : f32 to vector<16xf32>
    %swap3A_48 = arith.constant 4 : i32
    %swap3A_49 = arith.index_cast %swap3A_48 : i32 to index
    %swap3A_50 = arith.constant 0 : index
    %swap3A_51 = tpu.vector_load %arg6[%swap3A_49, %swap3A_50] {strides = array<i32>} : memref<100x16xf32, #tpu.memory_space<vmem>>, vector<1x16xf32>,
    %swap3A_52 = vector.shape_cast %swap3A_51 : vector<1x16xf32> to vector<16xf32>
    %swap3A_53 = vector.shape_cast %broadcast_in_dim3A_47 : vector<16xf32> to vector<1x16xf32>
    tpu.vector_store %arg6[%swap3A_49, %swap3A_50], %swap3A_53 {strides = array<i32>} : memref<100x16xf32, #tpu.memory_space<vmem>>, vector<1x16xf32>,
    %broadcast_in_dim3A_54 = arith.constant 1.000000e+00 : f32
    %broadcast_in_dim3A_55 = vector.broadcast %broadcast_in_dim3A_54 : f32 to vector<16xf32>
    %swap3A_56 = arith.constant 5 : i32
    %swap3A_57 = arith.index_cast %swap3A_56 : i32 to index
    %swap3A_58 = arith.constant 0 : index
    %swap3A_59 = tpu.vector_load %arg6[%swap3A_57, %swap3A_58] {strides = array<i32>} : memref<100x16xf32, #tpu.memory_space<vmem>>, vector<1x16xf32>,
    %swap3A_60 = vector.shape_cast %swap3A_59 : vector<1x16xf32> to vector<16xf32>
    %swap3A_61 = vector.shape_cast %broadcast_in_dim3A_55 : vector<16xf32> to vector<1x16xf32>
    tpu.vector_store %arg6[%swap3A_57, %swap3A_58], %swap3A_61 {strides = array<i32>} : memref<100x16xf32, #tpu.memory_space<vmem>>, vector<1x16xf32>,
    %broadcast_in_dim3A_62 = arith.constant 1.000000e+00 : f32
    %broadcast_in_dim3A_63 = vector.broadcast %broadcast_in_dim3A_62 : f32 to vector<16xf32>
    %swap3A_64 = arith.constant 6 : i32
    %swap3A_65 = arith.index_cast %swap3A_64 : i32 to index
    %swap3A_66 = arith.constant 0 : index
    %swap3A_67 = tpu.vector_load %arg6[%swap3A_65, %swap3A_66] {strides = array<i32>} : memref<100x16xf32, #tpu.memory_space<vmem>>, vector<1x16xf32>,
    %swap3A_68 = vector.shape_cast %swap3A_67 : vector<1x16xf32> to vector<16xf32>
    %swap3A_69 = vector.shape_cast %broadcast_in_dim3A_63 : vector<16xf32> to vector<1x16xf32>
    tpu.vector_store %arg6[%swap3A_65, %swap3A_66], %swap3A_69 {strides = array<i32>} : memref<100x16xf32, #tpu.memory_space<vmem>>, vector<1x16xf32>,
    %broadcast_in_dim3A_70 = arith.constant 1.000000e+00 : f32
    %broadcast_in_dim3A_71 = vector.broadcast %broadcast_in_dim3A_70 : f32 to vector<16xf32>
    %swap3A_72 = arith.constant 7 : i32
    %swap3A_73 = arith.index_cast %swap3A_72 : i32 to index
    %swap3A_74 = arith.constant 0 : index
    %swap3A_75 = tpu.vector_load %arg6[%swap3A_73, %swap3A_74] {strides = array<i32>} : memref<100x16xf32, #tpu.memory_space<vmem>>, vector<1x16xf32>,
    %swap3A_76 = vector.shape_cast %swap3A_75 : vector<1x16xf32> to vector<16xf32>
    %swap3A_77 = vector.shape_cast %broadcast_in_dim3A_71 : vector<16xf32> to vector<1x16xf32>
    tpu.vector_store %arg6[%swap3A_73, %swap3A_74], %swap3A_77 {strides = array<i32>} : memref<100x16xf32, #tpu.memory_space<vmem>>, vector<1x16xf32>,
    %broadcast_in_dim3A_78 = arith.constant 1.000000e+00 : f32
    %broadcast_in_dim3A_79 = vector.broadcast %broadcast_in_dim3A_78 : f32 to vector<16xf32>
    %swap3A_80 = arith.constant 8 : i32
    %swap3A_81 = arith.index_cast %swap3A_80 : i32 to index
    %swap3A_82 = arith.constant 0 : index
    %swap3A_83 = tpu.vector_load %arg6[%swap3A_81, %swap3A_82] {strides = array<i32>} : memref<100x16xf32, #tpu.memory_space<vmem>>, vector<1x16xf32>,
    %swap3A_84 = vector.shape_cast %swap3A_83 : vector<1x16xf32> to vector<16xf32>
    %swap3A_85 = vector.shape_cast %broadcast_in_dim3A_79 : vector<16xf32> to vector<1x16xf32>
    tpu.vector_store %arg6[%swap3A_81, %swap3A_82], %swap3A_85 {strides = array<i32>} : memref<100x16xf32, #tpu.memory_space<vmem>>, vector<1x16xf32>,
    %broadcast_in_dim3A_86 = arith.constant 1.000000e+00 : f32
    %broadcast_in_dim3A_87 = vector.broadcast %broadcast_in_dim3A_86 : f32 to vector<16xf32>
    %swap3A_88 = arith.constant 9 : i32
    %swap3A_89 = arith.index_cast %swap3A_88 : i32 to index
    %swap3A_90 = arith.constant 0 : index
    %swap3A_91 = tpu.vector_load %arg6[%swap3A_89, %swap3A_90] {strides = array<i32>} : memref<100x16xf32, #tpu.memory_space<vmem>>, vector<1x16xf32>,
    %swap3A_92 = vector.shape_cast %swap3A_91 : vector<1x16xf32> to vector<16xf32>
    %swap3A_93 = vector.shape_cast %broadcast_in_dim3A_87 : vector<16xf32> to vector<1x16xf32>
    tpu.vector_store %arg6[%swap3A_89, %swap3A_90], %swap3A_93 {strides = array<i32>} : memref<100x16xf32, #tpu.memory_space<vmem>>, vector<1x16xf32>,
    %broadcast_in_dim3A_94 = arith.constant 1.000000e+00 : f32
    %broadcast_in_dim3A_95 = vector.broadcast %broadcast_in_dim3A_94 : f32 to vector<16xf32>
    %swap3A_96 = arith.constant 10 : i32
    %swap3A_97 = arith.index_cast %swap3A_96 : i32 to index
    %swap3A_98 = arith.constant 0 : index
    %swap3A_99 = tpu.vector_load %arg6[%swap3A_97, %swap3A_98] {strides = array<i32>} : memref<100x16xf32, #tpu.memory_space<vmem>>, vector<1x16xf32>,
    %swap3A_100 = vector.shape_cast %swap3A_99 : vector<1x16xf32> to vector<16xf32>
    %swap3A_101 = vector.shape_cast %broadcast_in_dim3A_95 : vector<16xf32> to vector<1x16xf32>
    tpu.vector_store %arg6[%swap3A_97, %swap3A_98], %swap3A_101 {strides = array<i32>} : memref<100x16xf32, #tpu.memory_space<vmem>>, vector<1x16xf32>,
    %broadcast_in_dim3A_102 = arith.constant 1.000000e+00 : f32
    %broadcast_in_dim3A_103 = vector.broadcast %broadcast_in_dim3A_102 : f32 to vector<16xf32>
    %swap3A_104 = arith.constant 11 : i32
    %swap3A_105 = arith.index_cast %swap3A_104 : i32 to index
    %swap3A_106 = arith.constant 0 : index
    %swap3A_107 = tpu.vector_load %arg6[%swap3A_105, %swap3A_106] {strides = array<i32>} : memref<100x16xf32, #tpu.memory_space<vmem>>, vector<1x16xf32>,
    %swap3A_108 = vector.shape_cast %swap3A_107 : vector<1x16xf32> to vector<16xf32>
    %swap3A_109 = vector.shape_cast %broadcast_in_dim3A_103 : vector<16xf32> to vector<1x16xf32>
    tpu.vector_store %arg6[%swap3A_105, %swap3A_106], %swap3A_109 {strides = array<i32>} : memref<100x16xf32, #tpu.memory_space<vmem>>, vector<1x16xf32>,
    %broadcast_in_dim3A_110 = arith.constant 1.000000e+00 : f32
    %broadcast_in_dim3A_111 = vector.broadcast %broadcast_in_dim3A_110 : f32 to vector<16xf32>
    %swap3A_112 = arith.constant 12 : i32
    %swap3A_113 = arith.index_cast %swap3A_112 : i32 to index
    %swap3A_114 = arith.constant 0 : index
    %swap3A_115 = tpu.vector_load %arg6[%swap3A_113, %swap3A_114] {strides = array<i32>} : memref<100x16xf32, #tpu.memory_space<vmem>>, vector<1x16xf32>,
    %swap3A_116 = vector.shape_cast %swap3A_115 : vector<1x16xf32> to vector<16xf32>
    %swap3A_117 = vector.shape_cast %broadcast_in_dim3A_111 : vector<16xf32> to vector<1x16xf32>
    tpu.vector_store %arg6[%swap3A_113, %swap3A_114], %swap3A_117 {strides = array<i32>} : memref<100x16xf32, #tpu.memory_space<vmem>>, vector<1x16xf32>,
    %broadcast_in_dim3A_118 = arith.constant 1.000000e+00 : f32
    %broadcast_in_dim3A_119 = vector.broadcast %broadcast_in_dim3A_118 : f32 to vector<16xf32>
    %swap3A_120 = arith.constant 13 : i32
    %swap3A_121 = arith.index_cast %swap3A_120 : i32 to index
    %swap3A_122 = arith.constant 0 : index
    %swap3A_123 = tpu.vector_load %arg6[%swap3A_121, %swap3A_122] {strides = array<i32>} : memref<100x16xf32, #tpu.memory_space<vmem>>, vector<1x16xf32>,
    %swap3A_124 = vector.shape_cast %swap3A_123 : vector<1x16xf32> to vector<16xf32>
    %swap3A_125 = vector.shape_cast %broadcast_in_dim3A_119 : vector<16xf32> to vector<1x16xf32>
    tpu.vector_store %arg6[%swap3A_121, %swap3A_122], %swap3A_125 {strides = array<i32>} : memref<100x16xf32, #tpu.memory_space<vmem>>, vector<1x16xf32>,
    %broadcast_in_dim3A_126 = arith.constant 1.000000e+00 : f32
    %broadcast_in_dim3A_127 = vector.broadcast %broadcast_in_dim3A_126 : f32 to vector<16xf32>
    %swap3A_128 = arith.constant 14 : i32
    %swap3A_129 = arith.index_cast %swap3A_128 : i32 to index
    %swap3A_130 = arith.constant 0 : index
    %swap3A_131 = tpu.vector_load %arg6[%swap3A_129, %swap3A_130] {strides = array<i32>} : memref<100x16xf32, #tpu.memory_space<vmem>>, vector<1x16xf32>,
    %swap3A_132 = vector.shape_cast %swap3A_131 : vector<1x16xf32> to vector<16xf32>
    %swap3A_133 = vector.shape_cast %broadcast_in_dim3A_127 : vector<16xf32> to vector<1x16xf32>
    tpu.vector_store %arg6[%swap3A_129, %swap3A_130], %swap3A_133 {strides = array<i32>} : memref<100x16xf32, #tpu.memory_space<vmem>>, vector<1x16xf32>,
    %broadcast_in_dim3A_134 = arith.constant 1.000000e+00 : f32
    %broadcast_in_dim3A_135 = vector.broadcast %broadcast_in_dim3A_134 : f32 to vector<16xf32>
    %swap3A_136 = arith.constant 15 : i32
    %swap3A_137 = arith.index_cast %swap3A_136 : i32 to index
    %swap3A_138 = arith.constant 0 : index
    %swap3A_139 = tpu.vector_load %arg6[%swap3A_137, %swap3A_138] {strides = array<i32>} : memref<100x16xf32, #tpu.memory_space<vmem>>, vector<1x16xf32>,
    %swap3A_140 = vector.shape_cast %swap3A_139 : vector<1x16xf32> to vector<16xf32>
    %swap3A_141 = vector.shape_cast %broadcast_in_dim3A_135 : vector<16xf32> to vector<1x16xf32>
    tpu.vector_store %arg6[%swap3A_137, %swap3A_138], %swap3A_141 {strides = array<i32>} : memref<100x16xf32, #tpu.memory_space<vmem>>, vector<1x16xf32>,
    %broadcast_in_dim3A_142 = arith.constant 1.000000e+00 : f32
    %broadcast_in_dim3A_143 = vector.broadcast %broadcast_in_dim3A_142 : f32 to vector<16xf32>
    %swap3A_144 = arith.constant 16 : i32
    %swap3A_145 = arith.index_cast %swap3A_144 : i32 to index
    %swap3A_146 = arith.constant 0 : index
    %swap3A_147 = tpu.vector_load %arg6[%swap3A_145, %swap3A_146] {strides = array<i32>} : memref<100x16xf32, #tpu.memory_space<vmem>>, vector<1x16xf32>,
    %swap3A_148 = vector.shape_cast %swap3A_147 : vector<1x16xf32> to vector<16xf32>
    %swap3A_149 = vector.shape_cast %broadcast_in_dim3A_143 : vector<16xf32> to vector<1x16xf32>
    tpu.vector_store %arg6[%swap3A_145, %swap3A_146], %swap3A_149 {strides = array<i32>} : memref<100x16xf32, #tpu.memory_space<vmem>>, vector<1x16xf32>,
    %broadcast_in_dim3A_150 = arith.constant 1.000000e+00 : f32
    %broadcast_in_dim3A_151 = vector.broadcast %broadcast_in_dim3A_150 : f32 to vector<16xf32>
    %swap3A_152 = arith.constant 17 : i32
    %swap3A_153 = arith.index_cast %swap3A_152 : i32 to index
    %swap3A_154 = arith.constant 0 : index
    %swap3A_155 = tpu.vector_load %arg6[%swap3A_153, %swap3A_154] {strides = array<i32>} : memref<100x16xf32, #tpu.memory_space<vmem>>, vector<1x16xf32>,
    %swap3A_156 = vector.shape_cast %swap3A_155 : vector<1x16xf32> to vector<16xf32>
    %swap3A_157 = vector.shape_cast %broadcast_in_dim3A_151 : vector<16xf32> to vector<1x16xf32>
    tpu.vector_store %arg6[%swap3A_153, %swap3A_154], %swap3A_157 {strides = array<i32>} : memref<100x16xf32, #tpu.memory_space<vmem>>, vector<1x16xf32>,
    %broadcast_in_dim3A_158 = arith.constant 1.000000e+00 : f32
    %broadcast_in_dim3A_159 = vector.broadcast %broadcast_in_dim3A_158 : f32 to vector<16xf32>
    %swap3A_160 = arith.constant 18 : i32
    %swap3A_161 = arith.index_cast %swap3A_160 : i32 to index
    %swap3A_162 = arith.constant 0 : index
    %swap3A_163 = tpu.vector_load %arg6[%swap3A_161, %swap3A_162] {strides = array<i32>} : memref<100x16xf32, #tpu.memory_space<vmem>>, vector<1x16xf32>,
    %swap3A_164 = vector.shape_cast %swap3A_163 : vector<1x16xf32> to vector<16xf32>
    %swap3A_165 = vector.shape_cast %broadcast_in_dim3A_159 : vector<16xf32> to vector<1x16xf32>
    tpu.vector_store %arg6[%swap3A_161, %swap3A_162], %swap3A_165 {strides = array<i32>} : memref<100x16xf32, #tpu.memory_space<vmem>>, vector<1x16xf32>,
    %broadcast_in_dim3A_166 = arith.constant 1.000000e+00 : f32
    %broadcast_in_dim3A_167 = vector.broadcast %broadcast_in_dim3A_166 : f32 to vector<16xf32>
    %swap3A_168 = arith.constant 19 : i32
    %swap3A_169 = arith.index_cast %swap3A_168 : i32 to index
    %swap3A_170 = arith.constant 0 : index
    %swap3A_171 = tpu.vector_load %arg6[%swap3A_169, %swap3A_170] {strides = array<i32>} : memref<100x16xf32, #tpu.memory_space<vmem>>, vector<1x16xf32>,
    %swap3A_172 = vector.shape_cast %swap3A_171 : vector<1x16xf32> to vector<16xf32>
    %swap3A_173 = vector.shape_cast %broadcast_in_dim3A_167 : vector<16xf32> to vector<1x16xf32>
    tpu.vector_store %arg6[%swap3A_169, %swap3A_170], %swap3A_173 {strides = array<i32>} : memref<100x16xf32, #tpu.memory_space<vmem>>, vector<1x16xf32>,
    %broadcast_in_dim3A_174 = arith.constant 1.000000e+00 : f32
    %broadcast_in_dim3A_175 = vector.broadcast %broadcast_in_dim3A_174 : f32 to vector<16xf32>
    %swap3A_176 = arith.constant 20 : i32
    %swap3A_177 = arith.index_cast %swap3A_176 : i32 to index
    %swap3A_178 = arith.constant 0 : index
    %swap3A_179 = tpu.vector_load %arg6[%swap3A_177, %swap3A_178] {strides = array<i32>} : memref<100x16xf32, #tpu.memory_space<vmem>>, vector<1x16xf32>,
    %swap3A_180 = vector.shape_cast %swap3A_179 : vector<1x16xf32> to vector<16xf32>
    %swap3A_181 = vector.shape_cast %broadcast_in_dim3A_175 : vector<16xf32> to vector<1x16xf32>
    tpu.vector_store %arg6[%swap3A_177, %swap3A_178], %swap3A_181 {strides = array<i32>} : memref<100x16xf32, #tpu.memory_space<vmem>>, vector<1x16xf32>,
    %broadcast_in_dim3A_182 = arith.constant 1.000000e+00 : f32
    %broadcast_in_dim3A_183 = vector.broadcast %broadcast_in_dim3A_182 : f32 to vector<16xf32>
    %swap3A_184 = arith.constant 21 : i32
    %swap3A_185 = arith.index_cast %swap3A_184 : i32 to index
    %swap3A_186 = arith.constant 0 : index
    %swap3A_187 = tpu.vector_load %arg6[%swap3A_185, %swap3A_186] {strides = array<i32>} : memref<100x16xf32, #tpu.memory_space<vmem>>, vector<1x16xf32>,
    %swap3A_188 = vector.shape_cast %swap3A_187 : vector<1x16xf32> to vector<16xf32>
    %swap3A_189 = vector.shape_cast %broadcast_in_dim3A_183 : vector<16xf32> to vector<1x16xf32>
    tpu.vector_store %arg6[%swap3A_185, %swap3A_186], %swap3A_189 {strides = array<i32>} : memref<100x16xf32, #tpu.memory_space<vmem>>, vector<1x16xf32>,
    %broadcast_in_dim3A_190 = arith.constant 1.000000e+00 : f32
    %broadcast_in_dim3A_191 = vector.broadcast %broadcast_in_dim3A_190 : f32 to vector<16xf32>
    %swap3A_192 = arith.constant 22 : i32
    %swap3A_193 = arith.index_cast %swap3A_192 : i32 to index
    %swap3A_194 = arith.constant 0 : index
    %swap3A_195 = tpu.vector_load %arg6[%swap3A_193, %swap3A_194] {strides = array<i32>} : memref<100x16xf32, #tpu.memory_space<vmem>>, vector<1x16xf32>,
    %swap3A_196 = vector.shape_cast %swap3A_195 : vector<1x16xf32> to vector<16xf32>
    %swap3A_197 = vector.shape_cast %broadcast_in_dim3A_191 : vector<16xf32> to vector<1x16xf32>
    tpu.vector_store %arg6[%swap3A_193, %swap3A_194], %swap3A_197 {strides = array<i32>} : memref<100x16xf32, #tpu.memory_space<vmem>>, vector<1x16xf32>,
    %broadcast_in_dim3A_198 = arith.constant 1.000000e+00 : f32
    %broadcast_in_dim3A_199 = vector.broadcast %broadcast_in_dim3A_198 : f32 to vector<16xf32>
    %swap3A_200 = arith.constant 23 : i32
    %swap3A_201 = arith.index_cast %swap3A_200 : i32 to index
    %swap3A_202 = arith.constant 0 : index
    %swap3A_203 = tpu.vector_load %arg6[%swap3A_201, %swap3A_202] {strides = array<i32>} : memref<100x16xf32, #tpu.memory_space<vmem>>, vector<1x16xf32>,
    %swap3A_204 = vector.shape_cast %swap3A_203 : vector<1x16xf32> to vector<16xf32>
    %swap3A_205 = vector.shape_cast %broadcast_in_dim3A_199 : vector<16xf32> to vector<1x16xf32>
    tpu.vector_store %arg6[%swap3A_201, %swap3A_202], %swap3A_205 {strides = array<i32>} : memref<100x16xf32, #tpu.memory_space<vmem>>, vector<1x16xf32>,
    %broadcast_in_dim3A_206 = arith.constant 1.000000e+00 : f32
    %broadcast_in_dim3A_207 = vector.broadcast %broadcast_in_dim3A_206 : f32 to vector<16xf32>
    %swap3A_208 = arith.constant 24 : i32
    %swap3A_209 = arith.index_cast %swap3A_208 : i32 to index
    %swap3A_210 = arith.constant 0 : index
    %swap3A_211 = tpu.vector_load %arg6[%swap3A_209, %swap3A_210] {strides = array<i32>} : memref<100x16xf32, #tpu.memory_space<vmem>>, vector<1x16xf32>,
    %swap3A_212 = vector.shape_cast %swap3A_211 : vector<1x16xf32> to vector<16xf32>
    %swap3A_213 = vector.shape_cast %broadcast_in_dim3A_207 : vector<16xf32> to vector<1x16xf32>
    tpu.vector_store %arg6[%swap3A_209, %swap3A_210], %swap3A_213 {strides = array<i32>} : memref<100x16xf32, #tpu.memory_space<vmem>>, vector<1x16xf32>,
    %broadcast_in_dim3A_214 = arith.constant 1.000000e+00 : f32
    %broadcast_in_dim3A_215 = vector.broadcast %broadcast_in_dim3A_214 : f32 to vector<16xf32>
    %swap3A_216 = arith.constant 25 : i32
    %swap3A_217 = arith.index_cast %swap3A_216 : i32 to index
    %swap3A_218 = arith.constant 0 : index
    %swap3A_219 = tpu.vector_load %arg6[%swap3A_217, %swap3A_218] {strides = array<i32>} : memref<100x16xf32, #tpu.memory_space<vmem>>, vector<1x16xf32>,
    %swap3A_220 = vector.shape_cast %swap3A_219 : vector<1x16xf32> to vector<16xf32>
    %swap3A_221 = vector.shape_cast %broadcast_in_dim3A_215 : vector<16xf32> to vector<1x16xf32>
    tpu.vector_store %arg6[%swap3A_217, %swap3A_218], %swap3A_221 {strides = array<i32>} : memref<100x16xf32, #tpu.memory_space<vmem>>, vector<1x16xf32>,
    %broadcast_in_dim3A_222 = arith.constant 1.000000e+00 : f32
    %broadcast_in_dim3A_223 = vector.broadcast %broadcast_in_dim3A_222 : f32 to vector<16xf32>
    %swap3A_224 = arith.constant 26 : i32
    %swap3A_225 = arith.index_cast %swap3A_224 : i32 to index
    %swap3A_226 = arith.constant 0 : index
    %swap3A_227 = tpu.vector_load %arg6[%swap3A_225, %swap3A_226] {strides = array<i32>} : memref<100x16xf32, #tpu.memory_space<vmem>>, vector<1x16xf32>,
    %swap3A_228 = vector.shape_cast %swap3A_227 : vector<1x16xf32> to vector<16xf32>
    %swap3A_229 = vector.shape_cast %broadcast_in_dim3A_223 : vector<16xf32> to vector<1x16xf32>
    tpu.vector_store %arg6[%swap3A_225, %swap3A_226], %swap3A_229 {strides = array<i32>} : memref<100x16xf32, #tpu.memory_space<vmem>>, vector<1x16xf32>,
    %broadcast_in_dim3A_230 = arith.constant 1.000000e+00 : f32
    %broadcast_in_dim3A_231 = vector.broadcast %broadcast_in_dim3A_230 : f32 to vector<16xf32>
    %swap3A_232 = arith.constant 27 : i32
    %swap3A_233 = arith.index_cast %swap3A_232 : i32 to index
    %swap3A_234 = arith.constant 0 : index
    %swap3A_235 = tpu.vector_load %arg6[%swap3A_233, %swap3A_234] {strides = array<i32>} : memref<100x16xf32, #tpu.memory_space<vmem>>, vector<1x16xf32>,
    %swap3A_236 = vector.shape_cast %swap3A_235 : vector<1x16xf32> to vector<16xf32>
    %swap3A_237 = vector.shape_cast %broadcast_in_dim3A_231 : vector<16xf32> to vector<1x16xf32>
    tpu.vector_store %arg6[%swap3A_233, %swap3A_234], %swap3A_237 {strides = array<i32>} : memref<100x16xf32, #tpu.memory_space<vmem>>, vector<1x16xf32>,
    %broadcast_in_dim3A_238 = arith.constant 1.000000e+00 : f32
    %broadcast_in_dim3A_239 = vector.broadcast %broadcast_in_dim3A_238 : f32 to vector<16xf32>
    %swap3A_240 = arith.constant 28 : i32
    %swap3A_241 = arith.index_cast %swap3A_240 : i32 to index
    %swap3A_242 = arith.constant 0 : index
    %swap3A_243 = tpu.vector_load %arg6[%swap3A_241, %swap3A_242] {strides = array<i32>} : memref<100x16xf32, #tpu.memory_space<vmem>>, vector<1x16xf32>,
    %swap3A_244 = vector.shape_cast %swap3A_243 : vector<1x16xf32> to vector<16xf32>
    %swap3A_245 = vector.shape_cast %broadcast_in_dim3A_239 : vector<16xf32> to vector<1x16xf32>
    tpu.vector_store %arg6[%swap3A_241, %swap3A_242], %swap3A_245 {strides = array<i32>} : memref<100x16xf32, #tpu.memory_space<vmem>>, vector<1x16xf32>,
    %broadcast_in_dim3A_246 = arith.constant 1.000000e+00 : f32
    %broadcast_in_dim3A_247 = vector.broadcast %broadcast_in_dim3A_246 : f32 to vector<16xf32>
    %swap3A_248 = arith.constant 29 : i32
    %swap3A_249 = arith.index_cast %swap3A_248 : i32 to index
    %swap3A_250 = arith.constant 0 : index
    %swap3A_251 = tpu.vector_load %arg6[%swap3A_249, %swap3A_250] {strides = array<i32>} : memref<100x16xf32, #tpu.memory_space<vmem>>, vector<1x16xf32>,
    %swap3A_252 = vector.shape_cast %swap3A_251 : vector<1x16xf32> to vector<16xf32>
    %swap3A_253 = vector.shape_cast %broadcast_in_dim3A_247 : vector<16xf32> to vector<1x16xf32>
    tpu.vector_store %arg6[%swap3A_249, %swap3A_250], %swap3A_253 {strides = array<i32>} : memref<100x16xf32, #tpu.memory_space<vmem>>, vector<1x16xf32>,
    %broadcast_in_dim3A_254 = arith.constant 1.000000e+00 : f32
    %broadcast_in_dim3A_255 = vector.broadcast %broadcast_in_dim3A_254 : f32 to vector<16xf32>
    %swap3A_256 = arith.constant 30 : i32
    %swap3A_257 = arith.index_cast %swap3A_256 : i32 to index
    %swap3A_258 = arith.constant 0 : index
    %swap3A_259 = tpu.vector_load %arg6[%swap3A_257, %swap3A_258] {strides = array<i32>} : memref<100x16xf32, #tpu.memory_space<vmem>>, vector<1x16xf32>,
    %swap3A_260 = vector.shape_cast %swap3A_259 : vector<1x16xf32> to vector<16xf32>
    %swap3A_261 = vector.shape_cast %broadcast_in_dim3A_255 : vector<16xf32> to vector<1x16xf32>
    tpu.vector_store %arg6[%swap3A_257, %swap3A_258], %swap3A_261 {strides = array<i32>} : memref<100x16xf32, #tpu.memory_space<vmem>>, vector<1x16xf32>,
    %broadcast_in_dim3A_262 = arith.constant 1.000000e+00 : f32
    %broadcast_in_dim3A_263 = vector.broadcast %broadcast_in_dim3A_262 : f32 to vector<16xf32>
    %swap3A_264 = arith.constant 31 : i32
    %swap3A_265 = arith.index_cast %swap3A_264 : i32 to index
    %swap3A_266 = arith.constant 0 : index
    %swap3A_267 = tpu.vector_load %arg6[%swap3A_265, %swap3A_266] {strides = array<i32>} : memref<100x16xf32, #tpu.memory_space<vmem>>, vector<1x16xf32>,
    %swap3A_268 = vector.shape_cast %swap3A_267 : vector<1x16xf32> to vector<16xf32>
    %swap3A_269 = vector.shape_cast %broadcast_in_dim3A_263 : vector<16xf32> to vector<1x16xf32>
    tpu.vector_store %arg6[%swap3A_265, %swap3A_266], %swap3A_269 {strides = array<i32>} : memref<100x16xf32, #tpu.memory_space<vmem>>, vector<1x16xf32>,
    %broadcast_in_dim3A_270 = arith.constant 1.000000e+00 : f32
    %broadcast_in_dim3A_271 = vector.broadcast %broadcast_in_dim3A_270 : f32 to vector<16xf32>
    %swap3A_272 = arith.constant 32 : i32
    %swap3A_273 = arith.index_cast %swap3A_272 : i32 to index
    %swap3A_274 = arith.constant 0 : index
    %swap3A_275 = tpu.vector_load %arg6[%swap3A_273, %swap3A_274] {strides = array<i32>} : memref<100x16xf32, #tpu.memory_space<vmem>>, vector<1x16xf32>,
    %swap3A_276 = vector.shape_cast %swap3A_275 : vector<1x16xf32> to vector<16xf32>
    %swap3A_277 = vector.shape_cast %broadcast_in_dim3A_271 : vector<16xf32> to vector<1x16xf32>
    tpu.vector_store %arg6[%swap3A_273, %swap3A_274], %swap3A_277 {strides = array<i32>} : memref<100x16xf32, #tpu.memory_space<vmem>>, vector<1x16xf32>,
    %broadcast_in_dim3A_278 = arith.constant 1.000000e+00 : f32
    %broadcast_in_dim3A_279 = vector.broadcast %broadcast_in_dim3A_278 : f32 to vector<16xf32>
    %swap3A_280 = arith.constant 33 : i32
    %swap3A_281 = arith.index_cast %swap3A_280 : i32 to index
    %swap3A_282 = arith.constant 0 : index
    %swap3A_283 = tpu.vector_load %arg6[%swap3A_281, %swap3A_282] {strides = array<i32>} : memref<100x16xf32, #tpu.memory_space<vmem>>, vector<1x16xf32>,
    %swap3A_284 = vector.shape_cast %swap3A_283 : vector<1x16xf32> to vector<16xf32>
    %swap3A_285 = vector.shape_cast %broadcast_in_dim3A_279 : vector<16xf32> to vector<1x16xf32>
    tpu.vector_store %arg6[%swap3A_281, %swap3A_282], %swap3A_285 {strides = array<i32>} : memref<100x16xf32, #tpu.memory_space<vmem>>, vector<1x16xf32>,
    %broadcast_in_dim3A_286 = arith.constant 1.000000e+00 : f32
    %broadcast_in_dim3A_287 = vector.broadcast %broadcast_in_dim3A_286 : f32 to vector<16xf32>
    %swap3A_288 = arith.constant 34 : i32
    %swap3A_289 = arith.index_cast %swap3A_288 : i32 to index
    %swap3A_290 = arith.constant 0 : index
    %swap3A_291 = tpu.vector_load %arg6[%swap3A_289, %swap3A_290] {strides = array<i32>} : memref<100x16xf32, #tpu.memory_space<vmem>>, vector<1x16xf32>,
    %swap3A_292 = vector.shape_cast %swap3A_291 : vector<1x16xf32> to vector<16xf32>
    %swap3A_293 = vector.shape_cast %broadcast_in_dim3A_287 : vector<16xf32> to vector<1x16xf32>
    tpu.vector_store %arg6[%swap3A_289, %swap3A_290], %swap3A_293 {strides = array<i32>} : memref<100x16xf32, #tpu.memory_space<vmem>>, vector<1x16xf32>,
    %broadcast_in_dim3A_294 = arith.constant 1.000000e+00 : f32
    %broadcast_in_dim3A_295 = vector.broadcast %broadcast_in_dim3A_294 : f32 to vector<16xf32>
    %swap3A_296 = arith.constant 35 : i32
    %swap3A_297 = arith.index_cast %swap3A_296 : i32 to index
    %swap3A_298 = arith.constant 0 : index
    %swap3A_299 = tpu.vector_load %arg6[%swap3A_297, %swap3A_298] {strides = array<i32>} : memref<100x16xf32, #tpu.memory_space<vmem>>, vector<1x16xf32>,
    %swap3A_300 = vector.shape_cast %swap3A_299 : vector<1x16xf32> to vector<16xf32>
    %swap3A_301 = vector.shape_cast %broadcast_in_dim3A_295 : vector<16xf32> to vector<1x16xf32>
    tpu.vector_store %arg6[%swap3A_297, %swap3A_298], %swap3A_301 {strides = array<i32>} : memref<100x16xf32, #tpu.memory_space<vmem>>, vector<1x16xf32>,
    %broadcast_in_dim3A_302 = arith.constant 1.000000e+00 : f32
    %broadcast_in_dim3A_303 = vector.broadcast %broadcast_in_dim3A_302 : f32 to vector<16xf32>
    %swap3A_304 = arith.constant 36 : i32
    %swap3A_305 = arith.index_cast %swap3A_304 : i32 to index
    %swap3A_306 = arith.constant 0 : index
    %swap3A_307 = tpu.vector_load %arg6[%swap3A_305, %swap3A_306] {strides = array<i32>} : memref<100x16xf32, #tpu.memory_space<vmem>>, vector<1x16xf32>,
    %swap3A_308 = vector.shape_cast %swap3A_307 : vector<1x16xf32> to vector<16xf32>
    %swap3A_309 = vector.shape_cast %broadcast_in_dim3A_303 : vector<16xf32> to vector<1x16xf32>
    tpu.vector_store %arg6[%swap3A_305, %swap3A_306], %swap3A_309 {strides = array<i32>} : memref<100x16xf32, #tpu.memory_space<vmem>>, vector<1x16xf32>,
    %broadcast_in_dim3A_310 = arith.constant 1.000000e+00 : f32
    %broadcast_in_dim3A_311 = vector.broadcast %broadcast_in_dim3A_310 : f32 to vector<16xf32>
    %swap3A_312 = arith.constant 37 : i32
    %swap3A_313 = arith.index_cast %swap3A_312 : i32 to index
    %swap3A_314 = arith.constant 0 : index
    %swap3A_315 = tpu.vector_load %arg6[%swap3A_313, %swap3A_314] {strides = array<i32>} : memref<100x16xf32, #tpu.memory_space<vmem>>, vector<1x16xf32>,
    %swap3A_316 = vector.shape_cast %swap3A_315 : vector<1x16xf32> to vector<16xf32>
    %swap3A_317 = vector.shape_cast %broadcast_in_dim3A_311 : vector<16xf32> to vector<1x16xf32>
    tpu.vector_store %arg6[%swap3A_313, %swap3A_314], %swap3A_317 {strides = array<i32>} : memref<100x16xf32, #tpu.memory_space<vmem>>, vector<1x16xf32>,
    %broadcast_in_dim3A_318 = arith.constant 1.000000e+00 : f32
    %broadcast_in_dim3A_319 = vector.broadcast %broadcast_in_dim3A_318 : f32 to vector<16xf32>
    %swap3A_320 = arith.constant 38 : i32
    %swap3A_321 = arith.index_cast %swap3A_320 : i32 to index
    %swap3A_322 = arith.constant 0 : index
    %swap3A_323 = tpu.vector_load %arg6[%swap3A_321, %swap3A_322] {strides = array<i32>} : memref<100x16xf32, #tpu.memory_space<vmem>>, vector<1x16xf32>,
    %swap3A_324 = vector.shape_cast %swap3A_323 : vector<1x16xf32> to vector<16xf32>
    %swap3A_325 = vector.shape_cast %broadcast_in_dim3A_319 : vector<16xf32> to vector<1x16xf32>
    tpu.vector_store %arg6[%swap3A_321, %swap3A_322], %swap3A_325 {strides = array<i32>} : memref<100x16xf32, #tpu.memory_space<vmem>>, vector<1x16xf32>,
    %broadcast_in_dim3A_326 = arith.constant 1.000000e+00 : f32
    %broadcast_in_dim3A_327 = vector.broadcast %broadcast_in_dim3A_326 : f32 to vector<16xf32>
    %swap3A_328 = arith.constant 39 : i32
    %swap3A_329 = arith.index_cast %swap3A_328 : i32 to index
    %swap3A_330 = arith.constant 0 : index
    %swap3A_331 = tpu.vector_load %arg6[%swap3A_329, %swap3A_330] {strides = array<i32>} : memref<100x16xf32, #tpu.memory_space<vmem>>, vector<1x16xf32>,
    %swap3A_332 = vector.shape_cast %swap3A_331 : vector<1x16xf32> to vector<16xf32>
    %swap3A_333 = vector.shape_cast %broadcast_in_dim3A_327 : vector<16xf32> to vector<1x16xf32>
    tpu.vector_store %arg6[%swap3A_329, %swap3A_330], %swap3A_333 {strides = array<i32>} : memref<100x16xf32, #tpu.memory_space<vmem>>, vector<1x16xf32>,
    %broadcast_in_dim3A_334 = arith.constant 1.000000e+00 : f32
    %broadcast_in_dim3A_335 = vector.broadcast %broadcast_in_dim3A_334 : f32 to vector<16xf32>
    %swap3A_336 = arith.constant 40 : i32
    %swap3A_337 = arith.index_cast %swap3A_336 : i32 to index
    %swap3A_338 = arith.constant 0 : index
    %swap3A_339 = tpu.vector_load %arg6[%swap3A_337, %swap3A_338] {strides = array<i32>} : memref<100x16xf32, #tpu.memory_space<vmem>>, vector<1x16xf32>,
    %swap3A_340 = vector.shape_cast %swap3A_339 : vector<1x16xf32> to vector<16xf32>
    %swap3A_341 = vector.shape_cast %broadcast_in_dim3A_335 : vector<16xf32> to vector<1x16xf32>
    tpu.vector_store %arg6[%swap3A_337, %swap3A_338], %swap3A_341 {strides = array<i32>} : memref<100x16xf32, #tpu.memory_space<vmem>>, vector<1x16xf32>,
    %broadcast_in_dim3A_342 = arith.constant 1.000000e+00 : f32
    %broadcast_in_dim3A_343 = vector.broadcast %broadcast_in_dim3A_342 : f32 to vector<16xf32>
    %swap3A_344 = arith.constant 41 : i32
    %swap3A_345 = arith.index_cast %swap3A_344 : i32 to index
    %swap3A_346 = arith.constant 0 : index
    %swap3A_347 = tpu.vector_load %arg6[%swap3A_345, %swap3A_346] {strides = array<i32>} : memref<100x16xf32, #tpu.memory_space<vmem>>, vector<1x16xf32>,
    %swap3A_348 = vector.shape_cast %swap3A_347 : vector<1x16xf32> to vector<16xf32>
    %swap3A_349 = vector.shape_cast %broadcast_in_dim3A_343 : vector<16xf32> to vector<1x16xf32>
    tpu.vector_store %arg6[%swap3A_345, %swap3A_346], %swap3A_349 {strides = array<i32>} : memref<100x16xf32, #tpu.memory_space<vmem>>, vector<1x16xf32>,
    %broadcast_in_dim3A_350 = arith.constant 1.000000e+00 : f32
    %broadcast_in_dim3A_351 = vector.broadcast %broadcast_in_dim3A_350 : f32 to vector<16xf32>
    %swap3A_352 = arith.constant 42 : i32
    %swap3A_353 = arith.index_cast %swap3A_352 : i32 to index
    %swap3A_354 = arith.constant 0 : index
    %swap3A_355 = tpu.vector_load %arg6[%swap3A_353, %swap3A_354] {strides = array<i32>} : memref<100x16xf32, #tpu.memory_space<vmem>>, vector<1x16xf32>,
    %swap3A_356 = vector.shape_cast %swap3A_355 : vector<1x16xf32> to vector<16xf32>
    %swap3A_357 = vector.shape_cast %broadcast_in_dim3A_351 : vector<16xf32> to vector<1x16xf32>
    tpu.vector_store %arg6[%swap3A_353, %swap3A_354], %swap3A_357 {strides = array<i32>} : memref<100x16xf32, #tpu.memory_space<vmem>>, vector<1x16xf32>,
    %broadcast_in_dim3A_358 = arith.constant 1.000000e+00 : f32
    %broadcast_in_dim3A_359 = vector.broadcast %broadcast_in_dim3A_358 : f32 to vector<16xf32>
    %swap3A_360 = arith.constant 43 : i32
    %swap3A_361 = arith.index_cast %swap3A_360 : i32 to index
    %swap3A_362 = arith.constant 0 : index
    %swap3A_363 = tpu.vector_load %arg6[%swap3A_361, %swap3A_362] {strides = array<i32>} : memref<100x16xf32, #tpu.memory_space<vmem>>, vector<1x16xf32>,
    %swap3A_364 = vector.shape_cast %swap3A_363 : vector<1x16xf32> to vector<16xf32>
    %swap3A_365 = vector.shape_cast %broadcast_in_dim3A_359 : vector<16xf32> to vector<1x16xf32>
    tpu.vector_store %arg6[%swap3A_361, %swap3A_362], %swap3A_365 {strides = array<i32>} : memref<100x16xf32, #tpu.memory_space<vmem>>, vector<1x16xf32>,
    %broadcast_in_dim3A_366 = arith.constant 1.000000e+00 : f32
    %broadcast_in_dim3A_367 = vector.broadcast %broadcast_in_dim3A_366 : f32 to vector<16xf32>
    %swap3A_368 = arith.constant 44 : i32
    %swap3A_369 = arith.index_cast %swap3A_368 : i32 to index
    %swap3A_370 = arith.constant 0 : index
    %swap3A_371 = tpu.vector_load %arg6[%swap3A_369, %swap3A_370] {strides = array<i32>} : memref<100x16xf32, #tpu.memory_space<vmem>>, vector<1x16xf32>,
    %swap3A_372 = vector.shape_cast %swap3A_371 : vector<1x16xf32> to vector<16xf32>
    %swap3A_373 = vector.shape_cast %broadcast_in_dim3A_367 : vector<16xf32> to vector<1x16xf32>
    tpu.vector_store %arg6[%swap3A_369, %swap3A_370], %swap3A_373 {strides = array<i32>} : memref<100x16xf32, #tpu.memory_space<vmem>>, vector<1x16xf32>,
    %broadcast_in_dim3A_374 = arith.constant 1.000000e+00 : f32
    %broadcast_in_dim3A_375 = vector.broadcast %broadcast_in_dim3A_374 : f32 to vector<16xf32>
    %swap3A_376 = arith.constant 45 : i32
    %swap3A_377 = arith.index_cast %swap3A_376 : i32 to index
    %swap3A_378 = arith.constant 0 : index
    %swap3A_379 = tpu.vector_load %arg6[%swap3A_377, %swap3A_378] {strides = array<i32>} : memref<100x16xf32, #tpu.memory_space<vmem>>, vector<1x16xf32>,
    %swap3A_380 = vector.shape_cast %swap3A_379 : vector<1x16xf32> to vector<16xf32>
    %swap3A_381 = vector.shape_cast %broadcast_in_dim3A_375 : vector<16xf32> to vector<1x16xf32>
    tpu.vector_store %arg6[%swap3A_377, %swap3A_378], %swap3A_381 {strides = array<i32>} : memref<100x16xf32, #tpu.memory_space<vmem>>, vector<1x16xf32>,
    %broadcast_in_dim3A_382 = arith.constant 1.000000e+00 : f32
    %broadcast_in_dim3A_383 = vector.broadcast %broadcast_in_dim3A_382 : f32 to vector<16xf32>
    %swap3A_384 = arith.constant 46 : i32
    %swap3A_385 = arith.index_cast %swap3A_384 : i32 to index
    %swap3A_386 = arith.constant 0 : index
    %swap3A_387 = tpu.vector_load %arg6[%swap3A_385, %swap3A_386] {strides = array<i32>} : memref<100x16xf32, #tpu.memory_space<vmem>>, vector<1x16xf32>,
    %swap3A_388 = vector.shape_cast %swap3A_387 : vector<1x16xf32> to vector<16xf32>
    %swap3A_389 = vector.shape_cast %broadcast_in_dim3A_383 : vector<16xf32> to vector<1x16xf32>
    tpu.vector_store %arg6[%swap3A_385, %swap3A_386], %swap3A_389 {strides = array<i32>} : memref<100x16xf32, #tpu.memory_space<vmem>>, vector<1x16xf32>,
    %broadcast_in_dim3A_390 = arith.constant 1.000000e+00 : f32
    %broadcast_in_dim3A_391 = vector.broadcast %broadcast_in_dim3A_390 : f32 to vector<16xf32>
    %swap3A_392 = arith.constant 47 : i32
    %swap3A_393 = arith.index_cast %swap3A_392 : i32 to index
    %swap3A_394 = arith.constant 0 : index
    %swap3A_395 = tpu.vector_load %arg6[%swap3A_393, %swap3A_394] {strides = array<i32>} : memref<100x16xf32, #tpu.memory_space<vmem>>, vector<1x16xf32>,
    %swap3A_396 = vector.shape_cast %swap3A_395 : vector<1x16xf32> to vector<16xf32>
    %swap3A_397 = vector.shape_cast %broadcast_in_dim3A_391 : vector<16xf32> to vector<1x16xf32>
    tpu.vector_store %arg6[%swap3A_393, %swap3A_394], %swap3A_397 {strides = array<i32>} : memref<100x16xf32, #tpu.memory_space<vmem>>, vector<1x16xf32>,
    %broadcast_in_dim3A_398 = arith.constant 1.000000e+00 : f32
    %broadcast_in_dim3A_399 = vector.broadcast %broadcast_in_dim3A_398 : f32 to vector<16xf32>
    %swap3A_400 = arith.constant 48 : i32
    %swap3A_401 = arith.index_cast %swap3A_400 : i32 to index
    %swap3A_402 = arith.constant 0 : index
    %swap3A_403 = tpu.vector_load %arg6[%swap3A_401, %swap3A_402] {strides = array<i32>} : memref<100x16xf32, #tpu.memory_space<vmem>>, vector<1x16xf32>,
    %swap3A_404 = vector.shape_cast %swap3A_403 : vector<1x16xf32> to vector<16xf32>
    %swap3A_405 = vector.shape_cast %broadcast_in_dim3A_399 : vector<16xf32> to vector<1x16xf32>
    tpu.vector_store %arg6[%swap3A_401, %swap3A_402], %swap3A_405 {strides = array<i32>} : memref<100x16xf32, #tpu.memory_space<vmem>>, vector<1x16xf32>,
    %broadcast_in_dim3A_406 = arith.constant 1.000000e+00 : f32
    %broadcast_in_dim3A_407 = vector.broadcast %broadcast_in_dim3A_406 : f32 to vector<16xf32>
    %swap3A_408 = arith.constant 49 : i32
    %swap3A_409 = arith.index_cast %swap3A_408 : i32 to index
    %swap3A_410 = arith.constant 0 : index
    %swap3A_411 = tpu.vector_load %arg6[%swap3A_409, %swap3A_410] {strides = array<i32>} : memref<100x16xf32, #tpu.memory_space<vmem>>, vector<1x16xf32>,
    %swap3A_412 = vector.shape_cast %swap3A_411 : vector<1x16xf32> to vector<16xf32>
    %swap3A_413 = vector.shape_cast %broadcast_in_dim3A_407 : vector<16xf32> to vector<1x16xf32>
    tpu.vector_store %arg6[%swap3A_409, %swap3A_410], %swap3A_413 {strides = array<i32>} : memref<100x16xf32, #tpu.memory_space<vmem>>, vector<1x16xf32>,
    %broadcast_in_dim3A_414 = arith.constant 1.000000e+00 : f32
    %broadcast_in_dim3A_415 = vector.broadcast %broadcast_in_dim3A_414 : f32 to vector<16xf32>
    %swap3A_416 = arith.constant 50 : i32
    %swap3A_417 = arith.index_cast %swap3A_416 : i32 to index
    %swap3A_418 = arith.constant 0 : index
    %swap3A_419 = tpu.vector_load %arg6[%swap3A_417, %swap3A_418] {strides = array<i32>} : memref<100x16xf32, #tpu.memory_space<vmem>>, vector<1x16xf32>,
    %swap3A_420 = vector.shape_cast %swap3A_419 : vector<1x16xf32> to vector<16xf32>
    %swap3A_421 = vector.shape_cast %broadcast_in_dim3A_415 : vector<16xf32> to vector<1x16xf32>
    tpu.vector_store %arg6[%swap3A_417, %swap3A_418], %swap3A_421 {strides = array<i32>} : memref<100x16xf32, #tpu.memory_space<vmem>>, vector<1x16xf32>,
    %broadcast_in_dim3A_422 = arith.constant 1.000000e+00 : f32
    %broadcast_in_dim3A_423 = vector.broadcast %broadcast_in_dim3A_422 : f32 to vector<16xf32>
    %swap3A_424 = arith.constant 51 : i32
    %swap3A_425 = arith.index_cast %swap3A_424 : i32 to index
    %swap3A_426 = arith.constant 0 : index
    %swap3A_427 = tpu.vector_load %arg6[%swap3A_425, %swap3A_426] {strides = array<i32>} : memref<100x16xf32, #tpu.memory_space<vmem>>, vector<1x16xf32>,
    %swap3A_428 = vector.shape_cast %swap3A_427 : vector<1x16xf32> to vector<16xf32>
    %swap3A_429 = vector.shape_cast %broadcast_in_dim3A_423 : vector<16xf32> to vector<1x16xf32>
    tpu.vector_store %arg6[%swap3A_425, %swap3A_426], %swap3A_429 {strides = array<i32>} : memref<100x16xf32, #tpu.memory_space<vmem>>, vector<1x16xf32>,
    %broadcast_in_dim3A_430 = arith.constant 1.000000e+00 : f32
    %broadcast_in_dim3A_431 = vector.broadcast %broadcast_in_dim3A_430 : f32 to vector<16xf32>
    %swap3A_432 = arith.constant 52 : i32
    %swap3A_433 = arith.index_cast %swap3A_432 : i32 to index
    %swap3A_434 = arith.constant 0 : index
    %swap3A_435 = tpu.vector_load %arg6[%swap3A_433, %swap3A_434] {strides = array<i32>} : memref<100x16xf32, #tpu.memory_space<vmem>>, vector<1x16xf32>,
    %swap3A_436 = vector.shape_cast %swap3A_435 : vector<1x16xf32> to vector<16xf32>
    %swap3A_437 = vector.shape_cast %broadcast_in_dim3A_431 : vector<16xf32> to vector<1x16xf32>
    tpu.vector_store %arg6[%swap3A_433, %swap3A_434], %swap3A_437 {strides = array<i32>} : memref<100x16xf32, #tpu.memory_space<vmem>>, vector<1x16xf32>,
    %broadcast_in_dim3A_438 = arith.constant 1.000000e+00 : f32
    %broadcast_in_dim3A_439 = vector.broadcast %broadcast_in_dim3A_438 : f32 to vector<16xf32>
    %swap3A_440 = arith.constant 53 : i32
    %swap3A_441 = arith.index_cast %swap3A_440 : i32 to index
    %swap3A_442 = arith.constant 0 : index
    %swap3A_443 = tpu.vector_load %arg6[%swap3A_441, %swap3A_442] {strides = array<i32>} : memref<100x16xf32, #tpu.memory_space<vmem>>, vector<1x16xf32>,
    %swap3A_444 = vector.shape_cast %swap3A_443 : vector<1x16xf32> to vector<16xf32>
    %swap3A_445 = vector.shape_cast %broadcast_in_dim3A_439 : vector<16xf32> to vector<1x16xf32>
    tpu.vector_store %arg6[%swap3A_441, %swap3A_442], %swap3A_445 {strides = array<i32>} : memref<100x16xf32, #tpu.memory_space<vmem>>, vector<1x16xf32>,
    %broadcast_in_dim3A_446 = arith.constant 1.000000e+00 : f32
    %broadcast_in_dim3A_447 = vector.broadcast %broadcast_in_dim3A_446 : f32 to vector<16xf32>
    %swap3A_448 = arith.constant 54 : i32
    %swap3A_449 = arith.index_cast %swap3A_448 : i32 to index
    %swap3A_450 = arith.constant 0 : index
    %swap3A_451 = tpu.vector_load %arg6[%swap3A_449, %swap3A_450] {strides = array<i32>} : memref<100x16xf32, #tpu.memory_space<vmem>>, vector<1x16xf32>,
    %swap3A_452 = vector.shape_cast %swap3A_451 : vector<1x16xf32> to vector<16xf32>
    %swap3A_453 = vector.shape_cast %broadcast_in_dim3A_447 : vector<16xf32> to vector<1x16xf32>
    tpu.vector_store %arg6[%swap3A_449, %swap3A_450], %swap3A_453 {strides = array<i32>} : memref<100x16xf32, #tpu.memory_space<vmem>>, vector<1x16xf32>,
    %broadcast_in_dim3A_454 = arith.constant 1.000000e+00 : f32
    %broadcast_in_dim3A_455 = vector.broadcast %broadcast_in_dim3A_454 : f32 to vector<16xf32>
    %swap3A_456 = arith.constant 55 : i32
    %swap3A_457 = arith.index_cast %swap3A_456 : i32 to index
    %swap3A_458 = arith.constant 0 : index
    %swap3A_459 = tpu.vector_load %arg6[%swap3A_457, %swap3A_458] {strides = array<i32>} : memref<100x16xf32, #tpu.memory_space<vmem>>, vector<1x16xf32>,
    %swap3A_460 = vector.shape_cast %swap3A_459 : vector<1x16xf32> to vector<16xf32>
    %swap3A_461 = vector.shape_cast %broadcast_in_dim3A_455 : vector<16xf32> to vector<1x16xf32>
    tpu.vector_store %arg6[%swap3A_457, %swap3A_458], %swap3A_461 {strides = array<i32>} : memref<100x16xf32, #tpu.memory_space<vmem>>, vector<1x16xf32>,
    %broadcast_in_dim3A_462 = arith.constant 1.000000e+00 : f32
    %broadcast_in_dim3A_463 = vector.broadcast %broadcast_in_dim3A_462 : f32 to vector<16xf32>
    %swap3A_464 = arith.constant 56 : i32
    %swap3A_465 = arith.index_cast %swap3A_464 : i32 to index
    %swap3A_466 = arith.constant 0 : index
    %swap3A_467 = tpu.vector_load %arg6[%swap3A_465, %swap3A_466] {strides = array<i32>} : memref<100x16xf32, #tpu.memory_space<vmem>>, vector<1x16xf32>,
    %swap3A_468 = vector.shape_cast %swap3A_467 : vector<1x16xf32> to vector<16xf32>
    %swap3A_469 = vector.shape_cast %broadcast_in_dim3A_463 : vector<16xf32> to vector<1x16xf32>
    tpu.vector_store %arg6[%swap3A_465, %swap3A_466], %swap3A_469 {strides = array<i32>} : memref<100x16xf32, #tpu.memory_space<vmem>>, vector<1x16xf32>,
    %broadcast_in_dim3A_470 = arith.constant 1.000000e+00 : f32
    %broadcast_in_dim3A_471 = vector.broadcast %broadcast_in_dim3A_470 : f32 to vector<16xf32>
    %swap3A_472 = arith.constant 57 : i32
    %swap3A_473 = arith.index_cast %swap3A_472 : i32 to index
    %swap3A_474 = arith.constant 0 : index
    %swap3A_475 = tpu.vector_load %arg6[%swap3A_473, %swap3A_474] {strides = array<i32>} : memref<100x16xf32, #tpu.memory_space<vmem>>, vector<1x16xf32>,
    %swap3A_476 = vector.shape_cast %swap3A_475 : vector<1x16xf32> to vector<16xf32>
    %swap3A_477 = vector.shape_cast %broadcast_in_dim3A_471 : vector<16xf32> to vector<1x16xf32>
    tpu.vector_store %arg6[%swap3A_473, %swap3A_474], %swap3A_477 {strides = array<i32>} : memref<100x16xf32, #tpu.memory_space<vmem>>, vector<1x16xf32>,
    %broadcast_in_dim3A_478 = arith.constant 1.000000e+00 : f32
    %broadcast_in_dim3A_479 = vector.broadcast %broadcast_in_dim3A_478 : f32 to vector<16xf32>
    %swap3A_480 = arith.constant 58 : i32
    %swap3A_481 = arith.index_cast %swap3A_480 : i32 to index
    %swap3A_482 = arith.constant 0 : index
    %swap3A_483 = tpu.vector_load %arg6[%swap3A_481, %swap3A_482] {strides = array<i32>} : memref<100x16xf32, #tpu.memory_space<vmem>>, vector<1x16xf32>,
    %swap3A_484 = vector.shape_cast %swap3A_483 : vector<1x16xf32> to vector<16xf32>
    %swap3A_485 = vector.shape_cast %broadcast_in_dim3A_479 : vector<16xf32> to vector<1x16xf32>
    tpu.vector_store %arg6[%swap3A_481, %swap3A_482], %swap3A_485 {strides = array<i32>} : memref<100x16xf32, #tpu.memory_space<vmem>>, vector<1x16xf32>,
    %broadcast_in_dim3A_486 = arith.constant 1.000000e+00 : f32
    %broadcast_in_dim3A_487 = vector.broadcast %broadcast_in_dim3A_486 : f32 to vector<16xf32>
    %swap3A_488 = arith.constant 59 : i32
    %swap3A_489 = arith.index_cast %swap3A_488 : i32 to index
    %swap3A_490 = arith.constant 0 : index
    %swap3A_491 = tpu.vector_load %arg6[%swap3A_489, %swap3A_490] {strides = array<i32>} : memref<100x16xf32, #tpu.memory_space<vmem>>, vector<1x16xf32>,
    %swap3A_492 = vector.shape_cast %swap3A_491 : vector<1x16xf32> to vector<16xf32>
    %swap3A_493 = vector.shape_cast %broadcast_in_dim3A_487 : vector<16xf32> to vector<1x16xf32>
    tpu.vector_store %arg6[%swap3A_489, %swap3A_490], %swap3A_493 {strides = array<i32>} : memref<100x16xf32, #tpu.memory_space<vmem>>, vector<1x16xf32>,
    %broadcast_in_dim3A_494 = arith.constant 1.000000e+00 : f32
    %broadcast_in_dim3A_495 = vector.broadcast %broadcast_in_dim3A_494 : f32 to vector<16xf32>
    %swap3A_496 = arith.constant 60 : i32
    %swap3A_497 = arith.index_cast %swap3A_496 : i32 to index
    %swap3A_498 = arith.constant 0 : index
    %swap3A_499 = tpu.vector_load %arg6[%swap3A_497, %swap3A_498] {strides = array<i32>} : memref<100x16xf32, #tpu.memory_space<vmem>>, vector<1x16xf32>,
    %swap3A_500 = vector.shape_cast %swap3A_499 : vector<1x16xf32> to vector<16xf32>
    %swap3A_501 = vector.shape_cast %broadcast_in_dim3A_495 : vector<16xf32> to vector<1x16xf32>
    tpu.vector_store %arg6[%swap3A_497, %swap3A_498], %swap3A_501 {strides = array<i32>} : memref<100x16xf32, #tpu.memory_space<vmem>>, vector<1x16xf32>,
    %broadcast_in_dim3A_502 = arith.constant 1.000000e+00 : f32
    %broadcast_in_dim3A_503 = vector.broadcast %broadcast_in_dim3A_502 : f32 to vector<16xf32>
    %swap3A_504 = arith.constant 61 : i32
    %swap3A_505 = arith.index_cast %swap3A_504 : i32 to index
    %swap3A_506 = arith.constant 0 : index
    %swap3A_507 = tpu.vector_load %arg6[%swap3A_505, %swap3A_506] {strides = array<i32>} : memref<100x16xf32, #tpu.memory_space<vmem>>, vector<1x16xf32>,
    %swap3A_508 = vector.shape_cast %swap3A_507 : vector<1x16xf32> to vector<16xf32>
    %swap3A_509 = vector.shape_cast %broadcast_in_dim3A_503 : vector<16xf32> to vector<1x16xf32>
    tpu.vector_store %arg6[%swap3A_505, %swap3A_506], %swap3A_509 {strides = array<i32>} : memref<100x16xf32, #tpu.memory_space<vmem>>, vector<1x16xf32>,
    %broadcast_in_dim3A_510 = arith.constant 1.000000e+00 : f32
    %broadcast_in_dim3A_511 = vector.broadcast %broadcast_in_dim3A_510 : f32 to vector<16xf32>
    %swap3A_512 = arith.constant 62 : i32
    %swap3A_513 = arith.index_cast %swap3A_512 : i32 to index
    %swap3A_514 = arith.constant 0 : index
    %swap3A_515 = tpu.vector_load %arg6[%swap3A_513, %swap3A_514] {strides = array<i32>} : memref<100x16xf32, #tpu.memory_space<vmem>>, vector<1x16xf32>,
    %swap3A_516 = vector.shape_cast %swap3A_515 : vector<1x16xf32> to vector<16xf32>
    %swap3A_517 = vector.shape_cast %broadcast_in_dim3A_511 : vector<16xf32> to vector<1x16xf32>
    tpu.vector_store %arg6[%swap3A_513, %swap3A_514], %swap3A_517 {strides = array<i32>} : memref<100x16xf32, #tpu.memory_space<vmem>>, vector<1x16xf32>,
    %broadcast_in_dim3A_518 = arith.constant 1.000000e+00 : f32
    %broadcast_in_dim3A_519 = vector.broadcast %broadcast_in_dim3A_518 : f32 to vector<16xf32>
    %swap3A_520 = arith.constant 63 : i32
    %swap3A_521 = arith.index_cast %swap3A_520 : i32 to index
    %swap3A_522 = arith.constant 0 : index
    %swap3A_523 = tpu.vector_load %arg6[%swap3A_521, %swap3A_522] {strides = array<i32>} : memref<100x16xf32, #tpu.memory_space<vmem>>, vector<1x16xf32>,
    %swap3A_524 = vector.shape_cast %swap3A_523 : vector<1x16xf32> to vector<16xf32>
    %swap3A_525 = vector.shape_cast %broadcast_in_dim3A_519 : vector<16xf32> to vector<1x16xf32>
    tpu.vector_store %arg6[%swap3A_521, %swap3A_522], %swap3A_525 {strides = array<i32>} : memref<100x16xf32, #tpu.memory_space<vmem>>, vector<1x16xf32>,
    %broadcast_in_dim3A_526 = arith.constant 1.000000e+00 : f32
    %broadcast_in_dim3A_527 = vector.broadcast %broadcast_in_dim3A_526 : f32 to vector<16xf32>
    %swap3A_528 = arith.constant 64 : i32
    %swap3A_529 = arith.index_cast %swap3A_528 : i32 to index
    %swap3A_530 = arith.constant 0 : index
    %swap3A_531 = tpu.vector_load %arg6[%swap3A_529, %swap3A_530] {strides = array<i32>} : memref<100x16xf32, #tpu.memory_space<vmem>>, vector<1x16xf32>,
    %swap3A_532 = vector.shape_cast %swap3A_531 : vector<1x16xf32> to vector<16xf32>
    %swap3A_533 = vector.shape_cast %broadcast_in_dim3A_527 : vector<16xf32> to vector<1x16xf32>
    tpu.vector_store %arg6[%swap3A_529, %swap3A_530], %swap3A_533 {strides = array<i32>} : memref<100x16xf32, #tpu.memory_space<vmem>>, vector<1x16xf32>,
    %broadcast_in_dim3A_534 = arith.constant 1.000000e+00 : f32
    %broadcast_in_dim3A_535 = vector.broadcast %broadcast_in_dim3A_534 : f32 to vector<16xf32>
    %swap3A_536 = arith.constant 65 : i32
    %swap3A_537 = arith.index_cast %swap3A_536 : i32 to index
    %swap3A_538 = arith.constant 0 : index
    %swap3A_539 = tpu.vector_load %arg6[%swap3A_537, %swap3A_538] {strides = array<i32>} : memref<100x16xf32, #tpu.memory_space<vmem>>, vector<1x16xf32>,
    %swap3A_540 = vector.shape_cast %swap3A_539 : vector<1x16xf32> to vector<16xf32>
    %swap3A_541 = vector.shape_cast %broadcast_in_dim3A_535 : vector<16xf32> to vector<1x16xf32>
    tpu.vector_store %arg6[%swap3A_537, %swap3A_538], %swap3A_541 {strides = array<i32>} : memref<100x16xf32, #tpu.memory_space<vmem>>, vector<1x16xf32>,
    %broadcast_in_dim3A_542 = arith.constant 1.000000e+00 : f32
    %broadcast_in_dim3A_543 = vector.broadcast %broadcast_in_dim3A_542 : f32 to vector<16xf32>
    %swap3A_544 = arith.constant 66 : i32
    %swap3A_545 = arith.index_cast %swap3A_544 : i32 to index
    %swap3A_546 = arith.constant 0 : index
    %swap3A_547 = tpu.vector_load %arg6[%swap3A_545, %swap3A_546] {strides = array<i32>} : memref<100x16xf32, #tpu.memory_space<vmem>>, vector<1x16xf32>,
    %swap3A_548 = vector.shape_cast %swap3A_547 : vector<1x16xf32> to vector<16xf32>
    %swap3A_549 = vector.shape_cast %broadcast_in_dim3A_543 : vector<16xf32> to vector<1x16xf32>
    tpu.vector_store %arg6[%swap3A_545, %swap3A_546], %swap3A_549 {strides = array<i32>} : memref<100x16xf32, #tpu.memory_space<vmem>>, vector<1x16xf32>,
    %broadcast_in_dim3A_550 = arith.constant 1.000000e+00 : f32
    %broadcast_in_dim3A_551 = vector.broadcast %broadcast_in_dim3A_550 : f32 to vector<16xf32>
    %swap3A_552 = arith.constant 67 : i32
    %swap3A_553 = arith.index_cast %swap3A_552 : i32 to index
    %swap3A_554 = arith.constant 0 : index
    %swap3A_555 = tpu.vector_load %arg6[%swap3A_553, %swap3A_554] {strides = array<i32>} : memref<100x16xf32, #tpu.memory_space<vmem>>, vector<1x16xf32>,
    %swap3A_556 = vector.shape_cast %swap3A_555 : vector<1x16xf32> to vector<16xf32>
    %swap3A_557 = vector.shape_cast %broadcast_in_dim3A_551 : vector<16xf32> to vector<1x16xf32>
    tpu.vector_store %arg6[%swap3A_553, %swap3A_554], %swap3A_557 {strides = array<i32>} : memref<100x16xf32, #tpu.memory_space<vmem>>, vector<1x16xf32>,
    %broadcast_in_dim3A_558 = arith.constant 1.000000e+00 : f32
    %broadcast_in_dim3A_559 = vector.broadcast %broadcast_in_dim3A_558 : f32 to vector<16xf32>
    %swap3A_560 = arith.constant 68 : i32
    %swap3A_561 = arith.index_cast %swap3A_560 : i32 to index
    %swap3A_562 = arith.constant 0 : index
    %swap3A_563 = tpu.vector_load %arg6[%swap3A_561, %swap3A_562] {strides = array<i32>} : memref<100x16xf32, #tpu.memory_space<vmem>>, vector<1x16xf32>,
    %swap3A_564 = vector.shape_cast %swap3A_563 : vector<1x16xf32> to vector<16xf32>
    %swap3A_565 = vector.shape_cast %broadcast_in_dim3A_559 : vector<16xf32> to vector<1x16xf32>
    tpu.vector_store %arg6[%swap3A_561, %swap3A_562], %swap3A_565 {strides = array<i32>} : memref<100x16xf32, #tpu.memory_space<vmem>>, vector<1x16xf32>,
    %broadcast_in_dim3A_566 = arith.constant 1.000000e+00 : f32
    %broadcast_in_dim3A_567 = vector.broadcast %broadcast_in_dim3A_566 : f32 to vector<16xf32>
    %swap3A_568 = arith.constant 69 : i32
    %swap3A_569 = arith.index_cast %swap3A_568 : i32 to index
    %swap3A_570 = arith.constant 0 : index
    %swap3A_571 = tpu.vector_load %arg6[%swap3A_569, %swap3A_570] {strides = array<i32>} : memref<100x16xf32, #tpu.memory_space<vmem>>, vector<1x16xf32>,
    %swap3A_572 = vector.shape_cast %swap3A_571 : vector<1x16xf32> to vector<16xf32>
    %swap3A_573 = vector.shape_cast %broadcast_in_dim3A_567 : vector<16xf32> to vector<1x16xf32>
    tpu.vector_store %arg6[%swap3A_569, %swap3A_570], %swap3A_573 {strides = array<i32>} : memref<100x16xf32, #tpu.memory_space<vmem>>, vector<1x16xf32>,
    %broadcast_in_dim3A_574 = arith.constant 1.000000e+00 : f32
    %broadcast_in_dim3A_575 = vector.broadcast %broadcast_in_dim3A_574 : f32 to vector<16xf32>
    %swap3A_576 = arith.constant 70 : i32
    %swap3A_577 = arith.index_cast %swap3A_576 : i32 to index
    %swap3A_578 = arith.constant 0 : index
    %swap3A_579 = tpu.vector_load %arg6[%swap3A_577, %swap3A_578] {strides = array<i32>} : memref<100x16xf32, #tpu.memory_space<vmem>>, vector<1x16xf32>,
    %swap3A_580 = vector.shape_cast %swap3A_579 : vector<1x16xf32> to vector<16xf32>
    %swap3A_581 = vector.shape_cast %broadcast_in_dim3A_575 : vector<16xf32> to vector<1x16xf32>
    tpu.vector_store %arg6[%swap3A_577, %swap3A_578], %swap3A_581 {strides = array<i32>} : memref<100x16xf32, #tpu.memory_space<vmem>>, vector<1x16xf32>,
    %broadcast_in_dim3A_582 = arith.constant 1.000000e+00 : f32
    %broadcast_in_dim3A_583 = vector.broadcast %broadcast_in_dim3A_582 : f32 to vector<16xf32>
    %swap3A_584 = arith.constant 71 : i32
    %swap3A_585 = arith.index_cast %swap3A_584 : i32 to index
    %swap3A_586 = arith.constant 0 : index
    %swap3A_587 = tpu.vector_load %arg6[%swap3A_585, %swap3A_586] {strides = array<i32>} : memref<100x16xf32, #tpu.memory_space<vmem>>, vector<1x16xf32>,
    %swap3A_588 = vector.shape_cast %swap3A_587 : vector<1x16xf32> to vector<16xf32>
    %swap3A_589 = vector.shape_cast %broadcast_in_dim3A_583 : vector<16xf32> to vector<1x16xf32>
    tpu.vector_store %arg6[%swap3A_585, %swap3A_586], %swap3A_589 {strides = array<i32>} : memref<100x16xf32, #tpu.memory_space<vmem>>, vector<1x16xf32>,
    %broadcast_in_dim3A_590 = arith.constant 1.000000e+00 : f32
    %broadcast_in_dim3A_591 = vector.broadcast %broadcast_in_dim3A_590 : f32 to vector<16xf32>
    %swap3A_592 = arith.constant 72 : i32
    %swap3A_593 = arith.index_cast %swap3A_592 : i32 to index
    %swap3A_594 = arith.constant 0 : index
    %swap3A_595 = tpu.vector_load %arg6[%swap3A_593, %swap3A_594] {strides = array<i32>} : memref<100x16xf32, #tpu.memory_space<vmem>>, vector<1x16xf32>,
    %swap3A_596 = vector.shape_cast %swap3A_595 : vector<1x16xf32> to vector<16xf32>
    %swap3A_597 = vector.shape_cast %broadcast_in_dim3A_591 : vector<16xf32> to vector<1x16xf32>
    tpu.vector_store %arg6[%swap3A_593, %swap3A_594], %swap3A_597 {strides = array<i32>} : memref<100x16xf32, #tpu.memory_space<vmem>>, vector<1x16xf32>,
    %broadcast_in_dim3A_598 = arith.constant 1.000000e+00 : f32
    %broadcast_in_dim3A_599 = vector.broadcast %broadcast_in_dim3A_598 : f32 to vector<16xf32>
    %swap3A_600 = arith.constant 73 : i32
    %swap3A_601 = arith.index_cast %swap3A_600 : i32 to index
    %swap3A_602 = arith.constant 0 : index
    %swap3A_603 = tpu.vector_load %arg6[%swap3A_601, %swap3A_602] {strides = array<i32>} : memref<100x16xf32, #tpu.memory_space<vmem>>, vector<1x16xf32>,
    %swap3A_604 = vector.shape_cast %swap3A_603 : vector<1x16xf32> to vector<16xf32>
    %swap3A_605 = vector.shape_cast %broadcast_in_dim3A_599 : vector<16xf32> to vector<1x16xf32>
    tpu.vector_store %arg6[%swap3A_601, %swap3A_602], %swap3A_605 {strides = array<i32>} : memref<100x16xf32, #tpu.memory_space<vmem>>, vector<1x16xf32>,
    %broadcast_in_dim3A_606 = arith.constant 1.000000e+00 : f32
    %broadcast_in_dim3A_607 = vector.broadcast %broadcast_in_dim3A_606 : f32 to vector<16xf32>
    %swap3A_608 = arith.constant 74 : i32
    %swap3A_609 = arith.index_cast %swap3A_608 : i32 to index
    %swap3A_610 = arith.constant 0 : index
    %swap3A_611 = tpu.vector_load %arg6[%swap3A_609, %swap3A_610] {strides = array<i32>} : memref<100x16xf32, #tpu.memory_space<vmem>>, vector<1x16xf32>,
    %swap3A_612 = vector.shape_cast %swap3A_611 : vector<1x16xf32> to vector<16xf32>
    %swap3A_613 = vector.shape_cast %broadcast_in_dim3A_607 : vector<16xf32> to vector<1x16xf32>
    tpu.vector_store %arg6[%swap3A_609, %swap3A_610], %swap3A_613 {strides = array<i32>} : memref<100x16xf32, #tpu.memory_space<vmem>>, vector<1x16xf32>,
    %broadcast_in_dim3A_614 = arith.constant 1.000000e+00 : f32
    %broadcast_in_dim3A_615 = vector.broadcast %broadcast_in_dim3A_614 : f32 to vector<16xf32>
    %swap3A_616 = arith.constant 75 : i32
    %swap3A_617 = arith.index_cast %swap3A_616 : i32 to index
    %swap3A_618 = arith.constant 0 : index
    %swap3A_619 = tpu.vector_load %arg6[%swap3A_617, %swap3A_618] {strides = array<i32>} : memref<100x16xf32, #tpu.memory_space<vmem>>, vector<1x16xf32>,
    %swap3A_620 = vector.shape_cast %swap3A_619 : vector<1x16xf32> to vector<16xf32>
    %swap3A_621 = vector.shape_cast %broadcast_in_dim3A_615 : vector<16xf32> to vector<1x16xf32>
    tpu.vector_store %arg6[%swap3A_617, %swap3A_618], %swap3A_621 {strides = array<i32>} : memref<100x16xf32, #tpu.memory_space<vmem>>, vector<1x16xf32>,
    %broadcast_in_dim3A_622 = arith.constant 1.000000e+00 : f32
    %broadcast_in_dim3A_623 = vector.broadcast %broadcast_in_dim3A_622 : f32 to vector<16xf32>
    %swap3A_624 = arith.constant 76 : i32
    %swap3A_625 = arith.index_cast %swap3A_624 : i32 to index
    %swap3A_626 = arith.constant 0 : index
    %swap3A_627 = tpu.vector_load %arg6[%swap3A_625, %swap3A_626] {strides = array<i32>} : memref<100x16xf32, #tpu.memory_space<vmem>>, vector<1x16xf32>,
    %swap3A_628 = vector.shape_cast %swap3A_627 : vector<1x16xf32> to vector<16xf32>
    %swap3A_629 = vector.shape_cast %broadcast_in_dim3A_623 : vector<16xf32> to vector<1x16xf32>
    tpu.vector_store %arg6[%swap3A_625, %swap3A_626], %swap3A_629 {strides = array<i32>} : memref<100x16xf32, #tpu.memory_space<vmem>>, vector<1x16xf32>,
    %broadcast_in_dim3A_630 = arith.constant 1.000000e+00 : f32
    %broadcast_in_dim3A_631 = vector.broadcast %broadcast_in_dim3A_630 : f32 to vector<16xf32>
    %swap3A_632 = arith.constant 77 : i32
    %swap3A_633 = arith.index_cast %swap3A_632 : i32 to index
    %swap3A_634 = arith.constant 0 : index
    %swap3A_635 = tpu.vector_load %arg6[%swap3A_633, %swap3A_634] {strides = array<i32>} : memref<100x16xf32, #tpu.memory_space<vmem>>, vector<1x16xf32>,
    %swap3A_636 = vector.shape_cast %swap3A_635 : vector<1x16xf32> to vector<16xf32>
    %swap3A_637 = vector.shape_cast %broadcast_in_dim3A_631 : vector<16xf32> to vector<1x16xf32>
    tpu.vector_store %arg6[%swap3A_633, %swap3A_634], %swap3A_637 {strides = array<i32>} : memref<100x16xf32, #tpu.memory_space<vmem>>, vector<1x16xf32>,
    %broadcast_in_dim3A_638 = arith.constant 1.000000e+00 : f32
    %broadcast_in_dim3A_639 = vector.broadcast %broadcast_in_dim3A_638 : f32 to vector<16xf32>
    %swap3A_640 = arith.constant 78 : i32
    %swap3A_641 = arith.index_cast %swap3A_640 : i32 to index
    %swap3A_642 = arith.constant 0 : index
    %swap3A_643 = tpu.vector_load %arg6[%swap3A_641, %swap3A_642] {strides = array<i32>} : memref<100x16xf32, #tpu.memory_space<vmem>>, vector<1x16xf32>,
    %swap3A_644 = vector.shape_cast %swap3A_643 : vector<1x16xf32> to vector<16xf32>
    %swap3A_645 = vector.shape_cast %broadcast_in_dim3A_639 : vector<16xf32> to vector<1x16xf32>
    tpu.vector_store %arg6[%swap3A_641, %swap3A_642], %swap3A_645 {strides = array<i32>} : memref<100x16xf32, #tpu.memory_space<vmem>>, vector<1x16xf32>,
    %broadcast_in_dim3A_646 = arith.constant 1.000000e+00 : f32
    %broadcast_in_dim3A_647 = vector.broadcast %broadcast_in_dim3A_646 : f32 to vector<16xf32>
    %swap3A_648 = arith.constant 79 : i32
    %swap3A_649 = arith.index_cast %swap3A_648 : i32 to index
    %swap3A_650 = arith.constant 0 : index
    %swap3A_651 = tpu.vector_load %arg6[%swap3A_649, %swap3A_650] {strides = array<i32>} : memref<100x16xf32, #tpu.memory_space<vmem>>, vector<1x16xf32>,
    %swap3A_652 = vector.shape_cast %swap3A_651 : vector<1x16xf32> to vector<16xf32>
    %swap3A_653 = vector.shape_cast %broadcast_in_dim3A_647 : vector<16xf32> to vector<1x16xf32>
    tpu.vector_store %arg6[%swap3A_649, %swap3A_650], %swap3A_653 {strides = array<i32>} : memref<100x16xf32, #tpu.memory_space<vmem>>, vector<1x16xf32>,
    %broadcast_in_dim3A_654 = arith.constant 1.000000e+00 : f32
    %broadcast_in_dim3A_655 = vector.broadcast %broadcast_in_dim3A_654 : f32 to vector<16xf32>
    %swap3A_656 = arith.constant 80 : i32
    %swap3A_657 = arith.index_cast %swap3A_656 : i32 to index
    %swap3A_658 = arith.constant 0 : index
    %swap3A_659 = tpu.vector_load %arg6[%swap3A_657, %swap3A_658] {strides = array<i32>} : memref<100x16xf32, #tpu.memory_space<vmem>>, vector<1x16xf32>,
    %swap3A_660 = vector.shape_cast %swap3A_659 : vector<1x16xf32> to vector<16xf32>
    %swap3A_661 = vector.shape_cast %broadcast_in_dim3A_655 : vector<16xf32> to vector<1x16xf32>
    tpu.vector_store %arg6[%swap3A_657, %swap3A_658], %swap3A_661 {strides = array<i32>} : memref<100x16xf32, #tpu.memory_space<vmem>>, vector<1x16xf32>,
    %broadcast_in_dim3A_662 = arith.constant 1.000000e+00 : f32
    %broadcast_in_dim3A_663 = vector.broadcast %broadcast_in_dim3A_662 : f32 to vector<16xf32>
    %swap3A_664 = arith.constant 81 : i32
    %swap3A_665 = arith.index_cast %swap3A_664 : i32 to index
    %swap3A_666 = arith.constant 0 : index
    %swap3A_667 = tpu.vector_load %arg6[%swap3A_665, %swap3A_666] {strides = array<i32>} : memref<100x16xf32, #tpu.memory_space<vmem>>, vector<1x16xf32>,
    %swap3A_668 = vector.shape_cast %swap3A_667 : vector<1x16xf32> to vector<16xf32>
    %swap3A_669 = vector.shape_cast %broadcast_in_dim3A_663 : vector<16xf32> to vector<1x16xf32>
    tpu.vector_store %arg6[%swap3A_665, %swap3A_666], %swap3A_669 {strides = array<i32>} : memref<100x16xf32, #tpu.memory_space<vmem>>, vector<1x16xf32>,
    %broadcast_in_dim3A_670 = arith.constant 1.000000e+00 : f32
    %broadcast_in_dim3A_671 = vector.broadcast %broadcast_in_dim3A_670 : f32 to vector<16xf32>
    %swap3A_672 = arith.constant 82 : i32
    %swap3A_673 = arith.index_cast %swap3A_672 : i32 to index
    %swap3A_674 = arith.constant 0 : index
    %swap3A_675 = tpu.vector_load %arg6[%swap3A_673, %swap3A_674] {strides = array<i32>} : memref<100x16xf32, #tpu.memory_space<vmem>>, vector<1x16xf32>,
    %swap3A_676 = vector.shape_cast %swap3A_675 : vector<1x16xf32> to vector<16xf32>
    %swap3A_677 = vector.shape_cast %broadcast_in_dim3A_671 : vector<16xf32> to vector<1x16xf32>
    tpu.vector_store %arg6[%swap3A_673, %swap3A_674], %swap3A_677 {strides = array<i32>} : memref<100x16xf32, #tpu.memory_space<vmem>>, vector<1x16xf32>,
    %broadcast_in_dim3A_678 = arith.constant 1.000000e+00 : f32
    %broadcast_in_dim3A_679 = vector.broadcast %broadcast_in_dim3A_678 : f32 to vector<16xf32>
    %swap3A_680 = arith.constant 83 : i32
    %swap3A_681 = arith.index_cast %swap3A_680 : i32 to index
    %swap3A_682 = arith.constant 0 : index
    %swap3A_683 = tpu.vector_load %arg6[%swap3A_681, %swap3A_682] {strides = array<i32>} : memref<100x16xf32, #tpu.memory_space<vmem>>, vector<1x16xf32>,
    %swap3A_684 = vector.shape_cast %swap3A_683 : vector<1x16xf32> to vector<16xf32>
    %swap3A_685 = vector.shape_cast %broadcast_in_dim3A_679 : vector<16xf32> to vector<1x16xf32>
    tpu.vector_store %arg6[%swap3A_681, %swap3A_682], %swap3A_685 {strides = array<i32>} : memref<100x16xf32, #tpu.memory_space<vmem>>, vector<1x16xf32>,
    %broadcast_in_dim3A_686 = arith.constant 1.000000e+00 : f32
    %broadcast_in_dim3A_687 = vector.broadcast %broadcast_in_dim3A_686 : f32 to vector<16xf32>
    %swap3A_688 = arith.constant 84 : i32
    %swap3A_689 = arith.index_cast %swap3A_688 : i32 to index
    %swap3A_690 = arith.constant 0 : index
    %swap3A_691 = tpu.vector_load %arg6[%swap3A_689, %swap3A_690] {strides = array<i32>} : memref<100x16xf32, #tpu.memory_space<vmem>>, vector<1x16xf32>,
    %swap3A_692 = vector.shape_cast %swap3A_691 : vector<1x16xf32> to vector<16xf32>
    %swap3A_693 = vector.shape_cast %broadcast_in_dim3A_687 : vector<16xf32> to vector<1x16xf32>
    tpu.vector_store %arg6[%swap3A_689, %swap3A_690], %swap3A_693 {strides = array<i32>} : memref<100x16xf32, #tpu.memory_space<vmem>>, vector<1x16xf32>,
    %broadcast_in_dim3A_694 = arith.constant 1.000000e+00 : f32
    %broadcast_in_dim3A_695 = vector.broadcast %broadcast_in_dim3A_694 : f32 to vector<16xf32>
    %swap3A_696 = arith.constant 85 : i32
    %swap3A_697 = arith.index_cast %swap3A_696 : i32 to index
    %swap3A_698 = arith.constant 0 : index
    %swap3A_699 = tpu.vector_load %arg6[%swap3A_697, %swap3A_698] {strides = array<i32>} : memref<100x16xf32, #tpu.memory_space<vmem>>, vector<1x16xf32>,
    %swap3A_700 = vector.shape_cast %swap3A_699 : vector<1x16xf32> to vector<16xf32>
    %swap3A_701 = vector.shape_cast %broadcast_in_dim3A_695 : vector<16xf32> to vector<1x16xf32>
    tpu.vector_store %arg6[%swap3A_697, %swap3A_698], %swap3A_701 {strides = array<i32>} : memref<100x16xf32, #tpu.memory_space<vmem>>, vector<1x16xf32>,
    %broadcast_in_dim3A_702 = arith.constant 1.000000e+00 : f32
    %broadcast_in_dim3A_703 = vector.broadcast %broadcast_in_dim3A_702 : f32 to vector<16xf32>
    %swap3A_704 = arith.constant 86 : i32
    %swap3A_705 = arith.index_cast %swap3A_704 : i32 to index
    %swap3A_706 = arith.constant 0 : index
    %swap3A_707 = tpu.vector_load %arg6[%swap3A_705, %swap3A_706] {strides = array<i32>} : memref<100x16xf32, #tpu.memory_space<vmem>>, vector<1x16xf32>,
    %swap3A_708 = vector.shape_cast %swap3A_707 : vector<1x16xf32> to vector<16xf32>
    %swap3A_709 = vector.shape_cast %broadcast_in_dim3A_703 : vector<16xf32> to vector<1x16xf32>
    tpu.vector_store %arg6[%swap3A_705, %swap3A_706], %swap3A_709 {strides = array<i32>} : memref<100x16xf32, #tpu.memory_space<vmem>>, vector<1x16xf32>,
    %broadcast_in_dim3A_710 = arith.constant 1.000000e+00 : f32
    %broadcast_in_dim3A_711 = vector.broadcast %broadcast_in_dim3A_710 : f32 to vector<16xf32>
    %swap3A_712 = arith.constant 87 : i32
    %swap3A_713 = arith.index_cast %swap3A_712 : i32 to index
    %swap3A_714 = arith.constant 0 : index
    %swap3A_715 = tpu.vector_load %arg6[%swap3A_713, %swap3A_714] {strides = array<i32>} : memref<100x16xf32, #tpu.memory_space<vmem>>, vector<1x16xf32>,
    %swap3A_716 = vector.shape_cast %swap3A_715 : vector<1x16xf32> to vector<16xf32>
    %swap3A_717 = vector.shape_cast %broadcast_in_dim3A_711 : vector<16xf32> to vector<1x16xf32>
    tpu.vector_store %arg6[%swap3A_713, %swap3A_714], %swap3A_717 {strides = array<i32>} : memref<100x16xf32, #tpu.memory_space<vmem>>, vector<1x16xf32>,
    %broadcast_in_dim3A_718 = arith.constant 1.000000e+00 : f32
    %broadcast_in_dim3A_719 = vector.broadcast %broadcast_in_dim3A_718 : f32 to vector<16xf32>
    %swap3A_720 = arith.constant 88 : i32
    %swap3A_721 = arith.index_cast %swap3A_720 : i32 to index
    %swap3A_722 = arith.constant 0 : index
    %swap3A_723 = tpu.vector_load %arg6[%swap3A_721, %swap3A_722] {strides = array<i32>} : memref<100x16xf32, #tpu.memory_space<vmem>>, vector<1x16xf32>,
    %swap3A_724 = vector.shape_cast %swap3A_723 : vector<1x16xf32> to vector<16xf32>
    %swap3A_725 = vector.shape_cast %broadcast_in_dim3A_719 : vector<16xf32> to vector<1x16xf32>
    tpu.vector_store %arg6[%swap3A_721, %swap3A_722], %swap3A_725 {strides = array<i32>} : memref<100x16xf32, #tpu.memory_space<vmem>>, vector<1x16xf32>,
    %broadcast_in_dim3A_726 = arith.constant 1.000000e+00 : f32
    %broadcast_in_dim3A_727 = vector.broadcast %broadcast_in_dim3A_726 : f32 to vector<16xf32>
    %swap3A_728 = arith.constant 89 : i32
    %swap3A_729 = arith.index_cast %swap3A_728 : i32 to index
    %swap3A_730 = arith.constant 0 : index
    %swap3A_731 = tpu.vector_load %arg6[%swap3A_729, %swap3A_730] {strides = array<i32>} : memref<100x16xf32, #tpu.memory_space<vmem>>, vector<1x16xf32>,
    %swap3A_732 = vector.shape_cast %swap3A_731 : vector<1x16xf32> to vector<16xf32>
    %swap3A_733 = vector.shape_cast %broadcast_in_dim3A_727 : vector<16xf32> to vector<1x16xf32>
    tpu.vector_store %arg6[%swap3A_729, %swap3A_730], %swap3A_733 {strides = array<i32>} : memref<100x16xf32, #tpu.memory_space<vmem>>, vector<1x16xf32>,
    %broadcast_in_dim3A_734 = arith.constant 1.000000e+00 : f32
    %broadcast_in_dim3A_735 = vector.broadcast %broadcast_in_dim3A_734 : f32 to vector<16xf32>
    %swap3A_736 = arith.constant 90 : i32
    %swap3A_737 = arith.index_cast %swap3A_736 : i32 to index
    %swap3A_738 = arith.constant 0 : index
    %swap3A_739 = tpu.vector_load %arg6[%swap3A_737, %swap3A_738] {strides = array<i32>} : memref<100x16xf32, #tpu.memory_space<vmem>>, vector<1x16xf32>,
    %swap3A_740 = vector.shape_cast %swap3A_739 : vector<1x16xf32> to vector<16xf32>
    %swap3A_741 = vector.shape_cast %broadcast_in_dim3A_735 : vector<16xf32> to vector<1x16xf32>
    tpu.vector_store %arg6[%swap3A_737, %swap3A_738], %swap3A_741 {strides = array<i32>} : memref<100x16xf32, #tpu.memory_space<vmem>>, vector<1x16xf32>,
    %broadcast_in_dim3A_742 = arith.constant 1.000000e+00 : f32
    %broadcast_in_dim3A_743 = vector.broadcast %broadcast_in_dim3A_742 : f32 to vector<16xf32>
    %swap3A_744 = arith.constant 91 : i32
    %swap3A_745 = arith.index_cast %swap3A_744 : i32 to index
    %swap3A_746 = arith.constant 0 : index
    %swap3A_747 = tpu.vector_load %arg6[%swap3A_745, %swap3A_746] {strides = array<i32>} : memref<100x16xf32, #tpu.memory_space<vmem>>, vector<1x16xf32>,
    %swap3A_748 = vector.shape_cast %swap3A_747 : vector<1x16xf32> to vector<16xf32>
    %swap3A_749 = vector.shape_cast %broadcast_in_dim3A_743 : vector<16xf32> to vector<1x16xf32>
    tpu.vector_store %arg6[%swap3A_745, %swap3A_746], %swap3A_749 {strides = array<i32>} : memref<100x16xf32, #tpu.memory_space<vmem>>, vector<1x16xf32>,
    %broadcast_in_dim3A_750 = arith.constant 1.000000e+00 : f32
    %broadcast_in_dim3A_751 = vector.broadcast %broadcast_in_dim3A_750 : f32 to vector<16xf32>
    %swap3A_752 = arith.constant 92 : i32
    %swap3A_753 = arith.index_cast %swap3A_752 : i32 to index
    %swap3A_754 = arith.constant 0 : index
    %swap3A_755 = tpu.vector_load %arg6[%swap3A_753, %swap3A_754] {strides = array<i32>} : memref<100x16xf32, #tpu.memory_space<vmem>>, vector<1x16xf32>,
    %swap3A_756 = vector.shape_cast %swap3A_755 : vector<1x16xf32> to vector<16xf32>
    %swap3A_757 = vector.shape_cast %broadcast_in_dim3A_751 : vector<16xf32> to vector<1x16xf32>
    tpu.vector_store %arg6[%swap3A_753, %swap3A_754], %swap3A_757 {strides = array<i32>} : memref<100x16xf32, #tpu.memory_space<vmem>>, vector<1x16xf32>,
    %broadcast_in_dim3A_758 = arith.constant 1.000000e+00 : f32
    %broadcast_in_dim3A_759 = vector.broadcast %broadcast_in_dim3A_758 : f32 to vector<16xf32>
    %swap3A_760 = arith.constant 93 : i32
    %swap3A_761 = arith.index_cast %swap3A_760 : i32 to index
    %swap3A_762 = arith.constant 0 : index
    %swap3A_763 = tpu.vector_load %arg6[%swap3A_761, %swap3A_762] {strides = array<i32>} : memref<100x16xf32, #tpu.memory_space<vmem>>, vector<1x16xf32>,
    %swap3A_764 = vector.shape_cast %swap3A_763 : vector<1x16xf32> to vector<16xf32>
    %swap3A_765 = vector.shape_cast %broadcast_in_dim3A_759 : vector<16xf32> to vector<1x16xf32>
    tpu.vector_store %arg6[%swap3A_761, %swap3A_762], %swap3A_765 {strides = array<i32>} : memref<100x16xf32, #tpu.memory_space<vmem>>, vector<1x16xf32>,
    %broadcast_in_dim3A_766 = arith.constant 1.000000e+00 : f32
    %broadcast_in_dim3A_767 = vector.broadcast %broadcast_in_dim3A_766 : f32 to vector<16xf32>
    %swap3A_768 = arith.constant 94 : i32
    %swap3A_769 = arith.index_cast %swap3A_768 : i32 to index
    %swap3A_770 = arith.constant 0 : index
    %swap3A_771 = tpu.vector_load %arg6[%swap3A_769, %swap3A_770] {strides = array<i32>} : memref<100x16xf32, #tpu.memory_space<vmem>>, vector<1x16xf32>,
    %swap3A_772 = vector.shape_cast %swap3A_771 : vector<1x16xf32> to vector<16xf32>
    %swap3A_773 = vector.shape_cast %broadcast_in_dim3A_767 : vector<16xf32> to vector<1x16xf32>
    tpu.vector_store %arg6[%swap3A_769, %swap3A_770], %swap3A_773 {strides = array<i32>} : memref<100x16xf32, #tpu.memory_space<vmem>>, vector<1x16xf32>,
    %broadcast_in_dim3A_774 = arith.constant 1.000000e+00 : f32
    %broadcast_in_dim3A_775 = vector.broadcast %broadcast_in_dim3A_774 : f32 to vector<16xf32>
    %swap3A_776 = arith.constant 95 : i32
    %swap3A_777 = arith.index_cast %swap3A_776 : i32 to index
    %swap3A_778 = arith.constant 0 : index
    %swap3A_779 = tpu.vector_load %arg6[%swap3A_777, %swap3A_778] {strides = array<i32>} : memref<100x16xf32, #tpu.memory_space<vmem>>, vector<1x16xf32>,
    %swap3A_780 = vector.shape_cast %swap3A_779 : vector<1x16xf32> to vector<16xf32>
    %swap3A_781 = vector.shape_cast %broadcast_in_dim3A_775 : vector<16xf32> to vector<1x16xf32>
    tpu.vector_store %arg6[%swap3A_777, %swap3A_778], %swap3A_781 {strides = array<i32>} : memref<100x16xf32, #tpu.memory_space<vmem>>, vector<1x16xf32>,
    %broadcast_in_dim3A_782 = arith.constant 1.000000e+00 : f32
    %broadcast_in_dim3A_783 = vector.broadcast %broadcast_in_dim3A_782 : f32 to vector<16xf32>
    %swap3A_784 = arith.constant 96 : i32
    %swap3A_785 = arith.index_cast %swap3A_784 : i32 to index
    %swap3A_786 = arith.constant 0 : index
    %swap3A_787 = tpu.vector_load %arg6[%swap3A_785, %swap3A_786] {strides = array<i32>} : memref<100x16xf32, #tpu.memory_space<vmem>>, vector<1x16xf32>,
    %swap3A_788 = vector.shape_cast %swap3A_787 : vector<1x16xf32> to vector<16xf32>
    %swap3A_789 = vector.shape_cast %broadcast_in_dim3A_783 : vector<16xf32> to vector<1x16xf32>
    tpu.vector_store %arg6[%swap3A_785, %swap3A_786], %swap3A_789 {strides = array<i32>} : memref<100x16xf32, #tpu.memory_space<vmem>>, vector<1x16xf32>,
    %broadcast_in_dim3A_790 = arith.constant 1.000000e+00 : f32
    %broadcast_in_dim3A_791 = vector.broadcast %broadcast_in_dim3A_790 : f32 to vector<16xf32>
    %swap3A_792 = arith.constant 97 : i32
    %swap3A_793 = arith.index_cast %swap3A_792 : i32 to index
    %swap3A_794 = arith.constant 0 : index
    %swap3A_795 = tpu.vector_load %arg6[%swap3A_793, %swap3A_794] {strides = array<i32>} : memref<100x16xf32, #tpu.memory_space<vmem>>, vector<1x16xf32>,
    %swap3A_796 = vector.shape_cast %swap3A_795 : vector<1x16xf32> to vector<16xf32>
    %swap3A_797 = vector.shape_cast %broadcast_in_dim3A_791 : vector<16xf32> to vector<1x16xf32>
    tpu.vector_store %arg6[%swap3A_793, %swap3A_794], %swap3A_797 {strides = array<i32>} : memref<100x16xf32, #tpu.memory_space<vmem>>, vector<1x16xf32>,
    %broadcast_in_dim3A_798 = arith.constant 1.000000e+00 : f32
    %broadcast_in_dim3A_799 = vector.broadcast %broadcast_in_dim3A_798 : f32 to vector<16xf32>
    %swap3A_800 = arith.constant 98 : i32
    %swap3A_801 = arith.index_cast %swap3A_800 : i32 to index
    %swap3A_802 = arith.constant 0 : index
    %swap3A_803 = tpu.vector_load %arg6[%swap3A_801, %swap3A_802] {strides = array<i32>} : memref<100x16xf32, #tpu.memory_space<vmem>>, vector<1x16xf32>,
    %swap3A_804 = vector.shape_cast %swap3A_803 : vector<1x16xf32> to vector<16xf32>
    %swap3A_805 = vector.shape_cast %broadcast_in_dim3A_799 : vector<16xf32> to vector<1x16xf32>
    tpu.vector_store %arg6[%swap3A_801, %swap3A_802], %swap3A_805 {strides = array<i32>} : memref<100x16xf32, #tpu.memory_space<vmem>>, vector<1x16xf32>,
    %broadcast_in_dim3A_806 = arith.constant 1.000000e+00 : f32
    %broadcast_in_dim3A_807 = vector.broadcast %broadcast_in_dim3A_806 : f32 to vector<16xf32>
    %swap3A_808 = arith.constant 99 : i32
    %swap3A_809 = arith.index_cast %swap3A_808 : i32 to index
    %swap3A_810 = arith.constant 0 : index
    %swap3A_811 = tpu.vector_load %arg6[%swap3A_809, %swap3A_810] {strides = array<i32>} : memref<100x16xf32, #tpu.memory_space<vmem>>, vector<1x16xf32>,
    %swap3A_812 = vector.shape_cast %swap3A_811 : vector<1x16xf32> to vector<16xf32>
    %swap3A_813 = vector.shape_cast %broadcast_in_dim3A_807 : vector<16xf32> to vector<1x16xf32>
    tpu.vector_store %arg6[%swap3A_809, %swap3A_810], %swap3A_813 {strides = array<i32>} : memref<100x16xf32, #tpu.memory_space<vmem>>, vector<1x16xf32>,
    %dma_wait3A = arith.constant 0 : i32
    %dma_wait3A_814 = tpu.memref_slice %arg7[%mul3A_4, %dma_wait3A] : memref<10000x16xf32, #tpu.memory_space<vmem_shared>> -> memref<625x16xf32, #tpu.memory_space<vmem_shared>>
    %dma_wait3A_815 = arith.constant 0 : i32
    %dma_wait3A_816 = tpu.memref_slice %arg3[%mul3A_2, %dma_wait3A_815] : memref<10000x16xf32, #tpu.memory_space<hbm>> -> memref<625x16xf32, #tpu.memory_space<hbm>>
    tpu.wait_dma2 semaphore(%arg8 : memref<!tpu.dma_semaphore, #tpu.memory_space<semaphore_mem>>) src(%dma_wait3A_816 : memref<625x16xf32, #tpu.memory_space<hbm>>) dst(%dma_wait3A_814 : memref<625x16xf32, #tpu.memory_space<vmem_shared>>)
    %dma_wait3A_817 = arith.constant 0 : i32
    %dma_wait3A_818 = arith.constant 0 : i32
    %dma_wait3A_819 = tpu.memref_slice %arg2[%add3A, %dma_wait3A_817, %dma_wait3A_818] : memref<32x100x100xi32, #tpu.memory_space<hbm>> -> memref<1x100x100xi32, #tpu.memory_space<hbm>>
    %dma_wait3A_820 = tpu.memref_squeeze %dma_wait3A_819 : memref<1x100x100xi32, #tpu.memory_space<hbm>> -> memref<100x100xi32, #tpu.memory_space<hbm>>
    %dma_wait3A_821 = arith.constant 0 : i32
    %dma_wait3A_822 = arith.constant 0 : i32
    %dma_wait3A_823 = tpu.memref_slice %arg2[%add3A, %dma_wait3A_821, %dma_wait3A_822] : memref<32x100x100xi32, #tpu.memory_space<hbm>> -> memref<1x100x100xi32, #tpu.memory_space<hbm>>
    %dma_wait3A_824 = tpu.memref_squeeze %dma_wait3A_823 : memref<1x100x100xi32, #tpu.memory_space<hbm>> -> memref<100x100xi32, #tpu.memory_space<hbm>>
    tpu.wait_dma2 semaphore(%arg9 : memref<!tpu.dma_semaphore, #tpu.memory_space<semaphore_mem>>) src(%dma_wait3A_824 : memref<100x100xi32, #tpu.memory_space<hbm>>) dst(%arg5 : memref<100x100xi32, #tpu.memory_space<vmem>>)
    %barrier3A = arith.constant 0 : index
    tpu.barrier barrier_id(%barrier3A)
    %dma_start3A_825 = arith.constant 0 : i32
    %dma_start3A_826 = arith.constant 0 : i32
    %dma_start3A_827 = tpu.memref_slice %arg5[%dma_start3A_825, %dma_start3A_826] : memref<100x100xi32, #tpu.memory_space<vmem>> -> memref<1x100xi32, #tpu.memory_space<vmem>>
    %dma_start3A_828 = tpu.memref_squeeze %dma_start3A_827 : memref<1x100xi32, #tpu.memory_space<vmem>> -> memref<100xi32, #tpu.memory_space<vmem>>
    %dma_start3A_829 = arith.constant 0 : i32
    %dma_start3A_830 = arith.constant 0 : i32
    %dma_start3A_831 = tpu.memref_slice %arg7[%dma_start3A_829, %dma_start3A_830] : memref<10000x16xf32, #tpu.memory_space<vmem_shared>> -> memref<10000x16xf32, #tpu.memory_space<vmem_shared>>
    tpu.enqueue_indirect_dma source(%arg6 : memref<100x16xf32, #tpu.memory_space<vmem>>) target(%dma_start3A_831 : memref<10000x16xf32, #tpu.memory_space<vmem_shared>>) offsets(%dma_start3A_828 : memref<100xi32, #tpu.memory_space<vmem>>) semaphore(%arg9 : memref<!tpu.dma_semaphore, #tpu.memory_space<semaphore_mem>>) {add = true}
    %dma_start3A_832 = arith.constant 1 : i32
    %dma_start3A_833 = arith.constant 0 : i32
    %dma_start3A_834 = tpu.memref_slice %arg5[%dma_start3A_832, %dma_start3A_833] : memref<100x100xi32, #tpu.memory_space<vmem>> -> memref<1x100xi32, #tpu.memory_space<vmem>>
    %dma_start3A_835 = tpu.memref_squeeze %dma_start3A_834 : memref<1x100xi32, #tpu.memory_space<vmem>> -> memref<100xi32, #tpu.memory_space<vmem>>
    %dma_start3A_836 = arith.constant 0 : i32
    %dma_start3A_837 = arith.constant 0 : i32
    %dma_start3A_838 = tpu.memref_slice %arg7[%dma_start3A_836, %dma_start3A_837] : memref<10000x16xf32, #tpu.memory_space<vmem_shared>> -> memref<10000x16xf32, #tpu.memory_space<vmem_shared>>
    tpu.enqueue_indirect_dma source(%arg6 : memref<100x16xf32, #tpu.memory_space<vmem>>) target(%dma_start3A_838 : memref<10000x16xf32, #tpu.memory_space<vmem_shared>>) offsets(%dma_start3A_835 : memref<100xi32, #tpu.memory_space<vmem>>) semaphore(%arg9 : memref<!tpu.dma_semaphore, #tpu.memory_space<semaphore_mem>>) {add = true}
    %dma_start3A_839 = arith.constant 2 : i32
    %dma_start3A_840 = arith.constant 0 : i32
    %dma_start3A_841 = tpu.memref_slice %arg5[%dma_start3A_839, %dma_start3A_840] : memref<100x100xi32, #tpu.memory_space<vmem>> -> memref<1x100xi32, #tpu.memory_space<vmem>>
    %dma_start3A_842 = tpu.memref_squeeze %dma_start3A_841 : memref<1x100xi32, #tpu.memory_space<vmem>> -> memref<100xi32, #tpu.memory_space<vmem>>
    %dma_start3A_843 = arith.constant 0 : i32
    %dma_start3A_844 = arith.constant 0 : i32
    %dma_start3A_845 = tpu.memref_slice %arg7[%dma_start3A_843, %dma_start3A_844] : memref<10000x16xf32, #tpu.memory_space<vmem_shared>> -> memref<10000x16xf32, #tpu.memory_space<vmem_shared>>
    tpu.enqueue_indirect_dma source(%arg6 : memref<100x16xf32, #tpu.memory_space<vmem>>) target(%dma_start3A_845 : memref<10000x16xf32, #tpu.memory_space<vmem_shared>>) offsets(%dma_start3A_842 : memref<100xi32, #tpu.memory_space<vmem>>) semaphore(%arg9 : memref<!tpu.dma_semaphore, #tpu.memory_space<semaphore_mem>>) {add = true}
    %dma_start3A_846 = arith.constant 3 : i32
    %dma_start3A_847 = arith.constant 0 : i32
    %dma_start3A_848 = tpu.memref_slice %arg5[%dma_start3A_846, %dma_start3A_847] : memref<100x100xi32, #tpu.memory_space<vmem>> -> memref<1x100xi32, #tpu.memory_space<vmem>>
    %dma_start3A_849 = tpu.memref_squeeze %dma_start3A_848 : memref<1x100xi32, #tpu.memory_space<vmem>> -> memref<100xi32, #tpu.memory_space<vmem>>
    %dma_start3A_850 = arith.constant 0 : i32
    %dma_start3A_851 = arith.constant 0 : i32
    %dma_start3A_852 = tpu.memref_slice %arg7[%dma_start3A_850, %dma_start3A_851] : memref<10000x16xf32, #tpu.memory_space<vmem_shared>> -> memref<10000x16xf32, #tpu.memory_space<vmem_shared>>
    tpu.enqueue_indirect_dma source(%arg6 : memref<100x16xf32, #tpu.memory_space<vmem>>) target(%dma_start3A_852 : memref<10000x16xf32, #tpu.memory_space<vmem_shared>>) offsets(%dma_start3A_849 : memref<100xi32, #tpu.memory_space<vmem>>) semaphore(%arg9 : memref<!tpu.dma_semaphore, #tpu.memory_space<semaphore_mem>>) {add = true}
    %dma_start3A_853 = arith.constant 4 : i32
    %dma_start3A_854 = arith.constant 0 : i32
    %dma_start3A_855 = tpu.memref_slice %arg5[%dma_start3A_853, %dma_start3A_854] : memref<100x100xi32, #tpu.memory_space<vmem>> -> memref<1x100xi32, #tpu.memory_space<vmem>>
    %dma_start3A_856 = tpu.memref_squeeze %dma_start3A_855 : memref<1x100xi32, #tpu.memory_space<vmem>> -> memref<100xi32, #tpu.memory_space<vmem>>
    %dma_start3A_857 = arith.constant 0 : i32
    %dma_start3A_858 = arith.constant 0 : i32
    %dma_start3A_859 = tpu.memref_slice %arg7[%dma_start3A_857, %dma_start3A_858] : memref<10000x16xf32, #tpu.memory_space<vmem_shared>> -> memref<10000x16xf32, #tpu.memory_space<vmem_shared>>
    tpu.enqueue_indirect_dma source(%arg6 : memref<100x16xf32, #tpu.memory_space<vmem>>) target(%dma_start3A_859 : memref<10000x16xf32, #tpu.memory_space<vmem_shared>>) offsets(%dma_start3A_856 : memref<100xi32, #tpu.memory_space<vmem>>) semaphore(%arg9 : memref<!tpu.dma_semaphore, #tpu.memory_space<semaphore_mem>>) {add = true}
    %dma_start3A_860 = arith.constant 5 : i32
    %dma_start3A_861 = arith.constant 0 : i32
    %dma_start3A_862 = tpu.memref_slice %arg5[%dma_start3A_860, %dma_start3A_861] : memref<100x100xi32, #tpu.memory_space<vmem>> -> memref<1x100xi32, #tpu.memory_space<vmem>>
    %dma_start3A_863 = tpu.memref_squeeze %dma_start3A_862 : memref<1x100xi32, #tpu.memory_space<vmem>> -> memref<100xi32, #tpu.memory_space<vmem>>
    %dma_start3A_864 = arith.constant 0 : i32
    %dma_start3A_865 = arith.constant 0 : i32
    %dma_start3A_866 = tpu.memref_slice %arg7[%dma_start3A_864, %dma_start3A_865] : memref<10000x16xf32, #tpu.memory_space<vmem_shared>> -> memref<10000x16xf32, #tpu.memory_space<vmem_shared>>
    tpu.enqueue_indirect_dma source(%arg6 : memref<100x16xf32, #tpu.memory_space<vmem>>) target(%dma_start3A_866 : memref<10000x16xf32, #tpu.memory_space<vmem_shared>>) offsets(%dma_start3A_863 : memref<100xi32, #tpu.memory_space<vmem>>) semaphore(%arg9 : memref<!tpu.dma_semaphore, #tpu.memory_space<semaphore_mem>>) {add = true}
    %dma_start3A_867 = arith.constant 6 : i32
    %dma_start3A_868 = arith.constant 0 : i32
    %dma_start3A_869 = tpu.memref_slice %arg5[%dma_start3A_867, %dma_start3A_868] : memref<100x100xi32, #tpu.memory_space<vmem>> -> memref<1x100xi32, #tpu.memory_space<vmem>>
    %dma_start3A_870 = tpu.memref_squeeze %dma_start3A_869 : memref<1x100xi32, #tpu.memory_space<vmem>> -> memref<100xi32, #tpu.memory_space<vmem>>
    %dma_start3A_871 = arith.constant 0 : i32
    %dma_start3A_872 = arith.constant 0 : i32
    %dma_start3A_873 = tpu.memref_slice %arg7[%dma_start3A_871, %dma_start3A_872] : memref<10000x16xf32, #tpu.memory_space<vmem_shared>> -> memref<10000x16xf32, #tpu.memory_space<vmem_shared>>
    tpu.enqueue_indirect_dma source(%arg6 : memref<100x16xf32, #tpu.memory_space<vmem>>) target(%dma_start3A_873 : memref<10000x16xf32, #tpu.memory_space<vmem_shared>>) offsets(%dma_start3A_870 : memref<100xi32, #tpu.memory_space<vmem>>) semaphore(%arg9 : memref<!tpu.dma_semaphore, #tpu.memory_space<semaphore_mem>>) {add = true}
    %dma_start3A_874 = arith.constant 7 : i32
    %dma_start3A_875 = arith.constant 0 : i32
    %dma_start3A_876 = tpu.memref_slice %arg5[%dma_start3A_874, %dma_start3A_875] : memref<100x100xi32, #tpu.memory_space<vmem>> -> memref<1x100xi32, #tpu.memory_space<vmem>>
    %dma_start3A_877 = tpu.memref_squeeze %dma_start3A_876 : memref<1x100xi32, #tpu.memory_space<vmem>> -> memref<100xi32, #tpu.memory_space<vmem>>
    %dma_start3A_878 = arith.constant 0 : i32
    %dma_start3A_879 = arith.constant 0 : i32
    %dma_start3A_880 = tpu.memref_slice %arg7[%dma_start3A_878, %dma_start3A_879] : memref<10000x16xf32, #tpu.memory_space<vmem_shared>> -> memref<10000x16xf32, #tpu.memory_space<vmem_shared>>
    tpu.enqueue_indirect_dma source(%arg6 : memref<100x16xf32, #tpu.memory_space<vmem>>) target(%dma_start3A_880 : memref<10000x16xf32, #tpu.memory_space<vmem_shared>>) offsets(%dma_start3A_877 : memref<100xi32, #tpu.memory_space<vmem>>) semaphore(%arg9 : memref<!tpu.dma_semaphore, #tpu.memory_space<semaphore_mem>>) {add = true}
    %scan3A = arith.constant 0 : i32
    %scan3A_881 = arith.constant 92 : i32
    %scan3A_882 = arith.addi %scan3A, %scan3A_881 : i32
    %scan3A_883 = arith.constant 1 : i32
    scf.for %scan3A_946 = %scan3A to %scan3A_882 step %scan3A_883  : i32 {
      %dma_wait3A_947 = arith.constant 0 : i32
      %dma_wait3A_948 = tpu.memref_slice %arg5[%scan3A_946, %dma_wait3A_947] : memref<100x100xi32, #tpu.memory_space<vmem>> -> memref<1x100xi32, #tpu.memory_space<vmem>>
      %dma_wait3A_949 = tpu.memref_squeeze %dma_wait3A_948 : memref<1x100xi32, #tpu.memory_space<vmem>> -> memref<100xi32, #tpu.memory_space<vmem>>
      %dma_wait3A_950 = arith.constant 0 : i32
      %dma_wait3A_951 = arith.constant 0 : i32
      %dma_wait3A_952 = tpu.memref_slice %arg7[%dma_wait3A_950, %dma_wait3A_951] : memref<10000x16xf32, #tpu.memory_space<vmem_shared>> -> memref<10000x16xf32, #tpu.memory_space<vmem_shared>>
      tpu.wait_indirect_dma semaphore(%arg9 : memref<!tpu.dma_semaphore, #tpu.memory_space<semaphore_mem>>) src(%arg6 : memref<100x16xf32, #tpu.memory_space<vmem>>) dst(%dma_wait3A_952 : memref<10000x16xf32, #tpu.memory_space<vmem_shared>>)
      %add3A_953 = arith.constant 8 : i32
      %add3A_954 = arith.addi %scan3A_946, %add3A_953 : i32
      %dma_start3A_955 = arith.constant 0 : i32
      %dma_start3A_956 = tpu.memref_slice %arg5[%add3A_954, %dma_start3A_955] : memref<100x100xi32, #tpu.memory_space<vmem>> -> memref<1x100xi32, #tpu.memory_space<vmem>>
      %dma_start3A_957 = tpu.memref_squeeze %dma_start3A_956 : memref<1x100xi32, #tpu.memory_space<vmem>> -> memref<100xi32, #tpu.memory_space<vmem>>
      %dma_start3A_958 = arith.constant 0 : i32
      %dma_start3A_959 = arith.constant 0 : i32
      %dma_start3A_960 = tpu.memref_slice %arg7[%dma_start3A_958, %dma_start3A_959] : memref<10000x16xf32, #tpu.memory_space<vmem_shared>> -> memref<10000x16xf32, #tpu.memory_space<vmem_shared>>
      tpu.enqueue_indirect_dma source(%arg6 : memref<100x16xf32, #tpu.memory_space<vmem>>) target(%dma_start3A_960 : memref<10000x16xf32, #tpu.memory_space<vmem_shared>>) offsets(%dma_start3A_957 : memref<100xi32, #tpu.memory_space<vmem>>) semaphore(%arg9 : memref<!tpu.dma_semaphore, #tpu.memory_space<semaphore_mem>>) {add = true}
    }
    %scan3A_884 = arith.constant 92 : i32
    %dma_wait3A_885 = arith.constant 92 : i32
    %dma_wait3A_886 = arith.constant 0 : i32
    %dma_wait3A_887 = tpu.memref_slice %arg5[%dma_wait3A_885, %dma_wait3A_886] : memref<100x100xi32, #tpu.memory_space<vmem>> -> memref<1x100xi32, #tpu.memory_space<vmem>>
    %dma_wait3A_888 = tpu.memref_squeeze %dma_wait3A_887 : memref<1x100xi32, #tpu.memory_space<vmem>> -> memref<100xi32, #tpu.memory_space<vmem>>
    %dma_wait3A_889 = arith.constant 0 : i32
    %dma_wait3A_890 = arith.constant 0 : i32
    %dma_wait3A_891 = tpu.memref_slice %arg7[%dma_wait3A_889, %dma_wait3A_890] : memref<10000x16xf32, #tpu.memory_space<vmem_shared>> -> memref<10000x16xf32, #tpu.memory_space<vmem_shared>>
    tpu.wait_indirect_dma semaphore(%arg9 : memref<!tpu.dma_semaphore, #tpu.memory_space<semaphore_mem>>) src(%arg6 : memref<100x16xf32, #tpu.memory_space<vmem>>) dst(%dma_wait3A_891 : memref<10000x16xf32, #tpu.memory_space<vmem_shared>>)
    %dma_wait3A_892 = arith.constant 93 : i32
    %dma_wait3A_893 = arith.constant 0 : i32
    %dma_wait3A_894 = tpu.memref_slice %arg5[%dma_wait3A_892, %dma_wait3A_893] : memref<100x100xi32, #tpu.memory_space<vmem>> -> memref<1x100xi32, #tpu.memory_space<vmem>>
    %dma_wait3A_895 = tpu.memref_squeeze %dma_wait3A_894 : memref<1x100xi32, #tpu.memory_space<vmem>> -> memref<100xi32, #tpu.memory_space<vmem>>
    %dma_wait3A_896 = arith.constant 0 : i32
    %dma_wait3A_897 = arith.constant 0 : i32
    %dma_wait3A_898 = tpu.memref_slice %arg7[%dma_wait3A_896, %dma_wait3A_897] : memref<10000x16xf32, #tpu.memory_space<vmem_shared>> -> memref<10000x16xf32, #tpu.memory_space<vmem_shared>>
    tpu.wait_indirect_dma semaphore(%arg9 : memref<!tpu.dma_semaphore, #tpu.memory_space<semaphore_mem>>) src(%arg6 : memref<100x16xf32, #tpu.memory_space<vmem>>) dst(%dma_wait3A_898 : memref<10000x16xf32, #tpu.memory_space<vmem_shared>>)
    %dma_wait3A_899 = arith.constant 94 : i32
    %dma_wait3A_900 = arith.constant 0 : i32
    %dma_wait3A_901 = tpu.memref_slice %arg5[%dma_wait3A_899, %dma_wait3A_900] : memref<100x100xi32, #tpu.memory_space<vmem>> -> memref<1x100xi32, #tpu.memory_space<vmem>>
    %dma_wait3A_902 = tpu.memref_squeeze %dma_wait3A_901 : memref<1x100xi32, #tpu.memory_space<vmem>> -> memref<100xi32, #tpu.memory_space<vmem>>
    %dma_wait3A_903 = arith.constant 0 : i32
    %dma_wait3A_904 = arith.constant 0 : i32
    %dma_wait3A_905 = tpu.memref_slice %arg7[%dma_wait3A_903, %dma_wait3A_904] : memref<10000x16xf32, #tpu.memory_space<vmem_shared>> -> memref<10000x16xf32, #tpu.memory_space<vmem_shared>>
    tpu.wait_indirect_dma semaphore(%arg9 : memref<!tpu.dma_semaphore, #tpu.memory_space<semaphore_mem>>) src(%arg6 : memref<100x16xf32, #tpu.memory_space<vmem>>) dst(%dma_wait3A_905 : memref<10000x16xf32, #tpu.memory_space<vmem_shared>>)
    %dma_wait3A_906 = arith.constant 95 : i32
    %dma_wait3A_907 = arith.constant 0 : i32
    %dma_wait3A_908 = tpu.memref_slice %arg5[%dma_wait3A_906, %dma_wait3A_907] : memref<100x100xi32, #tpu.memory_space<vmem>> -> memref<1x100xi32, #tpu.memory_space<vmem>>
    %dma_wait3A_909 = tpu.memref_squeeze %dma_wait3A_908 : memref<1x100xi32, #tpu.memory_space<vmem>> -> memref<100xi32, #tpu.memory_space<vmem>>
    %dma_wait3A_910 = arith.constant 0 : i32
    %dma_wait3A_911 = arith.constant 0 : i32
    %dma_wait3A_912 = tpu.memref_slice %arg7[%dma_wait3A_910, %dma_wait3A_911] : memref<10000x16xf32, #tpu.memory_space<vmem_shared>> -> memref<10000x16xf32, #tpu.memory_space<vmem_shared>>
    tpu.wait_indirect_dma semaphore(%arg9 : memref<!tpu.dma_semaphore, #tpu.memory_space<semaphore_mem>>) src(%arg6 : memref<100x16xf32, #tpu.memory_space<vmem>>) dst(%dma_wait3A_912 : memref<10000x16xf32, #tpu.memory_space<vmem_shared>>)
    %dma_wait3A_913 = arith.constant 96 : i32
    %dma_wait3A_914 = arith.constant 0 : i32
    %dma_wait3A_915 = tpu.memref_slice %arg5[%dma_wait3A_913, %dma_wait3A_914] : memref<100x100xi32, #tpu.memory_space<vmem>> -> memref<1x100xi32, #tpu.memory_space<vmem>>
    %dma_wait3A_916 = tpu.memref_squeeze %dma_wait3A_915 : memref<1x100xi32, #tpu.memory_space<vmem>> -> memref<100xi32, #tpu.memory_space<vmem>>
    %dma_wait3A_917 = arith.constant 0 : i32
    %dma_wait3A_918 = arith.constant 0 : i32
    %dma_wait3A_919 = tpu.memref_slice %arg7[%dma_wait3A_917, %dma_wait3A_918] : memref<10000x16xf32, #tpu.memory_space<vmem_shared>> -> memref<10000x16xf32, #tpu.memory_space<vmem_shared>>
    tpu.wait_indirect_dma semaphore(%arg9 : memref<!tpu.dma_semaphore, #tpu.memory_space<semaphore_mem>>) src(%arg6 : memref<100x16xf32, #tpu.memory_space<vmem>>) dst(%dma_wait3A_919 : memref<10000x16xf32, #tpu.memory_space<vmem_shared>>)
    %dma_wait3A_920 = arith.constant 97 : i32
    %dma_wait3A_921 = arith.constant 0 : i32
    %dma_wait3A_922 = tpu.memref_slice %arg5[%dma_wait3A_920, %dma_wait3A_921] : memref<100x100xi32, #tpu.memory_space<vmem>> -> memref<1x100xi32, #tpu.memory_space<vmem>>
    %dma_wait3A_923 = tpu.memref_squeeze %dma_wait3A_922 : memref<1x100xi32, #tpu.memory_space<vmem>> -> memref<100xi32, #tpu.memory_space<vmem>>
    %dma_wait3A_924 = arith.constant 0 : i32
    %dma_wait3A_925 = arith.constant 0 : i32
    %dma_wait3A_926 = tpu.memref_slice %arg7[%dma_wait3A_924, %dma_wait3A_925] : memref<10000x16xf32, #tpu.memory_space<vmem_shared>> -> memref<10000x16xf32, #tpu.memory_space<vmem_shared>>
    tpu.wait_indirect_dma semaphore(%arg9 : memref<!tpu.dma_semaphore, #tpu.memory_space<semaphore_mem>>) src(%arg6 : memref<100x16xf32, #tpu.memory_space<vmem>>) dst(%dma_wait3A_926 : memref<10000x16xf32, #tpu.memory_space<vmem_shared>>)
    %dma_wait3A_927 = arith.constant 98 : i32
    %dma_wait3A_928 = arith.constant 0 : i32
    %dma_wait3A_929 = tpu.memref_slice %arg5[%dma_wait3A_927, %dma_wait3A_928] : memref<100x100xi32, #tpu.memory_space<vmem>> -> memref<1x100xi32, #tpu.memory_space<vmem>>
    %dma_wait3A_930 = tpu.memref_squeeze %dma_wait3A_929 : memref<1x100xi32, #tpu.memory_space<vmem>> -> memref<100xi32, #tpu.memory_space<vmem>>
    %dma_wait3A_931 = arith.constant 0 : i32
    %dma_wait3A_932 = arith.constant 0 : i32
    %dma_wait3A_933 = tpu.memref_slice %arg7[%dma_wait3A_931, %dma_wait3A_932] : memref<10000x16xf32, #tpu.memory_space<vmem_shared>> -> memref<10000x16xf32, #tpu.memory_space<vmem_shared>>
    tpu.wait_indirect_dma semaphore(%arg9 : memref<!tpu.dma_semaphore, #tpu.memory_space<semaphore_mem>>) src(%arg6 : memref<100x16xf32, #tpu.memory_space<vmem>>) dst(%dma_wait3A_933 : memref<10000x16xf32, #tpu.memory_space<vmem_shared>>)
    %dma_wait3A_934 = arith.constant 99 : i32
    %dma_wait3A_935 = arith.constant 0 : i32
    %dma_wait3A_936 = tpu.memref_slice %arg5[%dma_wait3A_934, %dma_wait3A_935] : memref<100x100xi32, #tpu.memory_space<vmem>> -> memref<1x100xi32, #tpu.memory_space<vmem>>
    %dma_wait3A_937 = tpu.memref_squeeze %dma_wait3A_936 : memref<1x100xi32, #tpu.memory_space<vmem>> -> memref<100xi32, #tpu.memory_space<vmem>>
    %dma_wait3A_938 = arith.constant 0 : i32
    %dma_wait3A_939 = arith.constant 0 : i32
    %dma_wait3A_940 = tpu.memref_slice %arg7[%dma_wait3A_938, %dma_wait3A_939] : memref<10000x16xf32, #tpu.memory_space<vmem_shared>> -> memref<10000x16xf32, #tpu.memory_space<vmem_shared>>
    tpu.wait_indirect_dma semaphore(%arg9 : memref<!tpu.dma_semaphore, #tpu.memory_space<semaphore_mem>>) src(%arg6 : memref<100x16xf32, #tpu.memory_space<vmem>>) dst(%dma_wait3A_940 : memref<10000x16xf32, #tpu.memory_space<vmem_shared>>)
    %barrier3A_941 = arith.constant 0 : index
    tpu.barrier barrier_id(%barrier3A_941)
    %mul3A_942 = arith.constant 625 : i32
    %mul3A_943 = arith.muli %arg1, %mul3A_942 : i32
    %mul3A_944 = arith.constant 625 : i32
    %mul3A_945 = arith.muli %arg1, %mul3A_944 : i32
    "tpu.region"() ({
      %run_scoped3A = tpu.sem_alloc : memref<!tpu.dma_semaphore, #tpu.memory_space<semaphore_mem>>
      %dma_start3A_946 = arith.constant 0 : i32
      %dma_start3A_947 = tpu.memref_slice %arg4[%arg0, %mul3A_945, %dma_start3A_946] : memref<2x10000x16xf32, #tpu.memory_space<hbm>> -> memref<1x625x16xf32, #tpu.memory_space<hbm>>
      %dma_start3A_948 = tpu.memref_squeeze %dma_start3A_947 : memref<1x625x16xf32, #tpu.memory_space<hbm>> -> memref<625x16xf32, #tpu.memory_space<hbm>>
      %dma_start3A_949 = arith.constant 0 : i32
      %dma_start3A_950 = tpu.memref_slice %arg7[%mul3A_943, %dma_start3A_949] : memref<10000x16xf32, #tpu.memory_space<vmem_shared>> -> memref<625x16xf32, #tpu.memory_space<vmem_shared>>
      tpu.enqueue_dma source(%dma_start3A_950 : memref<625x16xf32, #tpu.memory_space<vmem_shared>>) target(%dma_start3A_948 : memref<625x16xf32, #tpu.memory_space<hbm>>) target_semaphore(%run_scoped3A : memref<!tpu.dma_semaphore, #tpu.memory_space<semaphore_mem>>)
      %dma_wait3A_951 = arith.constant 0 : i32
      %dma_wait3A_952 = tpu.memref_slice %arg4[%arg0, %mul3A_945, %dma_wait3A_951] : memref<2x10000x16xf32, #tpu.memory_space<hbm>> -> memref<1x625x16xf32, #tpu.memory_space<hbm>>
      %dma_wait3A_953 = tpu.memref_squeeze %dma_wait3A_952 : memref<1x625x16xf32, #tpu.memory_space<hbm>> -> memref<625x16xf32, #tpu.memory_space<hbm>>
      %dma_wait3A_954 = arith.constant 0 : i32
      %dma_wait3A_955 = tpu.memref_slice %arg7[%mul3A_943, %dma_wait3A_954] : memref<10000x16xf32, #tpu.memory_space<vmem_shared>> -> memref<625x16xf32, #tpu.memory_space<vmem_shared>>
      tpu.wait_dma2 semaphore(%run_scoped3A : memref<!tpu.dma_semaphore, #tpu.memory_space<semaphore_mem>>) src(%dma_wait3A_955 : memref<625x16xf32, #tpu.memory_space<vmem_shared>>) dst(%dma_wait3A_953 : memref<625x16xf32, #tpu.memory_space<hbm>>)
      tpu.yield
    }) : () -> ()
    return
  }
}

#map = affine_map<(d0, d1) -> (0, 0)>
#map1 = affine_map<(d0, d1) -> (0, 0, 0)>
module attributes {stable_mosaic.version = 14 : i64} {
  func.func @agg_kernel(%arg0: i32, %arg1: i32, %arg2: memref<10000x128xf32, #tpu.memory_space<hbm>>, %arg3: memref<32x100x100xi32, #tpu.memory_space<hbm>>, %arg4: memref<32x100x100xi32, #tpu.memory_space<hbm>>, %arg5: memref<10000x128xf32, #tpu.memory_space<hbm>>, %arg6: memref<2x10000x128xf32, #tpu.memory_space<hbm>>, %arg7: memref<100x100xi32, #tpu.memory_space<vmem>>, %arg8: memref<100x100xi32, #tpu.memory_space<vmem>>, %arg9: memref<100x128xf32, #tpu.memory_space<vmem>>, %arg10: memref<100x128xf32, #tpu.memory_space<vmem>>, %arg11: memref<!tpu.dma_semaphore, #tpu.memory_space<semaphore_mem>>, %arg12: memref<!tpu.dma_semaphore, #tpu.memory_space<semaphore_mem>>, %arg13: memref<10000x128xf32, #tpu.memory_space<vmem_shared>>) attributes {dimension_semantics = [#tpu.dimension_semantics<core_parallel>, #tpu.dimension_semantics<subcore_parallel>], iteration_bounds = array<i64: 2, 16>, scalar_prefetch = 0 : i64, scratch_operands = 7 : i64, tpu.core_type = #tpu.core_type<sc_vector_subcore>, window_params = [{transform_indices = #map}, {transform_indices = #map1}, {transform_indices = #map1}, {transform_indices = #map}, {transform_indices = #map1}]} {
    %mul3A = arith.constant 2 : i32
    %mul3A_0 = arith.muli %arg1, %mul3A : i32
    %add3A = arith.addi %mul3A_0, %arg0 : i32
    %mul3A_1 = arith.constant 625 : i32
    %mul3A_2 = arith.muli %arg1, %mul3A_1 : i32
    %mul3A_3 = arith.constant 625 : i32
    %mul3A_4 = arith.muli %arg1, %mul3A_3 : i32
    %dma_start3A = arith.constant 0 : i32
    %dma_start3A_5 = tpu.memref_slice %arg13[%mul3A_4, %dma_start3A] : memref<10000x128xf32, #tpu.memory_space<vmem_shared>> -> memref<625x128xf32, #tpu.memory_space<vmem_shared>>
    %dma_start3A_6 = arith.constant 0 : i32
    %dma_start3A_7 = tpu.memref_slice %arg5[%mul3A_2, %dma_start3A_6] : memref<10000x128xf32, #tpu.memory_space<hbm>> -> memref<625x128xf32, #tpu.memory_space<hbm>>
    tpu.enqueue_dma source(%dma_start3A_7 : memref<625x128xf32, #tpu.memory_space<hbm>>) target(%dma_start3A_5 : memref<625x128xf32, #tpu.memory_space<vmem_shared>>) target_semaphore(%arg11 : memref<!tpu.dma_semaphore, #tpu.memory_space<semaphore_mem>>)
    %dma_start3A_8 = arith.constant 0 : i32
    %dma_start3A_9 = arith.constant 0 : i32
    %dma_start3A_10 = tpu.memref_slice %arg3[%add3A, %dma_start3A_8, %dma_start3A_9] : memref<32x100x100xi32, #tpu.memory_space<hbm>> -> memref<1x100x100xi32, #tpu.memory_space<hbm>>
    %dma_start3A_11 = tpu.memref_squeeze %dma_start3A_10 : memref<1x100x100xi32, #tpu.memory_space<hbm>> -> memref<100x100xi32, #tpu.memory_space<hbm>>
    %dma_start3A_12 = arith.constant 0 : i32
    %dma_start3A_13 = arith.constant 0 : i32
    %dma_start3A_14 = tpu.memref_slice %arg3[%add3A, %dma_start3A_12, %dma_start3A_13] : memref<32x100x100xi32, #tpu.memory_space<hbm>> -> memref<1x100x100xi32, #tpu.memory_space<hbm>>
    %dma_start3A_15 = tpu.memref_squeeze %dma_start3A_14 : memref<1x100x100xi32, #tpu.memory_space<hbm>> -> memref<100x100xi32, #tpu.memory_space<hbm>>
    tpu.enqueue_dma source(%dma_start3A_15 : memref<100x100xi32, #tpu.memory_space<hbm>>) target(%arg7 : memref<100x100xi32, #tpu.memory_space<vmem>>) target_semaphore(%arg12 : memref<!tpu.dma_semaphore, #tpu.memory_space<semaphore_mem>>)
    %dma_start3A_16 = arith.constant 0 : i32
    %dma_start3A_17 = arith.constant 0 : i32
    %dma_start3A_18 = tpu.memref_slice %arg4[%add3A, %dma_start3A_16, %dma_start3A_17] : memref<32x100x100xi32, #tpu.memory_space<hbm>> -> memref<1x100x100xi32, #tpu.memory_space<hbm>>
    %dma_start3A_19 = tpu.memref_squeeze %dma_start3A_18 : memref<1x100x100xi32, #tpu.memory_space<hbm>> -> memref<100x100xi32, #tpu.memory_space<hbm>>
    %dma_start3A_20 = arith.constant 0 : i32
    %dma_start3A_21 = arith.constant 0 : i32
    %dma_start3A_22 = tpu.memref_slice %arg4[%add3A, %dma_start3A_20, %dma_start3A_21] : memref<32x100x100xi32, #tpu.memory_space<hbm>> -> memref<1x100x100xi32, #tpu.memory_space<hbm>>
    %dma_start3A_23 = tpu.memref_squeeze %dma_start3A_22 : memref<1x100x100xi32, #tpu.memory_space<hbm>> -> memref<100x100xi32, #tpu.memory_space<hbm>>
    tpu.enqueue_dma source(%dma_start3A_23 : memref<100x100xi32, #tpu.memory_space<hbm>>) target(%arg8 : memref<100x100xi32, #tpu.memory_space<vmem>>) target_semaphore(%arg12 : memref<!tpu.dma_semaphore, #tpu.memory_space<semaphore_mem>>)
    %dma_wait3A = arith.constant 0 : i32
    %dma_wait3A_24 = tpu.memref_slice %arg13[%mul3A_4, %dma_wait3A] : memref<10000x128xf32, #tpu.memory_space<vmem_shared>> -> memref<625x128xf32, #tpu.memory_space<vmem_shared>>
    %dma_wait3A_25 = arith.constant 0 : i32
    %dma_wait3A_26 = tpu.memref_slice %arg5[%mul3A_2, %dma_wait3A_25] : memref<10000x128xf32, #tpu.memory_space<hbm>> -> memref<625x128xf32, #tpu.memory_space<hbm>>
    tpu.wait_dma2 semaphore(%arg11 : memref<!tpu.dma_semaphore, #tpu.memory_space<semaphore_mem>>) src(%dma_wait3A_26 : memref<625x128xf32, #tpu.memory_space<hbm>>) dst(%dma_wait3A_24 : memref<625x128xf32, #tpu.memory_space<vmem_shared>>)
    %dma_wait3A_27 = arith.constant 0 : i32
    %dma_wait3A_28 = arith.constant 0 : i32
    %dma_wait3A_29 = tpu.memref_slice %arg3[%add3A, %dma_wait3A_27, %dma_wait3A_28] : memref<32x100x100xi32, #tpu.memory_space<hbm>> -> memref<1x100x100xi32, #tpu.memory_space<hbm>>
    %dma_wait3A_30 = tpu.memref_squeeze %dma_wait3A_29 : memref<1x100x100xi32, #tpu.memory_space<hbm>> -> memref<100x100xi32, #tpu.memory_space<hbm>>
    %dma_wait3A_31 = arith.constant 0 : i32
    %dma_wait3A_32 = arith.constant 0 : i32
    %dma_wait3A_33 = tpu.memref_slice %arg3[%add3A, %dma_wait3A_31, %dma_wait3A_32] : memref<32x100x100xi32, #tpu.memory_space<hbm>> -> memref<1x100x100xi32, #tpu.memory_space<hbm>>
    %dma_wait3A_34 = tpu.memref_squeeze %dma_wait3A_33 : memref<1x100x100xi32, #tpu.memory_space<hbm>> -> memref<100x100xi32, #tpu.memory_space<hbm>>
    tpu.wait_dma2 semaphore(%arg12 : memref<!tpu.dma_semaphore, #tpu.memory_space<semaphore_mem>>) src(%dma_wait3A_34 : memref<100x100xi32, #tpu.memory_space<hbm>>) dst(%arg7 : memref<100x100xi32, #tpu.memory_space<vmem>>)
    %dma_wait3A_35 = arith.constant 0 : i32
    %dma_wait3A_36 = arith.constant 0 : i32
    %dma_wait3A_37 = tpu.memref_slice %arg4[%add3A, %dma_wait3A_35, %dma_wait3A_36] : memref<32x100x100xi32, #tpu.memory_space<hbm>> -> memref<1x100x100xi32, #tpu.memory_space<hbm>>
    %dma_wait3A_38 = tpu.memref_squeeze %dma_wait3A_37 : memref<1x100x100xi32, #tpu.memory_space<hbm>> -> memref<100x100xi32, #tpu.memory_space<hbm>>
    %dma_wait3A_39 = arith.constant 0 : i32
    %dma_wait3A_40 = arith.constant 0 : i32
    %dma_wait3A_41 = tpu.memref_slice %arg4[%add3A, %dma_wait3A_39, %dma_wait3A_40] : memref<32x100x100xi32, #tpu.memory_space<hbm>> -> memref<1x100x100xi32, #tpu.memory_space<hbm>>
    %dma_wait3A_42 = tpu.memref_squeeze %dma_wait3A_41 : memref<1x100x100xi32, #tpu.memory_space<hbm>> -> memref<100x100xi32, #tpu.memory_space<hbm>>
    tpu.wait_dma2 semaphore(%arg12 : memref<!tpu.dma_semaphore, #tpu.memory_space<semaphore_mem>>) src(%dma_wait3A_42 : memref<100x100xi32, #tpu.memory_space<hbm>>) dst(%arg8 : memref<100x100xi32, #tpu.memory_space<vmem>>)
    %barrier3A = arith.constant 0 : index
    tpu.barrier barrier_id(%barrier3A)
    %dma_start3A_43 = arith.constant 0 : i32
    %dma_start3A_44 = arith.constant 0 : i32
    %dma_start3A_45 = tpu.memref_slice %arg7[%dma_start3A_43, %dma_start3A_44] : memref<100x100xi32, #tpu.memory_space<vmem>> -> memref<1x100xi32, #tpu.memory_space<vmem>>
    %dma_start3A_46 = tpu.memref_squeeze %dma_start3A_45 : memref<1x100xi32, #tpu.memory_space<vmem>> -> memref<100xi32, #tpu.memory_space<vmem>>
    %dma_start3A_47 = arith.constant 0 : i32
    %dma_start3A_48 = arith.constant 0 : i32
    %dma_start3A_49 = tpu.memref_slice %arg2[%dma_start3A_47, %dma_start3A_48] : memref<10000x128xf32, #tpu.memory_space<hbm>> -> memref<10000x128xf32, #tpu.memory_space<hbm>>
    tpu.enqueue_indirect_dma source(%dma_start3A_49 : memref<10000x128xf32, #tpu.memory_space<hbm>>) target(%arg9 : memref<100x128xf32, #tpu.memory_space<vmem>>) offsets(%dma_start3A_46 : memref<100xi32, #tpu.memory_space<vmem>>) semaphore(%arg11 : memref<!tpu.dma_semaphore, #tpu.memory_space<semaphore_mem>>)
    %scan3A = arith.constant 0 : i32
    %scan3A_50 = arith.constant 50 : i32
    %scan3A_51 = arith.addi %scan3A, %scan3A_50 : i32
    %scan3A_52 = arith.constant 1 : i32
    scf.for %scan3A_66 = %scan3A to %scan3A_51 step %scan3A_52  : i32 {
      %mul3A_67 = arith.constant 2 : i32
      %mul3A_68 = arith.muli %mul3A_67, %scan3A_66 : i32
      %mul3A_69 = arith.constant 2 : i32
      %mul3A_70 = arith.muli %mul3A_69, %scan3A_66 : i32
      %add3A_71 = arith.constant 1 : i32
      %add3A_72 = arith.addi %mul3A_70, %add3A_71 : i32
      %add3A_73 = arith.constant 2 : i32
      %add3A_74 = arith.addi %mul3A_68, %add3A_73 : i32
      %rem3A = arith.constant 100 : i32
      %rem3A_75 = arith.remsi %add3A_74, %rem3A : i32
      %dma_start3A_76 = arith.constant 0 : i32
      %dma_start3A_77 = tpu.memref_slice %arg7[%add3A_72, %dma_start3A_76] : memref<100x100xi32, #tpu.memory_space<vmem>> -> memref<1x100xi32, #tpu.memory_space<vmem>>
      %dma_start3A_78 = tpu.memref_squeeze %dma_start3A_77 : memref<1x100xi32, #tpu.memory_space<vmem>> -> memref<100xi32, #tpu.memory_space<vmem>>
      %dma_start3A_79 = arith.constant 0 : i32
      %dma_start3A_80 = arith.constant 0 : i32
      %dma_start3A_81 = tpu.memref_slice %arg2[%dma_start3A_79, %dma_start3A_80] : memref<10000x128xf32, #tpu.memory_space<hbm>> -> memref<10000x128xf32, #tpu.memory_space<hbm>>
      tpu.enqueue_indirect_dma source(%dma_start3A_81 : memref<10000x128xf32, #tpu.memory_space<hbm>>) target(%arg10 : memref<100x128xf32, #tpu.memory_space<vmem>>) offsets(%dma_start3A_78 : memref<100xi32, #tpu.memory_space<vmem>>) semaphore(%arg12 : memref<!tpu.dma_semaphore, #tpu.memory_space<semaphore_mem>>)
      %dma_wait3A_82 = arith.constant 0 : i32
      %dma_wait3A_83 = tpu.memref_slice %arg7[%mul3A_68, %dma_wait3A_82] : memref<100x100xi32, #tpu.memory_space<vmem>> -> memref<1x100xi32, #tpu.memory_space<vmem>>
      %dma_wait3A_84 = tpu.memref_squeeze %dma_wait3A_83 : memref<1x100xi32, #tpu.memory_space<vmem>> -> memref<100xi32, #tpu.memory_space<vmem>>
      %dma_wait3A_85 = arith.constant 0 : i32
      %dma_wait3A_86 = arith.constant 0 : i32
      %dma_wait3A_87 = tpu.memref_slice %arg2[%dma_wait3A_85, %dma_wait3A_86] : memref<10000x128xf32, #tpu.memory_space<hbm>> -> memref<10000x128xf32, #tpu.memory_space<hbm>>
      tpu.wait_indirect_dma semaphore(%arg11 : memref<!tpu.dma_semaphore, #tpu.memory_space<semaphore_mem>>) src(%dma_wait3A_87 : memref<10000x128xf32, #tpu.memory_space<hbm>>) dst(%arg9 : memref<100x128xf32, #tpu.memory_space<vmem>>)
      "tpu.region"() ({
        %run_scoped3A = tpu.sem_alloc : memref<!tpu.dma_semaphore, #tpu.memory_space<semaphore_mem>>
        %dma_start3A_100 = arith.constant 0 : i32
        %dma_start3A_101 = tpu.memref_slice %arg8[%mul3A_68, %dma_start3A_100] : memref<100x100xi32, #tpu.memory_space<vmem>> -> memref<1x100xi32, #tpu.memory_space<vmem>>
        %dma_start3A_102 = tpu.memref_squeeze %dma_start3A_101 : memref<1x100xi32, #tpu.memory_space<vmem>> -> memref<100xi32, #tpu.memory_space<vmem>>
        %dma_start3A_103 = arith.constant 0 : i32
        %dma_start3A_104 = arith.constant 0 : i32
        %dma_start3A_105 = tpu.memref_slice %arg13[%dma_start3A_103, %dma_start3A_104] : memref<10000x128xf32, #tpu.memory_space<vmem_shared>> -> memref<10000x128xf32, #tpu.memory_space<vmem_shared>>
        tpu.enqueue_indirect_dma source(%arg9 : memref<100x128xf32, #tpu.memory_space<vmem>>) target(%dma_start3A_105 : memref<10000x128xf32, #tpu.memory_space<vmem_shared>>) offsets(%dma_start3A_102 : memref<100xi32, #tpu.memory_space<vmem>>) semaphore(%run_scoped3A : memref<!tpu.dma_semaphore, #tpu.memory_space<semaphore_mem>>) {add = true}
        %dma_wait3A_106 = arith.constant 0 : i32
        %dma_wait3A_107 = tpu.memref_slice %arg8[%mul3A_68, %dma_wait3A_106] : memref<100x100xi32, #tpu.memory_space<vmem>> -> memref<1x100xi32, #tpu.memory_space<vmem>>
        %dma_wait3A_108 = tpu.memref_squeeze %dma_wait3A_107 : memref<1x100xi32, #tpu.memory_space<vmem>> -> memref<100xi32, #tpu.memory_space<vmem>>
        %dma_wait3A_109 = arith.constant 0 : i32
        %dma_wait3A_110 = arith.constant 0 : i32
        %dma_wait3A_111 = tpu.memref_slice %arg13[%dma_wait3A_109, %dma_wait3A_110] : memref<10000x128xf32, #tpu.memory_space<vmem_shared>> -> memref<10000x128xf32, #tpu.memory_space<vmem_shared>>
        tpu.wait_indirect_dma semaphore(%run_scoped3A : memref<!tpu.dma_semaphore, #tpu.memory_space<semaphore_mem>>) src(%arg9 : memref<100x128xf32, #tpu.memory_space<vmem>>) dst(%dma_wait3A_111 : memref<10000x128xf32, #tpu.memory_space<vmem_shared>>)
        tpu.yield
      }) : () -> ()
      %dma_start3A_88 = arith.constant 0 : i32
      %dma_start3A_89 = tpu.memref_slice %arg7[%rem3A_75, %dma_start3A_88] : memref<100x100xi32, #tpu.memory_space<vmem>> -> memref<1x100xi32, #tpu.memory_space<vmem>>
      %dma_start3A_90 = tpu.memref_squeeze %dma_start3A_89 : memref<1x100xi32, #tpu.memory_space<vmem>> -> memref<100xi32, #tpu.memory_space<vmem>>
      %dma_start3A_91 = arith.constant 0 : i32
      %dma_start3A_92 = arith.constant 0 : i32
      %dma_start3A_93 = tpu.memref_slice %arg2[%dma_start3A_91, %dma_start3A_92] : memref<10000x128xf32, #tpu.memory_space<hbm>> -> memref<10000x128xf32, #tpu.memory_space<hbm>>
      tpu.enqueue_indirect_dma source(%dma_start3A_93 : memref<10000x128xf32, #tpu.memory_space<hbm>>) target(%arg9 : memref<100x128xf32, #tpu.memory_space<vmem>>) offsets(%dma_start3A_90 : memref<100xi32, #tpu.memory_space<vmem>>) semaphore(%arg11 : memref<!tpu.dma_semaphore, #tpu.memory_space<semaphore_mem>>)
      %dma_wait3A_94 = arith.constant 0 : i32
      %dma_wait3A_95 = tpu.memref_slice %arg7[%add3A_72, %dma_wait3A_94] : memref<100x100xi32, #tpu.memory_space<vmem>> -> memref<1x100xi32, #tpu.memory_space<vmem>>
      %dma_wait3A_96 = tpu.memref_squeeze %dma_wait3A_95 : memref<1x100xi32, #tpu.memory_space<vmem>> -> memref<100xi32, #tpu.memory_space<vmem>>
      %dma_wait3A_97 = arith.constant 0 : i32
      %dma_wait3A_98 = arith.constant 0 : i32
      %dma_wait3A_99 = tpu.memref_slice %arg2[%dma_wait3A_97, %dma_wait3A_98] : memref<10000x128xf32, #tpu.memory_space<hbm>> -> memref<10000x128xf32, #tpu.memory_space<hbm>>
      tpu.wait_indirect_dma semaphore(%arg12 : memref<!tpu.dma_semaphore, #tpu.memory_space<semaphore_mem>>) src(%dma_wait3A_99 : memref<10000x128xf32, #tpu.memory_space<hbm>>) dst(%arg10 : memref<100x128xf32, #tpu.memory_space<vmem>>)
      "tpu.region"() ({
        %run_scoped3A = tpu.sem_alloc : memref<!tpu.dma_semaphore, #tpu.memory_space<semaphore_mem>>
        %dma_start3A_100 = arith.constant 0 : i32
        %dma_start3A_101 = tpu.memref_slice %arg8[%add3A_72, %dma_start3A_100] : memref<100x100xi32, #tpu.memory_space<vmem>> -> memref<1x100xi32, #tpu.memory_space<vmem>>
        %dma_start3A_102 = tpu.memref_squeeze %dma_start3A_101 : memref<1x100xi32, #tpu.memory_space<vmem>> -> memref<100xi32, #tpu.memory_space<vmem>>
        %dma_start3A_103 = arith.constant 0 : i32
        %dma_start3A_104 = arith.constant 0 : i32
        %dma_start3A_105 = tpu.memref_slice %arg13[%dma_start3A_103, %dma_start3A_104] : memref<10000x128xf32, #tpu.memory_space<vmem_shared>> -> memref<10000x128xf32, #tpu.memory_space<vmem_shared>>
        tpu.enqueue_indirect_dma source(%arg10 : memref<100x128xf32, #tpu.memory_space<vmem>>) target(%dma_start3A_105 : memref<10000x128xf32, #tpu.memory_space<vmem_shared>>) offsets(%dma_start3A_102 : memref<100xi32, #tpu.memory_space<vmem>>) semaphore(%run_scoped3A : memref<!tpu.dma_semaphore, #tpu.memory_space<semaphore_mem>>) {add = true}
        %dma_wait3A_106 = arith.constant 0 : i32
        %dma_wait3A_107 = tpu.memref_slice %arg8[%add3A_72, %dma_wait3A_106] : memref<100x100xi32, #tpu.memory_space<vmem>> -> memref<1x100xi32, #tpu.memory_space<vmem>>
        %dma_wait3A_108 = tpu.memref_squeeze %dma_wait3A_107 : memref<1x100xi32, #tpu.memory_space<vmem>> -> memref<100xi32, #tpu.memory_space<vmem>>
        %dma_wait3A_109 = arith.constant 0 : i32
        %dma_wait3A_110 = arith.constant 0 : i32
        %dma_wait3A_111 = tpu.memref_slice %arg13[%dma_wait3A_109, %dma_wait3A_110] : memref<10000x128xf32, #tpu.memory_space<vmem_shared>> -> memref<10000x128xf32, #tpu.memory_space<vmem_shared>>
        tpu.wait_indirect_dma semaphore(%run_scoped3A : memref<!tpu.dma_semaphore, #tpu.memory_space<semaphore_mem>>) src(%arg10 : memref<100x128xf32, #tpu.memory_space<vmem>>) dst(%dma_wait3A_111 : memref<10000x128xf32, #tpu.memory_space<vmem_shared>>)
        tpu.yield
      }) : () -> ()
    }
    %scan3A_53 = arith.constant 50 : i32
    %dma_wait3A_54 = arith.constant 0 : i32
    %dma_wait3A_55 = arith.constant 0 : i32
    %dma_wait3A_56 = tpu.memref_slice %arg7[%dma_wait3A_54, %dma_wait3A_55] : memref<100x100xi32, #tpu.memory_space<vmem>> -> memref<1x100xi32, #tpu.memory_space<vmem>>
    %dma_wait3A_57 = tpu.memref_squeeze %dma_wait3A_56 : memref<1x100xi32, #tpu.memory_space<vmem>> -> memref<100xi32, #tpu.memory_space<vmem>>
    %dma_wait3A_58 = arith.constant 0 : i32
    %dma_wait3A_59 = arith.constant 0 : i32
    %dma_wait3A_60 = tpu.memref_slice %arg2[%dma_wait3A_58, %dma_wait3A_59] : memref<10000x128xf32, #tpu.memory_space<hbm>> -> memref<10000x128xf32, #tpu.memory_space<hbm>>
    tpu.wait_indirect_dma semaphore(%arg11 : memref<!tpu.dma_semaphore, #tpu.memory_space<semaphore_mem>>) src(%dma_wait3A_60 : memref<10000x128xf32, #tpu.memory_space<hbm>>) dst(%arg9 : memref<100x128xf32, #tpu.memory_space<vmem>>)
    %barrier3A_61 = arith.constant 0 : index
    tpu.barrier barrier_id(%barrier3A_61)
    %mul3A_62 = arith.constant 625 : i32
    %mul3A_63 = arith.muli %arg1, %mul3A_62 : i32
    %mul3A_64 = arith.constant 625 : i32
    %mul3A_65 = arith.muli %arg1, %mul3A_64 : i32
    "tpu.region"() ({
      %run_scoped3A = tpu.sem_alloc : memref<!tpu.dma_semaphore, #tpu.memory_space<semaphore_mem>>
      %dma_start3A_66 = arith.constant 0 : i32
      %dma_start3A_67 = tpu.memref_slice %arg6[%arg0, %mul3A_65, %dma_start3A_66] : memref<2x10000x128xf32, #tpu.memory_space<hbm>> -> memref<1x625x128xf32, #tpu.memory_space<hbm>>
      %dma_start3A_68 = tpu.memref_squeeze %dma_start3A_67 : memref<1x625x128xf32, #tpu.memory_space<hbm>> -> memref<625x128xf32, #tpu.memory_space<hbm>>
      %dma_start3A_69 = arith.constant 0 : i32
      %dma_start3A_70 = tpu.memref_slice %arg13[%mul3A_63, %dma_start3A_69] : memref<10000x128xf32, #tpu.memory_space<vmem_shared>> -> memref<625x128xf32, #tpu.memory_space<vmem_shared>>
      tpu.enqueue_dma source(%dma_start3A_70 : memref<625x128xf32, #tpu.memory_space<vmem_shared>>) target(%dma_start3A_68 : memref<625x128xf32, #tpu.memory_space<hbm>>) target_semaphore(%run_scoped3A : memref<!tpu.dma_semaphore, #tpu.memory_space<semaphore_mem>>)
      %dma_wait3A_71 = arith.constant 0 : i32
      %dma_wait3A_72 = tpu.memref_slice %arg6[%arg0, %mul3A_65, %dma_wait3A_71] : memref<2x10000x128xf32, #tpu.memory_space<hbm>> -> memref<1x625x128xf32, #tpu.memory_space<hbm>>
      %dma_wait3A_73 = tpu.memref_squeeze %dma_wait3A_72 : memref<1x625x128xf32, #tpu.memory_space<hbm>> -> memref<625x128xf32, #tpu.memory_space<hbm>>
      %dma_wait3A_74 = arith.constant 0 : i32
      %dma_wait3A_75 = tpu.memref_slice %arg13[%mul3A_63, %dma_wait3A_74] : memref<10000x128xf32, #tpu.memory_space<vmem_shared>> -> memref<625x128xf32, #tpu.memory_space<vmem_shared>>
      tpu.wait_dma2 semaphore(%run_scoped3A : memref<!tpu.dma_semaphore, #tpu.memory_space<semaphore_mem>>) src(%dma_wait3A_75 : memref<625x128xf32, #tpu.memory_space<vmem_shared>>) dst(%dma_wait3A_73 : memref<625x128xf32, #tpu.memory_space<hbm>>)
      tpu.yield
    }) : () -> ()
    return
  }
}

#map = affine_map<(d0, d1) -> (0, 0)>
#map1 = affine_map<(d0, d1) -> (0, 0, 0)>
module attributes {stable_mosaic.version = 14 : i64} {
  func.func @agg_kernel(%arg0: i32, %arg1: i32, %arg2: memref<10000x128xf32, #tpu.memory_space<hbm>>, %arg3: memref<32x100x100xi32, #tpu.memory_space<hbm>>, %arg4: memref<32x100x100xi32, #tpu.memory_space<hbm>>, %arg5: memref<10000x128xf32, #tpu.memory_space<hbm>>, %arg6: memref<2x10000x128xf32, #tpu.memory_space<hbm>>, %arg7: memref<100x100xi32, #tpu.memory_space<vmem>>, %arg8: memref<100x100xi32, #tpu.memory_space<vmem>>, %arg9: memref<100x128xf32, #tpu.memory_space<vmem>>, %arg10: memref<100x128xf32, #tpu.memory_space<vmem>>, %arg11: memref<!tpu.dma_semaphore, #tpu.memory_space<semaphore_mem>>, %arg12: memref<!tpu.dma_semaphore, #tpu.memory_space<semaphore_mem>>, %arg13: memref<10000x128xf32, #tpu.memory_space<vmem_shared>>) attributes {dimension_semantics = [#tpu.dimension_semantics<core_parallel>, #tpu.dimension_semantics<subcore_parallel>], iteration_bounds = array<i64: 2, 16>, scalar_prefetch = 0 : i64, scratch_operands = 7 : i64, tpu.core_type = #tpu.core_type<sc_vector_subcore>, window_params = [{transform_indices = #map}, {transform_indices = #map1}, {transform_indices = #map1}, {transform_indices = #map}, {transform_indices = #map1}]} {
    %mul3A = arith.constant 2 : i32
    %mul3A_0 = arith.muli %arg1, %mul3A : i32
    %add3A = arith.addi %mul3A_0, %arg0 : i32
    %mul3A_1 = arith.constant 625 : i32
    %mul3A_2 = arith.muli %arg1, %mul3A_1 : i32
    %mul3A_3 = arith.constant 625 : i32
    %mul3A_4 = arith.muli %arg1, %mul3A_3 : i32
    %dma_start3A = arith.constant 0 : i32
    %dma_start3A_5 = tpu.memref_slice %arg13[%mul3A_4, %dma_start3A] : memref<10000x128xf32, #tpu.memory_space<vmem_shared>> -> memref<625x128xf32, #tpu.memory_space<vmem_shared>>
    %dma_start3A_6 = arith.constant 0 : i32
    %dma_start3A_7 = tpu.memref_slice %arg5[%mul3A_2, %dma_start3A_6] : memref<10000x128xf32, #tpu.memory_space<hbm>> -> memref<625x128xf32, #tpu.memory_space<hbm>>
    tpu.enqueue_dma source(%dma_start3A_7 : memref<625x128xf32, #tpu.memory_space<hbm>>) target(%dma_start3A_5 : memref<625x128xf32, #tpu.memory_space<vmem_shared>>) target_semaphore(%arg11 : memref<!tpu.dma_semaphore, #tpu.memory_space<semaphore_mem>>)
    %dma_start3A_8 = arith.constant 0 : i32
    %dma_start3A_9 = arith.constant 0 : i32
    %dma_start3A_10 = tpu.memref_slice %arg3[%add3A, %dma_start3A_8, %dma_start3A_9] : memref<32x100x100xi32, #tpu.memory_space<hbm>> -> memref<1x100x100xi32, #tpu.memory_space<hbm>>
    %dma_start3A_11 = tpu.memref_squeeze %dma_start3A_10 : memref<1x100x100xi32, #tpu.memory_space<hbm>> -> memref<100x100xi32, #tpu.memory_space<hbm>>
    %dma_start3A_12 = arith.constant 0 : i32
    %dma_start3A_13 = arith.constant 0 : i32
    %dma_start3A_14 = tpu.memref_slice %arg3[%add3A, %dma_start3A_12, %dma_start3A_13] : memref<32x100x100xi32, #tpu.memory_space<hbm>> -> memref<1x100x100xi32, #tpu.memory_space<hbm>>
    %dma_start3A_15 = tpu.memref_squeeze %dma_start3A_14 : memref<1x100x100xi32, #tpu.memory_space<hbm>> -> memref<100x100xi32, #tpu.memory_space<hbm>>
    tpu.enqueue_dma source(%dma_start3A_15 : memref<100x100xi32, #tpu.memory_space<hbm>>) target(%arg7 : memref<100x100xi32, #tpu.memory_space<vmem>>) target_semaphore(%arg12 : memref<!tpu.dma_semaphore, #tpu.memory_space<semaphore_mem>>)
    %dma_start3A_16 = arith.constant 0 : i32
    %dma_start3A_17 = arith.constant 0 : i32
    %dma_start3A_18 = tpu.memref_slice %arg4[%add3A, %dma_start3A_16, %dma_start3A_17] : memref<32x100x100xi32, #tpu.memory_space<hbm>> -> memref<1x100x100xi32, #tpu.memory_space<hbm>>
    %dma_start3A_19 = tpu.memref_squeeze %dma_start3A_18 : memref<1x100x100xi32, #tpu.memory_space<hbm>> -> memref<100x100xi32, #tpu.memory_space<hbm>>
    %dma_start3A_20 = arith.constant 0 : i32
    %dma_start3A_21 = arith.constant 0 : i32
    %dma_start3A_22 = tpu.memref_slice %arg4[%add3A, %dma_start3A_20, %dma_start3A_21] : memref<32x100x100xi32, #tpu.memory_space<hbm>> -> memref<1x100x100xi32, #tpu.memory_space<hbm>>
    %dma_start3A_23 = tpu.memref_squeeze %dma_start3A_22 : memref<1x100x100xi32, #tpu.memory_space<hbm>> -> memref<100x100xi32, #tpu.memory_space<hbm>>
    tpu.enqueue_dma source(%dma_start3A_23 : memref<100x100xi32, #tpu.memory_space<hbm>>) target(%arg8 : memref<100x100xi32, #tpu.memory_space<vmem>>) target_semaphore(%arg12 : memref<!tpu.dma_semaphore, #tpu.memory_space<semaphore_mem>>)
    %dma_wait3A = arith.constant 0 : i32
    %dma_wait3A_24 = tpu.memref_slice %arg13[%mul3A_4, %dma_wait3A] : memref<10000x128xf32, #tpu.memory_space<vmem_shared>> -> memref<625x128xf32, #tpu.memory_space<vmem_shared>>
    %dma_wait3A_25 = arith.constant 0 : i32
    %dma_wait3A_26 = tpu.memref_slice %arg5[%mul3A_2, %dma_wait3A_25] : memref<10000x128xf32, #tpu.memory_space<hbm>> -> memref<625x128xf32, #tpu.memory_space<hbm>>
    tpu.wait_dma2 semaphore(%arg11 : memref<!tpu.dma_semaphore, #tpu.memory_space<semaphore_mem>>) src(%dma_wait3A_26 : memref<625x128xf32, #tpu.memory_space<hbm>>) dst(%dma_wait3A_24 : memref<625x128xf32, #tpu.memory_space<vmem_shared>>)
    %dma_wait3A_27 = arith.constant 0 : i32
    %dma_wait3A_28 = arith.constant 0 : i32
    %dma_wait3A_29 = tpu.memref_slice %arg3[%add3A, %dma_wait3A_27, %dma_wait3A_28] : memref<32x100x100xi32, #tpu.memory_space<hbm>> -> memref<1x100x100xi32, #tpu.memory_space<hbm>>
    %dma_wait3A_30 = tpu.memref_squeeze %dma_wait3A_29 : memref<1x100x100xi32, #tpu.memory_space<hbm>> -> memref<100x100xi32, #tpu.memory_space<hbm>>
    %dma_wait3A_31 = arith.constant 0 : i32
    %dma_wait3A_32 = arith.constant 0 : i32
    %dma_wait3A_33 = tpu.memref_slice %arg3[%add3A, %dma_wait3A_31, %dma_wait3A_32] : memref<32x100x100xi32, #tpu.memory_space<hbm>> -> memref<1x100x100xi32, #tpu.memory_space<hbm>>
    %dma_wait3A_34 = tpu.memref_squeeze %dma_wait3A_33 : memref<1x100x100xi32, #tpu.memory_space<hbm>> -> memref<100x100xi32, #tpu.memory_space<hbm>>
    tpu.wait_dma2 semaphore(%arg12 : memref<!tpu.dma_semaphore, #tpu.memory_space<semaphore_mem>>) src(%dma_wait3A_34 : memref<100x100xi32, #tpu.memory_space<hbm>>) dst(%arg7 : memref<100x100xi32, #tpu.memory_space<vmem>>)
    %dma_wait3A_35 = arith.constant 0 : i32
    %dma_wait3A_36 = arith.constant 0 : i32
    %dma_wait3A_37 = tpu.memref_slice %arg4[%add3A, %dma_wait3A_35, %dma_wait3A_36] : memref<32x100x100xi32, #tpu.memory_space<hbm>> -> memref<1x100x100xi32, #tpu.memory_space<hbm>>
    %dma_wait3A_38 = tpu.memref_squeeze %dma_wait3A_37 : memref<1x100x100xi32, #tpu.memory_space<hbm>> -> memref<100x100xi32, #tpu.memory_space<hbm>>
    %dma_wait3A_39 = arith.constant 0 : i32
    %dma_wait3A_40 = arith.constant 0 : i32
    %dma_wait3A_41 = tpu.memref_slice %arg4[%add3A, %dma_wait3A_39, %dma_wait3A_40] : memref<32x100x100xi32, #tpu.memory_space<hbm>> -> memref<1x100x100xi32, #tpu.memory_space<hbm>>
    %dma_wait3A_42 = tpu.memref_squeeze %dma_wait3A_41 : memref<1x100x100xi32, #tpu.memory_space<hbm>> -> memref<100x100xi32, #tpu.memory_space<hbm>>
    tpu.wait_dma2 semaphore(%arg12 : memref<!tpu.dma_semaphore, #tpu.memory_space<semaphore_mem>>) src(%dma_wait3A_42 : memref<100x100xi32, #tpu.memory_space<hbm>>) dst(%arg8 : memref<100x100xi32, #tpu.memory_space<vmem>>)
    %barrier3A = arith.constant 0 : index
    tpu.barrier barrier_id(%barrier3A)
    %dma_start3A_43 = arith.constant 0 : i32
    %dma_start3A_44 = arith.constant 0 : i32
    %dma_start3A_45 = tpu.memref_slice %arg7[%dma_start3A_43, %dma_start3A_44] : memref<100x100xi32, #tpu.memory_space<vmem>> -> memref<1x100xi32, #tpu.memory_space<vmem>>
    %dma_start3A_46 = tpu.memref_squeeze %dma_start3A_45 : memref<1x100xi32, #tpu.memory_space<vmem>> -> memref<100xi32, #tpu.memory_space<vmem>>
    %dma_start3A_47 = arith.constant 0 : i32
    %dma_start3A_48 = arith.constant 0 : i32
    %dma_start3A_49 = tpu.memref_slice %arg2[%dma_start3A_47, %dma_start3A_48] : memref<10000x128xf32, #tpu.memory_space<hbm>> -> memref<10000x128xf32, #tpu.memory_space<hbm>>
    tpu.enqueue_indirect_dma source(%dma_start3A_49 : memref<10000x128xf32, #tpu.memory_space<hbm>>) target(%arg9 : memref<100x128xf32, #tpu.memory_space<vmem>>) offsets(%dma_start3A_46 : memref<100xi32, #tpu.memory_space<vmem>>) semaphore(%arg11 : memref<!tpu.dma_semaphore, #tpu.memory_space<semaphore_mem>>)
    %scan3A = arith.constant 0 : i32
    %scan3A_50 = arith.constant 50 : i32
    %scan3A_51 = arith.addi %scan3A, %scan3A_50 : i32
    %scan3A_52 = arith.constant 1 : i32
    scf.for %scan3A_66 = %scan3A to %scan3A_51 step %scan3A_52  : i32 {
      %mul3A_67 = arith.constant 2 : i32
      %mul3A_68 = arith.muli %mul3A_67, %scan3A_66 : i32
      %mul3A_69 = arith.constant 2 : i32
      %mul3A_70 = arith.muli %mul3A_69, %scan3A_66 : i32
      %add3A_71 = arith.constant 1 : i32
      %add3A_72 = arith.addi %mul3A_70, %add3A_71 : i32
      %add3A_73 = arith.constant 2 : i32
      %add3A_74 = arith.addi %mul3A_68, %add3A_73 : i32
      %rem3A = arith.constant 100 : i32
      %rem3A_75 = arith.remsi %add3A_74, %rem3A : i32
      %dma_start3A_76 = arith.constant 0 : i32
      %dma_start3A_77 = tpu.memref_slice %arg7[%add3A_72, %dma_start3A_76] : memref<100x100xi32, #tpu.memory_space<vmem>> -> memref<1x100xi32, #tpu.memory_space<vmem>>
      %dma_start3A_78 = tpu.memref_squeeze %dma_start3A_77 : memref<1x100xi32, #tpu.memory_space<vmem>> -> memref<100xi32, #tpu.memory_space<vmem>>
      %dma_start3A_79 = arith.constant 0 : i32
      %dma_start3A_80 = arith.constant 0 : i32
      %dma_start3A_81 = tpu.memref_slice %arg2[%dma_start3A_79, %dma_start3A_80] : memref<10000x128xf32, #tpu.memory_space<hbm>> -> memref<10000x128xf32, #tpu.memory_space<hbm>>
      tpu.enqueue_indirect_dma source(%dma_start3A_81 : memref<10000x128xf32, #tpu.memory_space<hbm>>) target(%arg10 : memref<100x128xf32, #tpu.memory_space<vmem>>) offsets(%dma_start3A_78 : memref<100xi32, #tpu.memory_space<vmem>>) semaphore(%arg12 : memref<!tpu.dma_semaphore, #tpu.memory_space<semaphore_mem>>)
      %dma_wait3A_82 = arith.constant 0 : i32
      %dma_wait3A_83 = tpu.memref_slice %arg7[%mul3A_68, %dma_wait3A_82] : memref<100x100xi32, #tpu.memory_space<vmem>> -> memref<1x100xi32, #tpu.memory_space<vmem>>
      %dma_wait3A_84 = tpu.memref_squeeze %dma_wait3A_83 : memref<1x100xi32, #tpu.memory_space<vmem>> -> memref<100xi32, #tpu.memory_space<vmem>>
      %dma_wait3A_85 = arith.constant 0 : i32
      %dma_wait3A_86 = arith.constant 0 : i32
      %dma_wait3A_87 = tpu.memref_slice %arg2[%dma_wait3A_85, %dma_wait3A_86] : memref<10000x128xf32, #tpu.memory_space<hbm>> -> memref<10000x128xf32, #tpu.memory_space<hbm>>
      tpu.wait_indirect_dma semaphore(%arg11 : memref<!tpu.dma_semaphore, #tpu.memory_space<semaphore_mem>>) src(%dma_wait3A_87 : memref<10000x128xf32, #tpu.memory_space<hbm>>) dst(%arg9 : memref<100x128xf32, #tpu.memory_space<vmem>>)
      "tpu.region"() ({
        %run_scoped3A = tpu.sem_alloc : memref<!tpu.dma_semaphore, #tpu.memory_space<semaphore_mem>>
        %dma_start3A_100 = arith.constant 0 : i32
        %dma_start3A_101 = tpu.memref_slice %arg8[%mul3A_68, %dma_start3A_100] : memref<100x100xi32, #tpu.memory_space<vmem>> -> memref<1x100xi32, #tpu.memory_space<vmem>>
        %dma_start3A_102 = tpu.memref_squeeze %dma_start3A_101 : memref<1x100xi32, #tpu.memory_space<vmem>> -> memref<100xi32, #tpu.memory_space<vmem>>
        %dma_start3A_103 = arith.constant 0 : i32
        %dma_start3A_104 = arith.constant 0 : i32
        %dma_start3A_105 = tpu.memref_slice %arg13[%dma_start3A_103, %dma_start3A_104] : memref<10000x128xf32, #tpu.memory_space<vmem_shared>> -> memref<10000x128xf32, #tpu.memory_space<vmem_shared>>
        tpu.enqueue_indirect_dma source(%arg9 : memref<100x128xf32, #tpu.memory_space<vmem>>) target(%dma_start3A_105 : memref<10000x128xf32, #tpu.memory_space<vmem_shared>>) offsets(%dma_start3A_102 : memref<100xi32, #tpu.memory_space<vmem>>) semaphore(%run_scoped3A : memref<!tpu.dma_semaphore, #tpu.memory_space<semaphore_mem>>) {add = true}
        %dma_wait3A_106 = arith.constant 0 : i32
        %dma_wait3A_107 = tpu.memref_slice %arg8[%mul3A_68, %dma_wait3A_106] : memref<100x100xi32, #tpu.memory_space<vmem>> -> memref<1x100xi32, #tpu.memory_space<vmem>>
        %dma_wait3A_108 = tpu.memref_squeeze %dma_wait3A_107 : memref<1x100xi32, #tpu.memory_space<vmem>> -> memref<100xi32, #tpu.memory_space<vmem>>
        %dma_wait3A_109 = arith.constant 0 : i32
        %dma_wait3A_110 = arith.constant 0 : i32
        %dma_wait3A_111 = tpu.memref_slice %arg13[%dma_wait3A_109, %dma_wait3A_110] : memref<10000x128xf32, #tpu.memory_space<vmem_shared>> -> memref<10000x128xf32, #tpu.memory_space<vmem_shared>>
        tpu.wait_indirect_dma semaphore(%run_scoped3A : memref<!tpu.dma_semaphore, #tpu.memory_space<semaphore_mem>>) src(%arg9 : memref<100x128xf32, #tpu.memory_space<vmem>>) dst(%dma_wait3A_111 : memref<10000x128xf32, #tpu.memory_space<vmem_shared>>)
        tpu.yield
      }) : () -> ()
      %dma_start3A_88 = arith.constant 0 : i32
      %dma_start3A_89 = tpu.memref_slice %arg7[%rem3A_75, %dma_start3A_88] : memref<100x100xi32, #tpu.memory_space<vmem>> -> memref<1x100xi32, #tpu.memory_space<vmem>>
      %dma_start3A_90 = tpu.memref_squeeze %dma_start3A_89 : memref<1x100xi32, #tpu.memory_space<vmem>> -> memref<100xi32, #tpu.memory_space<vmem>>
      %dma_start3A_91 = arith.constant 0 : i32
      %dma_start3A_92 = arith.constant 0 : i32
      %dma_start3A_93 = tpu.memref_slice %arg2[%dma_start3A_91, %dma_start3A_92] : memref<10000x128xf32, #tpu.memory_space<hbm>> -> memref<10000x128xf32, #tpu.memory_space<hbm>>
      tpu.enqueue_indirect_dma source(%dma_start3A_93 : memref<10000x128xf32, #tpu.memory_space<hbm>>) target(%arg9 : memref<100x128xf32, #tpu.memory_space<vmem>>) offsets(%dma_start3A_90 : memref<100xi32, #tpu.memory_space<vmem>>) semaphore(%arg11 : memref<!tpu.dma_semaphore, #tpu.memory_space<semaphore_mem>>)
      %dma_wait3A_94 = arith.constant 0 : i32
      %dma_wait3A_95 = tpu.memref_slice %arg7[%add3A_72, %dma_wait3A_94] : memref<100x100xi32, #tpu.memory_space<vmem>> -> memref<1x100xi32, #tpu.memory_space<vmem>>
      %dma_wait3A_96 = tpu.memref_squeeze %dma_wait3A_95 : memref<1x100xi32, #tpu.memory_space<vmem>> -> memref<100xi32, #tpu.memory_space<vmem>>
      %dma_wait3A_97 = arith.constant 0 : i32
      %dma_wait3A_98 = arith.constant 0 : i32
      %dma_wait3A_99 = tpu.memref_slice %arg2[%dma_wait3A_97, %dma_wait3A_98] : memref<10000x128xf32, #tpu.memory_space<hbm>> -> memref<10000x128xf32, #tpu.memory_space<hbm>>
      tpu.wait_indirect_dma semaphore(%arg12 : memref<!tpu.dma_semaphore, #tpu.memory_space<semaphore_mem>>) src(%dma_wait3A_99 : memref<10000x128xf32, #tpu.memory_space<hbm>>) dst(%arg10 : memref<100x128xf32, #tpu.memory_space<vmem>>)
      "tpu.region"() ({
        %run_scoped3A = tpu.sem_alloc : memref<!tpu.dma_semaphore, #tpu.memory_space<semaphore_mem>>
        %dma_start3A_100 = arith.constant 0 : i32
        %dma_start3A_101 = tpu.memref_slice %arg8[%add3A_72, %dma_start3A_100] : memref<100x100xi32, #tpu.memory_space<vmem>> -> memref<1x100xi32, #tpu.memory_space<vmem>>
        %dma_start3A_102 = tpu.memref_squeeze %dma_start3A_101 : memref<1x100xi32, #tpu.memory_space<vmem>> -> memref<100xi32, #tpu.memory_space<vmem>>
        %dma_start3A_103 = arith.constant 0 : i32
        %dma_start3A_104 = arith.constant 0 : i32
        %dma_start3A_105 = tpu.memref_slice %arg13[%dma_start3A_103, %dma_start3A_104] : memref<10000x128xf32, #tpu.memory_space<vmem_shared>> -> memref<10000x128xf32, #tpu.memory_space<vmem_shared>>
        tpu.enqueue_indirect_dma source(%arg10 : memref<100x128xf32, #tpu.memory_space<vmem>>) target(%dma_start3A_105 : memref<10000x128xf32, #tpu.memory_space<vmem_shared>>) offsets(%dma_start3A_102 : memref<100xi32, #tpu.memory_space<vmem>>) semaphore(%run_scoped3A : memref<!tpu.dma_semaphore, #tpu.memory_space<semaphore_mem>>) {add = true}
        %dma_wait3A_106 = arith.constant 0 : i32
        %dma_wait3A_107 = tpu.memref_slice %arg8[%add3A_72, %dma_wait3A_106] : memref<100x100xi32, #tpu.memory_space<vmem>> -> memref<1x100xi32, #tpu.memory_space<vmem>>
        %dma_wait3A_108 = tpu.memref_squeeze %dma_wait3A_107 : memref<1x100xi32, #tpu.memory_space<vmem>> -> memref<100xi32, #tpu.memory_space<vmem>>
        %dma_wait3A_109 = arith.constant 0 : i32
        %dma_wait3A_110 = arith.constant 0 : i32
        %dma_wait3A_111 = tpu.memref_slice %arg13[%dma_wait3A_109, %dma_wait3A_110] : memref<10000x128xf32, #tpu.memory_space<vmem_shared>> -> memref<10000x128xf32, #tpu.memory_space<vmem_shared>>
        tpu.wait_indirect_dma semaphore(%run_scoped3A : memref<!tpu.dma_semaphore, #tpu.memory_space<semaphore_mem>>) src(%arg10 : memref<100x128xf32, #tpu.memory_space<vmem>>) dst(%dma_wait3A_111 : memref<10000x128xf32, #tpu.memory_space<vmem_shared>>)
        tpu.yield
      }) : () -> ()
    }
    %scan3A_53 = arith.constant 50 : i32
    %dma_wait3A_54 = arith.constant 0 : i32
    %dma_wait3A_55 = arith.constant 0 : i32
    %dma_wait3A_56 = tpu.memref_slice %arg7[%dma_wait3A_54, %dma_wait3A_55] : memref<100x100xi32, #tpu.memory_space<vmem>> -> memref<1x100xi32, #tpu.memory_space<vmem>>
    %dma_wait3A_57 = tpu.memref_squeeze %dma_wait3A_56 : memref<1x100xi32, #tpu.memory_space<vmem>> -> memref<100xi32, #tpu.memory_space<vmem>>
    %dma_wait3A_58 = arith.constant 0 : i32
    %dma_wait3A_59 = arith.constant 0 : i32
    %dma_wait3A_60 = tpu.memref_slice %arg2[%dma_wait3A_58, %dma_wait3A_59] : memref<10000x128xf32, #tpu.memory_space<hbm>> -> memref<10000x128xf32, #tpu.memory_space<hbm>>
    tpu.wait_indirect_dma semaphore(%arg11 : memref<!tpu.dma_semaphore, #tpu.memory_space<semaphore_mem>>) src(%dma_wait3A_60 : memref<10000x128xf32, #tpu.memory_space<hbm>>) dst(%arg9 : memref<100x128xf32, #tpu.memory_space<vmem>>)
    %barrier3A_61 = arith.constant 0 : index
    tpu.barrier barrier_id(%barrier3A_61)
    %mul3A_62 = arith.constant 625 : i32
    %mul3A_63 = arith.muli %arg1, %mul3A_62 : i32
    %mul3A_64 = arith.constant 625 : i32
    %mul3A_65 = arith.muli %arg1, %mul3A_64 : i32
    "tpu.region"() ({
      %run_scoped3A = tpu.sem_alloc : memref<!tpu.dma_semaphore, #tpu.memory_space<semaphore_mem>>
      %dma_start3A_66 = arith.constant 0 : i32
      %dma_start3A_67 = tpu.memref_slice %arg6[%arg0, %mul3A_65, %dma_start3A_66] : memref<2x10000x128xf32, #tpu.memory_space<hbm>> -> memref<1x625x128xf32, #tpu.memory_space<hbm>>
      %dma_start3A_68 = tpu.memref_squeeze %dma_start3A_67 : memref<1x625x128xf32, #tpu.memory_space<hbm>> -> memref<625x128xf32, #tpu.memory_space<hbm>>
      %dma_start3A_69 = arith.constant 0 : i32
      %dma_start3A_70 = tpu.memref_slice %arg13[%mul3A_63, %dma_start3A_69] : memref<10000x128xf32, #tpu.memory_space<vmem_shared>> -> memref<625x128xf32, #tpu.memory_space<vmem_shared>>
      tpu.enqueue_dma source(%dma_start3A_70 : memref<625x128xf32, #tpu.memory_space<vmem_shared>>) target(%dma_start3A_68 : memref<625x128xf32, #tpu.memory_space<hbm>>) target_semaphore(%run_scoped3A : memref<!tpu.dma_semaphore, #tpu.memory_space<semaphore_mem>>)
      %dma_wait3A_71 = arith.constant 0 : i32
      %dma_wait3A_72 = tpu.memref_slice %arg6[%arg0, %mul3A_65, %dma_wait3A_71] : memref<2x10000x128xf32, #tpu.memory_space<hbm>> -> memref<1x625x128xf32, #tpu.memory_space<hbm>>
      %dma_wait3A_73 = tpu.memref_squeeze %dma_wait3A_72 : memref<1x625x128xf32, #tpu.memory_space<hbm>> -> memref<625x128xf32, #tpu.memory_space<hbm>>
      %dma_wait3A_74 = arith.constant 0 : i32
      %dma_wait3A_75 = tpu.memref_slice %arg13[%mul3A_63, %dma_wait3A_74] : memref<10000x128xf32, #tpu.memory_space<vmem_shared>> -> memref<625x128xf32, #tpu.memory_space<vmem_shared>>
      tpu.wait_dma2 semaphore(%run_scoped3A : memref<!tpu.dma_semaphore, #tpu.memory_space<semaphore_mem>>) src(%dma_wait3A_75 : memref<625x128xf32, #tpu.memory_space<vmem_shared>>) dst(%dma_wait3A_73 : memref<625x128xf32, #tpu.memory_space<hbm>>)
      tpu.yield
    }) : () -> ()
    return
  }
}

#map = affine_map<(d0, d1) -> (0, 0)>
#map1 = affine_map<(d0, d1) -> (0, 0, 0)>
module attributes {stable_mosaic.version = 14 : i64} {
  func.func @agg_kernel(%arg0: i32, %arg1: i32, %arg2: memref<10000x128xf32, #tpu.memory_space<hbm>>, %arg3: memref<32x100x100xi32, #tpu.memory_space<hbm>>, %arg4: memref<32x100x100xi32, #tpu.memory_space<hbm>>, %arg5: memref<10000x128xf32, #tpu.memory_space<hbm>>, %arg6: memref<2x10000x128xf32, #tpu.memory_space<hbm>>, %arg7: memref<100x100xi32, #tpu.memory_space<vmem>>, %arg8: memref<100x100xi32, #tpu.memory_space<vmem>>, %arg9: memref<100x128xf32, #tpu.memory_space<vmem>>, %arg10: memref<100x128xf32, #tpu.memory_space<vmem>>, %arg11: memref<!tpu.dma_semaphore, #tpu.memory_space<semaphore_mem>>, %arg12: memref<!tpu.dma_semaphore, #tpu.memory_space<semaphore_mem>>, %arg13: memref<10000x128xf32, #tpu.memory_space<vmem_shared>>) attributes {dimension_semantics = [#tpu.dimension_semantics<core_parallel>, #tpu.dimension_semantics<subcore_parallel>], iteration_bounds = array<i64: 2, 16>, scalar_prefetch = 0 : i64, scratch_operands = 7 : i64, tpu.core_type = #tpu.core_type<sc_vector_subcore>, window_params = [{transform_indices = #map}, {transform_indices = #map1}, {transform_indices = #map1}, {transform_indices = #map}, {transform_indices = #map1}]} {
    %mul3A = arith.constant 2 : i32
    %mul3A_0 = arith.muli %arg1, %mul3A : i32
    %add3A = arith.addi %mul3A_0, %arg0 : i32
    %mul3A_1 = arith.constant 625 : i32
    %mul3A_2 = arith.muli %arg1, %mul3A_1 : i32
    %mul3A_3 = arith.constant 625 : i32
    %mul3A_4 = arith.muli %arg1, %mul3A_3 : i32
    %dma_start3A = arith.constant 0 : i32
    %dma_start3A_5 = tpu.memref_slice %arg13[%mul3A_4, %dma_start3A] : memref<10000x128xf32, #tpu.memory_space<vmem_shared>> -> memref<625x128xf32, #tpu.memory_space<vmem_shared>>
    %dma_start3A_6 = arith.constant 0 : i32
    %dma_start3A_7 = tpu.memref_slice %arg5[%mul3A_2, %dma_start3A_6] : memref<10000x128xf32, #tpu.memory_space<hbm>> -> memref<625x128xf32, #tpu.memory_space<hbm>>
    tpu.enqueue_dma source(%dma_start3A_7 : memref<625x128xf32, #tpu.memory_space<hbm>>) target(%dma_start3A_5 : memref<625x128xf32, #tpu.memory_space<vmem_shared>>) target_semaphore(%arg11 : memref<!tpu.dma_semaphore, #tpu.memory_space<semaphore_mem>>)
    %dma_start3A_8 = arith.constant 0 : i32
    %dma_start3A_9 = arith.constant 0 : i32
    %dma_start3A_10 = tpu.memref_slice %arg3[%add3A, %dma_start3A_8, %dma_start3A_9] : memref<32x100x100xi32, #tpu.memory_space<hbm>> -> memref<1x100x100xi32, #tpu.memory_space<hbm>>
    %dma_start3A_11 = tpu.memref_squeeze %dma_start3A_10 : memref<1x100x100xi32, #tpu.memory_space<hbm>> -> memref<100x100xi32, #tpu.memory_space<hbm>>
    %dma_start3A_12 = arith.constant 0 : i32
    %dma_start3A_13 = arith.constant 0 : i32
    %dma_start3A_14 = tpu.memref_slice %arg3[%add3A, %dma_start3A_12, %dma_start3A_13] : memref<32x100x100xi32, #tpu.memory_space<hbm>> -> memref<1x100x100xi32, #tpu.memory_space<hbm>>
    %dma_start3A_15 = tpu.memref_squeeze %dma_start3A_14 : memref<1x100x100xi32, #tpu.memory_space<hbm>> -> memref<100x100xi32, #tpu.memory_space<hbm>>
    tpu.enqueue_dma source(%dma_start3A_15 : memref<100x100xi32, #tpu.memory_space<hbm>>) target(%arg7 : memref<100x100xi32, #tpu.memory_space<vmem>>) target_semaphore(%arg12 : memref<!tpu.dma_semaphore, #tpu.memory_space<semaphore_mem>>)
    %dma_start3A_16 = arith.constant 0 : i32
    %dma_start3A_17 = arith.constant 0 : i32
    %dma_start3A_18 = tpu.memref_slice %arg4[%add3A, %dma_start3A_16, %dma_start3A_17] : memref<32x100x100xi32, #tpu.memory_space<hbm>> -> memref<1x100x100xi32, #tpu.memory_space<hbm>>
    %dma_start3A_19 = tpu.memref_squeeze %dma_start3A_18 : memref<1x100x100xi32, #tpu.memory_space<hbm>> -> memref<100x100xi32, #tpu.memory_space<hbm>>
    %dma_start3A_20 = arith.constant 0 : i32
    %dma_start3A_21 = arith.constant 0 : i32
    %dma_start3A_22 = tpu.memref_slice %arg4[%add3A, %dma_start3A_20, %dma_start3A_21] : memref<32x100x100xi32, #tpu.memory_space<hbm>> -> memref<1x100x100xi32, #tpu.memory_space<hbm>>
    %dma_start3A_23 = tpu.memref_squeeze %dma_start3A_22 : memref<1x100x100xi32, #tpu.memory_space<hbm>> -> memref<100x100xi32, #tpu.memory_space<hbm>>
    tpu.enqueue_dma source(%dma_start3A_23 : memref<100x100xi32, #tpu.memory_space<hbm>>) target(%arg8 : memref<100x100xi32, #tpu.memory_space<vmem>>) target_semaphore(%arg12 : memref<!tpu.dma_semaphore, #tpu.memory_space<semaphore_mem>>)
    %dma_wait3A = arith.constant 0 : i32
    %dma_wait3A_24 = tpu.memref_slice %arg13[%mul3A_4, %dma_wait3A] : memref<10000x128xf32, #tpu.memory_space<vmem_shared>> -> memref<625x128xf32, #tpu.memory_space<vmem_shared>>
    %dma_wait3A_25 = arith.constant 0 : i32
    %dma_wait3A_26 = tpu.memref_slice %arg5[%mul3A_2, %dma_wait3A_25] : memref<10000x128xf32, #tpu.memory_space<hbm>> -> memref<625x128xf32, #tpu.memory_space<hbm>>
    tpu.wait_dma2 semaphore(%arg11 : memref<!tpu.dma_semaphore, #tpu.memory_space<semaphore_mem>>) src(%dma_wait3A_26 : memref<625x128xf32, #tpu.memory_space<hbm>>) dst(%dma_wait3A_24 : memref<625x128xf32, #tpu.memory_space<vmem_shared>>)
    %dma_wait3A_27 = arith.constant 0 : i32
    %dma_wait3A_28 = arith.constant 0 : i32
    %dma_wait3A_29 = tpu.memref_slice %arg3[%add3A, %dma_wait3A_27, %dma_wait3A_28] : memref<32x100x100xi32, #tpu.memory_space<hbm>> -> memref<1x100x100xi32, #tpu.memory_space<hbm>>
    %dma_wait3A_30 = tpu.memref_squeeze %dma_wait3A_29 : memref<1x100x100xi32, #tpu.memory_space<hbm>> -> memref<100x100xi32, #tpu.memory_space<hbm>>
    %dma_wait3A_31 = arith.constant 0 : i32
    %dma_wait3A_32 = arith.constant 0 : i32
    %dma_wait3A_33 = tpu.memref_slice %arg3[%add3A, %dma_wait3A_31, %dma_wait3A_32] : memref<32x100x100xi32, #tpu.memory_space<hbm>> -> memref<1x100x100xi32, #tpu.memory_space<hbm>>
    %dma_wait3A_34 = tpu.memref_squeeze %dma_wait3A_33 : memref<1x100x100xi32, #tpu.memory_space<hbm>> -> memref<100x100xi32, #tpu.memory_space<hbm>>
    tpu.wait_dma2 semaphore(%arg12 : memref<!tpu.dma_semaphore, #tpu.memory_space<semaphore_mem>>) src(%dma_wait3A_34 : memref<100x100xi32, #tpu.memory_space<hbm>>) dst(%arg7 : memref<100x100xi32, #tpu.memory_space<vmem>>)
    %dma_wait3A_35 = arith.constant 0 : i32
    %dma_wait3A_36 = arith.constant 0 : i32
    %dma_wait3A_37 = tpu.memref_slice %arg4[%add3A, %dma_wait3A_35, %dma_wait3A_36] : memref<32x100x100xi32, #tpu.memory_space<hbm>> -> memref<1x100x100xi32, #tpu.memory_space<hbm>>
    %dma_wait3A_38 = tpu.memref_squeeze %dma_wait3A_37 : memref<1x100x100xi32, #tpu.memory_space<hbm>> -> memref<100x100xi32, #tpu.memory_space<hbm>>
    %dma_wait3A_39 = arith.constant 0 : i32
    %dma_wait3A_40 = arith.constant 0 : i32
    %dma_wait3A_41 = tpu.memref_slice %arg4[%add3A, %dma_wait3A_39, %dma_wait3A_40] : memref<32x100x100xi32, #tpu.memory_space<hbm>> -> memref<1x100x100xi32, #tpu.memory_space<hbm>>
    %dma_wait3A_42 = tpu.memref_squeeze %dma_wait3A_41 : memref<1x100x100xi32, #tpu.memory_space<hbm>> -> memref<100x100xi32, #tpu.memory_space<hbm>>
    tpu.wait_dma2 semaphore(%arg12 : memref<!tpu.dma_semaphore, #tpu.memory_space<semaphore_mem>>) src(%dma_wait3A_42 : memref<100x100xi32, #tpu.memory_space<hbm>>) dst(%arg8 : memref<100x100xi32, #tpu.memory_space<vmem>>)
    %barrier3A = arith.constant 0 : index
    tpu.barrier barrier_id(%barrier3A)
    %dma_start3A_43 = arith.constant 0 : i32
    %dma_start3A_44 = arith.constant 0 : i32
    %dma_start3A_45 = tpu.memref_slice %arg7[%dma_start3A_43, %dma_start3A_44] : memref<100x100xi32, #tpu.memory_space<vmem>> -> memref<1x100xi32, #tpu.memory_space<vmem>>
    %dma_start3A_46 = tpu.memref_squeeze %dma_start3A_45 : memref<1x100xi32, #tpu.memory_space<vmem>> -> memref<100xi32, #tpu.memory_space<vmem>>
    %dma_start3A_47 = arith.constant 0 : i32
    %dma_start3A_48 = arith.constant 0 : i32
    %dma_start3A_49 = tpu.memref_slice %arg2[%dma_start3A_47, %dma_start3A_48] : memref<10000x128xf32, #tpu.memory_space<hbm>> -> memref<10000x128xf32, #tpu.memory_space<hbm>>
    tpu.enqueue_indirect_dma source(%dma_start3A_49 : memref<10000x128xf32, #tpu.memory_space<hbm>>) target(%arg9 : memref<100x128xf32, #tpu.memory_space<vmem>>) offsets(%dma_start3A_46 : memref<100xi32, #tpu.memory_space<vmem>>) semaphore(%arg11 : memref<!tpu.dma_semaphore, #tpu.memory_space<semaphore_mem>>)
    %scan3A = arith.constant 0 : i32
    %scan3A_50 = arith.constant 50 : i32
    %scan3A_51 = arith.addi %scan3A, %scan3A_50 : i32
    %scan3A_52 = arith.constant 1 : i32
    scf.for %scan3A_66 = %scan3A to %scan3A_51 step %scan3A_52  : i32 {
      %mul3A_67 = arith.constant 2 : i32
      %mul3A_68 = arith.muli %mul3A_67, %scan3A_66 : i32
      %mul3A_69 = arith.constant 2 : i32
      %mul3A_70 = arith.muli %mul3A_69, %scan3A_66 : i32
      %add3A_71 = arith.constant 1 : i32
      %add3A_72 = arith.addi %mul3A_70, %add3A_71 : i32
      %add3A_73 = arith.constant 2 : i32
      %add3A_74 = arith.addi %mul3A_68, %add3A_73 : i32
      %rem3A = arith.constant 100 : i32
      %rem3A_75 = arith.remsi %add3A_74, %rem3A : i32
      %dma_start3A_76 = arith.constant 0 : i32
      %dma_start3A_77 = tpu.memref_slice %arg7[%add3A_72, %dma_start3A_76] : memref<100x100xi32, #tpu.memory_space<vmem>> -> memref<1x100xi32, #tpu.memory_space<vmem>>
      %dma_start3A_78 = tpu.memref_squeeze %dma_start3A_77 : memref<1x100xi32, #tpu.memory_space<vmem>> -> memref<100xi32, #tpu.memory_space<vmem>>
      %dma_start3A_79 = arith.constant 0 : i32
      %dma_start3A_80 = arith.constant 0 : i32
      %dma_start3A_81 = tpu.memref_slice %arg2[%dma_start3A_79, %dma_start3A_80] : memref<10000x128xf32, #tpu.memory_space<hbm>> -> memref<10000x128xf32, #tpu.memory_space<hbm>>
      tpu.enqueue_indirect_dma source(%dma_start3A_81 : memref<10000x128xf32, #tpu.memory_space<hbm>>) target(%arg10 : memref<100x128xf32, #tpu.memory_space<vmem>>) offsets(%dma_start3A_78 : memref<100xi32, #tpu.memory_space<vmem>>) semaphore(%arg12 : memref<!tpu.dma_semaphore, #tpu.memory_space<semaphore_mem>>)
      %dma_wait3A_82 = arith.constant 0 : i32
      %dma_wait3A_83 = tpu.memref_slice %arg7[%mul3A_68, %dma_wait3A_82] : memref<100x100xi32, #tpu.memory_space<vmem>> -> memref<1x100xi32, #tpu.memory_space<vmem>>
      %dma_wait3A_84 = tpu.memref_squeeze %dma_wait3A_83 : memref<1x100xi32, #tpu.memory_space<vmem>> -> memref<100xi32, #tpu.memory_space<vmem>>
      %dma_wait3A_85 = arith.constant 0 : i32
      %dma_wait3A_86 = arith.constant 0 : i32
      %dma_wait3A_87 = tpu.memref_slice %arg2[%dma_wait3A_85, %dma_wait3A_86] : memref<10000x128xf32, #tpu.memory_space<hbm>> -> memref<10000x128xf32, #tpu.memory_space<hbm>>
      tpu.wait_indirect_dma semaphore(%arg11 : memref<!tpu.dma_semaphore, #tpu.memory_space<semaphore_mem>>) src(%dma_wait3A_87 : memref<10000x128xf32, #tpu.memory_space<hbm>>) dst(%arg9 : memref<100x128xf32, #tpu.memory_space<vmem>>)
      "tpu.region"() ({
        %run_scoped3A = tpu.sem_alloc : memref<!tpu.dma_semaphore, #tpu.memory_space<semaphore_mem>>
        %dma_start3A_100 = arith.constant 0 : i32
        %dma_start3A_101 = tpu.memref_slice %arg8[%mul3A_68, %dma_start3A_100] : memref<100x100xi32, #tpu.memory_space<vmem>> -> memref<1x100xi32, #tpu.memory_space<vmem>>
        %dma_start3A_102 = tpu.memref_squeeze %dma_start3A_101 : memref<1x100xi32, #tpu.memory_space<vmem>> -> memref<100xi32, #tpu.memory_space<vmem>>
        %dma_start3A_103 = arith.constant 0 : i32
        %dma_start3A_104 = arith.constant 0 : i32
        %dma_start3A_105 = tpu.memref_slice %arg13[%dma_start3A_103, %dma_start3A_104] : memref<10000x128xf32, #tpu.memory_space<vmem_shared>> -> memref<10000x128xf32, #tpu.memory_space<vmem_shared>>
        tpu.enqueue_indirect_dma source(%arg9 : memref<100x128xf32, #tpu.memory_space<vmem>>) target(%dma_start3A_105 : memref<10000x128xf32, #tpu.memory_space<vmem_shared>>) offsets(%dma_start3A_102 : memref<100xi32, #tpu.memory_space<vmem>>) semaphore(%run_scoped3A : memref<!tpu.dma_semaphore, #tpu.memory_space<semaphore_mem>>) {add = true}
        %dma_wait3A_106 = arith.constant 0 : i32
        %dma_wait3A_107 = tpu.memref_slice %arg8[%mul3A_68, %dma_wait3A_106] : memref<100x100xi32, #tpu.memory_space<vmem>> -> memref<1x100xi32, #tpu.memory_space<vmem>>
        %dma_wait3A_108 = tpu.memref_squeeze %dma_wait3A_107 : memref<1x100xi32, #tpu.memory_space<vmem>> -> memref<100xi32, #tpu.memory_space<vmem>>
        %dma_wait3A_109 = arith.constant 0 : i32
        %dma_wait3A_110 = arith.constant 0 : i32
        %dma_wait3A_111 = tpu.memref_slice %arg13[%dma_wait3A_109, %dma_wait3A_110] : memref<10000x128xf32, #tpu.memory_space<vmem_shared>> -> memref<10000x128xf32, #tpu.memory_space<vmem_shared>>
        tpu.wait_indirect_dma semaphore(%run_scoped3A : memref<!tpu.dma_semaphore, #tpu.memory_space<semaphore_mem>>) src(%arg9 : memref<100x128xf32, #tpu.memory_space<vmem>>) dst(%dma_wait3A_111 : memref<10000x128xf32, #tpu.memory_space<vmem_shared>>)
        tpu.yield
      }) : () -> ()
      %dma_start3A_88 = arith.constant 0 : i32
      %dma_start3A_89 = tpu.memref_slice %arg7[%rem3A_75, %dma_start3A_88] : memref<100x100xi32, #tpu.memory_space<vmem>> -> memref<1x100xi32, #tpu.memory_space<vmem>>
      %dma_start3A_90 = tpu.memref_squeeze %dma_start3A_89 : memref<1x100xi32, #tpu.memory_space<vmem>> -> memref<100xi32, #tpu.memory_space<vmem>>
      %dma_start3A_91 = arith.constant 0 : i32
      %dma_start3A_92 = arith.constant 0 : i32
      %dma_start3A_93 = tpu.memref_slice %arg2[%dma_start3A_91, %dma_start3A_92] : memref<10000x128xf32, #tpu.memory_space<hbm>> -> memref<10000x128xf32, #tpu.memory_space<hbm>>
      tpu.enqueue_indirect_dma source(%dma_start3A_93 : memref<10000x128xf32, #tpu.memory_space<hbm>>) target(%arg9 : memref<100x128xf32, #tpu.memory_space<vmem>>) offsets(%dma_start3A_90 : memref<100xi32, #tpu.memory_space<vmem>>) semaphore(%arg11 : memref<!tpu.dma_semaphore, #tpu.memory_space<semaphore_mem>>)
      %dma_wait3A_94 = arith.constant 0 : i32
      %dma_wait3A_95 = tpu.memref_slice %arg7[%add3A_72, %dma_wait3A_94] : memref<100x100xi32, #tpu.memory_space<vmem>> -> memref<1x100xi32, #tpu.memory_space<vmem>>
      %dma_wait3A_96 = tpu.memref_squeeze %dma_wait3A_95 : memref<1x100xi32, #tpu.memory_space<vmem>> -> memref<100xi32, #tpu.memory_space<vmem>>
      %dma_wait3A_97 = arith.constant 0 : i32
      %dma_wait3A_98 = arith.constant 0 : i32
      %dma_wait3A_99 = tpu.memref_slice %arg2[%dma_wait3A_97, %dma_wait3A_98] : memref<10000x128xf32, #tpu.memory_space<hbm>> -> memref<10000x128xf32, #tpu.memory_space<hbm>>
      tpu.wait_indirect_dma semaphore(%arg12 : memref<!tpu.dma_semaphore, #tpu.memory_space<semaphore_mem>>) src(%dma_wait3A_99 : memref<10000x128xf32, #tpu.memory_space<hbm>>) dst(%arg10 : memref<100x128xf32, #tpu.memory_space<vmem>>)
      "tpu.region"() ({
        %run_scoped3A = tpu.sem_alloc : memref<!tpu.dma_semaphore, #tpu.memory_space<semaphore_mem>>
        %dma_start3A_100 = arith.constant 0 : i32
        %dma_start3A_101 = tpu.memref_slice %arg8[%add3A_72, %dma_start3A_100] : memref<100x100xi32, #tpu.memory_space<vmem>> -> memref<1x100xi32, #tpu.memory_space<vmem>>
        %dma_start3A_102 = tpu.memref_squeeze %dma_start3A_101 : memref<1x100xi32, #tpu.memory_space<vmem>> -> memref<100xi32, #tpu.memory_space<vmem>>
        %dma_start3A_103 = arith.constant 0 : i32
        %dma_start3A_104 = arith.constant 0 : i32
        %dma_start3A_105 = tpu.memref_slice %arg13[%dma_start3A_103, %dma_start3A_104] : memref<10000x128xf32, #tpu.memory_space<vmem_shared>> -> memref<10000x128xf32, #tpu.memory_space<vmem_shared>>
        tpu.enqueue_indirect_dma source(%arg10 : memref<100x128xf32, #tpu.memory_space<vmem>>) target(%dma_start3A_105 : memref<10000x128xf32, #tpu.memory_space<vmem_shared>>) offsets(%dma_start3A_102 : memref<100xi32, #tpu.memory_space<vmem>>) semaphore(%run_scoped3A : memref<!tpu.dma_semaphore, #tpu.memory_space<semaphore_mem>>) {add = true}
        %dma_wait3A_106 = arith.constant 0 : i32
        %dma_wait3A_107 = tpu.memref_slice %arg8[%add3A_72, %dma_wait3A_106] : memref<100x100xi32, #tpu.memory_space<vmem>> -> memref<1x100xi32, #tpu.memory_space<vmem>>
        %dma_wait3A_108 = tpu.memref_squeeze %dma_wait3A_107 : memref<1x100xi32, #tpu.memory_space<vmem>> -> memref<100xi32, #tpu.memory_space<vmem>>
        %dma_wait3A_109 = arith.constant 0 : i32
        %dma_wait3A_110 = arith.constant 0 : i32
        %dma_wait3A_111 = tpu.memref_slice %arg13[%dma_wait3A_109, %dma_wait3A_110] : memref<10000x128xf32, #tpu.memory_space<vmem_shared>> -> memref<10000x128xf32, #tpu.memory_space<vmem_shared>>
        tpu.wait_indirect_dma semaphore(%run_scoped3A : memref<!tpu.dma_semaphore, #tpu.memory_space<semaphore_mem>>) src(%arg10 : memref<100x128xf32, #tpu.memory_space<vmem>>) dst(%dma_wait3A_111 : memref<10000x128xf32, #tpu.memory_space<vmem_shared>>)
        tpu.yield
      }) : () -> ()
    }
    %scan3A_53 = arith.constant 50 : i32
    %dma_wait3A_54 = arith.constant 0 : i32
    %dma_wait3A_55 = arith.constant 0 : i32
    %dma_wait3A_56 = tpu.memref_slice %arg7[%dma_wait3A_54, %dma_wait3A_55] : memref<100x100xi32, #tpu.memory_space<vmem>> -> memref<1x100xi32, #tpu.memory_space<vmem>>
    %dma_wait3A_57 = tpu.memref_squeeze %dma_wait3A_56 : memref<1x100xi32, #tpu.memory_space<vmem>> -> memref<100xi32, #tpu.memory_space<vmem>>
    %dma_wait3A_58 = arith.constant 0 : i32
    %dma_wait3A_59 = arith.constant 0 : i32
    %dma_wait3A_60 = tpu.memref_slice %arg2[%dma_wait3A_58, %dma_wait3A_59] : memref<10000x128xf32, #tpu.memory_space<hbm>> -> memref<10000x128xf32, #tpu.memory_space<hbm>>
    tpu.wait_indirect_dma semaphore(%arg11 : memref<!tpu.dma_semaphore, #tpu.memory_space<semaphore_mem>>) src(%dma_wait3A_60 : memref<10000x128xf32, #tpu.memory_space<hbm>>) dst(%arg9 : memref<100x128xf32, #tpu.memory_space<vmem>>)
    %barrier3A_61 = arith.constant 0 : index
    tpu.barrier barrier_id(%barrier3A_61)
    %mul3A_62 = arith.constant 625 : i32
    %mul3A_63 = arith.muli %arg1, %mul3A_62 : i32
    %mul3A_64 = arith.constant 625 : i32
    %mul3A_65 = arith.muli %arg1, %mul3A_64 : i32
    "tpu.region"() ({
      %run_scoped3A = tpu.sem_alloc : memref<!tpu.dma_semaphore, #tpu.memory_space<semaphore_mem>>
      %dma_start3A_66 = arith.constant 0 : i32
      %dma_start3A_67 = tpu.memref_slice %arg6[%arg0, %mul3A_65, %dma_start3A_66] : memref<2x10000x128xf32, #tpu.memory_space<hbm>> -> memref<1x625x128xf32, #tpu.memory_space<hbm>>
      %dma_start3A_68 = tpu.memref_squeeze %dma_start3A_67 : memref<1x625x128xf32, #tpu.memory_space<hbm>> -> memref<625x128xf32, #tpu.memory_space<hbm>>
      %dma_start3A_69 = arith.constant 0 : i32
      %dma_start3A_70 = tpu.memref_slice %arg13[%mul3A_63, %dma_start3A_69] : memref<10000x128xf32, #tpu.memory_space<vmem_shared>> -> memref<625x128xf32, #tpu.memory_space<vmem_shared>>
      tpu.enqueue_dma source(%dma_start3A_70 : memref<625x128xf32, #tpu.memory_space<vmem_shared>>) target(%dma_start3A_68 : memref<625x128xf32, #tpu.memory_space<hbm>>) target_semaphore(%run_scoped3A : memref<!tpu.dma_semaphore, #tpu.memory_space<semaphore_mem>>)
      %dma_wait3A_71 = arith.constant 0 : i32
      %dma_wait3A_72 = tpu.memref_slice %arg6[%arg0, %mul3A_65, %dma_wait3A_71] : memref<2x10000x128xf32, #tpu.memory_space<hbm>> -> memref<1x625x128xf32, #tpu.memory_space<hbm>>
      %dma_wait3A_73 = tpu.memref_squeeze %dma_wait3A_72 : memref<1x625x128xf32, #tpu.memory_space<hbm>> -> memref<625x128xf32, #tpu.memory_space<hbm>>
      %dma_wait3A_74 = arith.constant 0 : i32
      %dma_wait3A_75 = tpu.memref_slice %arg13[%mul3A_63, %dma_wait3A_74] : memref<10000x128xf32, #tpu.memory_space<vmem_shared>> -> memref<625x128xf32, #tpu.memory_space<vmem_shared>>
      tpu.wait_dma2 semaphore(%run_scoped3A : memref<!tpu.dma_semaphore, #tpu.memory_space<semaphore_mem>>) src(%dma_wait3A_75 : memref<625x128xf32, #tpu.memory_space<vmem_shared>>) dst(%dma_wait3A_73 : memref<625x128xf32, #tpu.memory_space<hbm>>)
      tpu.yield
    }) : () -> ()
    return
  }
}

#map = affine_map<(d0, d1) -> (0, 0)>
#map1 = affine_map<(d0, d1) -> (0, 0, 0)>
module attributes {stable_mosaic.version = 14 : i64} {
  func.func @agg_kernel(%arg0: i32, %arg1: i32, %arg2: memref<10000x128xf32, #tpu.memory_space<hbm>>, %arg3: memref<32x100x100xi32, #tpu.memory_space<hbm>>, %arg4: memref<32x100x100xi32, #tpu.memory_space<hbm>>, %arg5: memref<10000x128xf32, #tpu.memory_space<hbm>>, %arg6: memref<2x10000x128xf32, #tpu.memory_space<hbm>>, %arg7: memref<100x100xi32, #tpu.memory_space<vmem>>, %arg8: memref<100x100xi32, #tpu.memory_space<vmem>>, %arg9: memref<100x128xf32, #tpu.memory_space<vmem>>, %arg10: memref<100x128xf32, #tpu.memory_space<vmem>>, %arg11: memref<!tpu.dma_semaphore, #tpu.memory_space<semaphore_mem>>, %arg12: memref<!tpu.dma_semaphore, #tpu.memory_space<semaphore_mem>>, %arg13: memref<10000x128xf32, #tpu.memory_space<vmem_shared>>) attributes {dimension_semantics = [#tpu.dimension_semantics<core_parallel>, #tpu.dimension_semantics<subcore_parallel>], iteration_bounds = array<i64: 2, 16>, scalar_prefetch = 0 : i64, scratch_operands = 7 : i64, tpu.core_type = #tpu.core_type<sc_vector_subcore>, window_params = [{transform_indices = #map}, {transform_indices = #map1}, {transform_indices = #map1}, {transform_indices = #map}, {transform_indices = #map1}]} {
    %mul3A = arith.constant 2 : i32
    %mul3A_0 = arith.muli %arg1, %mul3A : i32
    %add3A = arith.addi %mul3A_0, %arg0 : i32
    %mul3A_1 = arith.constant 625 : i32
    %mul3A_2 = arith.muli %arg1, %mul3A_1 : i32
    %mul3A_3 = arith.constant 625 : i32
    %mul3A_4 = arith.muli %arg1, %mul3A_3 : i32
    %dma_start3A = arith.constant 0 : i32
    %dma_start3A_5 = tpu.memref_slice %arg13[%mul3A_4, %dma_start3A] : memref<10000x128xf32, #tpu.memory_space<vmem_shared>> -> memref<625x128xf32, #tpu.memory_space<vmem_shared>>
    %dma_start3A_6 = arith.constant 0 : i32
    %dma_start3A_7 = tpu.memref_slice %arg5[%mul3A_2, %dma_start3A_6] : memref<10000x128xf32, #tpu.memory_space<hbm>> -> memref<625x128xf32, #tpu.memory_space<hbm>>
    tpu.enqueue_dma source(%dma_start3A_7 : memref<625x128xf32, #tpu.memory_space<hbm>>) target(%dma_start3A_5 : memref<625x128xf32, #tpu.memory_space<vmem_shared>>) target_semaphore(%arg11 : memref<!tpu.dma_semaphore, #tpu.memory_space<semaphore_mem>>)
    %dma_start3A_8 = arith.constant 0 : i32
    %dma_start3A_9 = arith.constant 0 : i32
    %dma_start3A_10 = tpu.memref_slice %arg3[%add3A, %dma_start3A_8, %dma_start3A_9] : memref<32x100x100xi32, #tpu.memory_space<hbm>> -> memref<1x100x100xi32, #tpu.memory_space<hbm>>
    %dma_start3A_11 = tpu.memref_squeeze %dma_start3A_10 : memref<1x100x100xi32, #tpu.memory_space<hbm>> -> memref<100x100xi32, #tpu.memory_space<hbm>>
    %dma_start3A_12 = arith.constant 0 : i32
    %dma_start3A_13 = arith.constant 0 : i32
    %dma_start3A_14 = tpu.memref_slice %arg3[%add3A, %dma_start3A_12, %dma_start3A_13] : memref<32x100x100xi32, #tpu.memory_space<hbm>> -> memref<1x100x100xi32, #tpu.memory_space<hbm>>
    %dma_start3A_15 = tpu.memref_squeeze %dma_start3A_14 : memref<1x100x100xi32, #tpu.memory_space<hbm>> -> memref<100x100xi32, #tpu.memory_space<hbm>>
    tpu.enqueue_dma source(%dma_start3A_15 : memref<100x100xi32, #tpu.memory_space<hbm>>) target(%arg7 : memref<100x100xi32, #tpu.memory_space<vmem>>) target_semaphore(%arg12 : memref<!tpu.dma_semaphore, #tpu.memory_space<semaphore_mem>>)
    %dma_start3A_16 = arith.constant 0 : i32
    %dma_start3A_17 = arith.constant 0 : i32
    %dma_start3A_18 = tpu.memref_slice %arg4[%add3A, %dma_start3A_16, %dma_start3A_17] : memref<32x100x100xi32, #tpu.memory_space<hbm>> -> memref<1x100x100xi32, #tpu.memory_space<hbm>>
    %dma_start3A_19 = tpu.memref_squeeze %dma_start3A_18 : memref<1x100x100xi32, #tpu.memory_space<hbm>> -> memref<100x100xi32, #tpu.memory_space<hbm>>
    %dma_start3A_20 = arith.constant 0 : i32
    %dma_start3A_21 = arith.constant 0 : i32
    %dma_start3A_22 = tpu.memref_slice %arg4[%add3A, %dma_start3A_20, %dma_start3A_21] : memref<32x100x100xi32, #tpu.memory_space<hbm>> -> memref<1x100x100xi32, #tpu.memory_space<hbm>>
    %dma_start3A_23 = tpu.memref_squeeze %dma_start3A_22 : memref<1x100x100xi32, #tpu.memory_space<hbm>> -> memref<100x100xi32, #tpu.memory_space<hbm>>
    tpu.enqueue_dma source(%dma_start3A_23 : memref<100x100xi32, #tpu.memory_space<hbm>>) target(%arg8 : memref<100x100xi32, #tpu.memory_space<vmem>>) target_semaphore(%arg12 : memref<!tpu.dma_semaphore, #tpu.memory_space<semaphore_mem>>)
    %dma_wait3A = arith.constant 0 : i32
    %dma_wait3A_24 = tpu.memref_slice %arg13[%mul3A_4, %dma_wait3A] : memref<10000x128xf32, #tpu.memory_space<vmem_shared>> -> memref<625x128xf32, #tpu.memory_space<vmem_shared>>
    %dma_wait3A_25 = arith.constant 0 : i32
    %dma_wait3A_26 = tpu.memref_slice %arg5[%mul3A_2, %dma_wait3A_25] : memref<10000x128xf32, #tpu.memory_space<hbm>> -> memref<625x128xf32, #tpu.memory_space<hbm>>
    tpu.wait_dma2 semaphore(%arg11 : memref<!tpu.dma_semaphore, #tpu.memory_space<semaphore_mem>>) src(%dma_wait3A_26 : memref<625x128xf32, #tpu.memory_space<hbm>>) dst(%dma_wait3A_24 : memref<625x128xf32, #tpu.memory_space<vmem_shared>>)
    %dma_wait3A_27 = arith.constant 0 : i32
    %dma_wait3A_28 = arith.constant 0 : i32
    %dma_wait3A_29 = tpu.memref_slice %arg3[%add3A, %dma_wait3A_27, %dma_wait3A_28] : memref<32x100x100xi32, #tpu.memory_space<hbm>> -> memref<1x100x100xi32, #tpu.memory_space<hbm>>
    %dma_wait3A_30 = tpu.memref_squeeze %dma_wait3A_29 : memref<1x100x100xi32, #tpu.memory_space<hbm>> -> memref<100x100xi32, #tpu.memory_space<hbm>>
    %dma_wait3A_31 = arith.constant 0 : i32
    %dma_wait3A_32 = arith.constant 0 : i32
    %dma_wait3A_33 = tpu.memref_slice %arg3[%add3A, %dma_wait3A_31, %dma_wait3A_32] : memref<32x100x100xi32, #tpu.memory_space<hbm>> -> memref<1x100x100xi32, #tpu.memory_space<hbm>>
    %dma_wait3A_34 = tpu.memref_squeeze %dma_wait3A_33 : memref<1x100x100xi32, #tpu.memory_space<hbm>> -> memref<100x100xi32, #tpu.memory_space<hbm>>
    tpu.wait_dma2 semaphore(%arg12 : memref<!tpu.dma_semaphore, #tpu.memory_space<semaphore_mem>>) src(%dma_wait3A_34 : memref<100x100xi32, #tpu.memory_space<hbm>>) dst(%arg7 : memref<100x100xi32, #tpu.memory_space<vmem>>)
    %dma_wait3A_35 = arith.constant 0 : i32
    %dma_wait3A_36 = arith.constant 0 : i32
    %dma_wait3A_37 = tpu.memref_slice %arg4[%add3A, %dma_wait3A_35, %dma_wait3A_36] : memref<32x100x100xi32, #tpu.memory_space<hbm>> -> memref<1x100x100xi32, #tpu.memory_space<hbm>>
    %dma_wait3A_38 = tpu.memref_squeeze %dma_wait3A_37 : memref<1x100x100xi32, #tpu.memory_space<hbm>> -> memref<100x100xi32, #tpu.memory_space<hbm>>
    %dma_wait3A_39 = arith.constant 0 : i32
    %dma_wait3A_40 = arith.constant 0 : i32
    %dma_wait3A_41 = tpu.memref_slice %arg4[%add3A, %dma_wait3A_39, %dma_wait3A_40] : memref<32x100x100xi32, #tpu.memory_space<hbm>> -> memref<1x100x100xi32, #tpu.memory_space<hbm>>
    %dma_wait3A_42 = tpu.memref_squeeze %dma_wait3A_41 : memref<1x100x100xi32, #tpu.memory_space<hbm>> -> memref<100x100xi32, #tpu.memory_space<hbm>>
    tpu.wait_dma2 semaphore(%arg12 : memref<!tpu.dma_semaphore, #tpu.memory_space<semaphore_mem>>) src(%dma_wait3A_42 : memref<100x100xi32, #tpu.memory_space<hbm>>) dst(%arg8 : memref<100x100xi32, #tpu.memory_space<vmem>>)
    %barrier3A = arith.constant 0 : index
    tpu.barrier barrier_id(%barrier3A)
    %dma_start3A_43 = arith.constant 0 : i32
    %dma_start3A_44 = arith.constant 0 : i32
    %dma_start3A_45 = tpu.memref_slice %arg7[%dma_start3A_43, %dma_start3A_44] : memref<100x100xi32, #tpu.memory_space<vmem>> -> memref<1x100xi32, #tpu.memory_space<vmem>>
    %dma_start3A_46 = tpu.memref_squeeze %dma_start3A_45 : memref<1x100xi32, #tpu.memory_space<vmem>> -> memref<100xi32, #tpu.memory_space<vmem>>
    %dma_start3A_47 = arith.constant 0 : i32
    %dma_start3A_48 = arith.constant 0 : i32
    %dma_start3A_49 = tpu.memref_slice %arg2[%dma_start3A_47, %dma_start3A_48] : memref<10000x128xf32, #tpu.memory_space<hbm>> -> memref<10000x128xf32, #tpu.memory_space<hbm>>
    tpu.enqueue_indirect_dma source(%dma_start3A_49 : memref<10000x128xf32, #tpu.memory_space<hbm>>) target(%arg9 : memref<100x128xf32, #tpu.memory_space<vmem>>) offsets(%dma_start3A_46 : memref<100xi32, #tpu.memory_space<vmem>>) semaphore(%arg11 : memref<!tpu.dma_semaphore, #tpu.memory_space<semaphore_mem>>)
    %scan3A = arith.constant 0 : i32
    %scan3A_50 = arith.constant 50 : i32
    %scan3A_51 = arith.addi %scan3A, %scan3A_50 : i32
    %scan3A_52 = arith.constant 1 : i32
    scf.for %scan3A_66 = %scan3A to %scan3A_51 step %scan3A_52  : i32 {
      %mul3A_67 = arith.constant 2 : i32
      %mul3A_68 = arith.muli %mul3A_67, %scan3A_66 : i32
      %mul3A_69 = arith.constant 2 : i32
      %mul3A_70 = arith.muli %mul3A_69, %scan3A_66 : i32
      %add3A_71 = arith.constant 1 : i32
      %add3A_72 = arith.addi %mul3A_70, %add3A_71 : i32
      %add3A_73 = arith.constant 2 : i32
      %add3A_74 = arith.addi %mul3A_68, %add3A_73 : i32
      %rem3A = arith.constant 100 : i32
      %rem3A_75 = arith.remsi %add3A_74, %rem3A : i32
      %dma_start3A_76 = arith.constant 0 : i32
      %dma_start3A_77 = tpu.memref_slice %arg7[%add3A_72, %dma_start3A_76] : memref<100x100xi32, #tpu.memory_space<vmem>> -> memref<1x100xi32, #tpu.memory_space<vmem>>
      %dma_start3A_78 = tpu.memref_squeeze %dma_start3A_77 : memref<1x100xi32, #tpu.memory_space<vmem>> -> memref<100xi32, #tpu.memory_space<vmem>>
      %dma_start3A_79 = arith.constant 0 : i32
      %dma_start3A_80 = arith.constant 0 : i32
      %dma_start3A_81 = tpu.memref_slice %arg2[%dma_start3A_79, %dma_start3A_80] : memref<10000x128xf32, #tpu.memory_space<hbm>> -> memref<10000x128xf32, #tpu.memory_space<hbm>>
      tpu.enqueue_indirect_dma source(%dma_start3A_81 : memref<10000x128xf32, #tpu.memory_space<hbm>>) target(%arg10 : memref<100x128xf32, #tpu.memory_space<vmem>>) offsets(%dma_start3A_78 : memref<100xi32, #tpu.memory_space<vmem>>) semaphore(%arg12 : memref<!tpu.dma_semaphore, #tpu.memory_space<semaphore_mem>>)
      %dma_wait3A_82 = arith.constant 0 : i32
      %dma_wait3A_83 = tpu.memref_slice %arg7[%mul3A_68, %dma_wait3A_82] : memref<100x100xi32, #tpu.memory_space<vmem>> -> memref<1x100xi32, #tpu.memory_space<vmem>>
      %dma_wait3A_84 = tpu.memref_squeeze %dma_wait3A_83 : memref<1x100xi32, #tpu.memory_space<vmem>> -> memref<100xi32, #tpu.memory_space<vmem>>
      %dma_wait3A_85 = arith.constant 0 : i32
      %dma_wait3A_86 = arith.constant 0 : i32
      %dma_wait3A_87 = tpu.memref_slice %arg2[%dma_wait3A_85, %dma_wait3A_86] : memref<10000x128xf32, #tpu.memory_space<hbm>> -> memref<10000x128xf32, #tpu.memory_space<hbm>>
      tpu.wait_indirect_dma semaphore(%arg11 : memref<!tpu.dma_semaphore, #tpu.memory_space<semaphore_mem>>) src(%dma_wait3A_87 : memref<10000x128xf32, #tpu.memory_space<hbm>>) dst(%arg9 : memref<100x128xf32, #tpu.memory_space<vmem>>)
      "tpu.region"() ({
        %run_scoped3A = tpu.sem_alloc : memref<!tpu.dma_semaphore, #tpu.memory_space<semaphore_mem>>
        %dma_start3A_100 = arith.constant 0 : i32
        %dma_start3A_101 = tpu.memref_slice %arg8[%mul3A_68, %dma_start3A_100] : memref<100x100xi32, #tpu.memory_space<vmem>> -> memref<1x100xi32, #tpu.memory_space<vmem>>
        %dma_start3A_102 = tpu.memref_squeeze %dma_start3A_101 : memref<1x100xi32, #tpu.memory_space<vmem>> -> memref<100xi32, #tpu.memory_space<vmem>>
        %dma_start3A_103 = arith.constant 0 : i32
        %dma_start3A_104 = arith.constant 0 : i32
        %dma_start3A_105 = tpu.memref_slice %arg13[%dma_start3A_103, %dma_start3A_104] : memref<10000x128xf32, #tpu.memory_space<vmem_shared>> -> memref<10000x128xf32, #tpu.memory_space<vmem_shared>>
        tpu.enqueue_indirect_dma source(%arg9 : memref<100x128xf32, #tpu.memory_space<vmem>>) target(%dma_start3A_105 : memref<10000x128xf32, #tpu.memory_space<vmem_shared>>) offsets(%dma_start3A_102 : memref<100xi32, #tpu.memory_space<vmem>>) semaphore(%run_scoped3A : memref<!tpu.dma_semaphore, #tpu.memory_space<semaphore_mem>>) {add = true}
        %dma_wait3A_106 = arith.constant 0 : i32
        %dma_wait3A_107 = tpu.memref_slice %arg8[%mul3A_68, %dma_wait3A_106] : memref<100x100xi32, #tpu.memory_space<vmem>> -> memref<1x100xi32, #tpu.memory_space<vmem>>
        %dma_wait3A_108 = tpu.memref_squeeze %dma_wait3A_107 : memref<1x100xi32, #tpu.memory_space<vmem>> -> memref<100xi32, #tpu.memory_space<vmem>>
        %dma_wait3A_109 = arith.constant 0 : i32
        %dma_wait3A_110 = arith.constant 0 : i32
        %dma_wait3A_111 = tpu.memref_slice %arg13[%dma_wait3A_109, %dma_wait3A_110] : memref<10000x128xf32, #tpu.memory_space<vmem_shared>> -> memref<10000x128xf32, #tpu.memory_space<vmem_shared>>
        tpu.wait_indirect_dma semaphore(%run_scoped3A : memref<!tpu.dma_semaphore, #tpu.memory_space<semaphore_mem>>) src(%arg9 : memref<100x128xf32, #tpu.memory_space<vmem>>) dst(%dma_wait3A_111 : memref<10000x128xf32, #tpu.memory_space<vmem_shared>>)
        tpu.yield
      }) : () -> ()
      %dma_start3A_88 = arith.constant 0 : i32
      %dma_start3A_89 = tpu.memref_slice %arg7[%rem3A_75, %dma_start3A_88] : memref<100x100xi32, #tpu.memory_space<vmem>> -> memref<1x100xi32, #tpu.memory_space<vmem>>
      %dma_start3A_90 = tpu.memref_squeeze %dma_start3A_89 : memref<1x100xi32, #tpu.memory_space<vmem>> -> memref<100xi32, #tpu.memory_space<vmem>>
      %dma_start3A_91 = arith.constant 0 : i32
      %dma_start3A_92 = arith.constant 0 : i32
      %dma_start3A_93 = tpu.memref_slice %arg2[%dma_start3A_91, %dma_start3A_92] : memref<10000x128xf32, #tpu.memory_space<hbm>> -> memref<10000x128xf32, #tpu.memory_space<hbm>>
      tpu.enqueue_indirect_dma source(%dma_start3A_93 : memref<10000x128xf32, #tpu.memory_space<hbm>>) target(%arg9 : memref<100x128xf32, #tpu.memory_space<vmem>>) offsets(%dma_start3A_90 : memref<100xi32, #tpu.memory_space<vmem>>) semaphore(%arg11 : memref<!tpu.dma_semaphore, #tpu.memory_space<semaphore_mem>>)
      %dma_wait3A_94 = arith.constant 0 : i32
      %dma_wait3A_95 = tpu.memref_slice %arg7[%add3A_72, %dma_wait3A_94] : memref<100x100xi32, #tpu.memory_space<vmem>> -> memref<1x100xi32, #tpu.memory_space<vmem>>
      %dma_wait3A_96 = tpu.memref_squeeze %dma_wait3A_95 : memref<1x100xi32, #tpu.memory_space<vmem>> -> memref<100xi32, #tpu.memory_space<vmem>>
      %dma_wait3A_97 = arith.constant 0 : i32
      %dma_wait3A_98 = arith.constant 0 : i32
      %dma_wait3A_99 = tpu.memref_slice %arg2[%dma_wait3A_97, %dma_wait3A_98] : memref<10000x128xf32, #tpu.memory_space<hbm>> -> memref<10000x128xf32, #tpu.memory_space<hbm>>
      tpu.wait_indirect_dma semaphore(%arg12 : memref<!tpu.dma_semaphore, #tpu.memory_space<semaphore_mem>>) src(%dma_wait3A_99 : memref<10000x128xf32, #tpu.memory_space<hbm>>) dst(%arg10 : memref<100x128xf32, #tpu.memory_space<vmem>>)
      "tpu.region"() ({
        %run_scoped3A = tpu.sem_alloc : memref<!tpu.dma_semaphore, #tpu.memory_space<semaphore_mem>>
        %dma_start3A_100 = arith.constant 0 : i32
        %dma_start3A_101 = tpu.memref_slice %arg8[%add3A_72, %dma_start3A_100] : memref<100x100xi32, #tpu.memory_space<vmem>> -> memref<1x100xi32, #tpu.memory_space<vmem>>
        %dma_start3A_102 = tpu.memref_squeeze %dma_start3A_101 : memref<1x100xi32, #tpu.memory_space<vmem>> -> memref<100xi32, #tpu.memory_space<vmem>>
        %dma_start3A_103 = arith.constant 0 : i32
        %dma_start3A_104 = arith.constant 0 : i32
        %dma_start3A_105 = tpu.memref_slice %arg13[%dma_start3A_103, %dma_start3A_104] : memref<10000x128xf32, #tpu.memory_space<vmem_shared>> -> memref<10000x128xf32, #tpu.memory_space<vmem_shared>>
        tpu.enqueue_indirect_dma source(%arg10 : memref<100x128xf32, #tpu.memory_space<vmem>>) target(%dma_start3A_105 : memref<10000x128xf32, #tpu.memory_space<vmem_shared>>) offsets(%dma_start3A_102 : memref<100xi32, #tpu.memory_space<vmem>>) semaphore(%run_scoped3A : memref<!tpu.dma_semaphore, #tpu.memory_space<semaphore_mem>>) {add = true}
        %dma_wait3A_106 = arith.constant 0 : i32
        %dma_wait3A_107 = tpu.memref_slice %arg8[%add3A_72, %dma_wait3A_106] : memref<100x100xi32, #tpu.memory_space<vmem>> -> memref<1x100xi32, #tpu.memory_space<vmem>>
        %dma_wait3A_108 = tpu.memref_squeeze %dma_wait3A_107 : memref<1x100xi32, #tpu.memory_space<vmem>> -> memref<100xi32, #tpu.memory_space<vmem>>
        %dma_wait3A_109 = arith.constant 0 : i32
        %dma_wait3A_110 = arith.constant 0 : i32
        %dma_wait3A_111 = tpu.memref_slice %arg13[%dma_wait3A_109, %dma_wait3A_110] : memref<10000x128xf32, #tpu.memory_space<vmem_shared>> -> memref<10000x128xf32, #tpu.memory_space<vmem_shared>>
        tpu.wait_indirect_dma semaphore(%run_scoped3A : memref<!tpu.dma_semaphore, #tpu.memory_space<semaphore_mem>>) src(%arg10 : memref<100x128xf32, #tpu.memory_space<vmem>>) dst(%dma_wait3A_111 : memref<10000x128xf32, #tpu.memory_space<vmem_shared>>)
        tpu.yield
      }) : () -> ()
    }
    %scan3A_53 = arith.constant 50 : i32
    %dma_wait3A_54 = arith.constant 0 : i32
    %dma_wait3A_55 = arith.constant 0 : i32
    %dma_wait3A_56 = tpu.memref_slice %arg7[%dma_wait3A_54, %dma_wait3A_55] : memref<100x100xi32, #tpu.memory_space<vmem>> -> memref<1x100xi32, #tpu.memory_space<vmem>>
    %dma_wait3A_57 = tpu.memref_squeeze %dma_wait3A_56 : memref<1x100xi32, #tpu.memory_space<vmem>> -> memref<100xi32, #tpu.memory_space<vmem>>
    %dma_wait3A_58 = arith.constant 0 : i32
    %dma_wait3A_59 = arith.constant 0 : i32
    %dma_wait3A_60 = tpu.memref_slice %arg2[%dma_wait3A_58, %dma_wait3A_59] : memref<10000x128xf32, #tpu.memory_space<hbm>> -> memref<10000x128xf32, #tpu.memory_space<hbm>>
    tpu.wait_indirect_dma semaphore(%arg11 : memref<!tpu.dma_semaphore, #tpu.memory_space<semaphore_mem>>) src(%dma_wait3A_60 : memref<10000x128xf32, #tpu.memory_space<hbm>>) dst(%arg9 : memref<100x128xf32, #tpu.memory_space<vmem>>)
    %barrier3A_61 = arith.constant 0 : index
    tpu.barrier barrier_id(%barrier3A_61)
    %mul3A_62 = arith.constant 625 : i32
    %mul3A_63 = arith.muli %arg1, %mul3A_62 : i32
    %mul3A_64 = arith.constant 625 : i32
    %mul3A_65 = arith.muli %arg1, %mul3A_64 : i32
    "tpu.region"() ({
      %run_scoped3A = tpu.sem_alloc : memref<!tpu.dma_semaphore, #tpu.memory_space<semaphore_mem>>
      %dma_start3A_66 = arith.constant 0 : i32
      %dma_start3A_67 = tpu.memref_slice %arg6[%arg0, %mul3A_65, %dma_start3A_66] : memref<2x10000x128xf32, #tpu.memory_space<hbm>> -> memref<1x625x128xf32, #tpu.memory_space<hbm>>
      %dma_start3A_68 = tpu.memref_squeeze %dma_start3A_67 : memref<1x625x128xf32, #tpu.memory_space<hbm>> -> memref<625x128xf32, #tpu.memory_space<hbm>>
      %dma_start3A_69 = arith.constant 0 : i32
      %dma_start3A_70 = tpu.memref_slice %arg13[%mul3A_63, %dma_start3A_69] : memref<10000x128xf32, #tpu.memory_space<vmem_shared>> -> memref<625x128xf32, #tpu.memory_space<vmem_shared>>
      tpu.enqueue_dma source(%dma_start3A_70 : memref<625x128xf32, #tpu.memory_space<vmem_shared>>) target(%dma_start3A_68 : memref<625x128xf32, #tpu.memory_space<hbm>>) target_semaphore(%run_scoped3A : memref<!tpu.dma_semaphore, #tpu.memory_space<semaphore_mem>>)
      %dma_wait3A_71 = arith.constant 0 : i32
      %dma_wait3A_72 = tpu.memref_slice %arg6[%arg0, %mul3A_65, %dma_wait3A_71] : memref<2x10000x128xf32, #tpu.memory_space<hbm>> -> memref<1x625x128xf32, #tpu.memory_space<hbm>>
      %dma_wait3A_73 = tpu.memref_squeeze %dma_wait3A_72 : memref<1x625x128xf32, #tpu.memory_space<hbm>> -> memref<625x128xf32, #tpu.memory_space<hbm>>
      %dma_wait3A_74 = arith.constant 0 : i32
      %dma_wait3A_75 = tpu.memref_slice %arg13[%mul3A_63, %dma_wait3A_74] : memref<10000x128xf32, #tpu.memory_space<vmem_shared>> -> memref<625x128xf32, #tpu.memory_space<vmem_shared>>
      tpu.wait_dma2 semaphore(%run_scoped3A : memref<!tpu.dma_semaphore, #tpu.memory_space<semaphore_mem>>) src(%dma_wait3A_75 : memref<625x128xf32, #tpu.memory_space<vmem_shared>>) dst(%dma_wait3A_73 : memref<625x128xf32, #tpu.memory_space<hbm>>)
      tpu.yield
    }) : () -> ()
    return
  }
}

#map = affine_map<(d0, d1) -> (0, 0)>
#map1 = affine_map<(d0, d1) -> (0, 0, 0)>
module attributes {stable_mosaic.version = 14 : i64} {
  func.func @agg_kernel(%arg0: i32, %arg1: i32, %arg2: memref<10000x128xf32, #tpu.memory_space<hbm>>, %arg3: memref<32x100x100xi32, #tpu.memory_space<hbm>>, %arg4: memref<32x100x100xi32, #tpu.memory_space<hbm>>, %arg5: memref<10000x128xf32, #tpu.memory_space<hbm>>, %arg6: memref<2x10000x128xf32, #tpu.memory_space<hbm>>, %arg7: memref<100x100xi32, #tpu.memory_space<vmem>>, %arg8: memref<100x100xi32, #tpu.memory_space<vmem>>, %arg9: memref<100x128xf32, #tpu.memory_space<vmem>>, %arg10: memref<100x128xf32, #tpu.memory_space<vmem>>, %arg11: memref<!tpu.dma_semaphore, #tpu.memory_space<semaphore_mem>>, %arg12: memref<!tpu.dma_semaphore, #tpu.memory_space<semaphore_mem>>, %arg13: memref<10000x128xf32, #tpu.memory_space<vmem_shared>>) attributes {dimension_semantics = [#tpu.dimension_semantics<core_parallel>, #tpu.dimension_semantics<subcore_parallel>], iteration_bounds = array<i64: 2, 16>, scalar_prefetch = 0 : i64, scratch_operands = 7 : i64, tpu.core_type = #tpu.core_type<sc_vector_subcore>, window_params = [{transform_indices = #map}, {transform_indices = #map1}, {transform_indices = #map1}, {transform_indices = #map}, {transform_indices = #map1}]} {
    %mul3A = arith.constant 2 : i32
    %mul3A_0 = arith.muli %arg1, %mul3A : i32
    %add3A = arith.addi %mul3A_0, %arg0 : i32
    %mul3A_1 = arith.constant 625 : i32
    %mul3A_2 = arith.muli %arg1, %mul3A_1 : i32
    %mul3A_3 = arith.constant 625 : i32
    %mul3A_4 = arith.muli %arg1, %mul3A_3 : i32
    %dma_start3A = arith.constant 0 : i32
    %dma_start3A_5 = tpu.memref_slice %arg13[%mul3A_4, %dma_start3A] : memref<10000x128xf32, #tpu.memory_space<vmem_shared>> -> memref<625x128xf32, #tpu.memory_space<vmem_shared>>
    %dma_start3A_6 = arith.constant 0 : i32
    %dma_start3A_7 = tpu.memref_slice %arg5[%mul3A_2, %dma_start3A_6] : memref<10000x128xf32, #tpu.memory_space<hbm>> -> memref<625x128xf32, #tpu.memory_space<hbm>>
    tpu.enqueue_dma source(%dma_start3A_7 : memref<625x128xf32, #tpu.memory_space<hbm>>) target(%dma_start3A_5 : memref<625x128xf32, #tpu.memory_space<vmem_shared>>) target_semaphore(%arg11 : memref<!tpu.dma_semaphore, #tpu.memory_space<semaphore_mem>>)
    %dma_start3A_8 = arith.constant 0 : i32
    %dma_start3A_9 = arith.constant 0 : i32
    %dma_start3A_10 = tpu.memref_slice %arg3[%add3A, %dma_start3A_8, %dma_start3A_9] : memref<32x100x100xi32, #tpu.memory_space<hbm>> -> memref<1x100x100xi32, #tpu.memory_space<hbm>>
    %dma_start3A_11 = tpu.memref_squeeze %dma_start3A_10 : memref<1x100x100xi32, #tpu.memory_space<hbm>> -> memref<100x100xi32, #tpu.memory_space<hbm>>
    %dma_start3A_12 = arith.constant 0 : i32
    %dma_start3A_13 = arith.constant 0 : i32
    %dma_start3A_14 = tpu.memref_slice %arg3[%add3A, %dma_start3A_12, %dma_start3A_13] : memref<32x100x100xi32, #tpu.memory_space<hbm>> -> memref<1x100x100xi32, #tpu.memory_space<hbm>>
    %dma_start3A_15 = tpu.memref_squeeze %dma_start3A_14 : memref<1x100x100xi32, #tpu.memory_space<hbm>> -> memref<100x100xi32, #tpu.memory_space<hbm>>
    tpu.enqueue_dma source(%dma_start3A_15 : memref<100x100xi32, #tpu.memory_space<hbm>>) target(%arg7 : memref<100x100xi32, #tpu.memory_space<vmem>>) target_semaphore(%arg12 : memref<!tpu.dma_semaphore, #tpu.memory_space<semaphore_mem>>)
    %dma_start3A_16 = arith.constant 0 : i32
    %dma_start3A_17 = arith.constant 0 : i32
    %dma_start3A_18 = tpu.memref_slice %arg4[%add3A, %dma_start3A_16, %dma_start3A_17] : memref<32x100x100xi32, #tpu.memory_space<hbm>> -> memref<1x100x100xi32, #tpu.memory_space<hbm>>
    %dma_start3A_19 = tpu.memref_squeeze %dma_start3A_18 : memref<1x100x100xi32, #tpu.memory_space<hbm>> -> memref<100x100xi32, #tpu.memory_space<hbm>>
    %dma_start3A_20 = arith.constant 0 : i32
    %dma_start3A_21 = arith.constant 0 : i32
    %dma_start3A_22 = tpu.memref_slice %arg4[%add3A, %dma_start3A_20, %dma_start3A_21] : memref<32x100x100xi32, #tpu.memory_space<hbm>> -> memref<1x100x100xi32, #tpu.memory_space<hbm>>
    %dma_start3A_23 = tpu.memref_squeeze %dma_start3A_22 : memref<1x100x100xi32, #tpu.memory_space<hbm>> -> memref<100x100xi32, #tpu.memory_space<hbm>>
    tpu.enqueue_dma source(%dma_start3A_23 : memref<100x100xi32, #tpu.memory_space<hbm>>) target(%arg8 : memref<100x100xi32, #tpu.memory_space<vmem>>) target_semaphore(%arg12 : memref<!tpu.dma_semaphore, #tpu.memory_space<semaphore_mem>>)
    %dma_wait3A = arith.constant 0 : i32
    %dma_wait3A_24 = tpu.memref_slice %arg13[%mul3A_4, %dma_wait3A] : memref<10000x128xf32, #tpu.memory_space<vmem_shared>> -> memref<625x128xf32, #tpu.memory_space<vmem_shared>>
    %dma_wait3A_25 = arith.constant 0 : i32
    %dma_wait3A_26 = tpu.memref_slice %arg5[%mul3A_2, %dma_wait3A_25] : memref<10000x128xf32, #tpu.memory_space<hbm>> -> memref<625x128xf32, #tpu.memory_space<hbm>>
    tpu.wait_dma2 semaphore(%arg11 : memref<!tpu.dma_semaphore, #tpu.memory_space<semaphore_mem>>) src(%dma_wait3A_26 : memref<625x128xf32, #tpu.memory_space<hbm>>) dst(%dma_wait3A_24 : memref<625x128xf32, #tpu.memory_space<vmem_shared>>)
    %dma_wait3A_27 = arith.constant 0 : i32
    %dma_wait3A_28 = arith.constant 0 : i32
    %dma_wait3A_29 = tpu.memref_slice %arg3[%add3A, %dma_wait3A_27, %dma_wait3A_28] : memref<32x100x100xi32, #tpu.memory_space<hbm>> -> memref<1x100x100xi32, #tpu.memory_space<hbm>>
    %dma_wait3A_30 = tpu.memref_squeeze %dma_wait3A_29 : memref<1x100x100xi32, #tpu.memory_space<hbm>> -> memref<100x100xi32, #tpu.memory_space<hbm>>
    %dma_wait3A_31 = arith.constant 0 : i32
    %dma_wait3A_32 = arith.constant 0 : i32
    %dma_wait3A_33 = tpu.memref_slice %arg3[%add3A, %dma_wait3A_31, %dma_wait3A_32] : memref<32x100x100xi32, #tpu.memory_space<hbm>> -> memref<1x100x100xi32, #tpu.memory_space<hbm>>
    %dma_wait3A_34 = tpu.memref_squeeze %dma_wait3A_33 : memref<1x100x100xi32, #tpu.memory_space<hbm>> -> memref<100x100xi32, #tpu.memory_space<hbm>>
    tpu.wait_dma2 semaphore(%arg12 : memref<!tpu.dma_semaphore, #tpu.memory_space<semaphore_mem>>) src(%dma_wait3A_34 : memref<100x100xi32, #tpu.memory_space<hbm>>) dst(%arg7 : memref<100x100xi32, #tpu.memory_space<vmem>>)
    %dma_wait3A_35 = arith.constant 0 : i32
    %dma_wait3A_36 = arith.constant 0 : i32
    %dma_wait3A_37 = tpu.memref_slice %arg4[%add3A, %dma_wait3A_35, %dma_wait3A_36] : memref<32x100x100xi32, #tpu.memory_space<hbm>> -> memref<1x100x100xi32, #tpu.memory_space<hbm>>
    %dma_wait3A_38 = tpu.memref_squeeze %dma_wait3A_37 : memref<1x100x100xi32, #tpu.memory_space<hbm>> -> memref<100x100xi32, #tpu.memory_space<hbm>>
    %dma_wait3A_39 = arith.constant 0 : i32
    %dma_wait3A_40 = arith.constant 0 : i32
    %dma_wait3A_41 = tpu.memref_slice %arg4[%add3A, %dma_wait3A_39, %dma_wait3A_40] : memref<32x100x100xi32, #tpu.memory_space<hbm>> -> memref<1x100x100xi32, #tpu.memory_space<hbm>>
    %dma_wait3A_42 = tpu.memref_squeeze %dma_wait3A_41 : memref<1x100x100xi32, #tpu.memory_space<hbm>> -> memref<100x100xi32, #tpu.memory_space<hbm>>
    tpu.wait_dma2 semaphore(%arg12 : memref<!tpu.dma_semaphore, #tpu.memory_space<semaphore_mem>>) src(%dma_wait3A_42 : memref<100x100xi32, #tpu.memory_space<hbm>>) dst(%arg8 : memref<100x100xi32, #tpu.memory_space<vmem>>)
    %barrier3A = arith.constant 0 : index
    tpu.barrier barrier_id(%barrier3A)
    %dma_start3A_43 = arith.constant 0 : i32
    %dma_start3A_44 = arith.constant 0 : i32
    %dma_start3A_45 = tpu.memref_slice %arg7[%dma_start3A_43, %dma_start3A_44] : memref<100x100xi32, #tpu.memory_space<vmem>> -> memref<1x100xi32, #tpu.memory_space<vmem>>
    %dma_start3A_46 = tpu.memref_squeeze %dma_start3A_45 : memref<1x100xi32, #tpu.memory_space<vmem>> -> memref<100xi32, #tpu.memory_space<vmem>>
    %dma_start3A_47 = arith.constant 0 : i32
    %dma_start3A_48 = arith.constant 0 : i32
    %dma_start3A_49 = tpu.memref_slice %arg2[%dma_start3A_47, %dma_start3A_48] : memref<10000x128xf32, #tpu.memory_space<hbm>> -> memref<10000x128xf32, #tpu.memory_space<hbm>>
    tpu.enqueue_indirect_dma source(%dma_start3A_49 : memref<10000x128xf32, #tpu.memory_space<hbm>>) target(%arg9 : memref<100x128xf32, #tpu.memory_space<vmem>>) offsets(%dma_start3A_46 : memref<100xi32, #tpu.memory_space<vmem>>) semaphore(%arg11 : memref<!tpu.dma_semaphore, #tpu.memory_space<semaphore_mem>>)
    %scan3A = arith.constant 0 : i32
    %scan3A_50 = arith.constant 50 : i32
    %scan3A_51 = arith.addi %scan3A, %scan3A_50 : i32
    %scan3A_52 = arith.constant 1 : i32
    scf.for %scan3A_66 = %scan3A to %scan3A_51 step %scan3A_52  : i32 {
      %mul3A_67 = arith.constant 2 : i32
      %mul3A_68 = arith.muli %mul3A_67, %scan3A_66 : i32
      %mul3A_69 = arith.constant 2 : i32
      %mul3A_70 = arith.muli %mul3A_69, %scan3A_66 : i32
      %add3A_71 = arith.constant 1 : i32
      %add3A_72 = arith.addi %mul3A_70, %add3A_71 : i32
      %add3A_73 = arith.constant 2 : i32
      %add3A_74 = arith.addi %mul3A_68, %add3A_73 : i32
      %rem3A = arith.constant 100 : i32
      %rem3A_75 = arith.remsi %add3A_74, %rem3A : i32
      %dma_start3A_76 = arith.constant 0 : i32
      %dma_start3A_77 = tpu.memref_slice %arg7[%add3A_72, %dma_start3A_76] : memref<100x100xi32, #tpu.memory_space<vmem>> -> memref<1x100xi32, #tpu.memory_space<vmem>>
      %dma_start3A_78 = tpu.memref_squeeze %dma_start3A_77 : memref<1x100xi32, #tpu.memory_space<vmem>> -> memref<100xi32, #tpu.memory_space<vmem>>
      %dma_start3A_79 = arith.constant 0 : i32
      %dma_start3A_80 = arith.constant 0 : i32
      %dma_start3A_81 = tpu.memref_slice %arg2[%dma_start3A_79, %dma_start3A_80] : memref<10000x128xf32, #tpu.memory_space<hbm>> -> memref<10000x128xf32, #tpu.memory_space<hbm>>
      tpu.enqueue_indirect_dma source(%dma_start3A_81 : memref<10000x128xf32, #tpu.memory_space<hbm>>) target(%arg10 : memref<100x128xf32, #tpu.memory_space<vmem>>) offsets(%dma_start3A_78 : memref<100xi32, #tpu.memory_space<vmem>>) semaphore(%arg12 : memref<!tpu.dma_semaphore, #tpu.memory_space<semaphore_mem>>)
      %dma_wait3A_82 = arith.constant 0 : i32
      %dma_wait3A_83 = tpu.memref_slice %arg7[%mul3A_68, %dma_wait3A_82] : memref<100x100xi32, #tpu.memory_space<vmem>> -> memref<1x100xi32, #tpu.memory_space<vmem>>
      %dma_wait3A_84 = tpu.memref_squeeze %dma_wait3A_83 : memref<1x100xi32, #tpu.memory_space<vmem>> -> memref<100xi32, #tpu.memory_space<vmem>>
      %dma_wait3A_85 = arith.constant 0 : i32
      %dma_wait3A_86 = arith.constant 0 : i32
      %dma_wait3A_87 = tpu.memref_slice %arg2[%dma_wait3A_85, %dma_wait3A_86] : memref<10000x128xf32, #tpu.memory_space<hbm>> -> memref<10000x128xf32, #tpu.memory_space<hbm>>
      tpu.wait_indirect_dma semaphore(%arg11 : memref<!tpu.dma_semaphore, #tpu.memory_space<semaphore_mem>>) src(%dma_wait3A_87 : memref<10000x128xf32, #tpu.memory_space<hbm>>) dst(%arg9 : memref<100x128xf32, #tpu.memory_space<vmem>>)
      "tpu.region"() ({
        %run_scoped3A = tpu.sem_alloc : memref<!tpu.dma_semaphore, #tpu.memory_space<semaphore_mem>>
        %dma_start3A_100 = arith.constant 0 : i32
        %dma_start3A_101 = tpu.memref_slice %arg8[%mul3A_68, %dma_start3A_100] : memref<100x100xi32, #tpu.memory_space<vmem>> -> memref<1x100xi32, #tpu.memory_space<vmem>>
        %dma_start3A_102 = tpu.memref_squeeze %dma_start3A_101 : memref<1x100xi32, #tpu.memory_space<vmem>> -> memref<100xi32, #tpu.memory_space<vmem>>
        %dma_start3A_103 = arith.constant 0 : i32
        %dma_start3A_104 = arith.constant 0 : i32
        %dma_start3A_105 = tpu.memref_slice %arg13[%dma_start3A_103, %dma_start3A_104] : memref<10000x128xf32, #tpu.memory_space<vmem_shared>> -> memref<10000x128xf32, #tpu.memory_space<vmem_shared>>
        tpu.enqueue_indirect_dma source(%arg9 : memref<100x128xf32, #tpu.memory_space<vmem>>) target(%dma_start3A_105 : memref<10000x128xf32, #tpu.memory_space<vmem_shared>>) offsets(%dma_start3A_102 : memref<100xi32, #tpu.memory_space<vmem>>) semaphore(%run_scoped3A : memref<!tpu.dma_semaphore, #tpu.memory_space<semaphore_mem>>) {add = true}
        %dma_wait3A_106 = arith.constant 0 : i32
        %dma_wait3A_107 = tpu.memref_slice %arg8[%mul3A_68, %dma_wait3A_106] : memref<100x100xi32, #tpu.memory_space<vmem>> -> memref<1x100xi32, #tpu.memory_space<vmem>>
        %dma_wait3A_108 = tpu.memref_squeeze %dma_wait3A_107 : memref<1x100xi32, #tpu.memory_space<vmem>> -> memref<100xi32, #tpu.memory_space<vmem>>
        %dma_wait3A_109 = arith.constant 0 : i32
        %dma_wait3A_110 = arith.constant 0 : i32
        %dma_wait3A_111 = tpu.memref_slice %arg13[%dma_wait3A_109, %dma_wait3A_110] : memref<10000x128xf32, #tpu.memory_space<vmem_shared>> -> memref<10000x128xf32, #tpu.memory_space<vmem_shared>>
        tpu.wait_indirect_dma semaphore(%run_scoped3A : memref<!tpu.dma_semaphore, #tpu.memory_space<semaphore_mem>>) src(%arg9 : memref<100x128xf32, #tpu.memory_space<vmem>>) dst(%dma_wait3A_111 : memref<10000x128xf32, #tpu.memory_space<vmem_shared>>)
        tpu.yield
      }) : () -> ()
      %dma_start3A_88 = arith.constant 0 : i32
      %dma_start3A_89 = tpu.memref_slice %arg7[%rem3A_75, %dma_start3A_88] : memref<100x100xi32, #tpu.memory_space<vmem>> -> memref<1x100xi32, #tpu.memory_space<vmem>>
      %dma_start3A_90 = tpu.memref_squeeze %dma_start3A_89 : memref<1x100xi32, #tpu.memory_space<vmem>> -> memref<100xi32, #tpu.memory_space<vmem>>
      %dma_start3A_91 = arith.constant 0 : i32
      %dma_start3A_92 = arith.constant 0 : i32
      %dma_start3A_93 = tpu.memref_slice %arg2[%dma_start3A_91, %dma_start3A_92] : memref<10000x128xf32, #tpu.memory_space<hbm>> -> memref<10000x128xf32, #tpu.memory_space<hbm>>
      tpu.enqueue_indirect_dma source(%dma_start3A_93 : memref<10000x128xf32, #tpu.memory_space<hbm>>) target(%arg9 : memref<100x128xf32, #tpu.memory_space<vmem>>) offsets(%dma_start3A_90 : memref<100xi32, #tpu.memory_space<vmem>>) semaphore(%arg11 : memref<!tpu.dma_semaphore, #tpu.memory_space<semaphore_mem>>)
      %dma_wait3A_94 = arith.constant 0 : i32
      %dma_wait3A_95 = tpu.memref_slice %arg7[%add3A_72, %dma_wait3A_94] : memref<100x100xi32, #tpu.memory_space<vmem>> -> memref<1x100xi32, #tpu.memory_space<vmem>>
      %dma_wait3A_96 = tpu.memref_squeeze %dma_wait3A_95 : memref<1x100xi32, #tpu.memory_space<vmem>> -> memref<100xi32, #tpu.memory_space<vmem>>
      %dma_wait3A_97 = arith.constant 0 : i32
      %dma_wait3A_98 = arith.constant 0 : i32
      %dma_wait3A_99 = tpu.memref_slice %arg2[%dma_wait3A_97, %dma_wait3A_98] : memref<10000x128xf32, #tpu.memory_space<hbm>> -> memref<10000x128xf32, #tpu.memory_space<hbm>>
      tpu.wait_indirect_dma semaphore(%arg12 : memref<!tpu.dma_semaphore, #tpu.memory_space<semaphore_mem>>) src(%dma_wait3A_99 : memref<10000x128xf32, #tpu.memory_space<hbm>>) dst(%arg10 : memref<100x128xf32, #tpu.memory_space<vmem>>)
      "tpu.region"() ({
        %run_scoped3A = tpu.sem_alloc : memref<!tpu.dma_semaphore, #tpu.memory_space<semaphore_mem>>
        %dma_start3A_100 = arith.constant 0 : i32
        %dma_start3A_101 = tpu.memref_slice %arg8[%add3A_72, %dma_start3A_100] : memref<100x100xi32, #tpu.memory_space<vmem>> -> memref<1x100xi32, #tpu.memory_space<vmem>>
        %dma_start3A_102 = tpu.memref_squeeze %dma_start3A_101 : memref<1x100xi32, #tpu.memory_space<vmem>> -> memref<100xi32, #tpu.memory_space<vmem>>
        %dma_start3A_103 = arith.constant 0 : i32
        %dma_start3A_104 = arith.constant 0 : i32
        %dma_start3A_105 = tpu.memref_slice %arg13[%dma_start3A_103, %dma_start3A_104] : memref<10000x128xf32, #tpu.memory_space<vmem_shared>> -> memref<10000x128xf32, #tpu.memory_space<vmem_shared>>
        tpu.enqueue_indirect_dma source(%arg10 : memref<100x128xf32, #tpu.memory_space<vmem>>) target(%dma_start3A_105 : memref<10000x128xf32, #tpu.memory_space<vmem_shared>>) offsets(%dma_start3A_102 : memref<100xi32, #tpu.memory_space<vmem>>) semaphore(%run_scoped3A : memref<!tpu.dma_semaphore, #tpu.memory_space<semaphore_mem>>) {add = true}
        %dma_wait3A_106 = arith.constant 0 : i32
        %dma_wait3A_107 = tpu.memref_slice %arg8[%add3A_72, %dma_wait3A_106] : memref<100x100xi32, #tpu.memory_space<vmem>> -> memref<1x100xi32, #tpu.memory_space<vmem>>
        %dma_wait3A_108 = tpu.memref_squeeze %dma_wait3A_107 : memref<1x100xi32, #tpu.memory_space<vmem>> -> memref<100xi32, #tpu.memory_space<vmem>>
        %dma_wait3A_109 = arith.constant 0 : i32
        %dma_wait3A_110 = arith.constant 0 : i32
        %dma_wait3A_111 = tpu.memref_slice %arg13[%dma_wait3A_109, %dma_wait3A_110] : memref<10000x128xf32, #tpu.memory_space<vmem_shared>> -> memref<10000x128xf32, #tpu.memory_space<vmem_shared>>
        tpu.wait_indirect_dma semaphore(%run_scoped3A : memref<!tpu.dma_semaphore, #tpu.memory_space<semaphore_mem>>) src(%arg10 : memref<100x128xf32, #tpu.memory_space<vmem>>) dst(%dma_wait3A_111 : memref<10000x128xf32, #tpu.memory_space<vmem_shared>>)
        tpu.yield
      }) : () -> ()
    }
    %scan3A_53 = arith.constant 50 : i32
    %dma_wait3A_54 = arith.constant 0 : i32
    %dma_wait3A_55 = arith.constant 0 : i32
    %dma_wait3A_56 = tpu.memref_slice %arg7[%dma_wait3A_54, %dma_wait3A_55] : memref<100x100xi32, #tpu.memory_space<vmem>> -> memref<1x100xi32, #tpu.memory_space<vmem>>
    %dma_wait3A_57 = tpu.memref_squeeze %dma_wait3A_56 : memref<1x100xi32, #tpu.memory_space<vmem>> -> memref<100xi32, #tpu.memory_space<vmem>>
    %dma_wait3A_58 = arith.constant 0 : i32
    %dma_wait3A_59 = arith.constant 0 : i32
    %dma_wait3A_60 = tpu.memref_slice %arg2[%dma_wait3A_58, %dma_wait3A_59] : memref<10000x128xf32, #tpu.memory_space<hbm>> -> memref<10000x128xf32, #tpu.memory_space<hbm>>
    tpu.wait_indirect_dma semaphore(%arg11 : memref<!tpu.dma_semaphore, #tpu.memory_space<semaphore_mem>>) src(%dma_wait3A_60 : memref<10000x128xf32, #tpu.memory_space<hbm>>) dst(%arg9 : memref<100x128xf32, #tpu.memory_space<vmem>>)
    %barrier3A_61 = arith.constant 0 : index
    tpu.barrier barrier_id(%barrier3A_61)
    %mul3A_62 = arith.constant 625 : i32
    %mul3A_63 = arith.muli %arg1, %mul3A_62 : i32
    %mul3A_64 = arith.constant 625 : i32
    %mul3A_65 = arith.muli %arg1, %mul3A_64 : i32
    "tpu.region"() ({
      %run_scoped3A = tpu.sem_alloc : memref<!tpu.dma_semaphore, #tpu.memory_space<semaphore_mem>>
      %dma_start3A_66 = arith.constant 0 : i32
      %dma_start3A_67 = tpu.memref_slice %arg6[%arg0, %mul3A_65, %dma_start3A_66] : memref<2x10000x128xf32, #tpu.memory_space<hbm>> -> memref<1x625x128xf32, #tpu.memory_space<hbm>>
      %dma_start3A_68 = tpu.memref_squeeze %dma_start3A_67 : memref<1x625x128xf32, #tpu.memory_space<hbm>> -> memref<625x128xf32, #tpu.memory_space<hbm>>
      %dma_start3A_69 = arith.constant 0 : i32
      %dma_start3A_70 = tpu.memref_slice %arg13[%mul3A_63, %dma_start3A_69] : memref<10000x128xf32, #tpu.memory_space<vmem_shared>> -> memref<625x128xf32, #tpu.memory_space<vmem_shared>>
      tpu.enqueue_dma source(%dma_start3A_70 : memref<625x128xf32, #tpu.memory_space<vmem_shared>>) target(%dma_start3A_68 : memref<625x128xf32, #tpu.memory_space<hbm>>) target_semaphore(%run_scoped3A : memref<!tpu.dma_semaphore, #tpu.memory_space<semaphore_mem>>)
      %dma_wait3A_71 = arith.constant 0 : i32
      %dma_wait3A_72 = tpu.memref_slice %arg6[%arg0, %mul3A_65, %dma_wait3A_71] : memref<2x10000x128xf32, #tpu.memory_space<hbm>> -> memref<1x625x128xf32, #tpu.memory_space<hbm>>
      %dma_wait3A_73 = tpu.memref_squeeze %dma_wait3A_72 : memref<1x625x128xf32, #tpu.memory_space<hbm>> -> memref<625x128xf32, #tpu.memory_space<hbm>>
      %dma_wait3A_74 = arith.constant 0 : i32
      %dma_wait3A_75 = tpu.memref_slice %arg13[%mul3A_63, %dma_wait3A_74] : memref<10000x128xf32, #tpu.memory_space<vmem_shared>> -> memref<625x128xf32, #tpu.memory_space<vmem_shared>>
      tpu.wait_dma2 semaphore(%run_scoped3A : memref<!tpu.dma_semaphore, #tpu.memory_space<semaphore_mem>>) src(%dma_wait3A_75 : memref<625x128xf32, #tpu.memory_space<vmem_shared>>) dst(%dma_wait3A_73 : memref<625x128xf32, #tpu.memory_space<hbm>>)
      tpu.yield
    }) : () -> ()
    return
  }
}

module attributes {stable_mosaic.version = 14 : i64} {
  func.func @body(%arg0: i32, %arg1: memref<2000x128xf32, #tpu.memory_space<vmem>>, %arg2: memref<128x128xf32, #tpu.memory_space<vmem>>, %arg3: memref<128x32xf32, #tpu.memory_space<vmem>>, %arg4: memref<1x32xf32, #tpu.memory_space<vmem>>, %arg5: memref<2000x128xf32, #tpu.memory_space<vmem>>, %arg6: memref<2000x32xf32, #tpu.memory_space<vmem>>) attributes {dimension_semantics = [#tpu.dimension_semantics<arbitrary>], iteration_bounds = array<i64: 5>, scalar_prefetch = 0 : i64, scratch_operands = 0 : i64, tpu.core_type = #tpu.core_type<tc>, window_params = [{transform_indices = @transform_0, window_bounds = array<i64: 2000, 128>}, {pipeline_mode = #tpu.pipeline_mode<synchronous>, transform_indices = @transform_1, window_bounds = array<i64: 128, 128>}, {pipeline_mode = #tpu.pipeline_mode<synchronous>, transform_indices = @transform_2, window_bounds = array<i64: 128, 32>}, {pipeline_mode = #tpu.pipeline_mode<synchronous>, transform_indices = @transform_3, window_bounds = array<i64: 1, 32>}, {transform_indices = @transform_4, window_bounds = array<i64: 2000, 128>}, {transform_indices = @transform_5, window_bounds = array<i64: 2000, 32>}]} {
    %get3A = arith.constant 0 : index
    %get3A_0 = arith.constant 0 : index
    %get3A_1 = vector.load %arg1[%get3A, %get3A_0] : memref<2000x128xf32, #tpu.memory_space<vmem>>, vector<2000x128xf32>
    %get3A_2 = arith.constant 0 : index
    %get3A_3 = arith.constant 0 : index
    %get3A_4 = vector.load %arg2[%get3A_2, %get3A_3] : memref<128x128xf32, #tpu.memory_space<vmem>>, vector<128x128xf32>
    %dot_general3A = arith.constant dense<0.000000e+00> : vector<2000x128xf32>
    %dot_general3A_5 = tpu.matmul %get3A_1, %get3A_4, %dot_general3A {dimension_numbers = #tpu.dot_dimension_numbers<[1], [0], [0], [1], [0, 0, 1, 1], [], []>, precision = #tpu.contract_precision<fp32>, transpose_lhs_hint = false} : vector<2000x128xf32>, vector<128x128xf32>, vector<2000x128xf32> -> vector<2000x128xf32>
    %swap3A = arith.constant 0 : index
    %swap3A_6 = arith.constant 0 : index
    %swap3A_7 = vector.load %arg5[%swap3A, %swap3A_6] : memref<2000x128xf32, #tpu.memory_space<vmem>>, vector<2000x128xf32>
    tpu.vector_store %arg5[%swap3A, %swap3A_6], %dot_general3A_5 {strides = array<i32>} : memref<2000x128xf32, #tpu.memory_space<vmem>>, vector<2000x128xf32>,
    %get3A_8 = arith.constant 0 : index
    %get3A_9 = arith.constant 0 : index
    %get3A_10 = vector.load %arg3[%get3A_8, %get3A_9] : memref<128x32xf32, #tpu.memory_space<vmem>>, vector<128x32xf32>
    %dot_general3A_11 = arith.constant dense<0.000000e+00> : vector<2000x32xf32>
    %dot_general3A_12 = tpu.matmul %get3A_1, %get3A_10, %dot_general3A_11 {dimension_numbers = #tpu.dot_dimension_numbers<[1], [0], [0], [1], [0, 0, 1, 1], [], []>, precision = #tpu.contract_precision<fp32>, transpose_lhs_hint = false} : vector<2000x128xf32>, vector<128x32xf32>, vector<2000x32xf32> -> vector<2000x32xf32>
    %get3A_13 = arith.constant 0 : index
    %get3A_14 = arith.constant 0 : index
    %get3A_15 = vector.load %arg4[%get3A_13, %get3A_14] : memref<1x32xf32, #tpu.memory_space<vmem>>, vector<1x32xf32>
    %add3A = vector.broadcast %get3A_15 : vector<1x32xf32> to vector<2000x32xf32>
    %add3A_16 = arith.addf %dot_general3A_12, %add3A : vector<2000x32xf32>
    %swap3A_17 = arith.constant 0 : index
    %swap3A_18 = arith.constant 0 : index
    %swap3A_19 = vector.load %arg6[%swap3A_17, %swap3A_18] : memref<2000x32xf32, #tpu.memory_space<vmem>>, vector<2000x32xf32>
    tpu.vector_store %arg6[%swap3A_17, %swap3A_18], %add3A_16 {strides = array<i32>} : memref<2000x32xf32, #tpu.memory_space<vmem>>, vector<2000x32xf32>,
    return
  }
  func.func @transform_0(%arg0: i32) -> (i32, i32) {
    %c0_i32 = arith.constant 0 : i32
    %c0_i32_0 = arith.constant 0 : i32
    return %arg0, %c0_i32 : i32, i32
  }
  func.func @transform_1(%arg0: i32) -> (i32, i32) {
    %c0_i32 = arith.constant 0 : i32
    %c0_i32_0 = arith.constant 0 : i32
    %c0_i32_1 = arith.constant 0 : i32
    return %c0_i32, %c0_i32_0 : i32, i32
  }
  func.func @transform_2(%arg0: i32) -> (i32, i32) {
    %c0_i32 = arith.constant 0 : i32
    %c0_i32_0 = arith.constant 0 : i32
    %c0_i32_1 = arith.constant 0 : i32
    return %c0_i32, %c0_i32_0 : i32, i32
  }
  func.func @transform_3(%arg0: i32) -> (i32, i32) {
    %c0_i32 = arith.constant 0 : i32
    %c0_i32_0 = arith.constant 0 : i32
    %c0_i32_1 = arith.constant 0 : i32
    return %c0_i32, %c0_i32_0 : i32, i32
  }
  func.func @transform_4(%arg0: i32) -> (i32, i32) {
    %c0_i32 = arith.constant 0 : i32
    %c0_i32_0 = arith.constant 0 : i32
    return %arg0, %c0_i32 : i32, i32
  }
  func.func @transform_5(%arg0: i32) -> (i32, i32) {
    %c0_i32 = arith.constant 0 : i32
    %c0_i32_0 = arith.constant 0 : i32
    return %arg0, %c0_i32 : i32, i32
  }
}

module attributes {stable_mosaic.version = 14 : i64} {
  func.func @body(%arg0: i32, %arg1: memref<2x2000x16xf32, #tpu.memory_space<vmem>>, %arg2: memref<2000x128xf32, #tpu.memory_space<vmem>>, %arg3: memref<2000x1xf32, #tpu.memory_space<vmem>>, %arg4: memref<2000x128xf32, #tpu.memory_space<vmem>>) attributes {dimension_semantics = [#tpu.dimension_semantics<arbitrary>], iteration_bounds = array<i64: 5>, scalar_prefetch = 0 : i64, scratch_operands = 0 : i64, tpu.core_type = #tpu.core_type<tc>, window_params = [{transform_indices = @transform_0, window_bounds = array<i64: 2, 2000, 16>}, {transform_indices = @transform_1, window_bounds = array<i64: 2000, 128>}, {transform_indices = @transform_2, window_bounds = array<i64: 2000, 1>}, {transform_indices = @transform_3, window_bounds = array<i64: 2000, 128>}]} {
    %get3A = arith.constant 0 : index
    %get3A_0 = arith.constant 0 : index
    %get3A_1 = arith.constant 0 : index
    %get3A_2 = vector.load %arg1[%get3A, %get3A_0, %get3A_1] : memref<2x2000x16xf32, #tpu.memory_space<vmem>>, vector<2x2000x16xf32>
    %slice3A = vector.extract_strided_slice %get3A_2 {offsets = [0, 0, 0], sizes = [1, 2000, 16], strides = [1, 1, 1]} : vector<2x2000x16xf32> to vector<1x2000x16xf32>
    %squeeze3A = vector.shape_cast %slice3A : vector<1x2000x16xf32> to vector<2000x16xf32>
    %slice3A_3 = vector.extract_strided_slice %squeeze3A {offsets = [0, 0], sizes = [2000, 1], strides = [1, 1]} : vector<2000x16xf32> to vector<2000x1xf32>
    %slice3A_4 = vector.extract_strided_slice %get3A_2 {offsets = [1, 0, 0], sizes = [1, 2000, 16], strides = [1, 1, 1]} : vector<2x2000x16xf32> to vector<1x2000x16xf32>
    %squeeze3A_5 = vector.shape_cast %slice3A_4 : vector<1x2000x16xf32> to vector<2000x16xf32>
    %slice3A_6 = vector.extract_strided_slice %squeeze3A_5 {offsets = [0, 0], sizes = [2000, 1], strides = [1, 1]} : vector<2000x16xf32> to vector<2000x1xf32>
    %add3A = arith.addf %slice3A_3, %slice3A_6 : vector<2000x1xf32>
    %add3A_7 = arith.constant 1.000000e+00 : f32
    %add3A_8 = vector.broadcast %add3A_7 : f32 to vector<2000x1xf32>
    %add3A_9 = arith.addf %add3A, %add3A_8 : vector<2000x1xf32>
    %sqrt3A = math.sqrt %add3A_9 : vector<2000x1xf32>
    %div3A = arith.constant 1.000000e+00 : f32
    %div3A_10 = vector.broadcast %div3A : f32 to vector<2000x1xf32>
    %div3A_11 = arith.divf %div3A_10, %sqrt3A : vector<2000x1xf32>
    %swap3A = arith.constant 0 : index
    %swap3A_12 = arith.constant 0 : index
    %swap3A_13 = vector.load %arg3[%swap3A, %swap3A_12] : memref<2000x1xf32, #tpu.memory_space<vmem>>, vector<2000x1xf32>
    tpu.vector_store %arg3[%swap3A, %swap3A_12], %div3A_11 {strides = array<i32>} : memref<2000x1xf32, #tpu.memory_space<vmem>>, vector<2000x1xf32>,
    %get3A_14 = arith.constant 0 : index
    %get3A_15 = arith.constant 0 : index
    %get3A_16 = vector.load %arg2[%get3A_14, %get3A_15] : memref<2000x128xf32, #tpu.memory_space<vmem>>, vector<2000x128xf32>
    %mul3A = vector.broadcast %div3A_11 : vector<2000x1xf32> to vector<2000x128xf32>
    %mul3A_17 = arith.mulf %mul3A, %get3A_16 : vector<2000x128xf32>
    %swap3A_18 = arith.constant 0 : index
    %swap3A_19 = arith.constant 0 : index
    %swap3A_20 = vector.load %arg4[%swap3A_18, %swap3A_19] : memref<2000x128xf32, #tpu.memory_space<vmem>>, vector<2000x128xf32>
    tpu.vector_store %arg4[%swap3A_18, %swap3A_19], %mul3A_17 {strides = array<i32>} : memref<2000x128xf32, #tpu.memory_space<vmem>>, vector<2000x128xf32>,
    return
  }
  func.func @transform_0(%arg0: i32) -> (i32, i32, i32) {
    %c0_i32 = arith.constant 0 : i32
    %c0_i32_0 = arith.constant 0 : i32
    %c0_i32_1 = arith.constant 0 : i32
    return %c0_i32, %arg0, %c0_i32_0 : i32, i32, i32
  }
  func.func @transform_1(%arg0: i32) -> (i32, i32) {
    %c0_i32 = arith.constant 0 : i32
    %c0_i32_0 = arith.constant 0 : i32
    return %arg0, %c0_i32 : i32, i32
  }
  func.func @transform_2(%arg0: i32) -> (i32, i32) {
    %c0_i32 = arith.constant 0 : i32
    %c0_i32_0 = arith.constant 0 : i32
    return %arg0, %c0_i32 : i32, i32
  }
  func.func @transform_3(%arg0: i32) -> (i32, i32) {
    %c0_i32 = arith.constant 0 : i32
    %c0_i32_0 = arith.constant 0 : i32
    return %arg0, %c0_i32 : i32, i32
  }
}

module attributes {stable_mosaic.version = 14 : i64} {
  func.func @body(%arg0: i32, %arg1: memref<2x2000x128xf32, #tpu.memory_space<vmem>>, %arg2: memref<2000x128xf32, #tpu.memory_space<vmem>>, %arg3: memref<2000x1xf32, #tpu.memory_space<vmem>>, %arg4: memref<1x128xf32, #tpu.memory_space<vmem>>, %arg5: memref<128x128xf32, #tpu.memory_space<vmem>>, %arg6: memref<128x32xf32, #tpu.memory_space<vmem>>, %arg7: memref<2000x32xf32, #tpu.memory_space<vmem>>, %arg8: memref<2000x128xf32, #tpu.memory_space<vmem>>, %arg9: memref<2000x32xf32, #tpu.memory_space<vmem>>) attributes {dimension_semantics = [#tpu.dimension_semantics<arbitrary>], iteration_bounds = array<i64: 5>, scalar_prefetch = 0 : i64, scratch_operands = 0 : i64, tpu.core_type = #tpu.core_type<tc>, window_params = [{transform_indices = @transform_0, window_bounds = array<i64: 2, 2000, 128>}, {transform_indices = @transform_1, window_bounds = array<i64: 2000, 128>}, {transform_indices = @transform_2, window_bounds = array<i64: 2000, 1>}, {pipeline_mode = #tpu.pipeline_mode<synchronous>, transform_indices = @transform_3, window_bounds = array<i64: 1, 128>}, {pipeline_mode = #tpu.pipeline_mode<synchronous>, transform_indices = @transform_4, window_bounds = array<i64: 128, 128>}, {pipeline_mode = #tpu.pipeline_mode<synchronous>, transform_indices = @transform_5, window_bounds = array<i64: 128, 32>}, {transform_indices = @transform_6, window_bounds = array<i64: 2000, 32>}, {transform_indices = @transform_7, window_bounds = array<i64: 2000, 128>}, {transform_indices = @transform_8, window_bounds = array<i64: 2000, 32>}]} {
    %get3A = arith.constant 0 : index
    %get3A_0 = arith.constant 0 : index
    %get3A_1 = arith.constant 0 : index
    %get3A_2 = vector.load %arg1[%get3A, %get3A_0, %get3A_1] : memref<2x2000x128xf32, #tpu.memory_space<vmem>>, vector<2x2000x128xf32>
    %get3A_3 = arith.constant 0 : index
    %get3A_4 = arith.constant 0 : index
    %get3A_5 = vector.load %arg3[%get3A_3, %get3A_4] : memref<2000x1xf32, #tpu.memory_space<vmem>>, vector<2000x1xf32>
    %slice3A = vector.extract_strided_slice %get3A_2 {offsets = [0, 0, 0], sizes = [1, 2000, 128], strides = [1, 1, 1]} : vector<2x2000x128xf32> to vector<1x2000x128xf32>
    %squeeze3A = vector.shape_cast %slice3A : vector<1x2000x128xf32> to vector<2000x128xf32>
    %slice3A_6 = vector.extract_strided_slice %get3A_2 {offsets = [1, 0, 0], sizes = [1, 2000, 128], strides = [1, 1, 1]} : vector<2x2000x128xf32> to vector<1x2000x128xf32>
    %squeeze3A_7 = vector.shape_cast %slice3A_6 : vector<1x2000x128xf32> to vector<2000x128xf32>
    %add3A = arith.addf %squeeze3A, %squeeze3A_7 : vector<2000x128xf32>
    %get3A_8 = arith.constant 0 : index
    %get3A_9 = arith.constant 0 : index
    %get3A_10 = vector.load %arg2[%get3A_8, %get3A_9] : memref<2000x128xf32, #tpu.memory_space<vmem>>, vector<2000x128xf32>
    %add3A_11 = arith.addf %add3A, %get3A_10 : vector<2000x128xf32>
    %mul3A = vector.broadcast %get3A_5 : vector<2000x1xf32> to vector<2000x128xf32>
    %mul3A_12 = arith.mulf %mul3A, %add3A_11 : vector<2000x128xf32>
    %get3A_13 = arith.constant 0 : index
    %get3A_14 = arith.constant 0 : index
    %get3A_15 = vector.load %arg4[%get3A_13, %get3A_14] : memref<1x128xf32, #tpu.memory_space<vmem>>, vector<1x128xf32>
    %add3A_16 = vector.broadcast %get3A_15 : vector<1x128xf32> to vector<2000x128xf32>
    %add3A_17 = arith.addf %mul3A_12, %add3A_16 : vector<2000x128xf32>
    %max3A = arith.constant 0.000000e+00 : f32
    %max3A_18 = vector.broadcast %max3A : f32 to vector<2000x128xf32>
    %max3A_19 = arith.maximumf %add3A_17, %max3A_18 : vector<2000x128xf32>
    %get3A_20 = arith.constant 0 : index
    %get3A_21 = arith.constant 0 : index
    %get3A_22 = vector.load %arg5[%get3A_20, %get3A_21] : memref<128x128xf32, #tpu.memory_space<vmem>>, vector<128x128xf32>
    %dot_general3A = arith.constant dense<0.000000e+00> : vector<2000x128xf32>
    %dot_general3A_23 = tpu.matmul %max3A_19, %get3A_22, %dot_general3A {dimension_numbers = #tpu.dot_dimension_numbers<[1], [0], [0], [1], [0, 0, 1, 1], [], []>, precision = #tpu.contract_precision<fp32>, transpose_lhs_hint = false} : vector<2000x128xf32>, vector<128x128xf32>, vector<2000x128xf32> -> vector<2000x128xf32>
    %mul3A_24 = vector.broadcast %get3A_5 : vector<2000x1xf32> to vector<2000x128xf32>
    %mul3A_25 = arith.mulf %mul3A_24, %dot_general3A_23 : vector<2000x128xf32>
    %swap3A = arith.constant 0 : index
    %swap3A_26 = arith.constant 0 : index
    %swap3A_27 = vector.load %arg8[%swap3A, %swap3A_26] : memref<2000x128xf32, #tpu.memory_space<vmem>>, vector<2000x128xf32>
    tpu.vector_store %arg8[%swap3A, %swap3A_26], %mul3A_25 {strides = array<i32>} : memref<2000x128xf32, #tpu.memory_space<vmem>>, vector<2000x128xf32>,
    %get3A_28 = arith.constant 0 : index
    %get3A_29 = arith.constant 0 : index
    %get3A_30 = vector.load %arg7[%get3A_28, %get3A_29] : memref<2000x32xf32, #tpu.memory_space<vmem>>, vector<2000x32xf32>
    %get3A_31 = arith.constant 0 : index
    %get3A_32 = arith.constant 0 : index
    %get3A_33 = vector.load %arg6[%get3A_31, %get3A_32] : memref<128x32xf32, #tpu.memory_space<vmem>>, vector<128x32xf32>
    %dot_general3A_34 = arith.constant dense<0.000000e+00> : vector<2000x32xf32>
    %dot_general3A_35 = tpu.matmul %max3A_19, %get3A_33, %dot_general3A_34 {dimension_numbers = #tpu.dot_dimension_numbers<[1], [0], [0], [1], [0, 0, 1, 1], [], []>, precision = #tpu.contract_precision<fp32>, transpose_lhs_hint = false} : vector<2000x128xf32>, vector<128x32xf32>, vector<2000x32xf32> -> vector<2000x32xf32>
    %add3A_36 = arith.addf %get3A_30, %dot_general3A_35 : vector<2000x32xf32>
    %swap3A_37 = arith.constant 0 : index
    %swap3A_38 = arith.constant 0 : index
    %swap3A_39 = vector.load %arg9[%swap3A_37, %swap3A_38] : memref<2000x32xf32, #tpu.memory_space<vmem>>, vector<2000x32xf32>
    tpu.vector_store %arg9[%swap3A_37, %swap3A_38], %add3A_36 {strides = array<i32>} : memref<2000x32xf32, #tpu.memory_space<vmem>>, vector<2000x32xf32>,
    return
  }
  func.func @transform_0(%arg0: i32) -> (i32, i32, i32) {
    %c0_i32 = arith.constant 0 : i32
    %c0_i32_0 = arith.constant 0 : i32
    %c0_i32_1 = arith.constant 0 : i32
    return %c0_i32, %arg0, %c0_i32_0 : i32, i32, i32
  }
  func.func @transform_1(%arg0: i32) -> (i32, i32) {
    %c0_i32 = arith.constant 0 : i32
    %c0_i32_0 = arith.constant 0 : i32
    return %arg0, %c0_i32 : i32, i32
  }
  func.func @transform_2(%arg0: i32) -> (i32, i32) {
    %c0_i32 = arith.constant 0 : i32
    %c0_i32_0 = arith.constant 0 : i32
    return %arg0, %c0_i32 : i32, i32
  }
  func.func @transform_3(%arg0: i32) -> (i32, i32) {
    %c0_i32 = arith.constant 0 : i32
    %c0_i32_0 = arith.constant 0 : i32
    %c0_i32_1 = arith.constant 0 : i32
    return %c0_i32, %c0_i32_0 : i32, i32
  }
  func.func @transform_4(%arg0: i32) -> (i32, i32) {
    %c0_i32 = arith.constant 0 : i32
    %c0_i32_0 = arith.constant 0 : i32
    %c0_i32_1 = arith.constant 0 : i32
    return %c0_i32, %c0_i32_0 : i32, i32
  }
  func.func @transform_5(%arg0: i32) -> (i32, i32) {
    %c0_i32 = arith.constant 0 : i32
    %c0_i32_0 = arith.constant 0 : i32
    %c0_i32_1 = arith.constant 0 : i32
    return %c0_i32, %c0_i32_0 : i32, i32
  }
  func.func @transform_6(%arg0: i32) -> (i32, i32) {
    %c0_i32 = arith.constant 0 : i32
    %c0_i32_0 = arith.constant 0 : i32
    return %arg0, %c0_i32 : i32, i32
  }
  func.func @transform_7(%arg0: i32) -> (i32, i32) {
    %c0_i32 = arith.constant 0 : i32
    %c0_i32_0 = arith.constant 0 : i32
    return %arg0, %c0_i32 : i32, i32
  }
  func.func @transform_8(%arg0: i32) -> (i32, i32) {
    %c0_i32 = arith.constant 0 : i32
    %c0_i32_0 = arith.constant 0 : i32
    return %arg0, %c0_i32 : i32, i32
  }
}

module attributes {stable_mosaic.version = 14 : i64} {
  func.func @body(%arg0: i32, %arg1: memref<2x2000x128xf32, #tpu.memory_space<vmem>>, %arg2: memref<2000x128xf32, #tpu.memory_space<vmem>>, %arg3: memref<2000x1xf32, #tpu.memory_space<vmem>>, %arg4: memref<1x128xf32, #tpu.memory_space<vmem>>, %arg5: memref<128x32xf32, #tpu.memory_space<vmem>>, %arg6: memref<2000x32xf32, #tpu.memory_space<vmem>>, %arg7: memref<2000x32xf32, #tpu.memory_space<vmem>>) attributes {dimension_semantics = [#tpu.dimension_semantics<arbitrary>], iteration_bounds = array<i64: 5>, scalar_prefetch = 0 : i64, scratch_operands = 0 : i64, tpu.core_type = #tpu.core_type<tc>, window_params = [{transform_indices = @transform_0, window_bounds = array<i64: 2, 2000, 128>}, {transform_indices = @transform_1, window_bounds = array<i64: 2000, 128>}, {transform_indices = @transform_2, window_bounds = array<i64: 2000, 1>}, {pipeline_mode = #tpu.pipeline_mode<synchronous>, transform_indices = @transform_3, window_bounds = array<i64: 1, 128>}, {pipeline_mode = #tpu.pipeline_mode<synchronous>, transform_indices = @transform_4, window_bounds = array<i64: 128, 32>}, {transform_indices = @transform_5, window_bounds = array<i64: 2000, 32>}, {transform_indices = @transform_6, window_bounds = array<i64: 2000, 32>}]} {
    %get3A = arith.constant 0 : index
    %get3A_0 = arith.constant 0 : index
    %get3A_1 = arith.constant 0 : index
    %get3A_2 = vector.load %arg1[%get3A, %get3A_0, %get3A_1] : memref<2x2000x128xf32, #tpu.memory_space<vmem>>, vector<2x2000x128xf32>
    %get3A_3 = arith.constant 0 : index
    %get3A_4 = arith.constant 0 : index
    %get3A_5 = vector.load %arg3[%get3A_3, %get3A_4] : memref<2000x1xf32, #tpu.memory_space<vmem>>, vector<2000x1xf32>
    %slice3A = vector.extract_strided_slice %get3A_2 {offsets = [0, 0, 0], sizes = [1, 2000, 128], strides = [1, 1, 1]} : vector<2x2000x128xf32> to vector<1x2000x128xf32>
    %squeeze3A = vector.shape_cast %slice3A : vector<1x2000x128xf32> to vector<2000x128xf32>
    %slice3A_6 = vector.extract_strided_slice %get3A_2 {offsets = [1, 0, 0], sizes = [1, 2000, 128], strides = [1, 1, 1]} : vector<2x2000x128xf32> to vector<1x2000x128xf32>
    %squeeze3A_7 = vector.shape_cast %slice3A_6 : vector<1x2000x128xf32> to vector<2000x128xf32>
    %add3A = arith.addf %squeeze3A, %squeeze3A_7 : vector<2000x128xf32>
    %get3A_8 = arith.constant 0 : index
    %get3A_9 = arith.constant 0 : index
    %get3A_10 = vector.load %arg2[%get3A_8, %get3A_9] : memref<2000x128xf32, #tpu.memory_space<vmem>>, vector<2000x128xf32>
    %add3A_11 = arith.addf %add3A, %get3A_10 : vector<2000x128xf32>
    %mul3A = vector.broadcast %get3A_5 : vector<2000x1xf32> to vector<2000x128xf32>
    %mul3A_12 = arith.mulf %mul3A, %add3A_11 : vector<2000x128xf32>
    %get3A_13 = arith.constant 0 : index
    %get3A_14 = arith.constant 0 : index
    %get3A_15 = vector.load %arg4[%get3A_13, %get3A_14] : memref<1x128xf32, #tpu.memory_space<vmem>>, vector<1x128xf32>
    %add3A_16 = vector.broadcast %get3A_15 : vector<1x128xf32> to vector<2000x128xf32>
    %add3A_17 = arith.addf %mul3A_12, %add3A_16 : vector<2000x128xf32>
    %max3A = arith.constant 0.000000e+00 : f32
    %max3A_18 = vector.broadcast %max3A : f32 to vector<2000x128xf32>
    %max3A_19 = arith.maximumf %add3A_17, %max3A_18 : vector<2000x128xf32>
    %get3A_20 = arith.constant 0 : index
    %get3A_21 = arith.constant 0 : index
    %get3A_22 = vector.load %arg6[%get3A_20, %get3A_21] : memref<2000x32xf32, #tpu.memory_space<vmem>>, vector<2000x32xf32>
    %get3A_23 = arith.constant 0 : index
    %get3A_24 = arith.constant 0 : index
    %get3A_25 = vector.load %arg5[%get3A_23, %get3A_24] : memref<128x32xf32, #tpu.memory_space<vmem>>, vector<128x32xf32>
    %dot_general3A = arith.constant dense<0.000000e+00> : vector<2000x32xf32>
    %dot_general3A_26 = tpu.matmul %max3A_19, %get3A_25, %dot_general3A {dimension_numbers = #tpu.dot_dimension_numbers<[1], [0], [0], [1], [0, 0, 1, 1], [], []>, precision = #tpu.contract_precision<fp32>, transpose_lhs_hint = false} : vector<2000x128xf32>, vector<128x32xf32>, vector<2000x32xf32> -> vector<2000x32xf32>
    %add3A_27 = arith.addf %get3A_22, %dot_general3A_26 : vector<2000x32xf32>
    %swap3A = arith.constant 0 : index
    %swap3A_28 = arith.constant 0 : index
    %swap3A_29 = vector.load %arg7[%swap3A, %swap3A_28] : memref<2000x32xf32, #tpu.memory_space<vmem>>, vector<2000x32xf32>
    tpu.vector_store %arg7[%swap3A, %swap3A_28], %add3A_27 {strides = array<i32>} : memref<2000x32xf32, #tpu.memory_space<vmem>>, vector<2000x32xf32>,
    return
  }
  func.func @transform_0(%arg0: i32) -> (i32, i32, i32) {
    %c0_i32 = arith.constant 0 : i32
    %c0_i32_0 = arith.constant 0 : i32
    %c0_i32_1 = arith.constant 0 : i32
    return %c0_i32, %arg0, %c0_i32_0 : i32, i32, i32
  }
  func.func @transform_1(%arg0: i32) -> (i32, i32) {
    %c0_i32 = arith.constant 0 : i32
    %c0_i32_0 = arith.constant 0 : i32
    return %arg0, %c0_i32 : i32, i32
  }
  func.func @transform_2(%arg0: i32) -> (i32, i32) {
    %c0_i32 = arith.constant 0 : i32
    %c0_i32_0 = arith.constant 0 : i32
    return %arg0, %c0_i32 : i32, i32
  }
  func.func @transform_3(%arg0: i32) -> (i32, i32) {
    %c0_i32 = arith.constant 0 : i32
    %c0_i32_0 = arith.constant 0 : i32
    %c0_i32_1 = arith.constant 0 : i32
    return %c0_i32, %c0_i32_0 : i32, i32
  }
  func.func @transform_4(%arg0: i32) -> (i32, i32) {
    %c0_i32 = arith.constant 0 : i32
    %c0_i32_0 = arith.constant 0 : i32
    %c0_i32_1 = arith.constant 0 : i32
    return %c0_i32, %c0_i32_0 : i32, i32
  }
  func.func @transform_5(%arg0: i32) -> (i32, i32) {
    %c0_i32 = arith.constant 0 : i32
    %c0_i32_0 = arith.constant 0 : i32
    return %arg0, %c0_i32 : i32, i32
  }
  func.func @transform_6(%arg0: i32) -> (i32, i32) {
    %c0_i32 = arith.constant 0 : i32
    %c0_i32_0 = arith.constant 0 : i32
    return %arg0, %c0_i32 : i32, i32
  }
}

module attributes {stable_mosaic.version = 14 : i64} {
  func.func @body(%arg0: i32, %arg1: i32, %arg2: memref<2000x32xf32, #tpu.memory_space<vmem>>, %arg3: memref<32x32xf32, #tpu.memory_space<vmem>>, %arg4: memref<1x32xf32, #tpu.memory_space<vmem>>, %arg5: memref<32x1xf32, #tpu.memory_space<vmem>>, %arg6: memref<1x1xf32, #tpu.memory_space<vmem>>, %arg7: memref<2000x1xf32, #tpu.memory_space<vmem>>, %arg8: memref<10000x1xf32, #tpu.memory_space<vmem>>, %arg9: memref<1x1xf32, #tpu.memory_space<vmem>>) attributes {dimension_semantics = [#tpu.dimension_semantics<arbitrary>, #tpu.dimension_semantics<arbitrary>], iteration_bounds = array<i64: 2, 5>, scalar_prefetch = 0 : i64, scratch_operands = 2 : i64, tpu.core_type = #tpu.core_type<tc>, window_params = [{transform_indices = @transform_0, window_bounds = array<i64: 2000, 32>}, {pipeline_mode = #tpu.pipeline_mode<synchronous>, transform_indices = @transform_1, window_bounds = array<i64: 32, 32>}, {pipeline_mode = #tpu.pipeline_mode<synchronous>, transform_indices = @transform_2, window_bounds = array<i64: 1, 32>}, {pipeline_mode = #tpu.pipeline_mode<synchronous>, transform_indices = @transform_3, window_bounds = array<i64: 32, 1>}, {pipeline_mode = #tpu.pipeline_mode<synchronous>, transform_indices = @transform_4, window_bounds = array<i64: 1, 1>}, {transform_indices = @transform_5, window_bounds = array<i64: 2000, 1>}]} {
    %eq3A = arith.constant 0 : i32
    %eq3A_0 = arith.cmpi eq, %arg0, %eq3A : i32
    %convert_element_type3A = arith.extui %eq3A_0 : i1 to i32
    %cond3A = arith.constant 0 : i32
    %cond3A_1 = arith.cmpi ne, %convert_element_type3A, %cond3A : i32
    scf.if %cond3A_1 {
      %get3A = arith.constant 0 : index
      %get3A_7 = arith.constant 0 : index
      %get3A_8 = vector.load %arg2[%get3A, %get3A_7] : memref<2000x32xf32, #tpu.memory_space<vmem>>, vector<2000x32xf32>
      %ge3A = arith.constant 0.000000e+00 : f32
      %ge3A_9 = vector.broadcast %ge3A : f32 to vector<2000x32xf32>
      %ge3A_10 = arith.cmpf oge, %get3A_8, %ge3A_9 : vector<2000x32xf32>
      %mul3A = arith.constant 0.00999999977 : f32
      %mul3A_11 = vector.broadcast %mul3A : f32 to vector<2000x32xf32>
      %mul3A_12 = arith.mulf %mul3A_11, %get3A_8 : vector<2000x32xf32>
      %select_n3A = arith.select %ge3A_10, %get3A_8, %mul3A_12 : vector<2000x32xi1>, vector<2000x32xf32>
      %get3A_13 = arith.constant 0 : index
      %get3A_14 = arith.constant 0 : index
      %get3A_15 = vector.load %arg3[%get3A_13, %get3A_14] : memref<32x32xf32, #tpu.memory_space<vmem>>, vector<32x32xf32>
      %dot_general3A = arith.constant dense<0.000000e+00> : vector<2000x32xf32>
      %dot_general3A_16 = tpu.matmul %select_n3A, %get3A_15, %dot_general3A {dimension_numbers = #tpu.dot_dimension_numbers<[1], [0], [0], [1], [0, 0, 1, 1], [], []>, precision = #tpu.contract_precision<fp32>, transpose_lhs_hint = false} : vector<2000x32xf32>, vector<32x32xf32>, vector<2000x32xf32> -> vector<2000x32xf32>
      %get3A_17 = arith.constant 0 : index
      %get3A_18 = arith.constant 0 : index
      %get3A_19 = vector.load %arg4[%get3A_17, %get3A_18] : memref<1x32xf32, #tpu.memory_space<vmem>>, vector<1x32xf32>
      %add3A = vector.broadcast %get3A_19 : vector<1x32xf32> to vector<2000x32xf32>
      %add3A_20 = arith.addf %dot_general3A_16, %add3A : vector<2000x32xf32>
      %ge3A_21 = arith.constant 0.000000e+00 : f32
      %ge3A_22 = vector.broadcast %ge3A_21 : f32 to vector<2000x32xf32>
      %ge3A_23 = arith.cmpf oge, %add3A_20, %ge3A_22 : vector<2000x32xf32>
      %mul3A_24 = arith.constant 0.00999999977 : f32
      %mul3A_25 = vector.broadcast %mul3A_24 : f32 to vector<2000x32xf32>
      %mul3A_26 = arith.mulf %mul3A_25, %add3A_20 : vector<2000x32xf32>
      %select_n3A_27 = arith.select %ge3A_23, %add3A_20, %mul3A_26 : vector<2000x32xi1>, vector<2000x32xf32>
      %get3A_28 = arith.constant 0 : index
      %get3A_29 = arith.constant 0 : index
      %get3A_30 = vector.load %arg5[%get3A_28, %get3A_29] : memref<32x1xf32, #tpu.memory_space<vmem>>, vector<32x1xf32>
      %dot_general3A_31 = arith.constant dense<0.000000e+00> : vector<2000x1xf32>
      %dot_general3A_32 = tpu.matmul %select_n3A_27, %get3A_30, %dot_general3A_31 {dimension_numbers = #tpu.dot_dimension_numbers<[1], [0], [0], [1], [0, 0, 1, 1], [], []>, precision = #tpu.contract_precision<fp32>, transpose_lhs_hint = false} : vector<2000x32xf32>, vector<32x1xf32>, vector<2000x1xf32> -> vector<2000x1xf32>
      %get3A_33 = arith.constant 0 : index
      %get3A_34 = arith.constant 0 : index
      %get3A_35 = vector.load %arg6[%get3A_33, %get3A_34] : memref<1x1xf32, #tpu.memory_space<vmem>>, vector<1x1xf32>
      %add3A_36 = vector.broadcast %get3A_35 : vector<1x1xf32> to vector<2000x1xf32>
      %add3A_37 = arith.addf %dot_general3A_32, %add3A_36 : vector<2000x1xf32>
      %custom_jvp_call3A = arith.constant 0.000000e+00 : f32
      %max3A = vector.broadcast %custom_jvp_call3A : f32 to vector<2000x1xf32>
      %max3A_38 = arith.maximumf %add3A_37, %max3A : vector<2000x1xf32>
      %sub3A = vector.broadcast %custom_jvp_call3A : f32 to vector<2000x1xf32>
      %sub3A_39 = arith.subf %add3A_37, %sub3A : vector<2000x1xf32>
      %ne3A = arith.cmpf one, %sub3A_39, %sub3A_39 : vector<2000x1xf32>
      %add3A_40 = vector.broadcast %custom_jvp_call3A : f32 to vector<2000x1xf32>
      %add3A_41 = arith.addf %add3A_37, %add3A_40 : vector<2000x1xf32>
      %abs3A = math.absf %sub3A_39 : vector<2000x1xf32>
      %neg3A = arith.constant 0.000000e+00 : f32
      %neg3A_42 = vector.broadcast %neg3A : f32 to vector<2000x1xf32>
      %neg3A_43 = arith.subf %neg3A_42, %abs3A : vector<2000x1xf32>
      %exp3A = math.exp %neg3A_43 : vector<2000x1xf32>
      %log1p3A = math.log1p %exp3A : vector<2000x1xf32>
      %add3A_44 = arith.addf %max3A_38, %log1p3A : vector<2000x1xf32>
      %select_n3A_45 = arith.select %ne3A, %add3A_41, %add3A_44 : vector<2000x1xi1>, vector<2000x1xf32>
      %mul3A_46 = arith.constant 2000 : i32
      %mul3A_47 = arith.muli %arg1, %mul3A_46 : i32
      %swap3A = arith.index_cast %mul3A_47 : i32 to index
      %swap3A_48 = arith.constant 0 : index
      %swap3A_49 = vector.load %arg8[%swap3A, %swap3A_48] : memref<10000x1xf32, #tpu.memory_space<vmem>>, vector<2000x1xf32>
      tpu.vector_store %arg8[%swap3A, %swap3A_48], %select_n3A_45 {strides = array<i32>} : memref<10000x1xf32, #tpu.memory_space<vmem>>, vector<2000x1xf32>,
      %eq3A_50 = arith.constant 0 : i32
      %eq3A_51 = arith.cmpi eq, %arg1, %eq3A_50 : i32
      %convert_element_type3A_52 = arith.extui %eq3A_51 : i1 to i32
      %cond3A_53 = arith.constant 0 : i32
      %cond3A_54 = arith.cmpi ne, %convert_element_type3A_52, %cond3A_53 : i32
      scf.if %cond3A_54 {
        %broadcast_in_dim3A = arith.constant 0.000000e+00 : f32
        %broadcast_in_dim3A_66 = vector.broadcast %broadcast_in_dim3A : f32 to vector<1x1xf32>
        %swap3A_67 = arith.constant 0 : index
        %swap3A_68 = arith.constant 0 : index
        %swap3A_69 = vector.load %arg9[%swap3A_67, %swap3A_68] : memref<1x1xf32, #tpu.memory_space<vmem>>, vector<1x1xf32>
        tpu.vector_store %arg9[%swap3A_67, %swap3A_68], %broadcast_in_dim3A_66 {strides = array<i32>} : memref<1x1xf32, #tpu.memory_space<vmem>>, vector<1x1xf32>,
      } else {
      }
      %get3A_55 = arith.constant 0 : index
      %get3A_56 = arith.constant 0 : index
      %get3A_57 = vector.load %arg9[%get3A_55, %get3A_56] : memref<1x1xf32, #tpu.memory_space<vmem>>, vector<1x1xf32>
      %reduce_sum3A = vector.shape_cast %select_n3A_45 : vector<2000x1xf32> to vector<1x2000x1xf32>
      %reduce_sum3A_58 = arith.constant dense<0.000000e+00> : vector<1xf32>
      %reduce_sum3A_59 = vector.multi_reduction <add>, %reduce_sum3A, %reduce_sum3A_58 [1, 2] : vector<1x2000x1xf32> to vector<1xf32>
      %reduce_sum3A_60 = vector.shape_cast %reduce_sum3A_59 : vector<1xf32> to vector<1x1x1xf32>
      %reduce_sum3A_61 = vector.extract %reduce_sum3A_60[0, 0, 0] : f32 from vector<1x1x1xf32>
      %reshape3A = vector.broadcast %reduce_sum3A_61 : f32 to vector<1x1xf32>
      %add3A_62 = arith.addf %get3A_57, %reshape3A : vector<1x1xf32>
      %swap3A_63 = arith.constant 0 : index
      %swap3A_64 = arith.constant 0 : index
      %swap3A_65 = vector.load %arg9[%swap3A_63, %swap3A_64] : memref<1x1xf32, #tpu.memory_space<vmem>>, vector<1x1xf32>
      tpu.vector_store %arg9[%swap3A_63, %swap3A_64], %add3A_62 {strides = array<i32>} : memref<1x1xf32, #tpu.memory_space<vmem>>, vector<1x1xf32>,
    } else {
    }
    %eq3A_2 = arith.constant 1 : i32
    %eq3A_3 = arith.cmpi eq, %arg0, %eq3A_2 : i32
    %convert_element_type3A_4 = arith.extui %eq3A_3 : i1 to i32
    %cond3A_5 = arith.constant 0 : i32
    %cond3A_6 = arith.cmpi ne, %convert_element_type3A_4, %cond3A_5 : i32
    scf.if %cond3A_6 {
      %mul3A = arith.constant 2000 : i32
      %mul3A_7 = arith.muli %arg1, %mul3A : i32
      %get3A = arith.index_cast %mul3A_7 : i32 to index
      %get3A_8 = arith.constant 0 : index
      %get3A_9 = vector.load %arg8[%get3A, %get3A_8] : memref<10000x1xf32, #tpu.memory_space<vmem>>, vector<2000x1xf32>
      %get3A_10 = arith.constant 0 : index
      %get3A_11 = arith.constant 0 : index
      %get3A_12 = vector.load %arg9[%get3A_10, %get3A_11] : memref<1x1xf32, #tpu.memory_space<vmem>>, vector<1x1xf32>
      %add3A = arith.constant 9.99999968E-21 : f32
      %add3A_13 = vector.broadcast %add3A : f32 to vector<1x1xf32>
      %add3A_14 = arith.addf %get3A_12, %add3A_13 : vector<1x1xf32>
      %div3A = vector.broadcast %add3A_14 : vector<1x1xf32> to vector<2000x1xf32>
      %div3A_15 = arith.divf %get3A_9, %div3A : vector<2000x1xf32>
      %swap3A = arith.constant 0 : index
      %swap3A_16 = arith.constant 0 : index
      %swap3A_17 = vector.load %arg7[%swap3A, %swap3A_16] : memref<2000x1xf32, #tpu.memory_space<vmem>>, vector<2000x1xf32>
      tpu.vector_store %arg7[%swap3A, %swap3A_16], %div3A_15 {strides = array<i32>} : memref<2000x1xf32, #tpu.memory_space<vmem>>, vector<2000x1xf32>,
    } else {
    }
    return
  }
  func.func @transform_0(%arg0: i32, %arg1: i32) -> (i32, i32) {
    %eq3A = arith.constant 0 : i32
    %eq3A_0 = arith.cmpi eq, %arg0, %eq3A : i32
    %jit3A = arith.constant 0 : i32
    %select_n3A = arith.select %eq3A_0, %arg1, %jit3A : i32
    %c0_i32 = arith.constant 0 : i32
    %c0_i32_1 = arith.constant 0 : i32
    return %select_n3A, %c0_i32 : i32, i32
  }
  func.func @transform_1(%arg0: i32, %arg1: i32) -> (i32, i32) {
    %c0_i32 = arith.constant 0 : i32
    %c0_i32_0 = arith.constant 0 : i32
    %c0_i32_1 = arith.constant 0 : i32
    return %c0_i32, %c0_i32_0 : i32, i32
  }
  func.func @transform_2(%arg0: i32, %arg1: i32) -> (i32, i32) {
    %c0_i32 = arith.constant 0 : i32
    %c0_i32_0 = arith.constant 0 : i32
    %c0_i32_1 = arith.constant 0 : i32
    return %c0_i32, %c0_i32_0 : i32, i32
  }
  func.func @transform_3(%arg0: i32, %arg1: i32) -> (i32, i32) {
    %c0_i32 = arith.constant 0 : i32
    %c0_i32_0 = arith.constant 0 : i32
    %c0_i32_1 = arith.constant 0 : i32
    return %c0_i32, %c0_i32_0 : i32, i32
  }
  func.func @transform_4(%arg0: i32, %arg1: i32) -> (i32, i32) {
    %c0_i32 = arith.constant 0 : i32
    %c0_i32_0 = arith.constant 0 : i32
    %c0_i32_1 = arith.constant 0 : i32
    return %c0_i32, %c0_i32_0 : i32, i32
  }
  func.func @transform_5(%arg0: i32, %arg1: i32) -> (i32, i32) {
    %c0_i32 = arith.constant 0 : i32
    %c0_i32_0 = arith.constant 0 : i32
    return %arg1, %c0_i32 : i32, i32
  }
}

</mosaic_0001>

<sc_bundles>
// kernel: kernel.16.cloned.1.call-start
scs
__scs_entry_jumppad:
0x0: {  	(pc) =	sbr.rel $0x88, $3  }
0x1: {  	(tag) =	ssettag $0x0;
	lr =	simm.s32 $0x1  }
0x2: {  	[smem:$0x3F93] =	sst lr;
	_ =	strace $0xD0000000  }
0x3: {  	_ = 	snop  }
0x4: {  	_ = 	snop  }
0x5: {  	_ = 	snop  }
0x6: {  	_ = 	snop  }
0x7: {  	_ = 	snop  }
__scs_overlays_trampoline_lowered:
0x8: {  	[smem:$0x3FA2] =	sst s0  }
0x9: {  	[smem:$0x3FA3] =	sst s1  }
0xa: {  	[smem:$0x3FA4] =	sst s2  }
0xb: {  	[smem:$0x3FA5] =	sst s3  }
0xc: {  	[smem:$0x3FA6] =	sst s4  }
0xd: {  	[smem:$0x3FA7] =	sst s5  }
0xe: {  	[smem:$0x3FA8] =	sst s6  }
0xf: {  	[smem:$0x3FA9] =	sst s7  }
0x10: {  	[smem:$0x3FAA] =	sst s8  }
0x11: {  	[smem:$0x3FAB] =	sst s9;
	s0 =	simm.s32 @!p0 $0x0  }
0x12: {  	s1 =	sld [smem:$0x3F91];
	s0 =	simm.s32 @p0 $0x1  }
0x13: {  	[smem:$0x3FAC] =	sst s0;
	s0 =	simm.s32 @!p1 $0x0  }
0x14: {  	s2 =	sld [smem:$0x3F90];
	s0 =	simm.s32 @p1 $0x1  }
0x15: {  	[smem:$0x3FAD] =	sst s0;
	s0 =	simm.s32 @!p2 $0x0  }
0x16: {  	s3 =	sld [smem:$0x3FDB];
	s0 =	simm.s32 @p2 $0x1  }
0x17: {  	s4 =	simm.s32 $0x1BF5;
	[smem:$0x3FAF] =	sst s0  }
0x18: {  	s0 =	sld [smem:$0x3F92];
	_ =	swait.ge [sflag:s4], $0x0  }
0x19: {  	s7 =	sld [smem:$0x3F93]  }
0x1a: {  	s8 =	sadd.s32 $0xFFFFE003, lr  }
0x1b: {  	s9 =	sadd.s32 $0xFFFFFEF7, lr;
	s5 =	simm.s32 $0xFFFFFFFF;
	p2 =	slt.u32 s8, $0xFFFFF086  }
0x1c: {  	p1 =	slt.u32 s9, $0xF7A;
	s5 =	simm.s32 @!p2 $0x0  }
0x1d: {  	s5 =	simm.s32 @p1 $0x1;
	p0 =	seq.s32 s7, s2  }
0x1e: {  	s7 =	smul.u32 @!p0 $0xF7A, s2;
	p2 =	seq.s32 @!p0 s5, $0x0  }
0x1f: {  	s9 =	smul.u32 $0xF7A, s1;
	s8 =	simm.s32 @!p0 $0x1BF5;
	p2 =	por !p2, p0  }
0x20: {  	[sflag:s8] =	ssyncset.s32 @!p0 $0xFFFFF086;
	s6 =	sadd.s32 @!p0 s3, s7;
	s7 =	simm.s32 @!p0 $0x108  }
0x21: {  	s3 =	sadd.s32 s3, s9;
	s6 =	sadd.s32 @!p0 $0x88, s6;
	s7 =	simm.s32 @p2 $0x1082  }
0x22: {  	[simem:s7], [sflag:s8] =	dma.local @!p0 [hbm:s6], $0xF7A  }
0x23: {  	s9 =	sor.u32 $0xD0000000, s2;
	s6 =	simm.s32 $0x108;
	_ =	swait.ge @!p0 [sflag:s8], $0x0  }
0x24: {  	s3 =	sadd.s32 $0x88, s3;
	s6 =	simm.s32 @!p1 $0x1082;
	[sflag:s4] =	ssyncset.s32 $0xFFFFF086  }
0x25: {  	[simem:s6], [sflag:s4] =	dma.local [hbm:s3], $0xF7A  }
0x26: {  	[smem:$0x3F93] =	sst s1;
	(tag) =	ssettag s2;
	_ =	strace s9  }
0x27: {  	s1 =	sld [smem:$0x3FA3]  }
0x28: {  	s2 =	sld [smem:$0x3FA4]  }
0x29: {  	s4 =	sld [smem:$0x3FA6]  }
0x2a: {  	p0 =	seq.s32 s5, $0x0;
	s5 =	sld [smem:$0x3FA7]  }
0x2b: {  	s6 =	sld [smem:$0x3FA8]  }
0x2c: {  	s7 =	sld [smem:$0x3FA9]  }
0x2d: {  	s3 =	simm.s32 $0x108;
	s8 =	sld [smem:$0x3FAA]  }
0x2e: {  	s3 =	simm.s32 @!p0 $0x1082;
	s9 =	sld [smem:$0x3FAB]  }
0x2f: {  	lr =	sadd.s32 s0, s3;
	s0 =	sld [smem:$0x3FA2]  }
0x30: {  	s3 =	sld [smem:$0x3FA5]  }
0x31: {  	[smem:$0x3FAE] =	sst s10  }
0x32: {  	s10 =	sld [smem:$0x3FAC];
	_ =	sdelay $0x3  }
0x33: {  	p0 =	seq.s32 s10, $0x1;
	s10 =	sld [smem:$0x3FAE];
	_ =	sdelay $0x3  }
0x34: {  	[smem:$0x3FAE] =	sst s10  }
0x35: {  	s10 =	sld [smem:$0x3FAD];
	_ =	sdelay $0x3  }
0x36: {  	p1 =	seq.s32 s10, $0x1;
	s10 =	sld [smem:$0x3FAE];
	_ =	sdelay $0x3  }
0x37: {  	[smem:$0x3FAE] =	sst s10  }
0x38: {  	s10 =	sld [smem:$0x3FAF]  }
0x39: {  	_ = 	snop;
	(pc) =	sbr.ind lr, $3  }
0x3a: {  	_ = 	snop  }
0x3b: {  	_ = 	snop  }
0x3c: {  	p2 =	seq.s32 s10, $0x1;
	s10 =	sld [smem:$0x3FAE]  }
0x3d: {  	_ =	shalt  }
0x3e: {  	_ =	shalt  }
0x3f: {  	_ =	shalt  }
0x40: {  	_ =	shalt  }
0x41: {  	_ =	shalt  }
0x42: {  	_ =	shalt  }
0x43: {  	_ =	shalt  }
0x44: {  	_ =	shalt  }
0x45: {  	_ =	shalt  }
0x46: {  	_ =	shalt  }
0x47: {  	_ =	shalt  }
0x48: {  	_ =	shalt  }
0x49: {  	_ =	shalt  }
0x4a: {  	_ =	shalt  }
0x4b: {  	_ =	shalt  }
0x4c: {  	_ =	shalt  }
0x4d: {  	_ =	shalt  }
0x4e: {  	_ =	shalt  }
0x4f: {  	_ =	shalt  }
0x50: {  	_ =	shalt  }
0x51: {  	_ =	shalt  }
0x52: {  	_ =	shalt  }
0x53: {  	_ =	shalt  }
0x54: {  	_ =	shalt  }
0x55: {  	_ =	shalt  }
0x56: {  	_ =	shalt  }
0x57: {  	_ =	shalt  }
0x58: {  	_ =	shalt  }
0x59: {  	_ =	shalt  }
0x5a: {  	_ =	shalt  }
0x5b: {  	_ =	shalt  }
0x5c: {  	_ =	shalt  }
0x5d: {  	_ =	shalt  }
0x5e: {  	_ =	shalt  }
0x5f: {  	_ =	shalt  }
0x60: {  	_ =	shalt  }
0x61: {  	_ =	shalt  }
0x62: {  	_ =	shalt  }
0x63: {  	_ =	shalt  }
0x64: {  	_ =	shalt  }
0x65: {  	_ =	shalt  }
0x66: {  	_ =	shalt  }
0x67: {  	_ =	shalt  }
0x68: {  	_ =	shalt  }
0x69: {  	_ =	shalt  }
0x6a: {  	_ =	shalt  }
0x6b: {  	_ =	shalt  }
0x6c: {  	_ =	shalt  }
0x6d: {  	_ =	shalt  }
0x6e: {  	_ =	shalt  }
0x6f: {  	_ =	shalt  }
0x70: {  	_ =	shalt  }
0x71: {  	_ =	shalt  }
0x72: {  	_ =	shalt  }
0x73: {  	_ =	shalt  }
0x74: {  	_ =	shalt  }
0x75: {  	_ =	shalt  }
0x76: {  	_ =	shalt  }
0x77: {  	_ =	shalt  }
0x78: {  	_ =	shalt  }
0x79: {  	_ =	shalt  }
0x7a: {  	_ =	shalt  }
0x7b: {  	_ =	shalt  }
0x7c: {  	_ =	shalt  }
0x7d: {  	_ =	shalt  }
0x7e: {  	_ =	shalt  }
0x7f: {  	_ =	shalt  }
0x80: {  	_ =	shalt  }
0x81: {  	_ =	shalt  }
0x82: {  	_ =	shalt  }
0x83: {  	_ =	shalt  }
0x84: {  	_ =	shalt  }
0x85: {  	_ =	shalt  }
0x86: {  	_ =	shalt  }
0x87: {  	_ =	shalt  }
.Lfunc_end0:
.L_simem_size_0:
called_computation_lowered:
.L_overlay_start_0:
0x88: {  	s2 =	sld [smem:$0x3FD9]  }
0x89: {  	s3 =	sld [smem:$0x3FFE];
	_ =	sdelay $0x1  }
0x8a: {  	s1 =	srdreg.scid  }
0x8b: {  	s0 =	sand.u32 $0x1, s1  }
0x8c: {  	s16 =	sshll.u32 s0, $0xA;
	s2 =	sadd.s32 s3, s2  }
0x8d: {  	s2 =	sadd.s32 s2, s16  }
0x8e: {  	[smem:$0x3FBA] =	sst s2  }
0x8f: {  	_ = 	snop  }
0x90: {  	(tm) =	ssettm $0x1  }
0x91: {  	s17 =	sld [smem:$0x3FFB];
	_ =	sdelay $0x3  }
0x92: {  	_ =	strace s17  }
0x93: {  	s2 =	sld [smem:$0x3FFC];
	_ =	sdelay $0x3  }
0x94: {  	_ =	strace s2  }
0x95: {  	s2 =	sld [smem:$0x3FFD];
	_ =	sdelay $0x3  }
0x96: {  	_ =	strace s2  }
0x97: {  	_ =	strace $0x8FFFFFFF  }
0x98: {  	s18 =	sld [smem:$0x3FDB];
	_ =	sdelay $0x1  }
0x99: {  	s19 =	simm.s32 $_scs_section_size  }
0x9a: {  	s4 =	simm.s32 $_size__tile_overlayer_lowered;
	s5 =	simm.s32 $_tile_overlayer_lowered  }
0x9b: {  	s22 =	simm.s32 $0x1BFF;
	s21 =	sshll.u32 s5, $0x1;
	s2 =	sadd.s32 s19, s18  }
0x9c: {  	s6 =	simm.s32 $0x0;
	s20 =	sshll.u32 s4, $0x1;
	s4 =	sadd.s32 s21, s2  }
0x9d: {  	[timem:s6], [sflag:s22] =	dma.local [hbm:s4], s20  }
0x9e: {  	_ =	swait.ge [sflag:s22], s20  }
0x9f: {  	s3 =	ssub.s32 $0x0, s20;
	[sflag:s22] =	ssyncset.done $0x0  }
0xa0: {  	[sflag:s22] =	ssyncadd.s32 s3;
	_ =	sdelay $0x1  }
0xa1: {  	s23 =	simm.s32 $0x1B8B  }
0xa2: {  	_ =	swait.ge [sflag:s23], $0x1  }
0xa3: {  	[sflag:s23] =	ssyncset.done $0x0  }
0xa4: {  	s25 =	simm.s32 $0x1B8E;
	s24 =	sld [smem:$0x3FFE];
	[sflag:s23] =	ssyncadd.s32 $0xFFFFFFFF  }
0xa5: {  	s26 =	simm.s32 $execute0_lowered;
	[smem:$0x3FD2] =	sst s25  }
0xa6: {  	s4 =	sshll.u32 s26, $0x1;
	_ =	strace $0x80000046;
	[dreg:$0x1] =	wrdreg $0xFFFFFFFF  }
0xa7: {  	s28 =	simm.s32 $_size_execute0_lowered;
	s2 =	sadd.s32 s2, s4;
	[dreg:$0x0] =	wrdreg $0x0  }
0xa8: {  	s4 =	sshll.u32 s28, $0x1;
	[dreg:$0x2] =	wrdreg s2  }
0xa9: {  	[dreg:$0x3] =	wrdreg s4  }
0xaa: {  	[dreg:$0x4] =	wrdreg $0xC0  }
0xab: {  	_ =	task [dreg:s6], $0x5FFFF  }
0xac: {  	[dreg:$0x1] =	wrdreg $0xFFFFFFFF  }
0xad: {  	[dreg:$0x0] =	wrdreg $0x60  }
0xae: {  	[dreg:$0x2] =	wrdreg s24  }
0xaf: {  	[dreg:$0x3] =	wrdreg $0x2EE00  }
0xb0: {  	[dreg:$0x4] =	wrdreg $0x9  }
0xb1: {  	_ =	task.clear_ibuf [dreg:s6], $0x5FFFF;
	_ =	strace $0x90000046  }
0xb2: {  	s29 =	simm.s32 $0x9;
	_ =	strace $0x80000048  }
0xb3: {  	_ =	swait.ge [sflag:s29], $0x1  }
0xb4: {  	[sflag:s29] =	ssyncadd.s32 $0xFFFFFFFF  }
0xb5: {  	_ =	strace $0x90000048  }
0xb6: {  	_ =	sfence  }
0xb7: {  	s30 =	sld [smem:$0x0];
	_ =	sdelay $0x2  }
0xb8: {  	s31 =	sshll.u32 s1, $0xD;
	s1 =	sshrl.u32 s1, $0x2  }
0xb9: {  	s3 =	sand.u32 $0x4000, s31;
	s1 =	sadd.s32 s1, s30  }
0xba: {  	s0 =	sor.u32 s3, s0;
	s1 =	sshll.u32 s1, $0x11  }
0xbb: {  	s0 =	sor.u32 s1, s0  }
0xbc: {  	s0 =	sadd.s32 $0x8F2B, s0  }
0xbd: {  	[sflag:s0] =	ssyncadd.remote.s32 $0x1  }
0xbe: {  	_ =	sfence.sel $0xFFFF  }
0xbf: {  	[dreg:$0x0] =	wrdreg $0xFFFFFFFF;
	(pc) =	sbr.abs _section_cstart, $3  }
0xc0: {  	[dreg:$0x1] =	wrdreg $0xFFFFFFFF  }
0xc1: {  	_ =	task.clear_ibuf [dreg:s6], $0x2FFFF;
	_ =	strace $0x9FFFFFFF  }
0xc2: {  	(tm) =	ssettm $0x7FFFFFFF  }
0xc3: {  	_ =	shalt  }
tec
execute0_lowered:
.L_overlay_start_1:
0x0: {  	(tag) =	ssettag $0x1  }
0x1: {  	s1 =	srdreg.scid  }
0x2: {  	s0 =	stileid.u32;
	s5 =	rddreg [dreg:$0x0]  }
0x3: {  	s2 =	rddreg [dreg:$0x1];
	s3 =	simm.s32 $0x0;
	s12 =	simm.s32 $0x64  }
0x4: {  	s13 =	simm.s32 $0x28A0;
	s14 =	simm.s32 $0x68;
	s15 =	simm.s32 $0xD0  }
0x5: {  	s16 =	simm.s32 $0x138;
	s17 =	simm.s32 $0x1A0;
	s18 =	simm.s32 $0x208  }
0x6: {  	s19 =	simm.s32 $0x270;
	s20 =	simm.s32 $0x2D8;
	s22 =	simm.s32 $0x3  }
0x7: {  	s23 =	simm.s32 $0x0;
	s4 =	sand.u32 $0x1, s1;
	s31 =	sshll.u32 s0, $0x1  }
0x8: {  	s7 =	smul.u32 $0x2710, s0;
	[smem:$0x7FF] =	sst s3;
	s21 =	sshll.u32 s0, $0x6  }
0x9: {  	s1 =	sor.u32 s4, s31;
	s8 =	smul.u32 $0x27100, s4;
	s4 =	ssub.s32 $0x2, s4  }
0xa: {  	s6 =	smul.u32 $0x514, s1;
	s1 =	rddreg [dreg:$0x2];
	_ =	strace $0x80000047  }
0xb: {  	s9 =	sshrl.u32 s7, $0x3;
	s10 =	sshrl.u32 s4, $0x1;
	s11 =	sadd.s32 s7, s2  }
0xc: {  	s8 =	sadd.s32 s7, s8;
	s9 =	sadd.s32 s9, s5;
	s10 =	ssub.s32 s4, s10  }
0xd: {  	s6 =	sadd.s32 s6, s5;
	s8 =	sshrl.u32 s8, $0x3;
	s4 =	sadd.s32 $0xF800, s9  }
0xe: {  	s9 =	sshrl.u32 s11, $0x3;
	s11 =	simm.s32 $0x2;
	s8 =	sadd.s32 s8, s5  }
0xf: {  	s5 =	sor.u32 $0x1C01, s21;
	s6 =	sadd.s32 $0x5400, s6;
	s21 =	sor.u32 $0x1C03, s21  }
0x10: {  	v0 =	vimm.f32 $1.000000000e+00;
	s7 =	sadd.s32 $0x14800, s8;
	s8 =	smax.u32 s10, $0x1;
	s10 =	simm.s32 $0x1  }
.LBB2_1:
0x11: {  	[spmem:s9], [sflag:s5] =	dma.local [hbm:s4], $0x4E2  }
0x12: {  	[tilespmem:s3], [sflag:$0x2] =	stream.linear.gather [hbm4b:s6+s3], $0x28A0, $0x38;
	[tilespmem:$0x55F0] =	vst v63  }
0x13: {  	[tilespmem:$0x28A0] =	vst v0  }
0x14: {  	[tilespmem:$0x28B0] =	vst v0  }
0x15: {  	[tilespmem:$0x28C0] =	vst v0  }
0x16: {  	[tilespmem:$0x28D0] =	vst v0  }
0x17: {  	[tilespmem:$0x28E0] =	vst v0  }
0x18: {  	[tilespmem:$0x28F0] =	vst v0  }
0x19: {  	[tilespmem:$0x2900] =	vst v0  }
0x1a: {  	[tilespmem:$0x2910] =	vst v0  }
0x1b: {  	[tilespmem:$0x2920] =	vst v0  }
0x1c: {  	[tilespmem:$0x2930] =	vst v0  }
0x1d: {  	[tilespmem:$0x2940] =	vst v0  }
0x1e: {  	[tilespmem:$0x2950] =	vst v0  }
0x1f: {  	[tilespmem:$0x2960] =	vst v0  }
0x20: {  	[tilespmem:$0x2970] =	vst v0  }
0x21: {  	[tilespmem:$0x2980] =	vst v0  }
0x22: {  	[tilespmem:$0x2990] =	vst v0  }
0x23: {  	[tilespmem:$0x29A0] =	vst v0  }
0x24: {  	[tilespmem:$0x29B0] =	vst v0  }
0x25: {  	[tilespmem:$0x29C0] =	vst v0  }
0x26: {  	[tilespmem:$0x29D0] =	vst v0  }
0x27: {  	[tilespmem:$0x29E0] =	vst v0  }
0x28: {  	[tilespmem:$0x29F0] =	vst v0  }
0x29: {  	[tilespmem:$0x2A00] =	vst v0  }
0x2a: {  	[tilespmem:$0x2A10] =	vst v0  }
0x2b: {  	[tilespmem:$0x2A20] =	vst v0  }
0x2c: {  	[tilespmem:$0x2A30] =	vst v0  }
0x2d: {  	[tilespmem:$0x2A40] =	vst v0  }
0x2e: {  	[tilespmem:$0x2A50] =	vst v0  }
0x2f: {  	[tilespmem:$0x2A60] =	vst v0  }
0x30: {  	[tilespmem:$0x2A70] =	vst v0  }
0x31: {  	[tilespmem:$0x2A80] =	vst v0  }
0x32: {  	[tilespmem:$0x2A90] =	vst v0  }
0x33: {  	[tilespmem:$0x2AA0] =	vst v0  }
0x34: {  	[tilespmem:$0x2AB0] =	vst v0  }
0x35: {  	[tilespmem:$0x2AC0] =	vst v0  }
0x36: {  	[tilespmem:$0x2AD0] =	vst v0  }
0x37: {  	[tilespmem:$0x2AE0] =	vst v0  }
0x38: {  	[tilespmem:$0x2AF0] =	vst v0  }
0x39: {  	[tilespmem:$0x2B00] =	vst v0  }
0x3a: {  	[tilespmem:$0x2B10] =	vst v0  }
0x3b: {  	[tilespmem:$0x2B20] =	vst v0  }
0x3c: {  	[tilespmem:$0x2B30] =	vst v0  }
0x3d: {  	[tilespmem:$0x2B40] =	vst v0  }
0x3e: {  	[tilespmem:$0x2B50] =	vst v0  }
0x3f: {  	[tilespmem:$0x2B60] =	vst v0  }
0x40: {  	[tilespmem:$0x2B70] =	vst v0  }
0x41: {  	[tilespmem:$0x2B80] =	vst v0  }
0x42: {  	[tilespmem:$0x2B90] =	vst v0  }
0x43: {  	[tilespmem:$0x2BA0] =	vst v0  }
0x44: {  	[tilespmem:$0x2BB0] =	vst v0  }
0x45: {  	[tilespmem:$0x2BC0] =	vst v0  }
0x46: {  	[tilespmem:$0x2BD0] =	vst v0  }
0x47: {  	[tilespmem:$0x2BE0] =	vst v0  }
0x48: {  	[tilespmem:$0x2BF0] =	vst v0  }
0x49: {  	[tilespmem:$0x2C00] =	vst v0  }
0x4a: {  	[tilespmem:$0x2C10] =	vst v0  }
0x4b: {  	[tilespmem:$0x2C20] =	vst v0  }
0x4c: {  	[tilespmem:$0x2C30] =	vst v0  }
0x4d: {  	[tilespmem:$0x2C40] =	vst v0  }
0x4e: {  	[tilespmem:$0x2C50] =	vst v0  }
0x4f: {  	[tilespmem:$0x2C60] =	vst v0  }
0x50: {  	[tilespmem:$0x2C70] =	vst v0  }
0x51: {  	[tilespmem:$0x2C80] =	vst v0  }
0x52: {  	[tilespmem:$0x2C90] =	vst v0  }
0x53: {  	[tilespmem:$0x2CA0] =	vst v0  }
0x54: {  	[tilespmem:$0x2CB0] =	vst v0  }
0x55: {  	[tilespmem:$0x2CC0] =	vst v0  }
0x56: {  	[tilespmem:$0x2CD0] =	vst v0  }
0x57: {  	[tilespmem:$0x2CE0] =	vst v0  }
0x58: {  	[tilespmem:$0x2CF0] =	vst v0  }
0x59: {  	[tilespmem:$0x2D00] =	vst v0  }
0x5a: {  	[tilespmem:$0x2D10] =	vst v0  }
0x5b: {  	[tilespmem:$0x2D20] =	vst v0  }
0x5c: {  	[tilespmem:$0x2D30] =	vst v0  }
0x5d: {  	[tilespmem:$0x2D40] =	vst v0  }
0x5e: {  	[tilespmem:$0x2D50] =	vst v0  }
0x5f: {  	[tilespmem:$0x2D60] =	vst v0  }
0x60: {  	[tilespmem:$0x2D70] =	vst v0  }
0x61: {  	[tilespmem:$0x2D80] =	vst v0  }
0x62: {  	[tilespmem:$0x2D90] =	vst v0  }
0x63: {  	[tilespmem:$0x2DA0] =	vst v0  }
0x64: {  	[tilespmem:$0x2DB0] =	vst v0  }
0x65: {  	[tilespmem:$0x2DC0] =	vst v0  }
0x66: {  	[tilespmem:$0x2DD0] =	vst v0  }
0x67: {  	[tilespmem:$0x2DE0] =	vst v0  }
0x68: {  	[tilespmem:$0x2DF0] =	vst v0  }
0x69: {  	[tilespmem:$0x2E00] =	vst v0  }
0x6a: {  	[tilespmem:$0x2E10] =	vst v0  }
0x6b: {  	[tilespmem:$0x2E20] =	vst v0  }
0x6c: {  	[tilespmem:$0x2E30] =	vst v0  }
0x6d: {  	[tilespmem:$0x2E40] =	vst v0  }
0x6e: {  	[tilespmem:$0x2E50] =	vst v0  }
0x6f: {  	[tilespmem:$0x2E60] =	vst v0  }
0x70: {  	[tilespmem:$0x2E70] =	vst v0  }
0x71: {  	[tilespmem:$0x2E80] =	vst v0  }
0x72: {  	[tilespmem:$0x2E90] =	vst v0  }
0x73: {  	[tilespmem:$0x2EA0] =	vst v0  }
0x74: {  	[tilespmem:$0x2EB0] =	vst v0  }
0x75: {  	[tilespmem:$0x2EC0] =	vst v0  }
0x76: {  	[tilespmem:$0x2ED0] =	vst v0  }
0x77: {  	_ =	swait.ge [sflag:s10], $0x4E2  }
0x78: {  	[sflag:s10] =	ssyncset.done $0x0  }
0x79: {  	[sflag:s10] =	ssyncadd.s32 $0xFFFFFB1E  }
0x7a: {  	_ =	swait.ge [sflag:s11], $0x28A0  }
0x7b: {  	[sflag:s11] =	ssyncset.done $0x0  }
0x7c: {  	[sflag:s11] =	ssyncadd.s32 $0xFFFFD760  }
0x7d: {  	[bflag:$0x0] =	sbarrier.arrive $0xFFFF  }
0x7e: {  	[spmem:s2] =	stream.indirect.scatter.add.f32 [tilespmem:s13], [sflag:$0x2], $0x10, s3, s12, $0xb8;
	[tilespmem:$0x55F0] =	vst v63  }
0x7f: {  	_ = 	snop  }
0x80: {  	[spmem:s2] =	stream.indirect.scatter.add.f32 [tilespmem:s13], [sflag:$0x2], $0x10, s14, s12, $0xb8;
	[tilespmem:$0x55F0] =	vst v63  }
0x81: {  	_ = 	snop  }
0x82: {  	[spmem:s2] =	stream.indirect.scatter.add.f32 [tilespmem:s13], [sflag:$0x2], $0x10, s15, s12, $0xb8;
	[tilespmem:$0x55F0] =	vst v63  }
0x83: {  	_ = 	snop  }
0x84: {  	[spmem:s2] =	stream.indirect.scatter.add.f32 [tilespmem:s13], [sflag:$0x2], $0x10, s16, s12, $0xb8;
	[tilespmem:$0x55F0] =	vst v63  }
0x85: {  	_ = 	snop  }
0x86: {  	[spmem:s2] =	stream.indirect.scatter.add.f32 [tilespmem:s13], [sflag:$0x2], $0x10, s17, s12, $0xb8;
	[tilespmem:$0x55F0] =	vst v63  }
0x87: {  	_ = 	snop  }
0x88: {  	[spmem:s2] =	stream.indirect.scatter.add.f32 [tilespmem:s13], [sflag:$0x2], $0x10, s18, s12, $0xb8;
	[tilespmem:$0x55F0] =	vst v63  }
0x89: {  	_ = 	snop  }
0x8a: {  	[spmem:s2] =	stream.indirect.scatter.add.f32 [tilespmem:s13], [sflag:$0x2], $0x10, s19, s12, $0xb8;
	[tilespmem:$0x55F0] =	vst v63  }
0x8b: {  	_ = 	snop  }
0x8c: {  	[spmem:s2] =	stream.indirect.scatter.add.f32 [tilespmem:s13], [sflag:$0x2], $0x10, s20, s12, $0xb8;
	[tilespmem:$0x55F0] =	vst v63  }
0x8d: {  	_ =	swait.ge [sflag:s11], $0x640  }
0x8e: {  	[sflag:s11] =	ssyncset.done $0x0  }
0x8f: {  	s24 =	simm.s32 $0xEA0;
	s25 =	simm.s32 $0x340;
	[sflag:s11] =	ssyncadd.s32 $0xFFFFF9C0  }
.LBB2_2:
0x90: {  	[spmem:s2] =	stream.indirect.scatter.add.f32 [tilespmem:s13], [sflag:$0x2], $0x10, s25, s12, $0xb8;
	[tilespmem:$0x55F0] =	vst v63  }
0x91: {  	s25 =	smov.u32 s24;
	p0 =	sne.s32 s24, $0xA0E0  }
.Ltmp0:
0x92: {  	s24 =	sadd.s32 $0x1A0, s24;
	(pc) =	sbr.rel @p0 .LBB2_2-.Ltmp0, $4  }
0x93: {  	_ = 	snop  }
0x94: {  	_ =	swait.ge [sflag:s11], $0x640  }
0x95: {  	[sflag:s11] =	ssyncset.done $0x0  }
0x96: {  	s25 =	sshra.s32 s25, $0x2;
	[sflag:s11] =	ssyncadd.s32 $0xFFFFF9C0  }
0x97: {  	[spmem:s2] =	stream.indirect.scatter.add.f32 [tilespmem:s13], [sflag:$0x2], $0x10, s25, s12, $0xb8;
	[tilespmem:$0x55F0] =	vst v63  }
0x98: {  	_ =	swait.ge [sflag:s11], $0x640  }
0x99: {  	[sflag:s11] =	ssyncset.done $0x0  }
0x9a: {  	[sflag:s11] =	ssyncadd.s32 $0xFFFFF9C0  }
0x9b: {  	_ =	swait.ge [sflag:s11], $0x640  }
0x9c: {  	[sflag:s11] =	ssyncset.done $0x0  }
0x9d: {  	[sflag:s11] =	ssyncadd.s32 $0xFFFFF9C0  }
0x9e: {  	_ =	swait.ge [sflag:s11], $0x640  }
0x9f: {  	[sflag:s11] =	ssyncset.done $0x0  }
0xa0: {  	[sflag:s11] =	ssyncadd.s32 $0xFFFFF9C0  }
0xa1: {  	_ =	swait.ge [sflag:s11], $0x640  }
0xa2: {  	[sflag:s11] =	ssyncset.done $0x0  }
0xa3: {  	[sflag:s11] =	ssyncadd.s32 $0xFFFFF9C0  }
0xa4: {  	_ =	swait.ge [sflag:s11], $0x640  }
0xa5: {  	[sflag:s11] =	ssyncset.done $0x0  }
0xa6: {  	[sflag:s11] =	ssyncadd.s32 $0xFFFFF9C0  }
0xa7: {  	_ =	swait.ge [sflag:s11], $0x640  }
0xa8: {  	[sflag:s11] =	ssyncset.done $0x0  }
0xa9: {  	[sflag:s11] =	ssyncadd.s32 $0xFFFFF9C0  }
0xaa: {  	_ =	swait.ge [sflag:s11], $0x640  }
0xab: {  	[sflag:s11] =	ssyncset.done $0x0  }
0xac: {  	[sflag:s11] =	ssyncadd.s32 $0xFFFFF9C0  }
0xad: {  	_ =	swait.ge [sflag:s11], $0x640  }
0xae: {  	s23 =	sadd.s32 $0x1, s23;
	[sflag:s11] =	ssyncset.done $0x0  }
0xaf: {  	p0 =	sne.s32 s23, s8;
	[sflag:s11] =	ssyncadd.s32 $0xFFFFF9C0  }
.Ltmp1:
0xb0: {  	[bflag:$0x0] =	sbarrier.arrive $0xFFFF;
	(pc) =	sbr.rel @p0 .LBB2_1-.Ltmp1, $4  }
0xb1: {  	[hbm:s7], [sflag:s21] =	dma.local [spmem:s9], $0x4E2  }
0xb2: {  	_ =	swait.ge [sflag:s22], $0x4E2  }
0xb3: {  	[sflag:s22] =	ssyncset.done $0x0  }
0xb4: {  	[sflag:s22] =	ssyncadd.s32 $0xFFFFFB1E  }
0xb5: {  	_ =	sfence.sel $0x180000  }
0xb6: {  	[bflag:$0x0] =	sbarrier.arrive $0xFFFF  }
0xb7: {  	p0 =	sne.s32 s0, $0x0;
	_ =	strace $0x90000047  }
0xb8: {  	s0 =	sadd.s32 @!p0 $0x100000, s1;
	[bflag:$0x2] =	sbarrier.arrive $0xFFFF  }
0xb9: {  	[sflag:s0] =	ssyncadd.tile.s32 @!p0 $0x1;
	_ =	shalt  }
.Lfunc_end2:
_tile_overlayer_lowered:
.L_overlay_start_2:
0xba: {  	(tag) =	ssettag $0x2  }
0xbb: {  	s0 =	rddreg [dreg:$0x0];
	s2 =	stileid.u32  }
0xbc: {  	s1 =	rddreg [dreg:$0x1];
	p0 =	sne.s32 s2, $0x0  }
0xbd: {  	s3 =	rddreg [dreg:$0x2];
	[bflag:$0x3] =	sbarrier.arrive $0xFFFF;
	s2 =	simm.s32 @!p0 $0x1C03  }
0xbe: {  	[timem:s3], [sflag:s2] =	dma.local @!p0 [hbm:s0], s1  }
0xbf: {  	s0 =	simm.s32 @!p0 $0x3  }
0xc0: {  	_ =	swait.ge @!p0 [sflag:s0], s1  }
0xc1: {  	s1 =	ssub.s32 @!p0 $0x0, s1;
	[sflag:s0] =	ssyncset.done @!p0 $0x0  }
0xc2: {  	[sflag:s0] =	ssyncadd.s32 @!p0 s1  }
0xc3: {  	[bflag:$0x3] =	sbarrier.arrive $0xFFFF  }
0xc4: {  	_ =	shalt  }

// kernel: kernel.19.cloned.1.call-start
scs
__scs_entry_jumppad:
0x0: {  	(pc) =	sbr.rel $0x88, $3  }
0x1: {  	(tag) =	ssettag $0x0;
	lr =	simm.s32 $0x1  }
0x2: {  	[smem:$0x3F93] =	sst lr;
	_ =	strace $0xD0000000  }
0x3: {  	_ = 	snop  }
0x4: {  	_ = 	snop  }
0x5: {  	_ = 	snop  }
0x6: {  	_ = 	snop  }
0x7: {  	_ = 	snop  }
__scs_overlays_trampoline_lowered:
0x8: {  	[smem:$0x3FA2] =	sst s0  }
0x9: {  	[smem:$0x3FA3] =	sst s1  }
0xa: {  	[smem:$0x3FA4] =	sst s2  }
0xb: {  	[smem:$0x3FA5] =	sst s3  }
0xc: {  	[smem:$0x3FA6] =	sst s4  }
0xd: {  	[smem:$0x3FA7] =	sst s5  }
0xe: {  	[smem:$0x3FA8] =	sst s6  }
0xf: {  	[smem:$0x3FA9] =	sst s7  }
0x10: {  	[smem:$0x3FAA] =	sst s8  }
0x11: {  	[smem:$0x3FAB] =	sst s9;
	s0 =	simm.s32 @!p0 $0x0  }
0x12: {  	s1 =	sld [smem:$0x3F91];
	s0 =	simm.s32 @p0 $0x1  }
0x13: {  	[smem:$0x3FAC] =	sst s0;
	s0 =	simm.s32 @!p1 $0x0  }
0x14: {  	s2 =	sld [smem:$0x3F90];
	s0 =	simm.s32 @p1 $0x1  }
0x15: {  	[smem:$0x3FAD] =	sst s0;
	s0 =	simm.s32 @!p2 $0x0  }
0x16: {  	s3 =	sld [smem:$0x3FDB];
	s0 =	simm.s32 @p2 $0x1  }
0x17: {  	s4 =	simm.s32 $0x1BF5;
	[smem:$0x3FAF] =	sst s0  }
0x18: {  	s0 =	sld [smem:$0x3F92];
	_ =	swait.ge [sflag:s4], $0x0  }
0x19: {  	s7 =	sld [smem:$0x3F93]  }
0x1a: {  	s8 =	sadd.s32 $0xFFFFE003, lr  }
0x1b: {  	s9 =	sadd.s32 $0xFFFFFEF7, lr;
	s5 =	simm.s32 $0xFFFFFFFF;
	p2 =	slt.u32 s8, $0xFFFFF086  }
0x1c: {  	p1 =	slt.u32 s9, $0xF7A;
	s5 =	simm.s32 @!p2 $0x0  }
0x1d: {  	s5 =	simm.s32 @p1 $0x1;
	p0 =	seq.s32 s7, s2  }
0x1e: {  	s7 =	smul.u32 @!p0 $0xF7A, s2;
	p2 =	seq.s32 @!p0 s5, $0x0  }
0x1f: {  	s9 =	smul.u32 $0xF7A, s1;
	s8 =	simm.s32 @!p0 $0x1BF5;
	p2 =	por !p2, p0  }
0x20: {  	[sflag:s8] =	ssyncset.s32 @!p0 $0xFFFFF086;
	s6 =	sadd.s32 @!p0 s3, s7;
	s7 =	simm.s32 @!p0 $0x108  }
0x21: {  	s3 =	sadd.s32 s3, s9;
	s6 =	sadd.s32 @!p0 $0x88, s6;
	s7 =	simm.s32 @p2 $0x1082  }
0x22: {  	[simem:s7], [sflag:s8] =	dma.local @!p0 [hbm:s6], $0xF7A  }
0x23: {  	s9 =	sor.u32 $0xD0000000, s2;
	s6 =	simm.s32 $0x108;
	_ =	swait.ge @!p0 [sflag:s8], $0x0  }
0x24: {  	s3 =	sadd.s32 $0x88, s3;
	s6 =	simm.s32 @!p1 $0x1082;
	[sflag:s4] =	ssyncset.s32 $0xFFFFF086  }
0x25: {  	[simem:s6], [sflag:s4] =	dma.local [hbm:s3], $0xF7A  }
0x26: {  	[smem:$0x3F93] =	sst s1;
	(tag) =	ssettag s2;
	_ =	strace s9  }
0x27: {  	s1 =	sld [smem:$0x3FA3]  }
0x28: {  	s2 =	sld [smem:$0x3FA4]  }
0x29: {  	s4 =	sld [smem:$0x3FA6]  }
0x2a: {  	p0 =	seq.s32 s5, $0x0;
	s5 =	sld [smem:$0x3FA7]  }
0x2b: {  	s6 =	sld [smem:$0x3FA8]  }
0x2c: {  	s7 =	sld [smem:$0x3FA9]  }
0x2d: {  	s3 =	simm.s32 $0x108;
	s8 =	sld [smem:$0x3FAA]  }
0x2e: {  	s3 =	simm.s32 @!p0 $0x1082;
	s9 =	sld [smem:$0x3FAB]  }
0x2f: {  	lr =	sadd.s32 s0, s3;
	s0 =	sld [smem:$0x3FA2]  }
0x30: {  	s3 =	sld [smem:$0x3FA5]  }
0x31: {  	[smem:$0x3FAE] =	sst s10  }
0x32: {  	s10 =	sld [smem:$0x3FAC];
	_ =	sdelay $0x3  }
0x33: {  	p0 =	seq.s32 s10, $0x1;
	s10 =	sld [smem:$0x3FAE];
	_ =	sdelay $0x3  }
0x34: {  	[smem:$0x3FAE] =	sst s10  }
0x35: {  	s10 =	sld [smem:$0x3FAD];
	_ =	sdelay $0x3  }
0x36: {  	p1 =	seq.s32 s10, $0x1;
	s10 =	sld [smem:$0x3FAE];
	_ =	sdelay $0x3  }
0x37: {  	[smem:$0x3FAE] =	sst s10  }
0x38: {  	s10 =	sld [smem:$0x3FAF]  }
0x39: {  	_ = 	snop;
	(pc) =	sbr.ind lr, $3  }
0x3a: {  	_ = 	snop  }
0x3b: {  	_ = 	snop  }
0x3c: {  	p2 =	seq.s32 s10, $0x1;
	s10 =	sld [smem:$0x3FAE]  }
0x3d: {  	_ =	shalt  }
0x3e: {  	_ =	shalt  }
0x3f: {  	_ =	shalt  }
0x40: {  	_ =	shalt  }
0x41: {  	_ =	shalt  }
0x42: {  	_ =	shalt  }
0x43: {  	_ =	shalt  }
0x44: {  	_ =	shalt  }
0x45: {  	_ =	shalt  }
0x46: {  	_ =	shalt  }
0x47: {  	_ =	shalt  }
0x48: {  	_ =	shalt  }
0x49: {  	_ =	shalt  }
0x4a: {  	_ =	shalt  }
0x4b: {  	_ =	shalt  }
0x4c: {  	_ =	shalt  }
0x4d: {  	_ =	shalt  }
0x4e: {  	_ =	shalt  }
0x4f: {  	_ =	shalt  }
0x50: {  	_ =	shalt  }
0x51: {  	_ =	shalt  }
0x52: {  	_ =	shalt  }
0x53: {  	_ =	shalt  }
0x54: {  	_ =	shalt  }
0x55: {  	_ =	shalt  }
0x56: {  	_ =	shalt  }
0x57: {  	_ =	shalt  }
0x58: {  	_ =	shalt  }
0x59: {  	_ =	shalt  }
0x5a: {  	_ =	shalt  }
0x5b: {  	_ =	shalt  }
0x5c: {  	_ =	shalt  }
0x5d: {  	_ =	shalt  }
0x5e: {  	_ =	shalt  }
0x5f: {  	_ =	shalt  }
0x60: {  	_ =	shalt  }
0x61: {  	_ =	shalt  }
0x62: {  	_ =	shalt  }
0x63: {  	_ =	shalt  }
0x64: {  	_ =	shalt  }
0x65: {  	_ =	shalt  }
0x66: {  	_ =	shalt  }
0x67: {  	_ =	shalt  }
0x68: {  	_ =	shalt  }
0x69: {  	_ =	shalt  }
0x6a: {  	_ =	shalt  }
0x6b: {  	_ =	shalt  }
0x6c: {  	_ =	shalt  }
0x6d: {  	_ =	shalt  }
0x6e: {  	_ =	shalt  }
0x6f: {  	_ =	shalt  }
0x70: {  	_ =	shalt  }
0x71: {  	_ =	shalt  }
0x72: {  	_ =	shalt  }
0x73: {  	_ =	shalt  }
0x74: {  	_ =	shalt  }
0x75: {  	_ =	shalt  }
0x76: {  	_ =	shalt  }
0x77: {  	_ =	shalt  }
0x78: {  	_ =	shalt  }
0x79: {  	_ =	shalt  }
0x7a: {  	_ =	shalt  }
0x7b: {  	_ =	shalt  }
0x7c: {  	_ =	shalt  }
0x7d: {  	_ =	shalt  }
0x7e: {  	_ =	shalt  }
0x7f: {  	_ =	shalt  }
0x80: {  	_ =	shalt  }
0x81: {  	_ =	shalt  }
0x82: {  	_ =	shalt  }
0x83: {  	_ =	shalt  }
0x84: {  	_ =	shalt  }
0x85: {  	_ =	shalt  }
0x86: {  	_ =	shalt  }
0x87: {  	_ =	shalt  }
.Lfunc_end0:
.L_simem_size_0:
called_computation.1_lowered:
.L_overlay_start_0:
0x88: {  	s2 =	sld [smem:$0x3FD9]  }
0x89: {  	s3 =	sld [smem:$0x3FFE];
	_ =	sdelay $0x1  }
0x8a: {  	s1 =	srdreg.scid  }
0x8b: {  	s0 =	sand.u32 $0x1, s1  }
0x8c: {  	s16 =	sshll.u32 s0, $0xA;
	s2 =	sadd.s32 s3, s2  }
0x8d: {  	s2 =	sadd.s32 s2, s16  }
0x8e: {  	[smem:$0x3FBA] =	sst s2  }
0x8f: {  	_ = 	snop  }
0x90: {  	(tm) =	ssettm $0x1  }
0x91: {  	s17 =	sld [smem:$0x3FFB];
	_ =	sdelay $0x3  }
0x92: {  	_ =	strace s17  }
0x93: {  	s2 =	sld [smem:$0x3FFC];
	_ =	sdelay $0x3  }
0x94: {  	_ =	strace s2  }
0x95: {  	s2 =	sld [smem:$0x3FFD];
	_ =	sdelay $0x3  }
0x96: {  	_ =	strace s2  }
0x97: {  	_ =	strace $0x8FFFFFFF  }
0x98: {  	s18 =	sld [smem:$0x3FDB];
	_ =	sdelay $0x1  }
0x99: {  	s19 =	simm.s32 $_scs_section_size  }
0x9a: {  	s4 =	simm.s32 $_size__tile_overlayer_lowered;
	s5 =	simm.s32 $_tile_overlayer_lowered  }
0x9b: {  	s22 =	simm.s32 $0x1BFF;
	s21 =	sshll.u32 s5, $0x1;
	s2 =	sadd.s32 s19, s18  }
0x9c: {  	s6 =	simm.s32 $0x0;
	s20 =	sshll.u32 s4, $0x1;
	s4 =	sadd.s32 s21, s2  }
0x9d: {  	[timem:s6], [sflag:s22] =	dma.local [hbm:s4], s20  }
0x9e: {  	_ =	swait.ge [sflag:s22], s20  }
0x9f: {  	s3 =	ssub.s32 $0x0, s20;
	[sflag:s22] =	ssyncset.done $0x0  }
0xa0: {  	[sflag:s22] =	ssyncadd.s32 s3;
	_ =	sdelay $0x1  }
0xa1: {  	s23 =	simm.s32 $0x1B8B  }
0xa2: {  	_ =	swait.ge [sflag:s23], $0x1  }
0xa3: {  	[sflag:s23] =	ssyncset.done $0x0  }
0xa4: {  	s25 =	simm.s32 $0x1B8E;
	s24 =	sld [smem:$0x3FFE];
	[sflag:s23] =	ssyncadd.s32 $0xFFFFFFFF  }
0xa5: {  	s26 =	simm.s32 $execute0_lowered;
	[smem:$0x3FD2] =	sst s25  }
0xa6: {  	s4 =	sshll.u32 s26, $0x1;
	_ =	strace $0x80000049;
	[dreg:$0x1] =	wrdreg $0xFFFFFFFF  }
0xa7: {  	s28 =	simm.s32 $_size_execute0_lowered;
	s2 =	sadd.s32 s2, s4;
	[dreg:$0x0] =	wrdreg $0x0  }
0xa8: {  	s4 =	sshll.u32 s28, $0x1;
	[dreg:$0x2] =	wrdreg s2  }
0xa9: {  	[dreg:$0x3] =	wrdreg s4  }
0xaa: {  	[dreg:$0x4] =	wrdreg $0xC0  }
0xab: {  	_ =	task [dreg:s6], $0x5FFFF  }
0xac: {  	[dreg:$0x1] =	wrdreg $0xFFFFFFFF  }
0xad: {  	[dreg:$0x0] =	wrdreg $0x60  }
0xae: {  	[dreg:$0x2] =	wrdreg s24  }
0xaf: {  	[dreg:$0x3] =	wrdreg $0xB5400  }
0xb0: {  	[dreg:$0x4] =	wrdreg $0x9  }
0xb1: {  	_ =	task.clear_ibuf [dreg:s6], $0x5FFFF;
	_ =	strace $0x90000049  }
0xb2: {  	s29 =	simm.s32 $0x9;
	_ =	strace $0x8000004B  }
0xb3: {  	_ =	swait.ge [sflag:s29], $0x1  }
0xb4: {  	[sflag:s29] =	ssyncadd.s32 $0xFFFFFFFF  }
0xb5: {  	_ =	strace $0x9000004B  }
0xb6: {  	_ =	sfence  }
0xb7: {  	s30 =	sld [smem:$0x0];
	_ =	sdelay $0x2  }
0xb8: {  	s31 =	sshll.u32 s1, $0xD;
	s1 =	sshrl.u32 s1, $0x2  }
0xb9: {  	s3 =	sand.u32 $0x4000, s31;
	s1 =	sadd.s32 s1, s30  }
0xba: {  	s0 =	sor.u32 s3, s0;
	s1 =	sshll.u32 s1, $0x11  }
0xbb: {  	s0 =	sor.u32 s1, s0  }
0xbc: {  	s0 =	sadd.s32 $0x8F2B, s0  }
0xbd: {  	[sflag:s0] =	ssyncadd.remote.s32 $0x1  }
0xbe: {  	_ =	sfence.sel $0xFFFF  }
0xbf: {  	[dreg:$0x0] =	wrdreg $0xFFFFFFFF;
	(pc) =	sbr.abs _section_cstart, $3  }
0xc0: {  	[dreg:$0x1] =	wrdreg $0xFFFFFFFF  }
0xc1: {  	_ =	task.clear_ibuf [dreg:s6], $0x2FFFF;
	_ =	strace $0x9FFFFFFF  }
0xc2: {  	(tm) =	ssettm $0x7FFFFFFF  }
0xc3: {  	_ =	shalt  }
tec
execute0_lowered:
.L_overlay_start_1:
0x0: {  	(tag) =	ssettag $0x1  }
0x1: {  	s1 =	srdreg.scid  }
0x2: {  	s0 =	stileid.u32;
	s6 =	rddreg [dreg:$0x0]  }
0x3: {  	s2 =	rddreg [dreg:$0x1];
	s3 =	simm.s32 $0x0;
	s14 =	simm.s32 $0x2  }
0x4: {  	s15 =	simm.s32 $0x64;
	s16 =	simm.s32 $0x5140;
	s17 =	simm.s32 $0x8340  }
0x5: {  	s18 =	simm.s32 $0x3;
	s19 =	simm.s32 $0x2838;
	s20 =	simm.s32 $0x5070  }
0x6: {  	s21 =	simm.s32 $0x50D8;
	s23 =	simm.s32 $0x0;
	s5 =	sand.u32 $0x1, s1  }
0x7: {  	s29 =	sshll.u32 s0, $0x1;
	s8 =	smul.u32 $0x13880, s0;
	[smem:$0x7FF] =	sst s3  }
0x8: {  	s4 =	sadd.s32 $0x50400, s6;
	s1 =	sor.u32 s5, s29;
	s9 =	smul.u32 $0x138800, s5  }
0x9: {  	s22 =	sshll.u32 s0, $0x6;
	s5 =	ssub.s32 $0x2, s5;
	s7 =	smul.u32 $0x514, s1  }
0xa: {  	s1 =	rddreg [dreg:$0x2];
	_ =	strace $0x8000004A;
	s31 =	sshrl.u32 s8, $0x3  }
0xb: {  	s11 =	sshrl.u32 s5, $0x1;
	s13 =	sadd.s32 s8, s2;
	s30 =	sadd.s32 s8, s9  }
0xc: {  	s9 =	sadd.s32 s31, s6;
	s10 =	sadd.s32 s7, s6;
	s7 =	sshrl.u32 s30, $0x3  }
0xd: {  	s11 =	ssub.s32 s5, s11;
	s5 =	sadd.s32 $0x77600, s9;
	s12 =	sadd.s32 s7, s6  }
0xe: {  	s6 =	sor.u32 $0x1C01, s22;
	s7 =	sadd.s32 $0x1E600, s10;
	s8 =	sadd.s32 $0x5400, s10  }
0xf: {  	s10 =	smax.u32 s11, $0x1;
	s11 =	sshrl.u32 s13, $0x3;
	s13 =	simm.s32 $0x1  }
0x10: {  	s22 =	sor.u32 $0x1C03, s22;
	s9 =	sadd.s32 $0x9E800, s12;
	s12 =	simm.s32 $0x28A0  }
.LBB2_1:
0x11: {  	[spmem:s11], [sflag:s6] =	dma.local [hbm:s5], $0x2710  }
0x12: {  	[tilespmem:s3], [sflag:$0x2] =	stream.linear.gather [hbm4b:s7+s3], $0x28A0, $0x38;
	[tilespmem:$0x1EDC0] =	vst v63  }
0x13: {  	_ = 	snop  }
0x14: {  	[tilespmem:s12], [sflag:$0x2] =	stream.linear.gather [hbm4b:s8+s3], $0x28A0, $0x38;
	[tilespmem:$0x1EDC0] =	vst v63  }
0x15: {  	_ =	swait.ge [sflag:s13], $0x2710  }
0x16: {  	[sflag:s13] =	ssyncset.done $0x0  }
0x17: {  	[sflag:s13] =	ssyncadd.s32 $0xFFFFD8F0  }
0x18: {  	_ =	swait.ge [sflag:s14], $0x28A0  }
0x19: {  	[sflag:s14] =	ssyncset.done $0x0  }
0x1a: {  	[sflag:s14] =	ssyncadd.s32 $0xFFFFD760  }
0x1b: {  	_ =	swait.ge [sflag:s14], $0x28A0  }
0x1c: {  	[sflag:s14] =	ssyncset.done $0x0  }
0x1d: {  	[sflag:s14] =	ssyncadd.s32 $0xFFFFD760  }
0x1e: {  	[bflag:$0x0] =	sbarrier.arrive $0xFFFF  }
0x1f: {  	[tilespmem:s16], [sflag:$0x1] =	stream.indirect.gather [hbm4b:s4+s15], $0x80, s3, s15, $0xb8;
	[tilespmem:$0x1EDC0] =	vst v63  }
0x20: {  	s24 =	simm.s32 $0x68  }
0x21: {  	[tilespmem:s17], [sflag:$0x2] =	stream.indirect.gather [hbm4b:s4+s15], $0x80, s24, s15, $0xb8;
	[tilespmem:$0x1EDC0] =	vst v63  }
0x22: {  	_ =	swait.ge [sflag:s13], $0x3200  }
0x23: {  	[sflag:s13] =	ssyncset.done $0x0  }
0x24: {  	s29 =	simm.s32 $0x28A0;
	[sflag:s13] =	ssyncadd.s32 $0xFFFFCE00  }
0x25: {  	[spmem:s2] =	stream.indirect.scatter.add.f32 [tilespmem:s16], [sflag:$0x3], $0x80, s29, s15, $0xb8;
	[tilespmem:$0x1EDC0] =	vst v63  }
0x26: {  	_ =	swait.ge [sflag:s18], $0x3200  }
0x27: {  	[sflag:s18] =	ssyncset.done $0x0  }
0x28: {  	s30 =	simm.s32 $0xD0;
	[sflag:s18] =	ssyncadd.s32 $0xFFFFCE00  }
0x29: {  	[tilespmem:s16], [sflag:$0x1] =	stream.indirect.gather [hbm4b:s4+s15], $0x80, s30, s15, $0xb8;
	[tilespmem:$0x1EDC0] =	vst v63  }
0x2a: {  	_ =	swait.ge [sflag:s14], $0x3200  }
0x2b: {  	[sflag:s14] =	ssyncset.done $0x0  }
0x2c: {  	s31 =	simm.s32 $0x2908;
	[sflag:s14] =	ssyncadd.s32 $0xFFFFCE00  }
0x2d: {  	[spmem:s2] =	stream.indirect.scatter.add.f32 [tilespmem:s17], [sflag:$0x3], $0x80, s31, s15, $0xb8;
	[tilespmem:$0x1EDC0] =	vst v63  }
0x2e: {  	_ =	swait.ge [sflag:s18], $0x3200  }
0x2f: {  	s25 =	simm.s32 $0x680;
	s24 =	simm.s32 $0xD0;
	[sflag:s18] =	ssyncset.done $0x0  }
.LBB2_2:
0x30: {  	s26 =	sadd.s32 $0x68, s24  }
0x31: {  	[sflag:s18] =	ssyncadd.s32 $0xFFFFCE00;
	s28 =	smov.u32 s25;
	s29 =	sadd.s32 $0x340, s25  }
0x32: {  	[tilespmem:s17], [sflag:$0x2] =	stream.indirect.gather [hbm4b:s4+s15], $0x80, s26, s15, $0xb8;
	[tilespmem:$0x1EDC0] =	vst v63  }
0x33: {  	p0 =	sne.s32 s25, $0x9C00;
	_ =	swait.ge [sflag:s13], $0x3200  }
0x34: {  	[sflag:s13] =	ssyncset.done $0x0  }
0x35: {  	s25 =	sadd.s32 $0x28A0, s24;
	[sflag:s13] =	ssyncadd.s32 $0xFFFFCE00  }
0x36: {  	[spmem:s2] =	stream.indirect.scatter.add.f32 [tilespmem:s16], [sflag:$0x3], $0x80, s25, s15, $0xb8;
	[tilespmem:$0x1EDC0] =	vst v63  }
0x37: {  	_ =	swait.ge [sflag:s18], $0x3200  }
0x38: {  	[sflag:s18] =	ssyncset.done $0x0  }
0x39: {  	s25 =	sadd.s32 $0xD0, s24;
	[sflag:s18] =	ssyncadd.s32 $0xFFFFCE00  }
0x3a: {  	[tilespmem:s16], [sflag:$0x1] =	stream.indirect.gather [hbm4b:s4+s15], $0x80, s25, s15, $0xb8;
	[tilespmem:$0x1EDC0] =	vst v63  }
0x3b: {  	_ =	swait.ge [sflag:s14], $0x3200  }
.Ltmp0:
0x3c: {  	[sflag:s14] =	ssyncset.done $0x0;
	(pc) =	sbr.rel @p0 .LBB2_2-.Ltmp0, $4  }
0x3d: {  	s24 =	sadd.s32 $0x2908, s24;
	[sflag:s14] =	ssyncadd.s32 $0xFFFFCE00  }
0x3e: {  	[spmem:s2] =	stream.indirect.scatter.add.f32 [tilespmem:s17], [sflag:$0x3], $0x80, s24, s15, $0xb8;
	[tilespmem:$0x1EDC0] =	vst v63  }
0x3f: {  	_ =	swait.ge [sflag:s18], $0x3200  }
0x40: {  	s25 =	smov.u32 s29;
	s24 =	sshra.s32 s28, $0x2;
	[sflag:s18] =	ssyncset.done $0x0  }
0x41: {  	s25 =	sadd.s32 $0x68, s24;
	[sflag:s18] =	ssyncadd.s32 $0xFFFFCE00  }
0x42: {  	[tilespmem:s17], [sflag:$0x2] =	stream.indirect.gather [hbm4b:s4+s15], $0x80, s25, s15, $0xb8;
	[tilespmem:$0x1EDC0] =	vst v63  }
0x43: {  	_ =	swait.ge [sflag:s13], $0x3200  }
0x44: {  	[sflag:s13] =	ssyncset.done $0x0  }
0x45: {  	s29 =	sadd.s32 $0x28A0, s24;
	[sflag:s13] =	ssyncadd.s32 $0xFFFFCE00  }
0x46: {  	[spmem:s2] =	stream.indirect.scatter.add.f32 [tilespmem:s16], [sflag:$0x3], $0x80, s29, s15, $0xb8;
	[tilespmem:$0x1EDC0] =	vst v63  }
0x47: {  	_ =	swait.ge [sflag:s18], $0x3200  }
0x48: {  	[sflag:s18] =	ssyncset.done $0x0  }
0x49: {  	s30 =	sadd.s32 $0xD0, s24;
	[sflag:s18] =	ssyncadd.s32 $0xFFFFCE00  }
0x4a: {  	[tilespmem:s16], [sflag:$0x1] =	stream.indirect.gather [hbm4b:s4+s15], $0x80, s30, s15, $0xb8;
	[tilespmem:$0x1EDC0] =	vst v63  }
0x4b: {  	_ =	swait.ge [sflag:s14], $0x3200  }
0x4c: {  	[sflag:s14] =	ssyncset.done $0x0  }
0x4d: {  	s31 =	sadd.s32 $0x2908, s24;
	[sflag:s14] =	ssyncadd.s32 $0xFFFFCE00  }
0x4e: {  	[spmem:s2] =	stream.indirect.scatter.add.f32 [tilespmem:s17], [sflag:$0x3], $0x80, s31, s15, $0xb8;
	[tilespmem:$0x1EDC0] =	vst v63  }
0x4f: {  	_ =	swait.ge [sflag:s18], $0x3200  }
0x50: {  	[sflag:s18] =	ssyncset.done $0x0  }
0x51: {  	[sflag:s18] =	ssyncadd.s32 $0xFFFFCE00  }
0x52: {  	[tilespmem:s17], [sflag:$0x2] =	stream.indirect.gather [hbm4b:s4+s15], $0x80, s19, s15, $0xb8;
	[tilespmem:$0x1EDC0] =	vst v63  }
0x53: {  	_ =	swait.ge [sflag:s13], $0x3200  }
0x54: {  	[sflag:s13] =	ssyncset.done $0x0  }
0x55: {  	[sflag:s13] =	ssyncadd.s32 $0xFFFFCE00  }
0x56: {  	[spmem:s2] =	stream.indirect.scatter.add.f32 [tilespmem:s16], [sflag:$0x3], $0x80, s20, s15, $0xb8;
	[tilespmem:$0x1EDC0] =	vst v63  }
0x57: {  	_ =	swait.ge [sflag:s18], $0x3200  }
0x58: {  	[sflag:s18] =	ssyncset.done $0x0  }
0x59: {  	[sflag:s18] =	ssyncadd.s32 $0xFFFFCE00  }
0x5a: {  	[tilespmem:s16], [sflag:$0x1] =	stream.indirect.gather [hbm4b:s4+s15], $0x80, s3, s15, $0xb8;
	[tilespmem:$0x1EDC0] =	vst v63  }
0x5b: {  	_ =	swait.ge [sflag:s14], $0x3200  }
0x5c: {  	[sflag:s14] =	ssyncset.done $0x0  }
0x5d: {  	[sflag:s14] =	ssyncadd.s32 $0xFFFFCE00  }
0x5e: {  	[spmem:s2] =	stream.indirect.scatter.add.f32 [tilespmem:s17], [sflag:$0x3], $0x80, s21, s15, $0xb8;
	[tilespmem:$0x1EDC0] =	vst v63  }
0x5f: {  	_ =	swait.ge [sflag:s18], $0x3200  }
0x60: {  	[sflag:s18] =	ssyncset.done $0x0  }
0x61: {  	[sflag:s18] =	ssyncadd.s32 $0xFFFFCE00  }
0x62: {  	_ =	swait.ge [sflag:s13], $0x3200  }
0x63: {  	s23 =	sadd.s32 $0x1, s23;
	[sflag:s13] =	ssyncset.done $0x0  }
0x64: {  	p0 =	sne.s32 s23, s10;
	[sflag:s13] =	ssyncadd.s32 $0xFFFFCE00  }
.Ltmp1:
0x65: {  	[bflag:$0x0] =	sbarrier.arrive $0xFFFF;
	(pc) =	sbr.rel @p0 .LBB2_1-.Ltmp1, $4  }
0x66: {  	[hbm:s9], [sflag:s22] =	dma.local [spmem:s11], $0x2710  }
0x67: {  	_ =	swait.ge [sflag:s18], $0x2710  }
0x68: {  	[sflag:s18] =	ssyncset.done $0x0  }
0x69: {  	[sflag:s18] =	ssyncadd.s32 $0xFFFFD8F0  }
0x6a: {  	_ =	sfence.sel $0x180000  }
0x6b: {  	[bflag:$0x0] =	sbarrier.arrive $0xFFFF  }
0x6c: {  	p0 =	sne.s32 s0, $0x0;
	_ =	strace $0x9000004A  }
0x6d: {  	s0 =	sadd.s32 @!p0 $0x100000, s1;
	[bflag:$0x2] =	sbarrier.arrive $0xFFFF  }
0x6e: {  	[sflag:s0] =	ssyncadd.tile.s32 @!p0 $0x1;
	_ =	shalt  }
.Lfunc_end2:
_tile_overlayer_lowered:
.L_overlay_start_2:
0x6f: {  	(tag) =	ssettag $0x2  }
0x70: {  	s0 =	rddreg [dreg:$0x0];
	s2 =	stileid.u32  }
0x71: {  	s1 =	rddreg [dreg:$0x1];
	p0 =	sne.s32 s2, $0x0  }
0x72: {  	s3 =	rddreg [dreg:$0x2];
	[bflag:$0x3] =	sbarrier.arrive $0xFFFF;
	s2 =	simm.s32 @!p0 $0x1C03  }
0x73: {  	[timem:s3], [sflag:s2] =	dma.local @!p0 [hbm:s0], s1  }
0x74: {  	s0 =	simm.s32 @!p0 $0x3  }
0x75: {  	_ =	swait.ge @!p0 [sflag:s0], s1  }
0x76: {  	s1 =	ssub.s32 @!p0 $0x0, s1;
	[sflag:s0] =	ssyncset.done @!p0 $0x0  }
0x77: {  	[sflag:s0] =	ssyncadd.s32 @!p0 s1  }
0x78: {  	[bflag:$0x3] =	sbarrier.arrive $0xFFFF  }
0x79: {  	_ =	shalt  }

// kernel: kernel.22.cloned.1.call-start
scs
__scs_entry_jumppad:
0x0: {  	(pc) =	sbr.rel $0x88, $3  }
0x1: {  	(tag) =	ssettag $0x0;
	lr =	simm.s32 $0x1  }
0x2: {  	[smem:$0x3F93] =	sst lr;
	_ =	strace $0xD0000000  }
0x3: {  	_ = 	snop  }
0x4: {  	_ = 	snop  }
0x5: {  	_ = 	snop  }
0x6: {  	_ = 	snop  }
0x7: {  	_ = 	snop  }
__scs_overlays_trampoline_lowered:
0x8: {  	[smem:$0x3FA2] =	sst s0  }
0x9: {  	[smem:$0x3FA3] =	sst s1  }
0xa: {  	[smem:$0x3FA4] =	sst s2  }
0xb: {  	[smem:$0x3FA5] =	sst s3  }
0xc: {  	[smem:$0x3FA6] =	sst s4  }
0xd: {  	[smem:$0x3FA7] =	sst s5  }
0xe: {  	[smem:$0x3FA8] =	sst s6  }
0xf: {  	[smem:$0x3FA9] =	sst s7  }
0x10: {  	[smem:$0x3FAA] =	sst s8  }
0x11: {  	[smem:$0x3FAB] =	sst s9;
	s0 =	simm.s32 @!p0 $0x0  }
0x12: {  	s1 =	sld [smem:$0x3F91];
	s0 =	simm.s32 @p0 $0x1  }
0x13: {  	[smem:$0x3FAC] =	sst s0;
	s0 =	simm.s32 @!p1 $0x0  }
0x14: {  	s2 =	sld [smem:$0x3F90];
	s0 =	simm.s32 @p1 $0x1  }
0x15: {  	[smem:$0x3FAD] =	sst s0;
	s0 =	simm.s32 @!p2 $0x0  }
0x16: {  	s3 =	sld [smem:$0x3FDB];
	s0 =	simm.s32 @p2 $0x1  }
0x17: {  	s4 =	simm.s32 $0x1BF5;
	[smem:$0x3FAF] =	sst s0  }
0x18: {  	s0 =	sld [smem:$0x3F92];
	_ =	swait.ge [sflag:s4], $0x0  }
0x19: {  	s7 =	sld [smem:$0x3F93]  }
0x1a: {  	s8 =	sadd.s32 $0xFFFFE003, lr  }
0x1b: {  	s9 =	sadd.s32 $0xFFFFFEF7, lr;
	s5 =	simm.s32 $0xFFFFFFFF;
	p2 =	slt.u32 s8, $0xFFFFF086  }
0x1c: {  	p1 =	slt.u32 s9, $0xF7A;
	s5 =	simm.s32 @!p2 $0x0  }
0x1d: {  	s5 =	simm.s32 @p1 $0x1;
	p0 =	seq.s32 s7, s2  }
0x1e: {  	s7 =	smul.u32 @!p0 $0xF7A, s2;
	p2 =	seq.s32 @!p0 s5, $0x0  }
0x1f: {  	s9 =	smul.u32 $0xF7A, s1;
	s8 =	simm.s32 @!p0 $0x1BF5;
	p2 =	por !p2, p0  }
0x20: {  	[sflag:s8] =	ssyncset.s32 @!p0 $0xFFFFF086;
	s6 =	sadd.s32 @!p0 s3, s7;
	s7 =	simm.s32 @!p0 $0x108  }
0x21: {  	s3 =	sadd.s32 s3, s9;
	s6 =	sadd.s32 @!p0 $0x88, s6;
	s7 =	simm.s32 @p2 $0x1082  }
0x22: {  	[simem:s7], [sflag:s8] =	dma.local @!p0 [hbm:s6], $0xF7A  }
0x23: {  	s9 =	sor.u32 $0xD0000000, s2;
	s6 =	simm.s32 $0x108;
	_ =	swait.ge @!p0 [sflag:s8], $0x0  }
0x24: {  	s3 =	sadd.s32 $0x88, s3;
	s6 =	simm.s32 @!p1 $0x1082;
	[sflag:s4] =	ssyncset.s32 $0xFFFFF086  }
0x25: {  	[simem:s6], [sflag:s4] =	dma.local [hbm:s3], $0xF7A  }
0x26: {  	[smem:$0x3F93] =	sst s1;
	(tag) =	ssettag s2;
	_ =	strace s9  }
0x27: {  	s1 =	sld [smem:$0x3FA3]  }
0x28: {  	s2 =	sld [smem:$0x3FA4]  }
0x29: {  	s4 =	sld [smem:$0x3FA6]  }
0x2a: {  	p0 =	seq.s32 s5, $0x0;
	s5 =	sld [smem:$0x3FA7]  }
0x2b: {  	s6 =	sld [smem:$0x3FA8]  }
0x2c: {  	s7 =	sld [smem:$0x3FA9]  }
0x2d: {  	s3 =	simm.s32 $0x108;
	s8 =	sld [smem:$0x3FAA]  }
0x2e: {  	s3 =	simm.s32 @!p0 $0x1082;
	s9 =	sld [smem:$0x3FAB]  }
0x2f: {  	lr =	sadd.s32 s0, s3;
	s0 =	sld [smem:$0x3FA2]  }
0x30: {  	s3 =	sld [smem:$0x3FA5]  }
0x31: {  	[smem:$0x3FAE] =	sst s10  }
0x32: {  	s10 =	sld [smem:$0x3FAC];
	_ =	sdelay $0x3  }
0x33: {  	p0 =	seq.s32 s10, $0x1;
	s10 =	sld [smem:$0x3FAE];
	_ =	sdelay $0x3  }
0x34: {  	[smem:$0x3FAE] =	sst s10  }
0x35: {  	s10 =	sld [smem:$0x3FAD];
	_ =	sdelay $0x3  }
0x36: {  	p1 =	seq.s32 s10, $0x1;
	s10 =	sld [smem:$0x3FAE];
	_ =	sdelay $0x3  }
0x37: {  	[smem:$0x3FAE] =	sst s10  }
0x38: {  	s10 =	sld [smem:$0x3FAF]  }
0x39: {  	_ = 	snop;
	(pc) =	sbr.ind lr, $3  }
0x3a: {  	_ = 	snop  }
0x3b: {  	_ = 	snop  }
0x3c: {  	p2 =	seq.s32 s10, $0x1;
	s10 =	sld [smem:$0x3FAE]  }
0x3d: {  	_ =	shalt  }
0x3e: {  	_ =	shalt  }
0x3f: {  	_ =	shalt  }
0x40: {  	_ =	shalt  }
0x41: {  	_ =	shalt  }
0x42: {  	_ =	shalt  }
0x43: {  	_ =	shalt  }
0x44: {  	_ =	shalt  }
0x45: {  	_ =	shalt  }
0x46: {  	_ =	shalt  }
0x47: {  	_ =	shalt  }
0x48: {  	_ =	shalt  }
0x49: {  	_ =	shalt  }
0x4a: {  	_ =	shalt  }
0x4b: {  	_ =	shalt  }
0x4c: {  	_ =	shalt  }
0x4d: {  	_ =	shalt  }
0x4e: {  	_ =	shalt  }
0x4f: {  	_ =	shalt  }
0x50: {  	_ =	shalt  }
0x51: {  	_ =	shalt  }
0x52: {  	_ =	shalt  }
0x53: {  	_ =	shalt  }
0x54: {  	_ =	shalt  }
0x55: {  	_ =	shalt  }
0x56: {  	_ =	shalt  }
0x57: {  	_ =	shalt  }
0x58: {  	_ =	shalt  }
0x59: {  	_ =	shalt  }
0x5a: {  	_ =	shalt  }
0x5b: {  	_ =	shalt  }
0x5c: {  	_ =	shalt  }
0x5d: {  	_ =	shalt  }
0x5e: {  	_ =	shalt  }
0x5f: {  	_ =	shalt  }
0x60: {  	_ =	shalt  }
0x61: {  	_ =	shalt  }
0x62: {  	_ =	shalt  }
0x63: {  	_ =	shalt  }
0x64: {  	_ =	shalt  }
0x65: {  	_ =	shalt  }
0x66: {  	_ =	shalt  }
0x67: {  	_ =	shalt  }
0x68: {  	_ =	shalt  }
0x69: {  	_ =	shalt  }
0x6a: {  	_ =	shalt  }
0x6b: {  	_ =	shalt  }
0x6c: {  	_ =	shalt  }
0x6d: {  	_ =	shalt  }
0x6e: {  	_ =	shalt  }
0x6f: {  	_ =	shalt  }
0x70: {  	_ =	shalt  }
0x71: {  	_ =	shalt  }
0x72: {  	_ =	shalt  }
0x73: {  	_ =	shalt  }
0x74: {  	_ =	shalt  }
0x75: {  	_ =	shalt  }
0x76: {  	_ =	shalt  }
0x77: {  	_ =	shalt  }
0x78: {  	_ =	shalt  }
0x79: {  	_ =	shalt  }
0x7a: {  	_ =	shalt  }
0x7b: {  	_ =	shalt  }
0x7c: {  	_ =	shalt  }
0x7d: {  	_ =	shalt  }
0x7e: {  	_ =	shalt  }
0x7f: {  	_ =	shalt  }
0x80: {  	_ =	shalt  }
0x81: {  	_ =	shalt  }
0x82: {  	_ =	shalt  }
0x83: {  	_ =	shalt  }
0x84: {  	_ =	shalt  }
0x85: {  	_ =	shalt  }
0x86: {  	_ =	shalt  }
0x87: {  	_ =	shalt  }
.Lfunc_end0:
.L_simem_size_0:
called_computation.2_lowered:
.L_overlay_start_0:
0x88: {  	s2 =	sld [smem:$0x3FD9]  }
0x89: {  	s3 =	sld [smem:$0x3FFE];
	_ =	sdelay $0x1  }
0x8a: {  	s1 =	srdreg.scid  }
0x8b: {  	s0 =	sand.u32 $0x1, s1  }
0x8c: {  	s16 =	sshll.u32 s0, $0xA;
	s2 =	sadd.s32 s3, s2  }
0x8d: {  	s2 =	sadd.s32 s2, s16  }
0x8e: {  	[smem:$0x3FBA] =	sst s2  }
0x8f: {  	_ = 	snop  }
0x90: {  	(tm) =	ssettm $0x1  }
0x91: {  	s17 =	sld [smem:$0x3FFB];
	_ =	sdelay $0x3  }
0x92: {  	_ =	strace s17  }
0x93: {  	s2 =	sld [smem:$0x3FFC];
	_ =	sdelay $0x3  }
0x94: {  	_ =	strace s2  }
0x95: {  	s2 =	sld [smem:$0x3FFD];
	_ =	sdelay $0x3  }
0x96: {  	_ =	strace s2  }
0x97: {  	_ =	strace $0x8FFFFFFF  }
0x98: {  	s18 =	sld [smem:$0x3FDB];
	_ =	sdelay $0x1  }
0x99: {  	s19 =	simm.s32 $_scs_section_size  }
0x9a: {  	s4 =	simm.s32 $_size__tile_overlayer_lowered;
	s5 =	simm.s32 $_tile_overlayer_lowered  }
0x9b: {  	s22 =	simm.s32 $0x1BFF;
	s21 =	sshll.u32 s5, $0x1;
	s2 =	sadd.s32 s19, s18  }
0x9c: {  	s6 =	simm.s32 $0x0;
	s20 =	sshll.u32 s4, $0x1;
	s4 =	sadd.s32 s21, s2  }
0x9d: {  	[timem:s6], [sflag:s22] =	dma.local [hbm:s4], s20  }
0x9e: {  	_ =	swait.ge [sflag:s22], s20  }
0x9f: {  	s3 =	ssub.s32 $0x0, s20;
	[sflag:s22] =	ssyncset.done $0x0  }
0xa0: {  	[sflag:s22] =	ssyncadd.s32 s3;
	_ =	sdelay $0x1  }
0xa1: {  	s23 =	simm.s32 $0x1B8B  }
0xa2: {  	_ =	swait.ge [sflag:s23], $0x1  }
0xa3: {  	[sflag:s23] =	ssyncset.done $0x0  }
0xa4: {  	s25 =	simm.s32 $0x1B8E;
	s24 =	sld [smem:$0x3FFE];
	[sflag:s23] =	ssyncadd.s32 $0xFFFFFFFF  }
0xa5: {  	s26 =	simm.s32 $execute0_lowered;
	[smem:$0x3FD2] =	sst s25  }
0xa6: {  	s4 =	sshll.u32 s26, $0x1;
	_ =	strace $0x8000004C;
	[dreg:$0x1] =	wrdreg $0xFFFFFFFF  }
0xa7: {  	s28 =	simm.s32 $_size_execute0_lowered;
	s2 =	sadd.s32 s2, s4;
	[dreg:$0x0] =	wrdreg $0x0  }
0xa8: {  	s4 =	sshll.u32 s28, $0x1;
	[dreg:$0x2] =	wrdreg s2  }
0xa9: {  	[dreg:$0x3] =	wrdreg s4  }
0xaa: {  	[dreg:$0x4] =	wrdreg $0xC0  }
0xab: {  	_ =	task [dreg:s6], $0x5FFFF  }
0xac: {  	[dreg:$0x1] =	wrdreg $0xFFFFFFFF  }
0xad: {  	[dreg:$0x0] =	wrdreg $0x60  }
0xae: {  	[dreg:$0x2] =	wrdreg s24  }
0xaf: {  	[dreg:$0x3] =	wrdreg $0xB5400  }
0xb0: {  	[dreg:$0x4] =	wrdreg $0x9  }
0xb1: {  	_ =	task.clear_ibuf [dreg:s6], $0x5FFFF;
	_ =	strace $0x9000004C  }
0xb2: {  	s29 =	simm.s32 $0x9;
	_ =	strace $0x8000004E  }
0xb3: {  	_ =	swait.ge [sflag:s29], $0x1  }
0xb4: {  	[sflag:s29] =	ssyncadd.s32 $0xFFFFFFFF  }
0xb5: {  	_ =	strace $0x9000004E  }
0xb6: {  	_ =	sfence  }
0xb7: {  	s30 =	sld [smem:$0x0];
	_ =	sdelay $0x2  }
0xb8: {  	s31 =	sshll.u32 s1, $0xD;
	s1 =	sshrl.u32 s1, $0x2  }
0xb9: {  	s3 =	sand.u32 $0x4000, s31;
	s1 =	sadd.s32 s1, s30  }
0xba: {  	s0 =	sor.u32 s3, s0;
	s1 =	sshll.u32 s1, $0x11  }
0xbb: {  	s0 =	sor.u32 s1, s0  }
0xbc: {  	s0 =	sadd.s32 $0x8F2B, s0  }
0xbd: {  	[sflag:s0] =	ssyncadd.remote.s32 $0x1  }
0xbe: {  	_ =	sfence.sel $0xFFFF  }
0xbf: {  	[dreg:$0x0] =	wrdreg $0xFFFFFFFF;
	(pc) =	sbr.abs _section_cstart, $3  }
0xc0: {  	[dreg:$0x1] =	wrdreg $0xFFFFFFFF  }
0xc1: {  	_ =	task.clear_ibuf [dreg:s6], $0x2FFFF;
	_ =	strace $0x9FFFFFFF  }
0xc2: {  	(tm) =	ssettm $0x7FFFFFFF  }
0xc3: {  	_ =	shalt  }
tec
execute0_lowered:
.L_overlay_start_1:
0x0: {  	(tag) =	ssettag $0x1  }
0x1: {  	s1 =	srdreg.scid  }
0x2: {  	s0 =	stileid.u32;
	s6 =	rddreg [dreg:$0x0]  }
0x3: {  	s2 =	rddreg [dreg:$0x1];
	s3 =	simm.s32 $0x0;
	s14 =	simm.s32 $0x2  }
0x4: {  	s15 =	simm.s32 $0x64;
	s16 =	simm.s32 $0x5140;
	s17 =	simm.s32 $0x8340  }
0x5: {  	s18 =	simm.s32 $0x3;
	s19 =	simm.s32 $0x2838;
	s20 =	simm.s32 $0x5070  }
0x6: {  	s21 =	simm.s32 $0x50D8;
	s23 =	simm.s32 $0x0;
	s5 =	sand.u32 $0x1, s1  }
0x7: {  	s29 =	sshll.u32 s0, $0x1;
	s8 =	smul.u32 $0x13880, s0;
	[smem:$0x7FF] =	sst s3  }
0x8: {  	s4 =	sadd.s32 $0x29200, s6;
	s1 =	sor.u32 s5, s29;
	s9 =	smul.u32 $0x138800, s5  }
0x9: {  	s22 =	sshll.u32 s0, $0x6;
	s5 =	ssub.s32 $0x2, s5;
	s7 =	smul.u32 $0x514, s1  }
0xa: {  	s1 =	rddreg [dreg:$0x2];
	_ =	strace $0x8000004D;
	s31 =	sshrl.u32 s8, $0x3  }
0xb: {  	s11 =	sshrl.u32 s5, $0x1;
	s13 =	sadd.s32 s8, s2;
	s30 =	sadd.s32 s8, s9  }
0xc: {  	s9 =	sadd.s32 s31, s6;
	s10 =	sadd.s32 s7, s6;
	s7 =	sshrl.u32 s30, $0x3  }
0xd: {  	s11 =	ssub.s32 s5, s11;
	s5 =	sadd.s32 $0x77600, s9;
	s12 =	sadd.s32 s7, s6  }
0xe: {  	s6 =	sor.u32 $0x1C01, s22;
	s7 =	sadd.s32 $0x1E600, s10;
	s8 =	sadd.s32 $0x5400, s10  }
0xf: {  	s10 =	smax.u32 s11, $0x1;
	s11 =	sshrl.u32 s13, $0x3;
	s13 =	simm.s32 $0x1  }
0x10: {  	s22 =	sor.u32 $0x1C03, s22;
	s9 =	sadd.s32 $0x9E800, s12;
	s12 =	simm.s32 $0x28A0  }
.LBB2_1:
0x11: {  	[spmem:s11], [sflag:s6] =	dma.local [hbm:s5], $0x2710  }
0x12: {  	[tilespmem:s3], [sflag:$0x2] =	stream.linear.gather [hbm4b:s7+s3], $0x28A0, $0x38;
	[tilespmem:$0x1EDC0] =	vst v63  }
0x13: {  	_ = 	snop  }
0x14: {  	[tilespmem:s12], [sflag:$0x2] =	stream.linear.gather [hbm4b:s8+s3], $0x28A0, $0x38;
	[tilespmem:$0x1EDC0] =	vst v63  }
0x15: {  	_ =	swait.ge [sflag:s13], $0x2710  }
0x16: {  	[sflag:s13] =	ssyncset.done $0x0  }
0x17: {  	[sflag:s13] =	ssyncadd.s32 $0xFFFFD8F0  }
0x18: {  	_ =	swait.ge [sflag:s14], $0x28A0  }
0x19: {  	[sflag:s14] =	ssyncset.done $0x0  }
0x1a: {  	[sflag:s14] =	ssyncadd.s32 $0xFFFFD760  }
0x1b: {  	_ =	swait.ge [sflag:s14], $0x28A0  }
0x1c: {  	[sflag:s14] =	ssyncset.done $0x0  }
0x1d: {  	[sflag:s14] =	ssyncadd.s32 $0xFFFFD760  }
0x1e: {  	[bflag:$0x0] =	sbarrier.arrive $0xFFFF  }
0x1f: {  	[tilespmem:s16], [sflag:$0x1] =	stream.indirect.gather [hbm4b:s4+s15], $0x80, s3, s15, $0xb8;
	[tilespmem:$0x1EDC0] =	vst v63  }
0x20: {  	s24 =	simm.s32 $0x68  }
0x21: {  	[tilespmem:s17], [sflag:$0x2] =	stream.indirect.gather [hbm4b:s4+s15], $0x80, s24, s15, $0xb8;
	[tilespmem:$0x1EDC0] =	vst v63  }
0x22: {  	_ =	swait.ge [sflag:s13], $0x3200  }
0x23: {  	[sflag:s13] =	ssyncset.done $0x0  }
0x24: {  	s29 =	simm.s32 $0x28A0;
	[sflag:s13] =	ssyncadd.s32 $0xFFFFCE00  }
0x25: {  	[spmem:s2] =	stream.indirect.scatter.add.f32 [tilespmem:s16], [sflag:$0x3], $0x80, s29, s15, $0xb8;
	[tilespmem:$0x1EDC0] =	vst v63  }
0x26: {  	_ =	swait.ge [sflag:s18], $0x3200  }
0x27: {  	[sflag:s18] =	ssyncset.done $0x0  }
0x28: {  	s30 =	simm.s32 $0xD0;
	[sflag:s18] =	ssyncadd.s32 $0xFFFFCE00  }
0x29: {  	[tilespmem:s16], [sflag:$0x1] =	stream.indirect.gather [hbm4b:s4+s15], $0x80, s30, s15, $0xb8;
	[tilespmem:$0x1EDC0] =	vst v63  }
0x2a: {  	_ =	swait.ge [sflag:s14], $0x3200  }
0x2b: {  	[sflag:s14] =	ssyncset.done $0x0  }
0x2c: {  	s31 =	simm.s32 $0x2908;
	[sflag:s14] =	ssyncadd.s32 $0xFFFFCE00  }
0x2d: {  	[spmem:s2] =	stream.indirect.scatter.add.f32 [tilespmem:s17], [sflag:$0x3], $0x80, s31, s15, $0xb8;
	[tilespmem:$0x1EDC0] =	vst v63  }
0x2e: {  	_ =	swait.ge [sflag:s18], $0x3200  }
0x2f: {  	s25 =	simm.s32 $0x680;
	s24 =	simm.s32 $0xD0;
	[sflag:s18] =	ssyncset.done $0x0  }
.LBB2_2:
0x30: {  	s26 =	sadd.s32 $0x68, s24  }
0x31: {  	[sflag:s18] =	ssyncadd.s32 $0xFFFFCE00;
	s28 =	smov.u32 s25;
	s29 =	sadd.s32 $0x340, s25  }
0x32: {  	[tilespmem:s17], [sflag:$0x2] =	stream.indirect.gather [hbm4b:s4+s15], $0x80, s26, s15, $0xb8;
	[tilespmem:$0x1EDC0] =	vst v63  }
0x33: {  	p0 =	sne.s32 s25, $0x9C00;
	_ =	swait.ge [sflag:s13], $0x3200  }
0x34: {  	[sflag:s13] =	ssyncset.done $0x0  }
0x35: {  	s25 =	sadd.s32 $0x28A0, s24;
	[sflag:s13] =	ssyncadd.s32 $0xFFFFCE00  }
0x36: {  	[spmem:s2] =	stream.indirect.scatter.add.f32 [tilespmem:s16], [sflag:$0x3], $0x80, s25, s15, $0xb8;
	[tilespmem:$0x1EDC0] =	vst v63  }
0x37: {  	_ =	swait.ge [sflag:s18], $0x3200  }
0x38: {  	[sflag:s18] =	ssyncset.done $0x0  }
0x39: {  	s25 =	sadd.s32 $0xD0, s24;
	[sflag:s18] =	ssyncadd.s32 $0xFFFFCE00  }
0x3a: {  	[tilespmem:s16], [sflag:$0x1] =	stream.indirect.gather [hbm4b:s4+s15], $0x80, s25, s15, $0xb8;
	[tilespmem:$0x1EDC0] =	vst v63  }
0x3b: {  	_ =	swait.ge [sflag:s14], $0x3200  }
.Ltmp0:
0x3c: {  	[sflag:s14] =	ssyncset.done $0x0;
	(pc) =	sbr.rel @p0 .LBB2_2-.Ltmp0, $4  }
0x3d: {  	s24 =	sadd.s32 $0x2908, s24;
	[sflag:s14] =	ssyncadd.s32 $0xFFFFCE00  }
0x3e: {  	[spmem:s2] =	stream.indirect.scatter.add.f32 [tilespmem:s17], [sflag:$0x3], $0x80, s24, s15, $0xb8;
	[tilespmem:$0x1EDC0] =	vst v63  }
0x3f: {  	_ =	swait.ge [sflag:s18], $0x3200  }
0x40: {  	s25 =	smov.u32 s29;
	s24 =	sshra.s32 s28, $0x2;
	[sflag:s18] =	ssyncset.done $0x0  }
0x41: {  	s25 =	sadd.s32 $0x68, s24;
	[sflag:s18] =	ssyncadd.s32 $0xFFFFCE00  }
0x42: {  	[tilespmem:s17], [sflag:$0x2] =	stream.indirect.gather [hbm4b:s4+s15], $0x80, s25, s15, $0xb8;
	[tilespmem:$0x1EDC0] =	vst v63  }
0x43: {  	_ =	swait.ge [sflag:s13], $0x3200  }
0x44: {  	[sflag:s13] =	ssyncset.done $0x0  }
0x45: {  	s29 =	sadd.s32 $0x28A0, s24;
	[sflag:s13] =	ssyncadd.s32 $0xFFFFCE00  }
0x46: {  	[spmem:s2] =	stream.indirect.scatter.add.f32 [tilespmem:s16], [sflag:$0x3], $0x80, s29, s15, $0xb8;
	[tilespmem:$0x1EDC0] =	vst v63  }
0x47: {  	_ =	swait.ge [sflag:s18], $0x3200  }
0x48: {  	[sflag:s18] =	ssyncset.done $0x0  }
0x49: {  	s30 =	sadd.s32 $0xD0, s24;
	[sflag:s18] =	ssyncadd.s32 $0xFFFFCE00  }
0x4a: {  	[tilespmem:s16], [sflag:$0x1] =	stream.indirect.gather [hbm4b:s4+s15], $0x80, s30, s15, $0xb8;
	[tilespmem:$0x1EDC0] =	vst v63  }
0x4b: {  	_ =	swait.ge [sflag:s14], $0x3200  }
0x4c: {  	[sflag:s14] =	ssyncset.done $0x0  }
0x4d: {  	s31 =	sadd.s32 $0x2908, s24;
	[sflag:s14] =	ssyncadd.s32 $0xFFFFCE00  }
0x4e: {  	[spmem:s2] =	stream.indirect.scatter.add.f32 [tilespmem:s17], [sflag:$0x3], $0x80, s31, s15, $0xb8;
	[tilespmem:$0x1EDC0] =	vst v63  }
0x4f: {  	_ =	swait.ge [sflag:s18], $0x3200  }
0x50: {  	[sflag:s18] =	ssyncset.done $0x0  }
0x51: {  	[sflag:s18] =	ssyncadd.s32 $0xFFFFCE00  }
0x52: {  	[tilespmem:s17], [sflag:$0x2] =	stream.indirect.gather [hbm4b:s4+s15], $0x80, s19, s15, $0xb8;
	[tilespmem:$0x1EDC0] =	vst v63  }
0x53: {  	_ =	swait.ge [sflag:s13], $0x3200  }
0x54: {  	[sflag:s13] =	ssyncset.done $0x0  }
0x55: {  	[sflag:s13] =	ssyncadd.s32 $0xFFFFCE00  }
0x56: {  	[spmem:s2] =	stream.indirect.scatter.add.f32 [tilespmem:s16], [sflag:$0x3], $0x80, s20, s15, $0xb8;
	[tilespmem:$0x1EDC0] =	vst v63  }
0x57: {  	_ =	swait.ge [sflag:s18], $0x3200  }
0x58: {  	[sflag:s18] =	ssyncset.done $0x0  }
0x59: {  	[sflag:s18] =	ssyncadd.s32 $0xFFFFCE00  }
0x5a: {  	[tilespmem:s16], [sflag:$0x1] =	stream.indirect.gather [hbm4b:s4+s15], $0x80, s3, s15, $0xb8;
	[tilespmem:$0x1EDC0] =	vst v63  }
0x5b: {  	_ =	swait.ge [sflag:s14], $0x3200  }
0x5c: {  	[sflag:s14] =	ssyncset.done $0x0  }
0x5d: {  	[sflag:s14] =	ssyncadd.s32 $0xFFFFCE00  }
0x5e: {  	[spmem:s2] =	stream.indirect.scatter.add.f32 [tilespmem:s17], [sflag:$0x3], $0x80, s21, s15, $0xb8;
	[tilespmem:$0x1EDC0] =	vst v63  }
0x5f: {  	_ =	swait.ge [sflag:s18], $0x3200  }
0x60: {  	[sflag:s18] =	ssyncset.done $0x0  }
0x61: {  	[sflag:s18] =	ssyncadd.s32 $0xFFFFCE00  }
0x62: {  	_ =	swait.ge [sflag:s13], $0x3200  }
0x63: {  	s23 =	sadd.s32 $0x1, s23;
	[sflag:s13] =	ssyncset.done $0x0  }
0x64: {  	p0 =	sne.s32 s23, s10;
	[sflag:s13] =	ssyncadd.s32 $0xFFFFCE00  }
.Ltmp1:
0x65: {  	[bflag:$0x0] =	sbarrier.arrive $0xFFFF;
	(pc) =	sbr.rel @p0 .LBB2_1-.Ltmp1, $4  }
0x66: {  	[hbm:s9], [sflag:s22] =	dma.local [spmem:s11], $0x2710  }
0x67: {  	_ =	swait.ge [sflag:s18], $0x2710  }
0x68: {  	[sflag:s18] =	ssyncset.done $0x0  }
0x69: {  	[sflag:s18] =	ssyncadd.s32 $0xFFFFD8F0  }
0x6a: {  	_ =	sfence.sel $0x180000  }
0x6b: {  	[bflag:$0x0] =	sbarrier.arrive $0xFFFF  }
0x6c: {  	p0 =	sne.s32 s0, $0x0;
	_ =	strace $0x9000004D  }
0x6d: {  	s0 =	sadd.s32 @!p0 $0x100000, s1;
	[bflag:$0x2] =	sbarrier.arrive $0xFFFF  }
0x6e: {  	[sflag:s0] =	ssyncadd.tile.s32 @!p0 $0x1;
	_ =	shalt  }
.Lfunc_end2:
_tile_overlayer_lowered:
.L_overlay_start_2:
0x6f: {  	(tag) =	ssettag $0x2  }
0x70: {  	s0 =	rddreg [dreg:$0x0];
	s2 =	stileid.u32  }
0x71: {  	s1 =	rddreg [dreg:$0x1];
	p0 =	sne.s32 s2, $0x0  }
0x72: {  	s3 =	rddreg [dreg:$0x2];
	[bflag:$0x3] =	sbarrier.arrive $0xFFFF;
	s2 =	simm.s32 @!p0 $0x1C03  }
0x73: {  	[timem:s3], [sflag:s2] =	dma.local @!p0 [hbm:s0], s1  }
0x74: {  	s0 =	simm.s32 @!p0 $0x3  }
0x75: {  	_ =	swait.ge @!p0 [sflag:s0], s1  }
0x76: {  	s1 =	ssub.s32 @!p0 $0x0, s1;
	[sflag:s0] =	ssyncset.done @!p0 $0x0  }
0x77: {  	[sflag:s0] =	ssyncadd.s32 @!p0 s1  }
0x78: {  	[bflag:$0x3] =	sbarrier.arrive $0xFFFF  }
0x79: {  	_ =	shalt  }

// kernel: kernel.25.cloned.1.call-start
scs
__scs_entry_jumppad:
0x0: {  	(pc) =	sbr.rel $0x88, $3  }
0x1: {  	(tag) =	ssettag $0x0;
	lr =	simm.s32 $0x1  }
0x2: {  	[smem:$0x3F93] =	sst lr;
	_ =	strace $0xD0000000  }
0x3: {  	_ = 	snop  }
0x4: {  	_ = 	snop  }
0x5: {  	_ = 	snop  }
0x6: {  	_ = 	snop  }
0x7: {  	_ = 	snop  }
__scs_overlays_trampoline_lowered:
0x8: {  	[smem:$0x3FA2] =	sst s0  }
0x9: {  	[smem:$0x3FA3] =	sst s1  }
0xa: {  	[smem:$0x3FA4] =	sst s2  }
0xb: {  	[smem:$0x3FA5] =	sst s3  }
0xc: {  	[smem:$0x3FA6] =	sst s4  }
0xd: {  	[smem:$0x3FA7] =	sst s5  }
0xe: {  	[smem:$0x3FA8] =	sst s6  }
0xf: {  	[smem:$0x3FA9] =	sst s7  }
0x10: {  	[smem:$0x3FAA] =	sst s8  }
0x11: {  	[smem:$0x3FAB] =	sst s9;
	s0 =	simm.s32 @!p0 $0x0  }
0x12: {  	s1 =	sld [smem:$0x3F91];
	s0 =	simm.s32 @p0 $0x1  }
0x13: {  	[smem:$0x3FAC] =	sst s0;
	s0 =	simm.s32 @!p1 $0x0  }
0x14: {  	s2 =	sld [smem:$0x3F90];
	s0 =	simm.s32 @p1 $0x1  }
0x15: {  	[smem:$0x3FAD] =	sst s0;
	s0 =	simm.s32 @!p2 $0x0  }
0x16: {  	s3 =	sld [smem:$0x3FDB];
	s0 =	simm.s32 @p2 $0x1  }
0x17: {  	s4 =	simm.s32 $0x1BF5;
	[smem:$0x3FAF] =	sst s0  }
0x18: {  	s0 =	sld [smem:$0x3F92];
	_ =	swait.ge [sflag:s4], $0x0  }
0x19: {  	s7 =	sld [smem:$0x3F93]  }
0x1a: {  	s8 =	sadd.s32 $0xFFFFE003, lr  }
0x1b: {  	s9 =	sadd.s32 $0xFFFFFEF7, lr;
	s5 =	simm.s32 $0xFFFFFFFF;
	p2 =	slt.u32 s8, $0xFFFFF086  }
0x1c: {  	p1 =	slt.u32 s9, $0xF7A;
	s5 =	simm.s32 @!p2 $0x0  }
0x1d: {  	s5 =	simm.s32 @p1 $0x1;
	p0 =	seq.s32 s7, s2  }
0x1e: {  	s7 =	smul.u32 @!p0 $0xF7A, s2;
	p2 =	seq.s32 @!p0 s5, $0x0  }
0x1f: {  	s9 =	smul.u32 $0xF7A, s1;
	s8 =	simm.s32 @!p0 $0x1BF5;
	p2 =	por !p2, p0  }
0x20: {  	[sflag:s8] =	ssyncset.s32 @!p0 $0xFFFFF086;
	s6 =	sadd.s32 @!p0 s3, s7;
	s7 =	simm.s32 @!p0 $0x108  }
0x21: {  	s3 =	sadd.s32 s3, s9;
	s6 =	sadd.s32 @!p0 $0x88, s6;
	s7 =	simm.s32 @p2 $0x1082  }
0x22: {  	[simem:s7], [sflag:s8] =	dma.local @!p0 [hbm:s6], $0xF7A  }
0x23: {  	s9 =	sor.u32 $0xD0000000, s2;
	s6 =	simm.s32 $0x108;
	_ =	swait.ge @!p0 [sflag:s8], $0x0  }
0x24: {  	s3 =	sadd.s32 $0x88, s3;
	s6 =	simm.s32 @!p1 $0x1082;
	[sflag:s4] =	ssyncset.s32 $0xFFFFF086  }
0x25: {  	[simem:s6], [sflag:s4] =	dma.local [hbm:s3], $0xF7A  }
0x26: {  	[smem:$0x3F93] =	sst s1;
	(tag) =	ssettag s2;
	_ =	strace s9  }
0x27: {  	s1 =	sld [smem:$0x3FA3]  }
0x28: {  	s2 =	sld [smem:$0x3FA4]  }
0x29: {  	s4 =	sld [smem:$0x3FA6]  }
0x2a: {  	p0 =	seq.s32 s5, $0x0;
	s5 =	sld [smem:$0x3FA7]  }
0x2b: {  	s6 =	sld [smem:$0x3FA8]  }
0x2c: {  	s7 =	sld [smem:$0x3FA9]  }
0x2d: {  	s3 =	simm.s32 $0x108;
	s8 =	sld [smem:$0x3FAA]  }
0x2e: {  	s3 =	simm.s32 @!p0 $0x1082;
	s9 =	sld [smem:$0x3FAB]  }
0x2f: {  	lr =	sadd.s32 s0, s3;
	s0 =	sld [smem:$0x3FA2]  }
0x30: {  	s3 =	sld [smem:$0x3FA5]  }
0x31: {  	[smem:$0x3FAE] =	sst s10  }
0x32: {  	s10 =	sld [smem:$0x3FAC];
	_ =	sdelay $0x3  }
0x33: {  	p0 =	seq.s32 s10, $0x1;
	s10 =	sld [smem:$0x3FAE];
	_ =	sdelay $0x3  }
0x34: {  	[smem:$0x3FAE] =	sst s10  }
0x35: {  	s10 =	sld [smem:$0x3FAD];
	_ =	sdelay $0x3  }
0x36: {  	p1 =	seq.s32 s10, $0x1;
	s10 =	sld [smem:$0x3FAE];
	_ =	sdelay $0x3  }
0x37: {  	[smem:$0x3FAE] =	sst s10  }
0x38: {  	s10 =	sld [smem:$0x3FAF]  }
0x39: {  	_ = 	snop;
	(pc) =	sbr.ind lr, $3  }
0x3a: {  	_ = 	snop  }
0x3b: {  	_ = 	snop  }
0x3c: {  	p2 =	seq.s32 s10, $0x1;
	s10 =	sld [smem:$0x3FAE]  }
0x3d: {  	_ =	shalt  }
0x3e: {  	_ =	shalt  }
0x3f: {  	_ =	shalt  }
0x40: {  	_ =	shalt  }
0x41: {  	_ =	shalt  }
0x42: {  	_ =	shalt  }
0x43: {  	_ =	shalt  }
0x44: {  	_ =	shalt  }
0x45: {  	_ =	shalt  }
0x46: {  	_ =	shalt  }
0x47: {  	_ =	shalt  }
0x48: {  	_ =	shalt  }
0x49: {  	_ =	shalt  }
0x4a: {  	_ =	shalt  }
0x4b: {  	_ =	shalt  }
0x4c: {  	_ =	shalt  }
0x4d: {  	_ =	shalt  }
0x4e: {  	_ =	shalt  }
0x4f: {  	_ =	shalt  }
0x50: {  	_ =	shalt  }
0x51: {  	_ =	shalt  }
0x52: {  	_ =	shalt  }
0x53: {  	_ =	shalt  }
0x54: {  	_ =	shalt  }
0x55: {  	_ =	shalt  }
0x56: {  	_ =	shalt  }
0x57: {  	_ =	shalt  }
0x58: {  	_ =	shalt  }
0x59: {  	_ =	shalt  }
0x5a: {  	_ =	shalt  }
0x5b: {  	_ =	shalt  }
0x5c: {  	_ =	shalt  }
0x5d: {  	_ =	shalt  }
0x5e: {  	_ =	shalt  }
0x5f: {  	_ =	shalt  }
0x60: {  	_ =	shalt  }
0x61: {  	_ =	shalt  }
0x62: {  	_ =	shalt  }
0x63: {  	_ =	shalt  }
0x64: {  	_ =	shalt  }
0x65: {  	_ =	shalt  }
0x66: {  	_ =	shalt  }
0x67: {  	_ =	shalt  }
0x68: {  	_ =	shalt  }
0x69: {  	_ =	shalt  }
0x6a: {  	_ =	shalt  }
0x6b: {  	_ =	shalt  }
0x6c: {  	_ =	shalt  }
0x6d: {  	_ =	shalt  }
0x6e: {  	_ =	shalt  }
0x6f: {  	_ =	shalt  }
0x70: {  	_ =	shalt  }
0x71: {  	_ =	shalt  }
0x72: {  	_ =	shalt  }
0x73: {  	_ =	shalt  }
0x74: {  	_ =	shalt  }
0x75: {  	_ =	shalt  }
0x76: {  	_ =	shalt  }
0x77: {  	_ =	shalt  }
0x78: {  	_ =	shalt  }
0x79: {  	_ =	shalt  }
0x7a: {  	_ =	shalt  }
0x7b: {  	_ =	shalt  }
0x7c: {  	_ =	shalt  }
0x7d: {  	_ =	shalt  }
0x7e: {  	_ =	shalt  }
0x7f: {  	_ =	shalt  }
0x80: {  	_ =	shalt  }
0x81: {  	_ =	shalt  }
0x82: {  	_ =	shalt  }
0x83: {  	_ =	shalt  }
0x84: {  	_ =	shalt  }
0x85: {  	_ =	shalt  }
0x86: {  	_ =	shalt  }
0x87: {  	_ =	shalt  }
.Lfunc_end0:
.L_simem_size_0:
called_computation.3_lowered:
.L_overlay_start_0:
0x88: {  	s2 =	sld [smem:$0x3FD9]  }
0x89: {  	s3 =	sld [smem:$0x3FFE];
	_ =	sdelay $0x1  }
0x8a: {  	s1 =	srdreg.scid  }
0x8b: {  	s0 =	sand.u32 $0x1, s1  }
0x8c: {  	s16 =	sshll.u32 s0, $0xA;
	s2 =	sadd.s32 s3, s2  }
0x8d: {  	s2 =	sadd.s32 s2, s16  }
0x8e: {  	[smem:$0x3FBA] =	sst s2  }
0x8f: {  	_ = 	snop  }
0x90: {  	(tm) =	ssettm $0x1  }
0x91: {  	s17 =	sld [smem:$0x3FFB];
	_ =	sdelay $0x3  }
0x92: {  	_ =	strace s17  }
0x93: {  	s2 =	sld [smem:$0x3FFC];
	_ =	sdelay $0x3  }
0x94: {  	_ =	strace s2  }
0x95: {  	s2 =	sld [smem:$0x3FFD];
	_ =	sdelay $0x3  }
0x96: {  	_ =	strace s2  }
0x97: {  	_ =	strace $0x8FFFFFFF  }
0x98: {  	s18 =	sld [smem:$0x3FDB];
	_ =	sdelay $0x1  }
0x99: {  	s19 =	simm.s32 $_scs_section_size  }
0x9a: {  	s4 =	simm.s32 $_size__tile_overlayer_lowered;
	s5 =	simm.s32 $_tile_overlayer_lowered  }
0x9b: {  	s22 =	simm.s32 $0x1BFF;
	s21 =	sshll.u32 s5, $0x1;
	s2 =	sadd.s32 s19, s18  }
0x9c: {  	s6 =	simm.s32 $0x0;
	s20 =	sshll.u32 s4, $0x1;
	s4 =	sadd.s32 s21, s2  }
0x9d: {  	[timem:s6], [sflag:s22] =	dma.local [hbm:s4], s20  }
0x9e: {  	_ =	swait.ge [sflag:s22], s20  }
0x9f: {  	s3 =	ssub.s32 $0x0, s20;
	[sflag:s22] =	ssyncset.done $0x0  }
0xa0: {  	[sflag:s22] =	ssyncadd.s32 s3;
	_ =	sdelay $0x1  }
0xa1: {  	s23 =	simm.s32 $0x1B8B  }
0xa2: {  	_ =	swait.ge [sflag:s23], $0x1  }
0xa3: {  	[sflag:s23] =	ssyncset.done $0x0  }
0xa4: {  	s25 =	simm.s32 $0x1B8E;
	s24 =	sld [smem:$0x3FFE];
	[sflag:s23] =	ssyncadd.s32 $0xFFFFFFFF  }
0xa5: {  	s26 =	simm.s32 $execute0_lowered;
	[smem:$0x3FD2] =	sst s25  }
0xa6: {  	s4 =	sshll.u32 s26, $0x1;
	_ =	strace $0x8000004F;
	[dreg:$0x1] =	wrdreg $0xFFFFFFFF  }
0xa7: {  	s28 =	simm.s32 $_size_execute0_lowered;
	s2 =	sadd.s32 s2, s4;
	[dreg:$0x0] =	wrdreg $0x0  }
0xa8: {  	s4 =	sshll.u32 s28, $0x1;
	[dreg:$0x2] =	wrdreg s2  }
0xa9: {  	[dreg:$0x3] =	wrdreg s4  }
0xaa: {  	[dreg:$0x4] =	wrdreg $0xC0  }
0xab: {  	_ =	task [dreg:s6], $0x5FFFF  }
0xac: {  	[dreg:$0x1] =	wrdreg $0xFFFFFFFF  }
0xad: {  	[dreg:$0x0] =	wrdreg $0x60  }
0xae: {  	[dreg:$0x2] =	wrdreg s24  }
0xaf: {  	[dreg:$0x3] =	wrdreg $0xB5400  }
0xb0: {  	[dreg:$0x4] =	wrdreg $0x9  }
0xb1: {  	_ =	task.clear_ibuf [dreg:s6], $0x5FFFF;
	_ =	strace $0x9000004F  }
0xb2: {  	s29 =	simm.s32 $0x9;
	_ =	strace $0x80000051  }
0xb3: {  	_ =	swait.ge [sflag:s29], $0x1  }
0xb4: {  	[sflag:s29] =	ssyncadd.s32 $0xFFFFFFFF  }
0xb5: {  	_ =	strace $0x90000051  }
0xb6: {  	_ =	sfence  }
0xb7: {  	s30 =	sld [smem:$0x0];
	_ =	sdelay $0x2  }
0xb8: {  	s31 =	sshll.u32 s1, $0xD;
	s1 =	sshrl.u32 s1, $0x2  }
0xb9: {  	s3 =	sand.u32 $0x4000, s31;
	s1 =	sadd.s32 s1, s30  }
0xba: {  	s0 =	sor.u32 s3, s0;
	s1 =	sshll.u32 s1, $0x11  }
0xbb: {  	s0 =	sor.u32 s1, s0  }
0xbc: {  	s0 =	sadd.s32 $0x8F2B, s0  }
0xbd: {  	[sflag:s0] =	ssyncadd.remote.s32 $0x1  }
0xbe: {  	_ =	sfence.sel $0xFFFF  }
0xbf: {  	[dreg:$0x0] =	wrdreg $0xFFFFFFFF;
	(pc) =	sbr.abs _section_cstart, $3  }
0xc0: {  	[dreg:$0x1] =	wrdreg $0xFFFFFFFF  }
0xc1: {  	_ =	task.clear_ibuf [dreg:s6], $0x2FFFF;
	_ =	strace $0x9FFFFFFF  }
0xc2: {  	(tm) =	ssettm $0x7FFFFFFF  }
0xc3: {  	_ =	shalt  }
tec
execute0_lowered:
.L_overlay_start_1:
0x0: {  	(tag) =	ssettag $0x1  }
0x1: {  	s1 =	srdreg.scid  }
0x2: {  	s0 =	stileid.u32;
	s6 =	rddreg [dreg:$0x0]  }
0x3: {  	s2 =	rddreg [dreg:$0x1];
	s3 =	simm.s32 $0x0;
	s14 =	simm.s32 $0x2  }
0x4: {  	s15 =	simm.s32 $0x64;
	s16 =	simm.s32 $0x5140;
	s17 =	simm.s32 $0x8340  }
0x5: {  	s18 =	simm.s32 $0x3;
	s19 =	simm.s32 $0x2838;
	s20 =	simm.s32 $0x5070  }
0x6: {  	s21 =	simm.s32 $0x50D8;
	s23 =	simm.s32 $0x0;
	s5 =	sand.u32 $0x1, s1  }
0x7: {  	s29 =	sshll.u32 s0, $0x1;
	s8 =	smul.u32 $0x13880, s0;
	[smem:$0x7FF] =	sst s3  }
0x8: {  	s4 =	sadd.s32 $0x29200, s6;
	s1 =	sor.u32 s5, s29;
	s9 =	smul.u32 $0x138800, s5  }
0x9: {  	s22 =	sshll.u32 s0, $0x6;
	s5 =	ssub.s32 $0x2, s5;
	s7 =	smul.u32 $0x514, s1  }
0xa: {  	s1 =	rddreg [dreg:$0x2];
	_ =	strace $0x80000050;
	s31 =	sshrl.u32 s8, $0x3  }
0xb: {  	s11 =	sshrl.u32 s5, $0x1;
	s13 =	sadd.s32 s8, s2;
	s30 =	sadd.s32 s8, s9  }
0xc: {  	s9 =	sadd.s32 s31, s6;
	s10 =	sadd.s32 s7, s6;
	s7 =	sshrl.u32 s30, $0x3  }
0xd: {  	s11 =	ssub.s32 s5, s11;
	s5 =	sadd.s32 $0x77600, s9;
	s12 =	sadd.s32 s7, s6  }
0xe: {  	s6 =	sor.u32 $0x1C01, s22;
	s7 =	sadd.s32 $0x1E600, s10;
	s8 =	sadd.s32 $0x5400, s10  }
0xf: {  	s10 =	smax.u32 s11, $0x1;
	s11 =	sshrl.u32 s13, $0x3;
	s13 =	simm.s32 $0x1  }
0x10: {  	s22 =	sor.u32 $0x1C03, s22;
	s9 =	sadd.s32 $0x9E800, s12;
	s12 =	simm.s32 $0x28A0  }
.LBB2_1:
0x11: {  	[spmem:s11], [sflag:s6] =	dma.local [hbm:s5], $0x2710  }
0x12: {  	[tilespmem:s3], [sflag:$0x2] =	stream.linear.gather [hbm4b:s7+s3], $0x28A0, $0x38;
	[tilespmem:$0x1EDC0] =	vst v63  }
0x13: {  	_ = 	snop  }
0x14: {  	[tilespmem:s12], [sflag:$0x2] =	stream.linear.gather [hbm4b:s8+s3], $0x28A0, $0x38;
	[tilespmem:$0x1EDC0] =	vst v63  }
0x15: {  	_ =	swait.ge [sflag:s13], $0x2710  }
0x16: {  	[sflag:s13] =	ssyncset.done $0x0  }
0x17: {  	[sflag:s13] =	ssyncadd.s32 $0xFFFFD8F0  }
0x18: {  	_ =	swait.ge [sflag:s14], $0x28A0  }
0x19: {  	[sflag:s14] =	ssyncset.done $0x0  }
0x1a: {  	[sflag:s14] =	ssyncadd.s32 $0xFFFFD760  }
0x1b: {  	_ =	swait.ge [sflag:s14], $0x28A0  }
0x1c: {  	[sflag:s14] =	ssyncset.done $0x0  }
0x1d: {  	[sflag:s14] =	ssyncadd.s32 $0xFFFFD760  }
0x1e: {  	[bflag:$0x0] =	sbarrier.arrive $0xFFFF  }
0x1f: {  	[tilespmem:s16], [sflag:$0x1] =	stream.indirect.gather [hbm4b:s4+s15], $0x80, s3, s15, $0xb8;
	[tilespmem:$0x1EDC0] =	vst v63  }
0x20: {  	s24 =	simm.s32 $0x68  }
0x21: {  	[tilespmem:s17], [sflag:$0x2] =	stream.indirect.gather [hbm4b:s4+s15], $0x80, s24, s15, $0xb8;
	[tilespmem:$0x1EDC0] =	vst v63  }
0x22: {  	_ =	swait.ge [sflag:s13], $0x3200  }
0x23: {  	[sflag:s13] =	ssyncset.done $0x0  }
0x24: {  	s29 =	simm.s32 $0x28A0;
	[sflag:s13] =	ssyncadd.s32 $0xFFFFCE00  }
0x25: {  	[spmem:s2] =	stream.indirect.scatter.add.f32 [tilespmem:s16], [sflag:$0x3], $0x80, s29, s15, $0xb8;
	[tilespmem:$0x1EDC0] =	vst v63  }
0x26: {  	_ =	swait.ge [sflag:s18], $0x3200  }
0x27: {  	[sflag:s18] =	ssyncset.done $0x0  }
0x28: {  	s30 =	simm.s32 $0xD0;
	[sflag:s18] =	ssyncadd.s32 $0xFFFFCE00  }
0x29: {  	[tilespmem:s16], [sflag:$0x1] =	stream.indirect.gather [hbm4b:s4+s15], $0x80, s30, s15, $0xb8;
	[tilespmem:$0x1EDC0] =	vst v63  }
0x2a: {  	_ =	swait.ge [sflag:s14], $0x3200  }
0x2b: {  	[sflag:s14] =	ssyncset.done $0x0  }
0x2c: {  	s31 =	simm.s32 $0x2908;
	[sflag:s14] =	ssyncadd.s32 $0xFFFFCE00  }
0x2d: {  	[spmem:s2] =	stream.indirect.scatter.add.f32 [tilespmem:s17], [sflag:$0x3], $0x80, s31, s15, $0xb8;
	[tilespmem:$0x1EDC0] =	vst v63  }
0x2e: {  	_ =	swait.ge [sflag:s18], $0x3200  }
0x2f: {  	s25 =	simm.s32 $0x680;
	s24 =	simm.s32 $0xD0;
	[sflag:s18] =	ssyncset.done $0x0  }
.LBB2_2:
0x30: {  	s26 =	sadd.s32 $0x68, s24  }
0x31: {  	[sflag:s18] =	ssyncadd.s32 $0xFFFFCE00;
	s28 =	smov.u32 s25;
	s29 =	sadd.s32 $0x340, s25  }
0x32: {  	[tilespmem:s17], [sflag:$0x2] =	stream.indirect.gather [hbm4b:s4+s15], $0x80, s26, s15, $0xb8;
	[tilespmem:$0x1EDC0] =	vst v63  }
0x33: {  	p0 =	sne.s32 s25, $0x9C00;
	_ =	swait.ge [sflag:s13], $0x3200  }
0x34: {  	[sflag:s13] =	ssyncset.done $0x0  }
0x35: {  	s25 =	sadd.s32 $0x28A0, s24;
	[sflag:s13] =	ssyncadd.s32 $0xFFFFCE00  }
0x36: {  	[spmem:s2] =	stream.indirect.scatter.add.f32 [tilespmem:s16], [sflag:$0x3], $0x80, s25, s15, $0xb8;
	[tilespmem:$0x1EDC0] =	vst v63  }
0x37: {  	_ =	swait.ge [sflag:s18], $0x3200  }
0x38: {  	[sflag:s18] =	ssyncset.done $0x0  }
0x39: {  	s25 =	sadd.s32 $0xD0, s24;
	[sflag:s18] =	ssyncadd.s32 $0xFFFFCE00  }
0x3a: {  	[tilespmem:s16], [sflag:$0x1] =	stream.indirect.gather [hbm4b:s4+s15], $0x80, s25, s15, $0xb8;
	[tilespmem:$0x1EDC0] =	vst v63  }
0x3b: {  	_ =	swait.ge [sflag:s14], $0x3200  }
.Ltmp0:
0x3c: {  	[sflag:s14] =	ssyncset.done $0x0;
	(pc) =	sbr.rel @p0 .LBB2_2-.Ltmp0, $4  }
0x3d: {  	s24 =	sadd.s32 $0x2908, s24;
	[sflag:s14] =	ssyncadd.s32 $0xFFFFCE00  }
0x3e: {  	[spmem:s2] =	stream.indirect.scatter.add.f32 [tilespmem:s17], [sflag:$0x3], $0x80, s24, s15, $0xb8;
	[tilespmem:$0x1EDC0] =	vst v63  }
0x3f: {  	_ =	swait.ge [sflag:s18], $0x3200  }
0x40: {  	s25 =	smov.u32 s29;
	s24 =	sshra.s32 s28, $0x2;
	[sflag:s18] =	ssyncset.done $0x0  }
0x41: {  	s25 =	sadd.s32 $0x68, s24;
	[sflag:s18] =	ssyncadd.s32 $0xFFFFCE00  }
0x42: {  	[tilespmem:s17], [sflag:$0x2] =	stream.indirect.gather [hbm4b:s4+s15], $0x80, s25, s15, $0xb8;
	[tilespmem:$0x1EDC0] =	vst v63  }
0x43: {  	_ =	swait.ge [sflag:s13], $0x3200  }
0x44: {  	[sflag:s13] =	ssyncset.done $0x0  }
0x45: {  	s29 =	sadd.s32 $0x28A0, s24;
	[sflag:s13] =	ssyncadd.s32 $0xFFFFCE00  }
0x46: {  	[spmem:s2] =	stream.indirect.scatter.add.f32 [tilespmem:s16], [sflag:$0x3], $0x80, s29, s15, $0xb8;
	[tilespmem:$0x1EDC0] =	vst v63  }
0x47: {  	_ =	swait.ge [sflag:s18], $0x3200  }
0x48: {  	[sflag:s18] =	ssyncset.done $0x0  }
0x49: {  	s30 =	sadd.s32 $0xD0, s24;
	[sflag:s18] =	ssyncadd.s32 $0xFFFFCE00  }
0x4a: {  	[tilespmem:s16], [sflag:$0x1] =	stream.indirect.gather [hbm4b:s4+s15], $0x80, s30, s15, $0xb8;
	[tilespmem:$0x1EDC0] =	vst v63  }
0x4b: {  	_ =	swait.ge [sflag:s14], $0x3200  }
0x4c: {  	[sflag:s14] =	ssyncset.done $0x0  }
0x4d: {  	s31 =	sadd.s32 $0x2908, s24;
	[sflag:s14] =	ssyncadd.s32 $0xFFFFCE00  }
0x4e: {  	[spmem:s2] =	stream.indirect.scatter.add.f32 [tilespmem:s17], [sflag:$0x3], $0x80, s31, s15, $0xb8;
	[tilespmem:$0x1EDC0] =	vst v63  }
0x4f: {  	_ =	swait.ge [sflag:s18], $0x3200  }
0x50: {  	[sflag:s18] =	ssyncset.done $0x0  }
0x51: {  	[sflag:s18] =	ssyncadd.s32 $0xFFFFCE00  }
0x52: {  	[tilespmem:s17], [sflag:$0x2] =	stream.indirect.gather [hbm4b:s4+s15], $0x80, s19, s15, $0xb8;
	[tilespmem:$0x1EDC0] =	vst v63  }
0x53: {  	_ =	swait.ge [sflag:s13], $0x3200  }
0x54: {  	[sflag:s13] =	ssyncset.done $0x0  }
0x55: {  	[sflag:s13] =	ssyncadd.s32 $0xFFFFCE00  }
0x56: {  	[spmem:s2] =	stream.indirect.scatter.add.f32 [tilespmem:s16], [sflag:$0x3], $0x80, s20, s15, $0xb8;
	[tilespmem:$0x1EDC0] =	vst v63  }
0x57: {  	_ =	swait.ge [sflag:s18], $0x3200  }
0x58: {  	[sflag:s18] =	ssyncset.done $0x0  }
0x59: {  	[sflag:s18] =	ssyncadd.s32 $0xFFFFCE00  }
0x5a: {  	[tilespmem:s16], [sflag:$0x1] =	stream.indirect.gather [hbm4b:s4+s15], $0x80, s3, s15, $0xb8;
	[tilespmem:$0x1EDC0] =	vst v63  }
0x5b: {  	_ =	swait.ge [sflag:s14], $0x3200  }
0x5c: {  	[sflag:s14] =	ssyncset.done $0x0  }
0x5d: {  	[sflag:s14] =	ssyncadd.s32 $0xFFFFCE00  }
0x5e: {  	[spmem:s2] =	stream.indirect.scatter.add.f32 [tilespmem:s17], [sflag:$0x3], $0x80, s21, s15, $0xb8;
	[tilespmem:$0x1EDC0] =	vst v63  }
0x5f: {  	_ =	swait.ge [sflag:s18], $0x3200  }
0x60: {  	[sflag:s18] =	ssyncset.done $0x0  }
0x61: {  	[sflag:s18] =	ssyncadd.s32 $0xFFFFCE00  }
0x62: {  	_ =	swait.ge [sflag:s13], $0x3200  }
0x63: {  	s23 =	sadd.s32 $0x1, s23;
	[sflag:s13] =	ssyncset.done $0x0  }
0x64: {  	p0 =	sne.s32 s23, s10;
	[sflag:s13] =	ssyncadd.s32 $0xFFFFCE00  }
.Ltmp1:
0x65: {  	[bflag:$0x0] =	sbarrier.arrive $0xFFFF;
	(pc) =	sbr.rel @p0 .LBB2_1-.Ltmp1, $4  }
0x66: {  	[hbm:s9], [sflag:s22] =	dma.local [spmem:s11], $0x2710  }
0x67: {  	_ =	swait.ge [sflag:s18], $0x2710  }
0x68: {  	[sflag:s18] =	ssyncset.done $0x0  }
0x69: {  	[sflag:s18] =	ssyncadd.s32 $0xFFFFD8F0  }
0x6a: {  	_ =	sfence.sel $0x180000  }
0x6b: {  	[bflag:$0x0] =	sbarrier.arrive $0xFFFF  }
0x6c: {  	p0 =	sne.s32 s0, $0x0;
	_ =	strace $0x90000050  }
0x6d: {  	s0 =	sadd.s32 @!p0 $0x100000, s1;
	[bflag:$0x2] =	sbarrier.arrive $0xFFFF  }
0x6e: {  	[sflag:s0] =	ssyncadd.tile.s32 @!p0 $0x1;
	_ =	shalt  }
.Lfunc_end2:
_tile_overlayer_lowered:
.L_overlay_start_2:
0x6f: {  	(tag) =	ssettag $0x2  }
0x70: {  	s0 =	rddreg [dreg:$0x0];
	s2 =	stileid.u32  }
0x71: {  	s1 =	rddreg [dreg:$0x1];
	p0 =	sne.s32 s2, $0x0  }
0x72: {  	s3 =	rddreg [dreg:$0x2];
	[bflag:$0x3] =	sbarrier.arrive $0xFFFF;
	s2 =	simm.s32 @!p0 $0x1C03  }
0x73: {  	[timem:s3], [sflag:s2] =	dma.local @!p0 [hbm:s0], s1  }
0x74: {  	s0 =	simm.s32 @!p0 $0x3  }
0x75: {  	_ =	swait.ge @!p0 [sflag:s0], s1  }
0x76: {  	s1 =	ssub.s32 @!p0 $0x0, s1;
	[sflag:s0] =	ssyncset.done @!p0 $0x0  }
0x77: {  	[sflag:s0] =	ssyncadd.s32 @!p0 s1  }
0x78: {  	[bflag:$0x3] =	sbarrier.arrive $0xFFFF  }
0x79: {  	_ =	shalt  }

// kernel: kernel.28.cloned.1.call-start
scs
__scs_entry_jumppad:
0x0: {  	(pc) =	sbr.rel $0x88, $3  }
0x1: {  	(tag) =	ssettag $0x0;
	lr =	simm.s32 $0x1  }
0x2: {  	[smem:$0x3F93] =	sst lr;
	_ =	strace $0xD0000000  }
0x3: {  	_ = 	snop  }
0x4: {  	_ = 	snop  }
0x5: {  	_ = 	snop  }
0x6: {  	_ = 	snop  }
0x7: {  	_ = 	snop  }
__scs_overlays_trampoline_lowered:
0x8: {  	[smem:$0x3FA2] =	sst s0  }
0x9: {  	[smem:$0x3FA3] =	sst s1  }
0xa: {  	[smem:$0x3FA4] =	sst s2  }
0xb: {  	[smem:$0x3FA5] =	sst s3  }
0xc: {  	[smem:$0x3FA6] =	sst s4  }
0xd: {  	[smem:$0x3FA7] =	sst s5  }
0xe: {  	[smem:$0x3FA8] =	sst s6  }
0xf: {  	[smem:$0x3FA9] =	sst s7  }
0x10: {  	[smem:$0x3FAA] =	sst s8  }
0x11: {  	[smem:$0x3FAB] =	sst s9;
	s0 =	simm.s32 @!p0 $0x0  }
0x12: {  	s1 =	sld [smem:$0x3F91];
	s0 =	simm.s32 @p0 $0x1  }
0x13: {  	[smem:$0x3FAC] =	sst s0;
	s0 =	simm.s32 @!p1 $0x0  }
0x14: {  	s2 =	sld [smem:$0x3F90];
	s0 =	simm.s32 @p1 $0x1  }
0x15: {  	[smem:$0x3FAD] =	sst s0;
	s0 =	simm.s32 @!p2 $0x0  }
0x16: {  	s3 =	sld [smem:$0x3FDB];
	s0 =	simm.s32 @p2 $0x1  }
0x17: {  	s4 =	simm.s32 $0x1BF5;
	[smem:$0x3FAF] =	sst s0  }
0x18: {  	s0 =	sld [smem:$0x3F92];
	_ =	swait.ge [sflag:s4], $0x0  }
0x19: {  	s7 =	sld [smem:$0x3F93]  }
0x1a: {  	s8 =	sadd.s32 $0xFFFFE003, lr  }
0x1b: {  	s9 =	sadd.s32 $0xFFFFFEF7, lr;
	s5 =	simm.s32 $0xFFFFFFFF;
	p2 =	slt.u32 s8, $0xFFFFF086  }
0x1c: {  	p1 =	slt.u32 s9, $0xF7A;
	s5 =	simm.s32 @!p2 $0x0  }
0x1d: {  	s5 =	simm.s32 @p1 $0x1;
	p0 =	seq.s32 s7, s2  }
0x1e: {  	s7 =	smul.u32 @!p0 $0xF7A, s2;
	p2 =	seq.s32 @!p0 s5, $0x0  }
0x1f: {  	s9 =	smul.u32 $0xF7A, s1;
	s8 =	simm.s32 @!p0 $0x1BF5;
	p2 =	por !p2, p0  }
0x20: {  	[sflag:s8] =	ssyncset.s32 @!p0 $0xFFFFF086;
	s6 =	sadd.s32 @!p0 s3, s7;
	s7 =	simm.s32 @!p0 $0x108  }
0x21: {  	s3 =	sadd.s32 s3, s9;
	s6 =	sadd.s32 @!p0 $0x88, s6;
	s7 =	simm.s32 @p2 $0x1082  }
0x22: {  	[simem:s7], [sflag:s8] =	dma.local @!p0 [hbm:s6], $0xF7A  }
0x23: {  	s9 =	sor.u32 $0xD0000000, s2;
	s6 =	simm.s32 $0x108;
	_ =	swait.ge @!p0 [sflag:s8], $0x0  }
0x24: {  	s3 =	sadd.s32 $0x88, s3;
	s6 =	simm.s32 @!p1 $0x1082;
	[sflag:s4] =	ssyncset.s32 $0xFFFFF086  }
0x25: {  	[simem:s6], [sflag:s4] =	dma.local [hbm:s3], $0xF7A  }
0x26: {  	[smem:$0x3F93] =	sst s1;
	(tag) =	ssettag s2;
	_ =	strace s9  }
0x27: {  	s1 =	sld [smem:$0x3FA3]  }
0x28: {  	s2 =	sld [smem:$0x3FA4]  }
0x29: {  	s4 =	sld [smem:$0x3FA6]  }
0x2a: {  	p0 =	seq.s32 s5, $0x0;
	s5 =	sld [smem:$0x3FA7]  }
0x2b: {  	s6 =	sld [smem:$0x3FA8]  }
0x2c: {  	s7 =	sld [smem:$0x3FA9]  }
0x2d: {  	s3 =	simm.s32 $0x108;
	s8 =	sld [smem:$0x3FAA]  }
0x2e: {  	s3 =	simm.s32 @!p0 $0x1082;
	s9 =	sld [smem:$0x3FAB]  }
0x2f: {  	lr =	sadd.s32 s0, s3;
	s0 =	sld [smem:$0x3FA2]  }
0x30: {  	s3 =	sld [smem:$0x3FA5]  }
0x31: {  	[smem:$0x3FAE] =	sst s10  }
0x32: {  	s10 =	sld [smem:$0x3FAC];
	_ =	sdelay $0x3  }
0x33: {  	p0 =	seq.s32 s10, $0x1;
	s10 =	sld [smem:$0x3FAE];
	_ =	sdelay $0x3  }
0x34: {  	[smem:$0x3FAE] =	sst s10  }
0x35: {  	s10 =	sld [smem:$0x3FAD];
	_ =	sdelay $0x3  }
0x36: {  	p1 =	seq.s32 s10, $0x1;
	s10 =	sld [smem:$0x3FAE];
	_ =	sdelay $0x3  }
0x37: {  	[smem:$0x3FAE] =	sst s10  }
0x38: {  	s10 =	sld [smem:$0x3FAF]  }
0x39: {  	_ = 	snop;
	(pc) =	sbr.ind lr, $3  }
0x3a: {  	_ = 	snop  }
0x3b: {  	_ = 	snop  }
0x3c: {  	p2 =	seq.s32 s10, $0x1;
	s10 =	sld [smem:$0x3FAE]  }
0x3d: {  	_ =	shalt  }
0x3e: {  	_ =	shalt  }
0x3f: {  	_ =	shalt  }
0x40: {  	_ =	shalt  }
0x41: {  	_ =	shalt  }
0x42: {  	_ =	shalt  }
0x43: {  	_ =	shalt  }
0x44: {  	_ =	shalt  }
0x45: {  	_ =	shalt  }
0x46: {  	_ =	shalt  }
0x47: {  	_ =	shalt  }
0x48: {  	_ =	shalt  }
0x49: {  	_ =	shalt  }
0x4a: {  	_ =	shalt  }
0x4b: {  	_ =	shalt  }
0x4c: {  	_ =	shalt  }
0x4d: {  	_ =	shalt  }
0x4e: {  	_ =	shalt  }
0x4f: {  	_ =	shalt  }
0x50: {  	_ =	shalt  }
0x51: {  	_ =	shalt  }
0x52: {  	_ =	shalt  }
0x53: {  	_ =	shalt  }
0x54: {  	_ =	shalt  }
0x55: {  	_ =	shalt  }
0x56: {  	_ =	shalt  }
0x57: {  	_ =	shalt  }
0x58: {  	_ =	shalt  }
0x59: {  	_ =	shalt  }
0x5a: {  	_ =	shalt  }
0x5b: {  	_ =	shalt  }
0x5c: {  	_ =	shalt  }
0x5d: {  	_ =	shalt  }
0x5e: {  	_ =	shalt  }
0x5f: {  	_ =	shalt  }
0x60: {  	_ =	shalt  }
0x61: {  	_ =	shalt  }
0x62: {  	_ =	shalt  }
0x63: {  	_ =	shalt  }
0x64: {  	_ =	shalt  }
0x65: {  	_ =	shalt  }
0x66: {  	_ =	shalt  }
0x67: {  	_ =	shalt  }
0x68: {  	_ =	shalt  }
0x69: {  	_ =	shalt  }
0x6a: {  	_ =	shalt  }
0x6b: {  	_ =	shalt  }
0x6c: {  	_ =	shalt  }
0x6d: {  	_ =	shalt  }
0x6e: {  	_ =	shalt  }
0x6f: {  	_ =	shalt  }
0x70: {  	_ =	shalt  }
0x71: {  	_ =	shalt  }
0x72: {  	_ =	shalt  }
0x73: {  	_ =	shalt  }
0x74: {  	_ =	shalt  }
0x75: {  	_ =	shalt  }
0x76: {  	_ =	shalt  }
0x77: {  	_ =	shalt  }
0x78: {  	_ =	shalt  }
0x79: {  	_ =	shalt  }
0x7a: {  	_ =	shalt  }
0x7b: {  	_ =	shalt  }
0x7c: {  	_ =	shalt  }
0x7d: {  	_ =	shalt  }
0x7e: {  	_ =	shalt  }
0x7f: {  	_ =	shalt  }
0x80: {  	_ =	shalt  }
0x81: {  	_ =	shalt  }
0x82: {  	_ =	shalt  }
0x83: {  	_ =	shalt  }
0x84: {  	_ =	shalt  }
0x85: {  	_ =	shalt  }
0x86: {  	_ =	shalt  }
0x87: {  	_ =	shalt  }
.Lfunc_end0:
.L_simem_size_0:
called_computation.4_lowered:
.L_overlay_start_0:
0x88: {  	s2 =	sld [smem:$0x3FD9]  }
0x89: {  	s3 =	sld [smem:$0x3FFE];
	_ =	sdelay $0x1  }
0x8a: {  	s1 =	srdreg.scid  }
0x8b: {  	s0 =	sand.u32 $0x1, s1  }
0x8c: {  	s16 =	sshll.u32 s0, $0xA;
	s2 =	sadd.s32 s3, s2  }
0x8d: {  	s2 =	sadd.s32 s2, s16  }
0x8e: {  	[smem:$0x3FBA] =	sst s2  }
0x8f: {  	_ = 	snop  }
0x90: {  	(tm) =	ssettm $0x1  }
0x91: {  	s17 =	sld [smem:$0x3FFB];
	_ =	sdelay $0x3  }
0x92: {  	_ =	strace s17  }
0x93: {  	s2 =	sld [smem:$0x3FFC];
	_ =	sdelay $0x3  }
0x94: {  	_ =	strace s2  }
0x95: {  	s2 =	sld [smem:$0x3FFD];
	_ =	sdelay $0x3  }
0x96: {  	_ =	strace s2  }
0x97: {  	_ =	strace $0x8FFFFFFF  }
0x98: {  	s18 =	sld [smem:$0x3FDB];
	_ =	sdelay $0x1  }
0x99: {  	s19 =	simm.s32 $_scs_section_size  }
0x9a: {  	s4 =	simm.s32 $_size__tile_overlayer_lowered;
	s5 =	simm.s32 $_tile_overlayer_lowered  }
0x9b: {  	s22 =	simm.s32 $0x1BFF;
	s21 =	sshll.u32 s5, $0x1;
	s2 =	sadd.s32 s19, s18  }
0x9c: {  	s6 =	simm.s32 $0x0;
	s20 =	sshll.u32 s4, $0x1;
	s4 =	sadd.s32 s21, s2  }
0x9d: {  	[timem:s6], [sflag:s22] =	dma.local [hbm:s4], s20  }
0x9e: {  	_ =	swait.ge [sflag:s22], s20  }
0x9f: {  	s3 =	ssub.s32 $0x0, s20;
	[sflag:s22] =	ssyncset.done $0x0  }
0xa0: {  	[sflag:s22] =	ssyncadd.s32 s3;
	_ =	sdelay $0x1  }
0xa1: {  	s23 =	simm.s32 $0x1B8B  }
0xa2: {  	_ =	swait.ge [sflag:s23], $0x1  }
0xa3: {  	[sflag:s23] =	ssyncset.done $0x0  }
0xa4: {  	s25 =	simm.s32 $0x1B8E;
	s24 =	sld [smem:$0x3FFE];
	[sflag:s23] =	ssyncadd.s32 $0xFFFFFFFF  }
0xa5: {  	s26 =	simm.s32 $execute0_lowered;
	[smem:$0x3FD2] =	sst s25  }
0xa6: {  	s4 =	sshll.u32 s26, $0x1;
	_ =	strace $0x80000052;
	[dreg:$0x1] =	wrdreg $0xFFFFFFFF  }
0xa7: {  	s28 =	simm.s32 $_size_execute0_lowered;
	s2 =	sadd.s32 s2, s4;
	[dreg:$0x0] =	wrdreg $0x0  }
0xa8: {  	s4 =	sshll.u32 s28, $0x1;
	[dreg:$0x2] =	wrdreg s2  }
0xa9: {  	[dreg:$0x3] =	wrdreg s4  }
0xaa: {  	[dreg:$0x4] =	wrdreg $0xC0  }
0xab: {  	_ =	task [dreg:s6], $0x5FFFF  }
0xac: {  	[dreg:$0x1] =	wrdreg $0xFFFFFFFF  }
0xad: {  	[dreg:$0x0] =	wrdreg $0x60  }
0xae: {  	[dreg:$0x2] =	wrdreg s24  }
0xaf: {  	[dreg:$0x3] =	wrdreg $0xB5400  }
0xb0: {  	[dreg:$0x4] =	wrdreg $0x9  }
0xb1: {  	_ =	task.clear_ibuf [dreg:s6], $0x5FFFF;
	_ =	strace $0x90000052  }
0xb2: {  	s29 =	simm.s32 $0x9;
	_ =	strace $0x80000054  }
0xb3: {  	_ =	swait.ge [sflag:s29], $0x1  }
0xb4: {  	[sflag:s29] =	ssyncadd.s32 $0xFFFFFFFF  }
0xb5: {  	_ =	strace $0x90000054  }
0xb6: {  	_ =	sfence  }
0xb7: {  	s30 =	sld [smem:$0x0];
	_ =	sdelay $0x2  }
0xb8: {  	s31 =	sshll.u32 s1, $0xD;
	s1 =	sshrl.u32 s1, $0x2  }
0xb9: {  	s3 =	sand.u32 $0x4000, s31;
	s1 =	sadd.s32 s1, s30  }
0xba: {  	s0 =	sor.u32 s3, s0;
	s1 =	sshll.u32 s1, $0x11  }
0xbb: {  	s0 =	sor.u32 s1, s0  }
0xbc: {  	s0 =	sadd.s32 $0x8F2B, s0  }
0xbd: {  	[sflag:s0] =	ssyncadd.remote.s32 $0x1  }
0xbe: {  	_ =	sfence.sel $0xFFFF  }
0xbf: {  	[dreg:$0x0] =	wrdreg $0xFFFFFFFF;
	(pc) =	sbr.abs _section_cstart, $3  }
0xc0: {  	[dreg:$0x1] =	wrdreg $0xFFFFFFFF  }
0xc1: {  	_ =	task.clear_ibuf [dreg:s6], $0x2FFFF;
	_ =	strace $0x9FFFFFFF  }
0xc2: {  	(tm) =	ssettm $0x7FFFFFFF  }
0xc3: {  	_ =	shalt  }
tec
execute0_lowered:
.L_overlay_start_1:
0x0: {  	(tag) =	ssettag $0x1  }
0x1: {  	s1 =	srdreg.scid  }
0x2: {  	s0 =	stileid.u32;
	s6 =	rddreg [dreg:$0x0]  }
0x3: {  	s2 =	rddreg [dreg:$0x1];
	s3 =	simm.s32 $0x0;
	s14 =	simm.s32 $0x2  }
0x4: {  	s15 =	simm.s32 $0x64;
	s16 =	simm.s32 $0x5140;
	s17 =	simm.s32 $0x8340  }
0x5: {  	s18 =	simm.s32 $0x3;
	s19 =	simm.s32 $0x2838;
	s20 =	simm.s32 $0x5070  }
0x6: {  	s21 =	simm.s32 $0x50D8;
	s23 =	simm.s32 $0x0;
	s5 =	sand.u32 $0x1, s1  }
0x7: {  	s29 =	sshll.u32 s0, $0x1;
	s8 =	smul.u32 $0x13880, s0;
	[smem:$0x7FF] =	sst s3  }
0x8: {  	s4 =	sadd.s32 $0x29200, s6;
	s1 =	sor.u32 s5, s29;
	s9 =	smul.u32 $0x138800, s5  }
0x9: {  	s22 =	sshll.u32 s0, $0x6;
	s5 =	ssub.s32 $0x2, s5;
	s7 =	smul.u32 $0x514, s1  }
0xa: {  	s1 =	rddreg [dreg:$0x2];
	_ =	strace $0x80000053;
	s31 =	sshrl.u32 s8, $0x3  }
0xb: {  	s11 =	sshrl.u32 s5, $0x1;
	s13 =	sadd.s32 s8, s2;
	s30 =	sadd.s32 s8, s9  }
0xc: {  	s9 =	sadd.s32 s31, s6;
	s10 =	sadd.s32 s7, s6;
	s7 =	sshrl.u32 s30, $0x3  }
0xd: {  	s11 =	ssub.s32 s5, s11;
	s5 =	sadd.s32 $0x77600, s9;
	s12 =	sadd.s32 s7, s6  }
0xe: {  	s6 =	sor.u32 $0x1C01, s22;
	s7 =	sadd.s32 $0x1E600, s10;
	s8 =	sadd.s32 $0x5400, s10  }
0xf: {  	s10 =	smax.u32 s11, $0x1;
	s11 =	sshrl.u32 s13, $0x3;
	s13 =	simm.s32 $0x1  }
0x10: {  	s22 =	sor.u32 $0x1C03, s22;
	s9 =	sadd.s32 $0x9E800, s12;
	s12 =	simm.s32 $0x28A0  }
.LBB2_1:
0x11: {  	[spmem:s11], [sflag:s6] =	dma.local [hbm:s5], $0x2710  }
0x12: {  	[tilespmem:s3], [sflag:$0x2] =	stream.linear.gather [hbm4b:s7+s3], $0x28A0, $0x38;
	[tilespmem:$0x1EDC0] =	vst v63  }
0x13: {  	_ = 	snop  }
0x14: {  	[tilespmem:s12], [sflag:$0x2] =	stream.linear.gather [hbm4b:s8+s3], $0x28A0, $0x38;
	[tilespmem:$0x1EDC0] =	vst v63  }
0x15: {  	_ =	swait.ge [sflag:s13], $0x2710  }
0x16: {  	[sflag:s13] =	ssyncset.done $0x0  }
0x17: {  	[sflag:s13] =	ssyncadd.s32 $0xFFFFD8F0  }
0x18: {  	_ =	swait.ge [sflag:s14], $0x28A0  }
0x19: {  	[sflag:s14] =	ssyncset.done $0x0  }
0x1a: {  	[sflag:s14] =	ssyncadd.s32 $0xFFFFD760  }
0x1b: {  	_ =	swait.ge [sflag:s14], $0x28A0  }
0x1c: {  	[sflag:s14] =	ssyncset.done $0x0  }
0x1d: {  	[sflag:s14] =	ssyncadd.s32 $0xFFFFD760  }
0x1e: {  	[bflag:$0x0] =	sbarrier.arrive $0xFFFF  }
0x1f: {  	[tilespmem:s16], [sflag:$0x1] =	stream.indirect.gather [hbm4b:s4+s15], $0x80, s3, s15, $0xb8;
	[tilespmem:$0x1EDC0] =	vst v63  }
0x20: {  	s24 =	simm.s32 $0x68  }
0x21: {  	[tilespmem:s17], [sflag:$0x2] =	stream.indirect.gather [hbm4b:s4+s15], $0x80, s24, s15, $0xb8;
	[tilespmem:$0x1EDC0] =	vst v63  }
0x22: {  	_ =	swait.ge [sflag:s13], $0x3200  }
0x23: {  	[sflag:s13] =	ssyncset.done $0x0  }
0x24: {  	s29 =	simm.s32 $0x28A0;
	[sflag:s13] =	ssyncadd.s32 $0xFFFFCE00  }
0x25: {  	[spmem:s2] =	stream.indirect.scatter.add.f32 [tilespmem:s16], [sflag:$0x3], $0x80, s29, s15, $0xb8;
	[tilespmem:$0x1EDC0] =	vst v63  }
0x26: {  	_ =	swait.ge [sflag:s18], $0x3200  }
0x27: {  	[sflag:s18] =	ssyncset.done $0x0  }
0x28: {  	s30 =	simm.s32 $0xD0;
	[sflag:s18] =	ssyncadd.s32 $0xFFFFCE00  }
0x29: {  	[tilespmem:s16], [sflag:$0x1] =	stream.indirect.gather [hbm4b:s4+s15], $0x80, s30, s15, $0xb8;
	[tilespmem:$0x1EDC0] =	vst v63  }
0x2a: {  	_ =	swait.ge [sflag:s14], $0x3200  }
0x2b: {  	[sflag:s14] =	ssyncset.done $0x0  }
0x2c: {  	s31 =	simm.s32 $0x2908;
	[sflag:s14] =	ssyncadd.s32 $0xFFFFCE00  }
0x2d: {  	[spmem:s2] =	stream.indirect.scatter.add.f32 [tilespmem:s17], [sflag:$0x3], $0x80, s31, s15, $0xb8;
	[tilespmem:$0x1EDC0] =	vst v63  }
0x2e: {  	_ =	swait.ge [sflag:s18], $0x3200  }
0x2f: {  	s25 =	simm.s32 $0x680;
	s24 =	simm.s32 $0xD0;
	[sflag:s18] =	ssyncset.done $0x0  }
.LBB2_2:
0x30: {  	s26 =	sadd.s32 $0x68, s24  }
0x31: {  	[sflag:s18] =	ssyncadd.s32 $0xFFFFCE00;
	s28 =	smov.u32 s25;
	s29 =	sadd.s32 $0x340, s25  }
0x32: {  	[tilespmem:s17], [sflag:$0x2] =	stream.indirect.gather [hbm4b:s4+s15], $0x80, s26, s15, $0xb8;
	[tilespmem:$0x1EDC0] =	vst v63  }
0x33: {  	p0 =	sne.s32 s25, $0x9C00;
	_ =	swait.ge [sflag:s13], $0x3200  }
0x34: {  	[sflag:s13] =	ssyncset.done $0x0  }
0x35: {  	s25 =	sadd.s32 $0x28A0, s24;
	[sflag:s13] =	ssyncadd.s32 $0xFFFFCE00  }
0x36: {  	[spmem:s2] =	stream.indirect.scatter.add.f32 [tilespmem:s16], [sflag:$0x3], $0x80, s25, s15, $0xb8;
	[tilespmem:$0x1EDC0] =	vst v63  }
0x37: {  	_ =	swait.ge [sflag:s18], $0x3200  }
0x38: {  	[sflag:s18] =	ssyncset.done $0x0  }
0x39: {  	s25 =	sadd.s32 $0xD0, s24;
	[sflag:s18] =	ssyncadd.s32 $0xFFFFCE00  }
0x3a: {  	[tilespmem:s16], [sflag:$0x1] =	stream.indirect.gather [hbm4b:s4+s15], $0x80, s25, s15, $0xb8;
	[tilespmem:$0x1EDC0] =	vst v63  }
0x3b: {  	_ =	swait.ge [sflag:s14], $0x3200  }
.Ltmp0:
0x3c: {  	[sflag:s14] =	ssyncset.done $0x0;
	(pc) =	sbr.rel @p0 .LBB2_2-.Ltmp0, $4  }
0x3d: {  	s24 =	sadd.s32 $0x2908, s24;
	[sflag:s14] =	ssyncadd.s32 $0xFFFFCE00  }
0x3e: {  	[spmem:s2] =	stream.indirect.scatter.add.f32 [tilespmem:s17], [sflag:$0x3], $0x80, s24, s15, $0xb8;
	[tilespmem:$0x1EDC0] =	vst v63  }
0x3f: {  	_ =	swait.ge [sflag:s18], $0x3200  }
0x40: {  	s25 =	smov.u32 s29;
	s24 =	sshra.s32 s28, $0x2;
	[sflag:s18] =	ssyncset.done $0x0  }
0x41: {  	s25 =	sadd.s32 $0x68, s24;
	[sflag:s18] =	ssyncadd.s32 $0xFFFFCE00  }
0x42: {  	[tilespmem:s17], [sflag:$0x2] =	stream.indirect.gather [hbm4b:s4+s15], $0x80, s25, s15, $0xb8;
	[tilespmem:$0x1EDC0] =	vst v63  }
0x43: {  	_ =	swait.ge [sflag:s13], $0x3200  }
0x44: {  	[sflag:s13] =	ssyncset.done $0x0  }
0x45: {  	s29 =	sadd.s32 $0x28A0, s24;
	[sflag:s13] =	ssyncadd.s32 $0xFFFFCE00  }
0x46: {  	[spmem:s2] =	stream.indirect.scatter.add.f32 [tilespmem:s16], [sflag:$0x3], $0x80, s29, s15, $0xb8;
	[tilespmem:$0x1EDC0] =	vst v63  }
0x47: {  	_ =	swait.ge [sflag:s18], $0x3200  }
0x48: {  	[sflag:s18] =	ssyncset.done $0x0  }
0x49: {  	s30 =	sadd.s32 $0xD0, s24;
	[sflag:s18] =	ssyncadd.s32 $0xFFFFCE00  }
0x4a: {  	[tilespmem:s16], [sflag:$0x1] =	stream.indirect.gather [hbm4b:s4+s15], $0x80, s30, s15, $0xb8;
	[tilespmem:$0x1EDC0] =	vst v63  }
0x4b: {  	_ =	swait.ge [sflag:s14], $0x3200  }
0x4c: {  	[sflag:s14] =	ssyncset.done $0x0  }
0x4d: {  	s31 =	sadd.s32 $0x2908, s24;
	[sflag:s14] =	ssyncadd.s32 $0xFFFFCE00  }
0x4e: {  	[spmem:s2] =	stream.indirect.scatter.add.f32 [tilespmem:s17], [sflag:$0x3], $0x80, s31, s15, $0xb8;
	[tilespmem:$0x1EDC0] =	vst v63  }
0x4f: {  	_ =	swait.ge [sflag:s18], $0x3200  }
0x50: {  	[sflag:s18] =	ssyncset.done $0x0  }
0x51: {  	[sflag:s18] =	ssyncadd.s32 $0xFFFFCE00  }
0x52: {  	[tilespmem:s17], [sflag:$0x2] =	stream.indirect.gather [hbm4b:s4+s15], $0x80, s19, s15, $0xb8;
	[tilespmem:$0x1EDC0] =	vst v63  }
0x53: {  	_ =	swait.ge [sflag:s13], $0x3200  }
0x54: {  	[sflag:s13] =	ssyncset.done $0x0  }
0x55: {  	[sflag:s13] =	ssyncadd.s32 $0xFFFFCE00  }
0x56: {  	[spmem:s2] =	stream.indirect.scatter.add.f32 [tilespmem:s16], [sflag:$0x3], $0x80, s20, s15, $0xb8;
	[tilespmem:$0x1EDC0] =	vst v63  }
0x57: {  	_ =	swait.ge [sflag:s18], $0x3200  }
0x58: {  	[sflag:s18] =	ssyncset.done $0x0  }
0x59: {  	[sflag:s18] =	ssyncadd.s32 $0xFFFFCE00  }
0x5a: {  	[tilespmem:s16], [sflag:$0x1] =	stream.indirect.gather [hbm4b:s4+s15], $0x80, s3, s15, $0xb8;
	[tilespmem:$0x1EDC0] =	vst v63  }
0x5b: {  	_ =	swait.ge [sflag:s14], $0x3200  }
0x5c: {  	[sflag:s14] =	ssyncset.done $0x0  }
0x5d: {  	[sflag:s14] =	ssyncadd.s32 $0xFFFFCE00  }
0x5e: {  	[spmem:s2] =	stream.indirect.scatter.add.f32 [tilespmem:s17], [sflag:$0x3], $0x80, s21, s15, $0xb8;
	[tilespmem:$0x1EDC0] =	vst v63  }
0x5f: {  	_ =	swait.ge [sflag:s18], $0x3200  }
0x60: {  	[sflag:s18] =	ssyncset.done $0x0  }
0x61: {  	[sflag:s18] =	ssyncadd.s32 $0xFFFFCE00  }
0x62: {  	_ =	swait.ge [sflag:s13], $0x3200  }
0x63: {  	s23 =	sadd.s32 $0x1, s23;
	[sflag:s13] =	ssyncset.done $0x0  }
0x64: {  	p0 =	sne.s32 s23, s10;
	[sflag:s13] =	ssyncadd.s32 $0xFFFFCE00  }
.Ltmp1:
0x65: {  	[bflag:$0x0] =	sbarrier.arrive $0xFFFF;
	(pc) =	sbr.rel @p0 .LBB2_1-.Ltmp1, $4  }
0x66: {  	[hbm:s9], [sflag:s22] =	dma.local [spmem:s11], $0x2710  }
0x67: {  	_ =	swait.ge [sflag:s18], $0x2710  }
0x68: {  	[sflag:s18] =	ssyncset.done $0x0  }
0x69: {  	[sflag:s18] =	ssyncadd.s32 $0xFFFFD8F0  }
0x6a: {  	_ =	sfence.sel $0x180000  }
0x6b: {  	[bflag:$0x0] =	sbarrier.arrive $0xFFFF  }
0x6c: {  	p0 =	sne.s32 s0, $0x0;
	_ =	strace $0x90000053  }
0x6d: {  	s0 =	sadd.s32 @!p0 $0x100000, s1;
	[bflag:$0x2] =	sbarrier.arrive $0xFFFF  }
0x6e: {  	[sflag:s0] =	ssyncadd.tile.s32 @!p0 $0x1;
	_ =	shalt  }
.Lfunc_end2:
_tile_overlayer_lowered:
.L_overlay_start_2:
0x6f: {  	(tag) =	ssettag $0x2  }
0x70: {  	s0 =	rddreg [dreg:$0x0];
	s2 =	stileid.u32  }
0x71: {  	s1 =	rddreg [dreg:$0x1];
	p0 =	sne.s32 s2, $0x0  }
0x72: {  	s3 =	rddreg [dreg:$0x2];
	[bflag:$0x3] =	sbarrier.arrive $0xFFFF;
	s2 =	simm.s32 @!p0 $0x1C03  }
0x73: {  	[timem:s3], [sflag:s2] =	dma.local @!p0 [hbm:s0], s1  }
0x74: {  	s0 =	simm.s32 @!p0 $0x3  }
0x75: {  	_ =	swait.ge @!p0 [sflag:s0], s1  }
0x76: {  	s1 =	ssub.s32 @!p0 $0x0, s1;
	[sflag:s0] =	ssyncset.done @!p0 $0x0  }
0x77: {  	[sflag:s0] =	ssyncadd.s32 @!p0 s1  }
0x78: {  	[bflag:$0x3] =	sbarrier.arrive $0xFFFF  }
0x79: {  	_ =	shalt  }

// kernel: kernel.31.cloned.1.call-start
scs
__scs_entry_jumppad:
0x0: {  	(pc) =	sbr.rel $0x88, $3  }
0x1: {  	(tag) =	ssettag $0x0;
	lr =	simm.s32 $0x1  }
0x2: {  	[smem:$0x3F93] =	sst lr;
	_ =	strace $0xD0000000  }
0x3: {  	_ = 	snop  }
0x4: {  	_ = 	snop  }
0x5: {  	_ = 	snop  }
0x6: {  	_ = 	snop  }
0x7: {  	_ = 	snop  }
__scs_overlays_trampoline_lowered:
0x8: {  	[smem:$0x3FA2] =	sst s0  }
0x9: {  	[smem:$0x3FA3] =	sst s1  }
0xa: {  	[smem:$0x3FA4] =	sst s2  }
0xb: {  	[smem:$0x3FA5] =	sst s3  }
0xc: {  	[smem:$0x3FA6] =	sst s4  }
0xd: {  	[smem:$0x3FA7] =	sst s5  }
0xe: {  	[smem:$0x3FA8] =	sst s6  }
0xf: {  	[smem:$0x3FA9] =	sst s7  }
0x10: {  	[smem:$0x3FAA] =	sst s8  }
0x11: {  	[smem:$0x3FAB] =	sst s9;
	s0 =	simm.s32 @!p0 $0x0  }
0x12: {  	s1 =	sld [smem:$0x3F91];
	s0 =	simm.s32 @p0 $0x1  }
0x13: {  	[smem:$0x3FAC] =	sst s0;
	s0 =	simm.s32 @!p1 $0x0  }
0x14: {  	s2 =	sld [smem:$0x3F90];
	s0 =	simm.s32 @p1 $0x1  }
0x15: {  	[smem:$0x3FAD] =	sst s0;
	s0 =	simm.s32 @!p2 $0x0  }
0x16: {  	s3 =	sld [smem:$0x3FDB];
	s0 =	simm.s32 @p2 $0x1  }
0x17: {  	s4 =	simm.s32 $0x1BF5;
	[smem:$0x3FAF] =	sst s0  }
0x18: {  	s0 =	sld [smem:$0x3F92];
	_ =	swait.ge [sflag:s4], $0x0  }
0x19: {  	s7 =	sld [smem:$0x3F93]  }
0x1a: {  	s8 =	sadd.s32 $0xFFFFE003, lr  }
0x1b: {  	s9 =	sadd.s32 $0xFFFFFEF7, lr;
	s5 =	simm.s32 $0xFFFFFFFF;
	p2 =	slt.u32 s8, $0xFFFFF086  }
0x1c: {  	p1 =	slt.u32 s9, $0xF7A;
	s5 =	simm.s32 @!p2 $0x0  }
0x1d: {  	s5 =	simm.s32 @p1 $0x1;
	p0 =	seq.s32 s7, s2  }
0x1e: {  	s7 =	smul.u32 @!p0 $0xF7A, s2;
	p2 =	seq.s32 @!p0 s5, $0x0  }
0x1f: {  	s9 =	smul.u32 $0xF7A, s1;
	s8 =	simm.s32 @!p0 $0x1BF5;
	p2 =	por !p2, p0  }
0x20: {  	[sflag:s8] =	ssyncset.s32 @!p0 $0xFFFFF086;
	s6 =	sadd.s32 @!p0 s3, s7;
	s7 =	simm.s32 @!p0 $0x108  }
0x21: {  	s3 =	sadd.s32 s3, s9;
	s6 =	sadd.s32 @!p0 $0x88, s6;
	s7 =	simm.s32 @p2 $0x1082  }
0x22: {  	[simem:s7], [sflag:s8] =	dma.local @!p0 [hbm:s6], $0xF7A  }
0x23: {  	s9 =	sor.u32 $0xD0000000, s2;
	s6 =	simm.s32 $0x108;
	_ =	swait.ge @!p0 [sflag:s8], $0x0  }
0x24: {  	s3 =	sadd.s32 $0x88, s3;
	s6 =	simm.s32 @!p1 $0x1082;
	[sflag:s4] =	ssyncset.s32 $0xFFFFF086  }
0x25: {  	[simem:s6], [sflag:s4] =	dma.local [hbm:s3], $0xF7A  }
0x26: {  	[smem:$0x3F93] =	sst s1;
	(tag) =	ssettag s2;
	_ =	strace s9  }
0x27: {  	s1 =	sld [smem:$0x3FA3]  }
0x28: {  	s2 =	sld [smem:$0x3FA4]  }
0x29: {  	s4 =	sld [smem:$0x3FA6]  }
0x2a: {  	p0 =	seq.s32 s5, $0x0;
	s5 =	sld [smem:$0x3FA7]  }
0x2b: {  	s6 =	sld [smem:$0x3FA8]  }
0x2c: {  	s7 =	sld [smem:$0x3FA9]  }
0x2d: {  	s3 =	simm.s32 $0x108;
	s8 =	sld [smem:$0x3FAA]  }
0x2e: {  	s3 =	simm.s32 @!p0 $0x1082;
	s9 =	sld [smem:$0x3FAB]  }
0x2f: {  	lr =	sadd.s32 s0, s3;
	s0 =	sld [smem:$0x3FA2]  }
0x30: {  	s3 =	sld [smem:$0x3FA5]  }
0x31: {  	[smem:$0x3FAE] =	sst s10  }
0x32: {  	s10 =	sld [smem:$0x3FAC];
	_ =	sdelay $0x3  }
0x33: {  	p0 =	seq.s32 s10, $0x1;
	s10 =	sld [smem:$0x3FAE];
	_ =	sdelay $0x3  }
0x34: {  	[smem:$0x3FAE] =	sst s10  }
0x35: {  	s10 =	sld [smem:$0x3FAD];
	_ =	sdelay $0x3  }
0x36: {  	p1 =	seq.s32 s10, $0x1;
	s10 =	sld [smem:$0x3FAE];
	_ =	sdelay $0x3  }
0x37: {  	[smem:$0x3FAE] =	sst s10  }
0x38: {  	s10 =	sld [smem:$0x3FAF]  }
0x39: {  	_ = 	snop;
	(pc) =	sbr.ind lr, $3  }
0x3a: {  	_ = 	snop  }
0x3b: {  	_ = 	snop  }
0x3c: {  	p2 =	seq.s32 s10, $0x1;
	s10 =	sld [smem:$0x3FAE]  }
0x3d: {  	_ =	shalt  }
0x3e: {  	_ =	shalt  }
0x3f: {  	_ =	shalt  }
0x40: {  	_ =	shalt  }
0x41: {  	_ =	shalt  }
0x42: {  	_ =	shalt  }
0x43: {  	_ =	shalt  }
0x44: {  	_ =	shalt  }
0x45: {  	_ =	shalt  }
0x46: {  	_ =	shalt  }
0x47: {  	_ =	shalt  }
0x48: {  	_ =	shalt  }
0x49: {  	_ =	shalt  }
0x4a: {  	_ =	shalt  }
0x4b: {  	_ =	shalt  }
0x4c: {  	_ =	shalt  }
0x4d: {  	_ =	shalt  }
0x4e: {  	_ =	shalt  }
0x4f: {  	_ =	shalt  }
0x50: {  	_ =	shalt  }
0x51: {  	_ =	shalt  }
0x52: {  	_ =	shalt  }
0x53: {  	_ =	shalt  }
0x54: {  	_ =	shalt  }
0x55: {  	_ =	shalt  }
0x56: {  	_ =	shalt  }
0x57: {  	_ =	shalt  }
0x58: {  	_ =	shalt  }
0x59: {  	_ =	shalt  }
0x5a: {  	_ =	shalt  }
0x5b: {  	_ =	shalt  }
0x5c: {  	_ =	shalt  }
0x5d: {  	_ =	shalt  }
0x5e: {  	_ =	shalt  }
0x5f: {  	_ =	shalt  }
0x60: {  	_ =	shalt  }
0x61: {  	_ =	shalt  }
0x62: {  	_ =	shalt  }
0x63: {  	_ =	shalt  }
0x64: {  	_ =	shalt  }
0x65: {  	_ =	shalt  }
0x66: {  	_ =	shalt  }
0x67: {  	_ =	shalt  }
0x68: {  	_ =	shalt  }
0x69: {  	_ =	shalt  }
0x6a: {  	_ =	shalt  }
0x6b: {  	_ =	shalt  }
0x6c: {  	_ =	shalt  }
0x6d: {  	_ =	shalt  }
0x6e: {  	_ =	shalt  }
0x6f: {  	_ =	shalt  }
0x70: {  	_ =	shalt  }
0x71: {  	_ =	shalt  }
0x72: {  	_ =	shalt  }
0x73: {  	_ =	shalt  }
0x74: {  	_ =	shalt  }
0x75: {  	_ =	shalt  }
0x76: {  	_ =	shalt  }
0x77: {  	_ =	shalt  }
0x78: {  	_ =	shalt  }
0x79: {  	_ =	shalt  }
0x7a: {  	_ =	shalt  }
0x7b: {  	_ =	shalt  }
0x7c: {  	_ =	shalt  }
0x7d: {  	_ =	shalt  }
0x7e: {  	_ =	shalt  }
0x7f: {  	_ =	shalt  }
0x80: {  	_ =	shalt  }
0x81: {  	_ =	shalt  }
0x82: {  	_ =	shalt  }
0x83: {  	_ =	shalt  }
0x84: {  	_ =	shalt  }
0x85: {  	_ =	shalt  }
0x86: {  	_ =	shalt  }
0x87: {  	_ =	shalt  }
.Lfunc_end0:
.L_simem_size_0:
called_computation.5_lowered:
.L_overlay_start_0:
0x88: {  	s2 =	sld [smem:$0x3FD9]  }
0x89: {  	s3 =	sld [smem:$0x3FFE];
	_ =	sdelay $0x1  }
0x8a: {  	s1 =	srdreg.scid  }
0x8b: {  	s0 =	sand.u32 $0x1, s1  }
0x8c: {  	s16 =	sshll.u32 s0, $0xA;
	s2 =	sadd.s32 s3, s2  }
0x8d: {  	s2 =	sadd.s32 s2, s16  }
0x8e: {  	[smem:$0x3FBA] =	sst s2  }
0x8f: {  	_ = 	snop  }
0x90: {  	(tm) =	ssettm $0x1  }
0x91: {  	s17 =	sld [smem:$0x3FFB];
	_ =	sdelay $0x3  }
0x92: {  	_ =	strace s17  }
0x93: {  	s2 =	sld [smem:$0x3FFC];
	_ =	sdelay $0x3  }
0x94: {  	_ =	strace s2  }
0x95: {  	s2 =	sld [smem:$0x3FFD];
	_ =	sdelay $0x3  }
0x96: {  	_ =	strace s2  }
0x97: {  	_ =	strace $0x8FFFFFFF  }
0x98: {  	s18 =	sld [smem:$0x3FDB];
	_ =	sdelay $0x1  }
0x99: {  	s19 =	simm.s32 $_scs_section_size  }
0x9a: {  	s4 =	simm.s32 $_size__tile_overlayer_lowered;
	s5 =	simm.s32 $_tile_overlayer_lowered  }
0x9b: {  	s22 =	simm.s32 $0x1BFF;
	s21 =	sshll.u32 s5, $0x1;
	s2 =	sadd.s32 s19, s18  }
0x9c: {  	s6 =	simm.s32 $0x0;
	s20 =	sshll.u32 s4, $0x1;
	s4 =	sadd.s32 s21, s2  }
0x9d: {  	[timem:s6], [sflag:s22] =	dma.local [hbm:s4], s20  }
0x9e: {  	_ =	swait.ge [sflag:s22], s20  }
0x9f: {  	s3 =	ssub.s32 $0x0, s20;
	[sflag:s22] =	ssyncset.done $0x0  }
0xa0: {  	[sflag:s22] =	ssyncadd.s32 s3;
	_ =	sdelay $0x1  }
0xa1: {  	s23 =	simm.s32 $0x1B8B  }
0xa2: {  	_ =	swait.ge [sflag:s23], $0x1  }
0xa3: {  	[sflag:s23] =	ssyncset.done $0x0  }
0xa4: {  	s25 =	simm.s32 $0x1B8E;
	s24 =	sld [smem:$0x3FFE];
	[sflag:s23] =	ssyncadd.s32 $0xFFFFFFFF  }
0xa5: {  	s26 =	simm.s32 $execute0_lowered;
	[smem:$0x3FD2] =	sst s25  }
0xa6: {  	s4 =	sshll.u32 s26, $0x1;
	_ =	strace $0x80000055;
	[dreg:$0x1] =	wrdreg $0xFFFFFFFF  }
0xa7: {  	s28 =	simm.s32 $_size_execute0_lowered;
	s2 =	sadd.s32 s2, s4;
	[dreg:$0x0] =	wrdreg $0x0  }
0xa8: {  	s4 =	sshll.u32 s28, $0x1;
	[dreg:$0x2] =	wrdreg s2  }
0xa9: {  	[dreg:$0x3] =	wrdreg s4  }
0xaa: {  	[dreg:$0x4] =	wrdreg $0xC0  }
0xab: {  	_ =	task [dreg:s6], $0x5FFFF  }
0xac: {  	[dreg:$0x1] =	wrdreg $0xFFFFFFFF  }
0xad: {  	[dreg:$0x0] =	wrdreg $0x60  }
0xae: {  	[dreg:$0x2] =	wrdreg s24  }
0xaf: {  	[dreg:$0x3] =	wrdreg $0xB5400  }
0xb0: {  	[dreg:$0x4] =	wrdreg $0x9  }
0xb1: {  	_ =	task.clear_ibuf [dreg:s6], $0x5FFFF;
	_ =	strace $0x90000055  }
0xb2: {  	s29 =	simm.s32 $0x9;
	_ =	strace $0x80000057  }
0xb3: {  	_ =	swait.ge [sflag:s29], $0x1  }
0xb4: {  	[sflag:s29] =	ssyncadd.s32 $0xFFFFFFFF  }
0xb5: {  	_ =	strace $0x90000057  }
0xb6: {  	_ =	sfence  }
0xb7: {  	s30 =	sld [smem:$0x0];
	_ =	sdelay $0x2  }
0xb8: {  	s31 =	sshll.u32 s1, $0xD;
	s1 =	sshrl.u32 s1, $0x2  }
0xb9: {  	s3 =	sand.u32 $0x4000, s31;
	s1 =	sadd.s32 s1, s30  }
0xba: {  	s0 =	sor.u32 s3, s0;
	s1 =	sshll.u32 s1, $0x11  }
0xbb: {  	s0 =	sor.u32 s1, s0  }
0xbc: {  	s0 =	sadd.s32 $0x8F2B, s0  }
0xbd: {  	[sflag:s0] =	ssyncadd.remote.s32 $0x1  }
0xbe: {  	_ =	sfence.sel $0xFFFF  }
0xbf: {  	[dreg:$0x0] =	wrdreg $0xFFFFFFFF;
	(pc) =	sbr.abs _section_cstart, $3  }
0xc0: {  	[dreg:$0x1] =	wrdreg $0xFFFFFFFF  }
0xc1: {  	_ =	task.clear_ibuf [dreg:s6], $0x2FFFF;
	_ =	strace $0x9FFFFFFF  }
0xc2: {  	(tm) =	ssettm $0x7FFFFFFF  }
0xc3: {  	_ =	shalt  }
tec
execute0_lowered:
.L_overlay_start_1:
0x0: {  	(tag) =	ssettag $0x1  }
0x1: {  	s1 =	srdreg.scid  }
0x2: {  	s0 =	stileid.u32;
	s6 =	rddreg [dreg:$0x0]  }
0x3: {  	s2 =	rddreg [dreg:$0x1];
	s3 =	simm.s32 $0x0;
	s14 =	simm.s32 $0x2  }
0x4: {  	s15 =	simm.s32 $0x64;
	s16 =	simm.s32 $0x5140;
	s17 =	simm.s32 $0x8340  }
0x5: {  	s18 =	simm.s32 $0x3;
	s19 =	simm.s32 $0x2838;
	s20 =	simm.s32 $0x5070  }
0x6: {  	s21 =	simm.s32 $0x50D8;
	s23 =	simm.s32 $0x0;
	s5 =	sand.u32 $0x1, s1  }
0x7: {  	s29 =	sshll.u32 s0, $0x1;
	s8 =	smul.u32 $0x13880, s0;
	[smem:$0x7FF] =	sst s3  }
0x8: {  	s4 =	sadd.s32 $0x29200, s6;
	s1 =	sor.u32 s5, s29;
	s9 =	smul.u32 $0x138800, s5  }
0x9: {  	s22 =	sshll.u32 s0, $0x6;
	s5 =	ssub.s32 $0x2, s5;
	s7 =	smul.u32 $0x514, s1  }
0xa: {  	s1 =	rddreg [dreg:$0x2];
	_ =	strace $0x80000056;
	s31 =	sshrl.u32 s8, $0x3  }
0xb: {  	s11 =	sshrl.u32 s5, $0x1;
	s13 =	sadd.s32 s8, s2;
	s30 =	sadd.s32 s8, s9  }
0xc: {  	s9 =	sadd.s32 s31, s6;
	s10 =	sadd.s32 s7, s6;
	s7 =	sshrl.u32 s30, $0x3  }
0xd: {  	s11 =	ssub.s32 s5, s11;
	s5 =	sadd.s32 $0x77600, s9;
	s12 =	sadd.s32 s7, s6  }
0xe: {  	s6 =	sor.u32 $0x1C01, s22;
	s7 =	sadd.s32 $0x1E600, s10;
	s8 =	sadd.s32 $0x5400, s10  }
0xf: {  	s10 =	smax.u32 s11, $0x1;
	s11 =	sshrl.u32 s13, $0x3;
	s13 =	simm.s32 $0x1  }
0x10: {  	s22 =	sor.u32 $0x1C03, s22;
	s9 =	sadd.s32 $0x9E800, s12;
	s12 =	simm.s32 $0x28A0  }
.LBB2_1:
0x11: {  	[spmem:s11], [sflag:s6] =	dma.local [hbm:s5], $0x2710  }
0x12: {  	[tilespmem:s3], [sflag:$0x2] =	stream.linear.gather [hbm4b:s7+s3], $0x28A0, $0x38;
	[tilespmem:$0x1EDC0] =	vst v63  }
0x13: {  	_ = 	snop  }
0x14: {  	[tilespmem:s12], [sflag:$0x2] =	stream.linear.gather [hbm4b:s8+s3], $0x28A0, $0x38;
	[tilespmem:$0x1EDC0] =	vst v63  }
0x15: {  	_ =	swait.ge [sflag:s13], $0x2710  }
0x16: {  	[sflag:s13] =	ssyncset.done $0x0  }
0x17: {  	[sflag:s13] =	ssyncadd.s32 $0xFFFFD8F0  }
0x18: {  	_ =	swait.ge [sflag:s14], $0x28A0  }
0x19: {  	[sflag:s14] =	ssyncset.done $0x0  }
0x1a: {  	[sflag:s14] =	ssyncadd.s32 $0xFFFFD760  }
0x1b: {  	_ =	swait.ge [sflag:s14], $0x28A0  }
0x1c: {  	[sflag:s14] =	ssyncset.done $0x0  }
0x1d: {  	[sflag:s14] =	ssyncadd.s32 $0xFFFFD760  }
0x1e: {  	[bflag:$0x0] =	sbarrier.arrive $0xFFFF  }
0x1f: {  	[tilespmem:s16], [sflag:$0x1] =	stream.indirect.gather [hbm4b:s4+s15], $0x80, s3, s15, $0xb8;
	[tilespmem:$0x1EDC0] =	vst v63  }
0x20: {  	s24 =	simm.s32 $0x68  }
0x21: {  	[tilespmem:s17], [sflag:$0x2] =	stream.indirect.gather [hbm4b:s4+s15], $0x80, s24, s15, $0xb8;
	[tilespmem:$0x1EDC0] =	vst v63  }
0x22: {  	_ =	swait.ge [sflag:s13], $0x3200  }
0x23: {  	[sflag:s13] =	ssyncset.done $0x0  }
0x24: {  	s29 =	simm.s32 $0x28A0;
	[sflag:s13] =	ssyncadd.s32 $0xFFFFCE00  }
0x25: {  	[spmem:s2] =	stream.indirect.scatter.add.f32 [tilespmem:s16], [sflag:$0x3], $0x80, s29, s15, $0xb8;
	[tilespmem:$0x1EDC0] =	vst v63  }
0x26: {  	_ =	swait.ge [sflag:s18], $0x3200  }
0x27: {  	[sflag:s18] =	ssyncset.done $0x0  }
0x28: {  	s30 =	simm.s32 $0xD0;
	[sflag:s18] =	ssyncadd.s32 $0xFFFFCE00  }
0x29: {  	[tilespmem:s16], [sflag:$0x1] =	stream.indirect.gather [hbm4b:s4+s15], $0x80, s30, s15, $0xb8;
	[tilespmem:$0x1EDC0] =	vst v63  }
0x2a: {  	_ =	swait.ge [sflag:s14], $0x3200  }
0x2b: {  	[sflag:s14] =	ssyncset.done $0x0  }
0x2c: {  	s31 =	simm.s32 $0x2908;
	[sflag:s14] =	ssyncadd.s32 $0xFFFFCE00  }
0x2d: {  	[spmem:s2] =	stream.indirect.scatter.add.f32 [tilespmem:s17], [sflag:$0x3], $0x80, s31, s15, $0xb8;
	[tilespmem:$0x1EDC0] =	vst v63  }
0x2e: {  	_ =	swait.ge [sflag:s18], $0x3200  }
0x2f: {  	s25 =	simm.s32 $0x680;
	s24 =	simm.s32 $0xD0;
	[sflag:s18] =	ssyncset.done $0x0  }
.LBB2_2:
0x30: {  	s26 =	sadd.s32 $0x68, s24  }
0x31: {  	[sflag:s18] =	ssyncadd.s32 $0xFFFFCE00;
	s28 =	smov.u32 s25;
	s29 =	sadd.s32 $0x340, s25  }
0x32: {  	[tilespmem:s17], [sflag:$0x2] =	stream.indirect.gather [hbm4b:s4+s15], $0x80, s26, s15, $0xb8;
	[tilespmem:$0x1EDC0] =	vst v63  }
0x33: {  	p0 =	sne.s32 s25, $0x9C00;
	_ =	swait.ge [sflag:s13], $0x3200  }
0x34: {  	[sflag:s13] =	ssyncset.done $0x0  }
0x35: {  	s25 =	sadd.s32 $0x28A0, s24;
	[sflag:s13] =	ssyncadd.s32 $0xFFFFCE00  }
0x36: {  	[spmem:s2] =	stream.indirect.scatter.add.f32 [tilespmem:s16], [sflag:$0x3], $0x80, s25, s15, $0xb8;
	[tilespmem:$0x1EDC0] =	vst v63  }
0x37: {  	_ =	swait.ge [sflag:s18], $0x3200  }
0x38: {  	[sflag:s18] =	ssyncset.done $0x0  }
0x39: {  	s25 =	sadd.s32 $0xD0, s24;
	[sflag:s18] =	ssyncadd.s32 $0xFFFFCE00  }
0x3a: {  	[tilespmem:s16], [sflag:$0x1] =	stream.indirect.gather [hbm4b:s4+s15], $0x80, s25, s15, $0xb8;
	[tilespmem:$0x1EDC0] =	vst v63  }
0x3b: {  	_ =	swait.ge [sflag:s14], $0x3200  }
.Ltmp0:
0x3c: {  	[sflag:s14] =	ssyncset.done $0x0;
	(pc) =	sbr.rel @p0 .LBB2_2-.Ltmp0, $4  }
0x3d: {  	s24 =	sadd.s32 $0x2908, s24;
	[sflag:s14] =	ssyncadd.s32 $0xFFFFCE00  }
0x3e: {  	[spmem:s2] =	stream.indirect.scatter.add.f32 [tilespmem:s17], [sflag:$0x3], $0x80, s24, s15, $0xb8;
	[tilespmem:$0x1EDC0] =	vst v63  }
0x3f: {  	_ =	swait.ge [sflag:s18], $0x3200  }
0x40: {  	s25 =	smov.u32 s29;
	s24 =	sshra.s32 s28, $0x2;
	[sflag:s18] =	ssyncset.done $0x0  }
0x41: {  	s25 =	sadd.s32 $0x68, s24;
	[sflag:s18] =	ssyncadd.s32 $0xFFFFCE00  }
0x42: {  	[tilespmem:s17], [sflag:$0x2] =	stream.indirect.gather [hbm4b:s4+s15], $0x80, s25, s15, $0xb8;
	[tilespmem:$0x1EDC0] =	vst v63  }
0x43: {  	_ =	swait.ge [sflag:s13], $0x3200  }
0x44: {  	[sflag:s13] =	ssyncset.done $0x0  }
0x45: {  	s29 =	sadd.s32 $0x28A0, s24;
	[sflag:s13] =	ssyncadd.s32 $0xFFFFCE00  }
0x46: {  	[spmem:s2] =	stream.indirect.scatter.add.f32 [tilespmem:s16], [sflag:$0x3], $0x80, s29, s15, $0xb8;
	[tilespmem:$0x1EDC0] =	vst v63  }
0x47: {  	_ =	swait.ge [sflag:s18], $0x3200  }
0x48: {  	[sflag:s18] =	ssyncset.done $0x0  }
0x49: {  	s30 =	sadd.s32 $0xD0, s24;
	[sflag:s18] =	ssyncadd.s32 $0xFFFFCE00  }
0x4a: {  	[tilespmem:s16], [sflag:$0x1] =	stream.indirect.gather [hbm4b:s4+s15], $0x80, s30, s15, $0xb8;
	[tilespmem:$0x1EDC0] =	vst v63  }
0x4b: {  	_ =	swait.ge [sflag:s14], $0x3200  }
0x4c: {  	[sflag:s14] =	ssyncset.done $0x0  }
0x4d: {  	s31 =	sadd.s32 $0x2908, s24;
	[sflag:s14] =	ssyncadd.s32 $0xFFFFCE00  }
0x4e: {  	[spmem:s2] =	stream.indirect.scatter.add.f32 [tilespmem:s17], [sflag:$0x3], $0x80, s31, s15, $0xb8;
	[tilespmem:$0x1EDC0] =	vst v63  }
0x4f: {  	_ =	swait.ge [sflag:s18], $0x3200  }
0x50: {  	[sflag:s18] =	ssyncset.done $0x0  }
0x51: {  	[sflag:s18] =	ssyncadd.s32 $0xFFFFCE00  }
0x52: {  	[tilespmem:s17], [sflag:$0x2] =	stream.indirect.gather [hbm4b:s4+s15], $0x80, s19, s15, $0xb8;
	[tilespmem:$0x1EDC0] =	vst v63  }
0x53: {  	_ =	swait.ge [sflag:s13], $0x3200  }
0x54: {  	[sflag:s13] =	ssyncset.done $0x0  }
0x55: {  	[sflag:s13] =	ssyncadd.s32 $0xFFFFCE00  }
0x56: {  	[spmem:s2] =	stream.indirect.scatter.add.f32 [tilespmem:s16], [sflag:$0x3], $0x80, s20, s15, $0xb8;
	[tilespmem:$0x1EDC0] =	vst v63  }
0x57: {  	_ =	swait.ge [sflag:s18], $0x3200  }
0x58: {  	[sflag:s18] =	ssyncset.done $0x0  }
0x59: {  	[sflag:s18] =	ssyncadd.s32 $0xFFFFCE00  }
0x5a: {  	[tilespmem:s16], [sflag:$0x1] =	stream.indirect.gather [hbm4b:s4+s15], $0x80, s3, s15, $0xb8;
	[tilespmem:$0x1EDC0] =	vst v63  }
0x5b: {  	_ =	swait.ge [sflag:s14], $0x3200  }
0x5c: {  	[sflag:s14] =	ssyncset.done $0x0  }
0x5d: {  	[sflag:s14] =	ssyncadd.s32 $0xFFFFCE00  }
0x5e: {  	[spmem:s2] =	stream.indirect.scatter.add.f32 [tilespmem:s17], [sflag:$0x3], $0x80, s21, s15, $0xb8;
	[tilespmem:$0x1EDC0] =	vst v63  }
0x5f: {  	_ =	swait.ge [sflag:s18], $0x3200  }
0x60: {  	[sflag:s18] =	ssyncset.done $0x0  }
0x61: {  	[sflag:s18] =	ssyncadd.s32 $0xFFFFCE00  }
0x62: {  	_ =	swait.ge [sflag:s13], $0x3200  }
0x63: {  	s23 =	sadd.s32 $0x1, s23;
	[sflag:s13] =	ssyncset.done $0x0  }
0x64: {  	p0 =	sne.s32 s23, s10;
	[sflag:s13] =	ssyncadd.s32 $0xFFFFCE00  }
.Ltmp1:
0x65: {  	[bflag:$0x0] =	sbarrier.arrive $0xFFFF;
	(pc) =	sbr.rel @p0 .LBB2_1-.Ltmp1, $4  }
0x66: {  	[hbm:s9], [sflag:s22] =	dma.local [spmem:s11], $0x2710  }
0x67: {  	_ =	swait.ge [sflag:s18], $0x2710  }
0x68: {  	[sflag:s18] =	ssyncset.done $0x0  }
0x69: {  	[sflag:s18] =	ssyncadd.s32 $0xFFFFD8F0  }
0x6a: {  	_ =	sfence.sel $0x180000  }
0x6b: {  	[bflag:$0x0] =	sbarrier.arrive $0xFFFF  }
0x6c: {  	p0 =	sne.s32 s0, $0x0;
	_ =	strace $0x90000056  }
0x6d: {  	s0 =	sadd.s32 @!p0 $0x100000, s1;
	[bflag:$0x2] =	sbarrier.arrive $0xFFFF  }
0x6e: {  	[sflag:s0] =	ssyncadd.tile.s32 @!p0 $0x1;
	_ =	shalt  }
.Lfunc_end2:
_tile_overlayer_lowered:
.L_overlay_start_2:
0x6f: {  	(tag) =	ssettag $0x2  }
0x70: {  	s0 =	rddreg [dreg:$0x0];
	s2 =	stileid.u32  }
0x71: {  	s1 =	rddreg [dreg:$0x1];
	p0 =	sne.s32 s2, $0x0  }
0x72: {  	s3 =	rddreg [dreg:$0x2];
	[bflag:$0x3] =	sbarrier.arrive $0xFFFF;
	s2 =	simm.s32 @!p0 $0x1C03  }
0x73: {  	[timem:s3], [sflag:s2] =	dma.local @!p0 [hbm:s0], s1  }
0x74: {  	s0 =	simm.s32 @!p0 $0x3  }
0x75: {  	_ =	swait.ge @!p0 [sflag:s0], s1  }
0x76: {  	s1 =	ssub.s32 @!p0 $0x0, s1;
	[sflag:s0] =	ssyncset.done @!p0 $0x0  }
0x77: {  	[sflag:s0] =	ssyncadd.s32 @!p0 s1  }
0x78: {  	[bflag:$0x3] =	sbarrier.arrive $0xFFFF  }
0x79: {  	_ =	shalt  }

</sc_bundles>
